<compile_context>
chip_gen: v7x
topology: tpu7x:2x2x1
jax: 0.10.2.dev20260603
libtpu: 0.0.44.dev20260713+nightly
codegen_flags: <defaults>
</compile_context>

<pallas_src>
import functools

import jax
import jax.numpy as jnp
from jax import lax
from jax.experimental import pallas as pl
from jax.experimental.pallas import tpu as pltpu
from jax.experimental.pallas import tpu_sc as plsc

N = 2048
E = 32768
D = 128
L = 3
G = 16
SIGMA_H = 2.0
SIGMA_L = 1.0
BFS_ITERS = 6

NW = 32
ROWS = 32
EB = 8192
RB = 256


def _sc_counts_body(key_hbm, oth_hbm, out_hbm, acc, keybuf, othbuf,
                    ks0, ks1, os0, os1):
    wid = lax.axis_index("s") * 2 + lax.axis_index("c")
    zeros16 = jnp.zeros((16,), jnp.float32)
    ones16 = jnp.ones((16,), jnp.float32)
    ksems = (ks0, ks1)
    osems = (os0, os1)
    nch = E // EB

    def _start(ch):
        b = ch % 2
        kcp = pltpu.make_async_copy(
            key_hbm.at[pl.ds(ch * EB, EB)], keybuf.at[b], ksems[b])
        ocp = pltpu.make_async_copy(
            oth_hbm.at[pl.ds(ch * EB, EB)], othbuf.at[b], osems[b])
        kcp.start()
        ocp.start()
        return kcp, ocp

    for half in range(2):
        r0 = wid * (2 * ROWS) + half * ROWS

        cps = {0: _start(0)}

        def zbody(j, _):
            base = j * 128
            for u in range(8):
                acc[pl.ds(base + u * 16, 16)] = zeros16
            return 0

        lax.fori_loop(0, (ROWS * N) // 128, zbody, 0)

        for ch in range(nch):
            b = ch % 2
            if ch + 1 < nch:
                cps[ch + 1] = _start(ch + 1)
            kcp, ocp = cps.pop(ch)
            kcp.wait()
            ocp.wait()

            def ebody(j, _):
                base = j * 32
                for u in range(2):
                    kv = keybuf[b, pl.ds(base + u * 16, 16)]
                    ov = othbuf[b, pl.ds(base + u * 16, 16)]
                    rel = kv - r0
                    m = (rel >= 0) & (rel < ROWS)
                    flat = jnp.where(m, rel * N + ov, 0)
                    plsc.addupdate_scatter(acc, [flat], ones16, mask=m)
                return 0

            lax.fori_loop(0, EB // 32, ebody, 0)

        pltpu.sync_copy(acc, out_hbm.at[pl.ds(r0 * N, ROWS * N)])


def _sc_counts(key, oth):
    mesh = plsc.VectorSubcoreMesh(core_axis_name="c", subcore_axis_name="s")
    f = functools.partial(
        pl.kernel,
        out_type=jax.ShapeDtypeStruct((N * N,), jnp.float32),
        mesh=mesh,
        scratch_types=[
            pltpu.VMEM((ROWS * N,), jnp.float32),
            pltpu.VMEM((2, EB), jnp.int32),
            pltpu.VMEM((2, EB), jnp.int32),
            pltpu.SemaphoreType.DMA,
            pltpu.SemaphoreType.DMA,
            pltpu.SemaphoreType.DMA,
            pltpu.SemaphoreType.DMA,
        ],
        compiler_params=pltpu.CompilerParams(needs_layout_passes=False),
    )(_sc_counts_body)
    return f(key, oth).reshape(N, N)


def _prep_body(c_ref, ct_ref, mb_ref, dist_ref):
    i = pl.program_id(0)
    s = c_ref[...] + ct_ref[...]
    row = i * RB + lax.broadcasted_iota(jnp.int32, (RB, N), 0)
    col = lax.broadcasted_iota(jnp.int32, (RB, N), 1)
    eye = row == col
    adj = s > 0.0
    mb_ref[...] = jnp.where(adj | eye, 1.0, 0.0).astype(jnp.bfloat16)
    dist_ref[...] = jnp.where(
        eye, 0.0, jnp.where(adj, 1.0, jnp.inf)
    ).astype(jnp.bfloat16)


def _prep(c, ct):
    return pl.pallas_call(
        _prep_body,
        grid=(N // RB,),
        in_specs=[
            pl.BlockSpec((RB, N), lambda i: (i, 0)),
            pl.BlockSpec((RB, N), lambda i: (i, 0)),
        ],
        out_specs=[
            pl.BlockSpec((RB, N), lambda i: (i, 0)),
            pl.BlockSpec((RB, N), lambda i: (i, 0)),
        ],
        out_shape=[
            jax.ShapeDtypeStruct((N, N), jnp.bfloat16),
            jax.ShapeDtypeStruct((N, N), jnp.bfloat16),
        ],
    )(c, ct)


def _gnn_body(c_ref, h_ref, w_ref, b_ref, out_ref, *, relu):
    i = pl.program_id(0)
    cb = c_ref[...]
    h_full = h_ref[...]
    agg = jnp.dot(cb, h_full, preferred_element_type=jnp.float32)
    deg = jnp.sum(cb, axis=1, keepdims=True) + 1.0
    hb = h_ref[pl.ds(i * RB, RB), :]
    z = (hb + agg) / deg
    out = jnp.dot(z, w_ref[...], preferred_element_type=jnp.float32) + b_ref[...]
    if relu:
        out = jnp.maximum(out, 0.0)
    out_ref[...] = out


def _gnn_layer(c, h, w, b, relu):
    return pl.pallas_call(
        functools.partial(_gnn_body, relu=relu),
        grid=(N // RB,),
        in_specs=[
            pl.BlockSpec((RB, N), lambda i: (i, 0)),
            pl.BlockSpec((N, D), lambda i: (0, 0)),
            pl.BlockSpec((D, D), lambda i: (0, 0)),
            pl.BlockSpec((1, D), lambda i: (0, 0)),
        ],
        out_specs=pl.BlockSpec((RB, D), lambda i: (i, 0)),
        out_shape=jax.ShapeDtypeStruct((N, D), jnp.float32),
    )(c, h, w, b)


def _bfs_body(mb_ref, dist_ref, dist_out, *, kval):
    dold = dist_ref[...].astype(jnp.float32)
    reach = jnp.where(dold <= (kval - 1.0), 1.0, 0.0).astype(jnp.bfloat16)
    prod = lax.dot_general(
        reach, mb_ref[...], (((1,), (0,)), ((), ())),
        preferred_element_type=jnp.float32,
    )
    new = prod > 0.0
    dist_out[...] = jnp.where(
        new & (dold == jnp.inf), jnp.float32(kval), dold
    ).astype(jnp.bfloat16)


def _bfs(mb, dist0):
    dist = dist0
    for k in range(2, BFS_ITERS + 1):
        dist = pl.pallas_call(
            functools.partial(_bfs_body, kval=float(k)),
            grid=(N // RB,),
            in_specs=[
                pl.BlockSpec((N, N), lambda i: (0, 0)),
                pl.BlockSpec((RB, N), lambda i: (i, 0)),
            ],
            out_specs=pl.BlockSpec((RB, N), lambda i: (i, 0)),
            out_shape=jax.ShapeDtypeStruct((N, N), jnp.bfloat16),
        )(mb, dist)
    return dist


def _head_body(nf_ref, batch_ref, pos_ref, w1_ref, b1_ref, w2_ref, b2_ref,
               pred_ref, gf_ref, ploss_ref):
    nf = nf_ref[...]
    hidden = jnp.maximum(
        jnp.dot(nf, w1_ref[...], preferred_element_type=jnp.float32)
        + b1_ref[...], 0.0)
    pred = jnp.dot(hidden, w2_ref[...], preferred_element_type=jnp.float32) \
        + b2_ref[...]
    pred_ref[...] = pred
    seg = lax.broadcasted_iota(jnp.int32, (G, N), 0)
    onehot = jnp.where(batch_ref[...] == seg, 1.0, 0.0)
    counts = jnp.sum(onehot, axis=1, keepdims=True)
    gf_ref[...] = jnp.dot(onehot, nf, preferred_element_type=jnp.float32) \
        / jnp.maximum(counts, 1.0)
    d = pred - pos_ref[...]
    ploss_ref[...] = (jnp.sum(d * d) / (N * 3)).reshape(1, 1)


def _head(nf, batch2d, pos, w1, b1, w2, b2):
    return pl.pallas_call(
        _head_body,
        grid=(1,),
        in_specs=[
            pl.BlockSpec((N, D), lambda i: (0, 0)),
            pl.BlockSpec((1, N), lambda i: (0, 0)),
            pl.BlockSpec((N, 3), lambda i: (0, 0)),
            pl.BlockSpec((D, D), lambda i: (0, 0)),
            pl.BlockSpec((1, D), lambda i: (0, 0)),
            pl.BlockSpec((D, 3), lambda i: (0, 0)),
            pl.BlockSpec((1, 3), lambda i: (0, 0)),
        ],
        out_specs=[
            pl.BlockSpec((N, 3), lambda i: (0, 0)),
            pl.BlockSpec((G, D), lambda i: (0, 0)),
            pl.BlockSpec((1, 1), lambda i: (0, 0)),
        ],
        out_shape=[
            jax.ShapeDtypeStruct((N, 3), jnp.float32),
            jax.ShapeDtypeStruct((G, D), jnp.float32),
            jax.ShapeDtypeStruct((1, 1), jnp.float32),
        ],
    )(nf, batch2d, pos, w1, b1, w2, b2)


def _mani_body(dist_ref, pp_ref, ppt_ref, out_ref):
    i = pl.program_id(0)
    acc = jnp.zeros((RB, N), jnp.float32)
    for c in range(3):
        colv = pp_ref[:, c:c + 1]
        rowv = ppt_ref[c:c + 1, :]
        dc = colv - rowv
        acc = acc + dc * dc
    dl = jnp.sqrt(acc + 1e-12)
    wl = jnp.exp(-dl / SIGMA_L)
    wh = jnp.exp(-dist_ref[...].astype(jnp.float32) / SIGMA_H)
    r = wh - wl
    part = jnp.sum(r * r).reshape(1, 1)
    out_ref[...] = jnp.where(i == 0, part, out_ref[...] + part)


def _mani(dist, pred_pos, pred_pos_t):
    return pl.pallas_call(
        _mani_body,
        grid=(N // RB,),
        in_specs=[
            pl.BlockSpec((RB, N), lambda i: (i, 0)),
            pl.BlockSpec((RB, 3), lambda i: (i, 0)),
            pl.BlockSpec((3, N), lambda i: (0, 0)),
        ],
        out_specs=pl.BlockSpec((1, 1), lambda i: (0, 0)),
        out_shape=jax.ShapeDtypeStruct((1, 1), jnp.float32),
        compiler_params=pltpu.CompilerParams(
            dimension_semantics=("arbitrary",)
        ),
    )(dist, pred_pos, pred_pos_t)


def kernel(x, pos, gnn_W, gnn_b, mlp_W1, mlp_b1, mlp_W2, mlp_b2,
           edge_index, batch):
    src = edge_index[0]
    dst = edge_index[1]

    c = _sc_counts(dst, src)
    ct = _sc_counts(src, dst)
    mb, dist0 = _prep(c, ct)

    h = x
    for l in range(L):
        h = _gnn_layer(c, h, gnn_W[l], gnn_b[l].reshape(1, D), relu=(l < L - 1))

    dist = _bfs(mb, dist0)

    pred_pos, graph_feat, ploss = _head(
        h, batch.reshape(1, N), pos, mlp_W1, mlp_b1.reshape(1, D),
        mlp_W2, mlp_b2.reshape(1, 3))

    mani = _mani(dist, pred_pos, pred_pos.T)

    return (pred_pos, graph_feat, ploss.reshape(()), mani.reshape(()))

# --- scband reference (transcript-rebuilt; emitter-appended) ---
"""Pipeline reference for scband-gnnencoder-30554397343820 (READ-ONLY COPY).

The authoritative reference and input builder live on the scoring server;
editing this copy changes nothing except your own understanding.
"""

import jax, jax.numpy as jnp
import numpy as np

N = 2048
E = 32768
D = 128
L = 3
G = 16
SIGMA_H = 2.0
SIGMA_L = 1.0
BFS_ITERS = 6


def setup_inputs(seed: int = 0) -> dict:
    key = jax.random.key(seed)
    ks = jax.random.split(key, 10)
    x = jax.random.normal(ks[0], (N, D), dtype=jnp.float32)
    edge_index = jax.random.randint(ks[1], (2, E), 0, N, dtype=jnp.int32)
    batch = jnp.sort(jax.random.randint(ks[2], (N,), 0, G, dtype=jnp.int32))
    pos = jax.random.normal(ks[3], (N, 3), dtype=jnp.float32)
    gnn_W = jax.random.normal(ks[4], (L, D, D), dtype=jnp.float32) * 0.05
    gnn_b = jnp.zeros((L, D), dtype=jnp.float32)
    mlp_W1 = jax.random.normal(ks[5], (D, D), dtype=jnp.float32) * 0.05
    mlp_b1 = jnp.zeros((D,), dtype=jnp.float32)
    mlp_W2 = jax.random.normal(ks[6], (D, 3), dtype=jnp.float32) * 0.05
    mlp_b2 = jnp.zeros((3,), dtype=jnp.float32)
    return {"x": x, "pos": pos, "gnn_W": gnn_W, "gnn_b": gnn_b, "mlp_W1": mlp_W1, "mlp_b1": mlp_b1, "mlp_W2": mlp_W2, "mlp_b2": mlp_b2, "edge_index": edge_index, "batch": batch}


def compute_high_dim_adj(edge_index):
    # unweighted all-pairs shortest path via truncated BFS with dense boolean matmuls
    src, dst = edge_index[0], edge_index[1]
    A = jnp.zeros((N, N), dtype=jnp.float32).at[src, dst].set(1.0)
    A = jnp.maximum(A, A.T)  # undirected
    eye = jnp.eye(N, dtype=jnp.float32)
    dist = jnp.where(eye > 0, 0.0, jnp.where(A > 0, 1.0, jnp.inf))
    reach = jnp.maximum(A, eye)
    for k in range(2, BFS_ITERS + 1):
        reach = ((reach @ A + reach) > 0).astype(jnp.float32)
        dist = jnp.where((reach > 0) & jnp.isinf(dist), float(k), dist)
    return jnp.exp(-dist / SIGMA_H)  # exp(-inf) -> 0 for unreachable


def gnn_node(x, gnn_W, gnn_b, edge_index):
    src, dst = edge_index[0], edge_index[1]
    deg = jnp.zeros((N,), dtype=jnp.float32).at[dst].add(1.0) + 1.0
    h = x
    for l in range(L):
        agg = jnp.zeros_like(h).at[dst].add(h[src])
        h = ((h + agg) / deg[:, None]) @ gnn_W[l] + gnn_b[l]
        if l < L - 1:
            h = jax.nn.relu(h)
    return h


def reference(x, pos, gnn_W, gnn_b, mlp_W1, mlp_b1, mlp_W2, mlp_b2, edge_index, batch):
    node_feat = gnn_node(x, gnn_W, gnn_b, edge_index)
    # global mean pool
    counts = jax.ops.segment_sum(jnp.ones((N,), dtype=jnp.float32), batch, num_segments=G)
    graph_feat = jax.ops.segment_sum(node_feat, batch, num_segments=G) / jnp.maximum(counts, 1.0)[:, None]
    W_H = compute_high_dim_adj(edge_index)
    # MLP to predicted 3D positions
    pred_pos = jax.nn.relu(node_feat @ mlp_W1 + mlp_b1) @ mlp_W2 + mlp_b2
    # low-dim adjacency from predicted positions
    diff = pred_pos[:, None, :] - pred_pos[None, :, :]
    dist = jnp.sqrt(jnp.sum(diff * diff, axis=-1) + 1e-12)
    W_L = jnp.exp(-dist / SIGMA_L)
    pos_loss = jnp.mean((pred_pos - pos) ** 2)
    mani_loss = jnp.sum((W_H - W_L) ** 2)
    return (pred_pos, graph_feat, pos_loss, mani_loss)

if __name__ == "__main__":
    import jax
    _d = setup_inputs()
    print(jax.jit(kernel)(*tuple(_d.values())))

</pallas_src>

<mosaic_0001>
#map = affine_map<(d0, d1) -> (0)>
module attributes {stable_mosaic.version = 14 : i64} {
  func.func @_sc_counts_body(%arg0: i32, %arg1: i32, %arg2: memref<32768xi32, #tpu.memory_space<hbm>>, %arg3: memref<32768xi32, #tpu.memory_space<hbm>>, %arg4: memref<4194304xf32, #tpu.memory_space<hbm>>, %arg5: memref<65536xf32, #tpu.memory_space<vmem>>, %arg6: memref<2x8192xi32, #tpu.memory_space<vmem>>, %arg7: memref<2x8192xi32, #tpu.memory_space<vmem>>, %arg8: memref<!tpu.dma_semaphore, #tpu.memory_space<semaphore_mem>>, %arg9: memref<!tpu.dma_semaphore, #tpu.memory_space<semaphore_mem>>, %arg10: memref<!tpu.dma_semaphore, #tpu.memory_space<semaphore_mem>>, %arg11: memref<!tpu.dma_semaphore, #tpu.memory_space<semaphore_mem>>) attributes {dimension_semantics = [#tpu.dimension_semantics<core_parallel>, #tpu.dimension_semantics<subcore_parallel>], iteration_bounds = array<i64: 2, 16>, scalar_prefetch = 0 : i64, scratch_operands = 7 : i64, tpu.core_type = #tpu.core_type<sc_vector_subcore>, window_params = [{transform_indices = #map}, {transform_indices = #map}, {transform_indices = #map}]} {
    %mul3A = arith.constant 2 : i32
    %mul3A_0 = arith.muli %arg1, %mul3A : i32
    %add3A = arith.addi %mul3A_0, %arg0 : i32
    %broadcast_in_dim3A = arith.constant 0.000000e+00 : f32
    %broadcast_in_dim3A_1 = vector.broadcast %broadcast_in_dim3A : f32 to vector<16xf32>
    %broadcast_in_dim3A_2 = arith.constant 1.000000e+00 : f32
    %broadcast_in_dim3A_3 = vector.broadcast %broadcast_in_dim3A_2 : f32 to vector<16xf32>
    %mul3A_4 = arith.constant 64 : i32
    %mul3A_5 = arith.muli %add3A, %mul3A_4 : i32
    %add3A_6 = arith.constant 0 : i32
    %add3A_7 = arith.addi %mul3A_5, %add3A_6 : i32
    %dma_start3A = arith.constant 0 : i32
    %dma_start3A_8 = arith.constant 0 : i32
    %dma_start3A_9 = tpu.memref_slice %arg6[%dma_start3A, %dma_start3A_8] : memref<2x8192xi32, #tpu.memory_space<vmem>> -> memref<1x8192xi32, #tpu.memory_space<vmem>>
    %dma_start3A_10 = tpu.memref_squeeze %dma_start3A_9 : memref<1x8192xi32, #tpu.memory_space<vmem>> -> memref<8192xi32, #tpu.memory_space<vmem>>
    %dma_start3A_11 = arith.constant 0 : i32
    %dma_start3A_12 = tpu.memref_slice %arg2[%dma_start3A_11] : memref<32768xi32, #tpu.memory_space<hbm>> -> memref<8192xi32, #tpu.memory_space<hbm>>
    %dma_start3A_13 = arith.constant 0 : i32
    %dma_start3A_14 = tpu.memref_slice %arg6[%dma_start3A, %dma_start3A_13] : memref<2x8192xi32, #tpu.memory_space<vmem>> -> memref<1x8192xi32, #tpu.memory_space<vmem>>
    %dma_start3A_15 = tpu.memref_squeeze %dma_start3A_14 : memref<1x8192xi32, #tpu.memory_space<vmem>> -> memref<8192xi32, #tpu.memory_space<vmem>>
    %dma_start3A_16 = arith.constant 0 : i32
    %dma_start3A_17 = tpu.memref_slice %arg2[%dma_start3A_16] : memref<32768xi32, #tpu.memory_space<hbm>> -> memref<8192xi32, #tpu.memory_space<hbm>>
    tpu.enqueue_dma source(%dma_start3A_17 : memref<8192xi32, #tpu.memory_space<hbm>>) target(%dma_start3A_15 : memref<8192xi32, #tpu.memory_space<vmem>>) target_semaphore(%arg8 : memref<!tpu.dma_semaphore, #tpu.memory_space<semaphore_mem>>)
    %dma_start3A_18 = arith.constant 0 : i32
    %dma_start3A_19 = arith.constant 0 : i32
    %dma_start3A_20 = tpu.memref_slice %arg7[%dma_start3A_18, %dma_start3A_19] : memref<2x8192xi32, #tpu.memory_space<vmem>> -> memref<1x8192xi32, #tpu.memory_space<vmem>>
    %dma_start3A_21 = tpu.memref_squeeze %dma_start3A_20 : memref<1x8192xi32, #tpu.memory_space<vmem>> -> memref<8192xi32, #tpu.memory_space<vmem>>
    %dma_start3A_22 = arith.constant 0 : i32
    %dma_start3A_23 = tpu.memref_slice %arg3[%dma_start3A_22] : memref<32768xi32, #tpu.memory_space<hbm>> -> memref<8192xi32, #tpu.memory_space<hbm>>
    %dma_start3A_24 = arith.constant 0 : i32
    %dma_start3A_25 = tpu.memref_slice %arg7[%dma_start3A_18, %dma_start3A_24] : memref<2x8192xi32, #tpu.memory_space<vmem>> -> memref<1x8192xi32, #tpu.memory_space<vmem>>
    %dma_start3A_26 = tpu.memref_squeeze %dma_start3A_25 : memref<1x8192xi32, #tpu.memory_space<vmem>> -> memref<8192xi32, #tpu.memory_space<vmem>>
    %dma_start3A_27 = arith.constant 0 : i32
    %dma_start3A_28 = tpu.memref_slice %arg3[%dma_start3A_27] : memref<32768xi32, #tpu.memory_space<hbm>> -> memref<8192xi32, #tpu.memory_space<hbm>>
    tpu.enqueue_dma source(%dma_start3A_28 : memref<8192xi32, #tpu.memory_space<hbm>>) target(%dma_start3A_26 : memref<8192xi32, #tpu.memory_space<vmem>>) target_semaphore(%arg10 : memref<!tpu.dma_semaphore, #tpu.memory_space<semaphore_mem>>)
    %scan3A = arith.constant 0 : i32
    %scan3A_29 = arith.constant 0 : i32
    %scan3A_30 = arith.constant 512 : i32
    %scan3A_31 = arith.addi %scan3A_29, %scan3A_30 : i32
    %scan3A_32 = arith.constant 1 : i32
    %scan3A_33 = scf.for %scan3A_435 = %scan3A_29 to %scan3A_31 step %scan3A_32 iter_args(%scan3A_436 = %scan3A) -> (i32)  : i32 {
      %mul3A_437 = arith.constant 128 : i32
      %mul3A_438 = arith.muli %scan3A_435, %mul3A_437 : i32
      %add3A_439 = arith.constant 0 : i32
      %add3A_440 = arith.addi %mul3A_438, %add3A_439 : i32
      %swap3A = arith.index_cast %add3A_440 : i32 to index
      %swap3A_441 = tpu.vector_load %arg5[%swap3A] {strides = array<i32>} : memref<65536xf32, #tpu.memory_space<vmem>>, vector<16xf32>,
      tpu.vector_store %arg5[%swap3A], %broadcast_in_dim3A_1 {strides = array<i32>} : memref<65536xf32, #tpu.memory_space<vmem>>, vector<16xf32>,
      %add3A_442 = arith.constant 16 : i32
      %add3A_443 = arith.addi %mul3A_438, %add3A_442 : i32
      %swap3A_444 = arith.index_cast %add3A_443 : i32 to index
      %swap3A_445 = tpu.vector_load %arg5[%swap3A_444] {strides = array<i32>} : memref<65536xf32, #tpu.memory_space<vmem>>, vector<16xf32>,
      tpu.vector_store %arg5[%swap3A_444], %broadcast_in_dim3A_1 {strides = array<i32>} : memref<65536xf32, #tpu.memory_space<vmem>>, vector<16xf32>,
      %add3A_446 = arith.constant 32 : i32
      %add3A_447 = arith.addi %mul3A_438, %add3A_446 : i32
      %swap3A_448 = arith.index_cast %add3A_447 : i32 to index
      %swap3A_449 = tpu.vector_load %arg5[%swap3A_448] {strides = array<i32>} : memref<65536xf32, #tpu.memory_space<vmem>>, vector<16xf32>,
      tpu.vector_store %arg5[%swap3A_448], %broadcast_in_dim3A_1 {strides = array<i32>} : memref<65536xf32, #tpu.memory_space<vmem>>, vector<16xf32>,
      %add3A_450 = arith.constant 48 : i32
      %add3A_451 = arith.addi %mul3A_438, %add3A_450 : i32
      %swap3A_452 = arith.index_cast %add3A_451 : i32 to index
      %swap3A_453 = tpu.vector_load %arg5[%swap3A_452] {strides = array<i32>} : memref<65536xf32, #tpu.memory_space<vmem>>, vector<16xf32>,
      tpu.vector_store %arg5[%swap3A_452], %broadcast_in_dim3A_1 {strides = array<i32>} : memref<65536xf32, #tpu.memory_space<vmem>>, vector<16xf32>,
      %add3A_454 = arith.constant 64 : i32
      %add3A_455 = arith.addi %mul3A_438, %add3A_454 : i32
      %swap3A_456 = arith.index_cast %add3A_455 : i32 to index
      %swap3A_457 = tpu.vector_load %arg5[%swap3A_456] {strides = array<i32>} : memref<65536xf32, #tpu.memory_space<vmem>>, vector<16xf32>,
      tpu.vector_store %arg5[%swap3A_456], %broadcast_in_dim3A_1 {strides = array<i32>} : memref<65536xf32, #tpu.memory_space<vmem>>, vector<16xf32>,
      %add3A_458 = arith.constant 80 : i32
      %add3A_459 = arith.addi %mul3A_438, %add3A_458 : i32
      %swap3A_460 = arith.index_cast %add3A_459 : i32 to index
      %swap3A_461 = tpu.vector_load %arg5[%swap3A_460] {strides = array<i32>} : memref<65536xf32, #tpu.memory_space<vmem>>, vector<16xf32>,
      tpu.vector_store %arg5[%swap3A_460], %broadcast_in_dim3A_1 {strides = array<i32>} : memref<65536xf32, #tpu.memory_space<vmem>>, vector<16xf32>,
      %add3A_462 = arith.constant 96 : i32
      %add3A_463 = arith.addi %mul3A_438, %add3A_462 : i32
      %swap3A_464 = arith.index_cast %add3A_463 : i32 to index
      %swap3A_465 = tpu.vector_load %arg5[%swap3A_464] {strides = array<i32>} : memref<65536xf32, #tpu.memory_space<vmem>>, vector<16xf32>,
      tpu.vector_store %arg5[%swap3A_464], %broadcast_in_dim3A_1 {strides = array<i32>} : memref<65536xf32, #tpu.memory_space<vmem>>, vector<16xf32>,
      %add3A_466 = arith.constant 112 : i32
      %add3A_467 = arith.addi %mul3A_438, %add3A_466 : i32
      %swap3A_468 = arith.index_cast %add3A_467 : i32 to index
      %swap3A_469 = tpu.vector_load %arg5[%swap3A_468] {strides = array<i32>} : memref<65536xf32, #tpu.memory_space<vmem>>, vector<16xf32>,
      tpu.vector_store %arg5[%swap3A_468], %broadcast_in_dim3A_1 {strides = array<i32>} : memref<65536xf32, #tpu.memory_space<vmem>>, vector<16xf32>,
      %scan3A_470 = arith.constant 0 : i32
      scf.yield %scan3A_470 : i32
    }
    %scan3A_34 = arith.constant 512 : i32
    %dma_start3A_35 = arith.constant 1 : i32
    %dma_start3A_36 = arith.constant 0 : i32
    %dma_start3A_37 = tpu.memref_slice %arg6[%dma_start3A_35, %dma_start3A_36] : memref<2x8192xi32, #tpu.memory_space<vmem>> -> memref<1x8192xi32, #tpu.memory_space<vmem>>
    %dma_start3A_38 = tpu.memref_squeeze %dma_start3A_37 : memref<1x8192xi32, #tpu.memory_space<vmem>> -> memref<8192xi32, #tpu.memory_space<vmem>>
    %dma_start3A_39 = arith.constant 8192 : i32
    %dma_start3A_40 = tpu.memref_slice %arg2[%dma_start3A_39] : memref<32768xi32, #tpu.memory_space<hbm>> -> memref<8192xi32, #tpu.memory_space<hbm>>
    %dma_start3A_41 = arith.constant 0 : i32
    %dma_start3A_42 = tpu.memref_slice %arg6[%dma_start3A_35, %dma_start3A_41] : memref<2x8192xi32, #tpu.memory_space<vmem>> -> memref<1x8192xi32, #tpu.memory_space<vmem>>
    %dma_start3A_43 = tpu.memref_squeeze %dma_start3A_42 : memref<1x8192xi32, #tpu.memory_space<vmem>> -> memref<8192xi32, #tpu.memory_space<vmem>>
    %dma_start3A_44 = arith.constant 8192 : i32
    %dma_start3A_45 = tpu.memref_slice %arg2[%dma_start3A_44] : memref<32768xi32, #tpu.memory_space<hbm>> -> memref<8192xi32, #tpu.memory_space<hbm>>
    tpu.enqueue_dma source(%dma_start3A_45 : memref<8192xi32, #tpu.memory_space<hbm>>) target(%dma_start3A_43 : memref<8192xi32, #tpu.memory_space<vmem>>) target_semaphore(%arg9 : memref<!tpu.dma_semaphore, #tpu.memory_space<semaphore_mem>>)
    %dma_start3A_46 = arith.constant 1 : i32
    %dma_start3A_47 = arith.constant 0 : i32
    %dma_start3A_48 = tpu.memref_slice %arg7[%dma_start3A_46, %dma_start3A_47] : memref<2x8192xi32, #tpu.memory_space<vmem>> -> memref<1x8192xi32, #tpu.memory_space<vmem>>
    %dma_start3A_49 = tpu.memref_squeeze %dma_start3A_48 : memref<1x8192xi32, #tpu.memory_space<vmem>> -> memref<8192xi32, #tpu.memory_space<vmem>>
    %dma_start3A_50 = arith.constant 8192 : i32
    %dma_start3A_51 = tpu.memref_slice %arg3[%dma_start3A_50] : memref<32768xi32, #tpu.memory_space<hbm>> -> memref<8192xi32, #tpu.memory_space<hbm>>
    %dma_start3A_52 = arith.constant 0 : i32
    %dma_start3A_53 = tpu.memref_slice %arg7[%dma_start3A_46, %dma_start3A_52] : memref<2x8192xi32, #tpu.memory_space<vmem>> -> memref<1x8192xi32, #tpu.memory_space<vmem>>
    %dma_start3A_54 = tpu.memref_squeeze %dma_start3A_53 : memref<1x8192xi32, #tpu.memory_space<vmem>> -> memref<8192xi32, #tpu.memory_space<vmem>>
    %dma_start3A_55 = arith.constant 8192 : i32
    %dma_start3A_56 = tpu.memref_slice %arg3[%dma_start3A_55] : memref<32768xi32, #tpu.memory_space<hbm>> -> memref<8192xi32, #tpu.memory_space<hbm>>
    tpu.enqueue_dma source(%dma_start3A_56 : memref<8192xi32, #tpu.memory_space<hbm>>) target(%dma_start3A_54 : memref<8192xi32, #tpu.memory_space<vmem>>) target_semaphore(%arg11 : memref<!tpu.dma_semaphore, #tpu.memory_space<semaphore_mem>>)
    %dma_wait3A = arith.constant 0 : i32
    %dma_wait3A_57 = arith.constant 0 : i32
    %dma_wait3A_58 = tpu.memref_slice %arg6[%dma_wait3A, %dma_wait3A_57] : memref<2x8192xi32, #tpu.memory_space<vmem>> -> memref<1x8192xi32, #tpu.memory_space<vmem>>
    %dma_wait3A_59 = tpu.memref_squeeze %dma_wait3A_58 : memref<1x8192xi32, #tpu.memory_space<vmem>> -> memref<8192xi32, #tpu.memory_space<vmem>>
    %dma_wait3A_60 = arith.constant 0 : i32
    %dma_wait3A_61 = tpu.memref_slice %arg2[%dma_wait3A_60] : memref<32768xi32, #tpu.memory_space<hbm>> -> memref<8192xi32, #tpu.memory_space<hbm>>
    %dma_wait3A_62 = arith.constant 0 : i32
    %dma_wait3A_63 = tpu.memref_slice %arg6[%dma_wait3A, %dma_wait3A_62] : memref<2x8192xi32, #tpu.memory_space<vmem>> -> memref<1x8192xi32, #tpu.memory_space<vmem>>
    %dma_wait3A_64 = tpu.memref_squeeze %dma_wait3A_63 : memref<1x8192xi32, #tpu.memory_space<vmem>> -> memref<8192xi32, #tpu.memory_space<vmem>>
    %dma_wait3A_65 = arith.constant 0 : i32
    %dma_wait3A_66 = tpu.memref_slice %arg2[%dma_wait3A_65] : memref<32768xi32, #tpu.memory_space<hbm>> -> memref<8192xi32, #tpu.memory_space<hbm>>
    tpu.wait_dma2 semaphore(%arg8 : memref<!tpu.dma_semaphore, #tpu.memory_space<semaphore_mem>>) src(%dma_wait3A_66 : memref<8192xi32, #tpu.memory_space<hbm>>) dst(%dma_wait3A_64 : memref<8192xi32, #tpu.memory_space<vmem>>)
    %dma_wait3A_67 = arith.constant 0 : i32
    %dma_wait3A_68 = arith.constant 0 : i32
    %dma_wait3A_69 = tpu.memref_slice %arg7[%dma_wait3A_67, %dma_wait3A_68] : memref<2x8192xi32, #tpu.memory_space<vmem>> -> memref<1x8192xi32, #tpu.memory_space<vmem>>
    %dma_wait3A_70 = tpu.memref_squeeze %dma_wait3A_69 : memref<1x8192xi32, #tpu.memory_space<vmem>> -> memref<8192xi32, #tpu.memory_space<vmem>>
    %dma_wait3A_71 = arith.constant 0 : i32
    %dma_wait3A_72 = tpu.memref_slice %arg3[%dma_wait3A_71] : memref<32768xi32, #tpu.memory_space<hbm>> -> memref<8192xi32, #tpu.memory_space<hbm>>
    %dma_wait3A_73 = arith.constant 0 : i32
    %dma_wait3A_74 = tpu.memref_slice %arg7[%dma_wait3A_67, %dma_wait3A_73] : memref<2x8192xi32, #tpu.memory_space<vmem>> -> memref<1x8192xi32, #tpu.memory_space<vmem>>
    %dma_wait3A_75 = tpu.memref_squeeze %dma_wait3A_74 : memref<1x8192xi32, #tpu.memory_space<vmem>> -> memref<8192xi32, #tpu.memory_space<vmem>>
    %dma_wait3A_76 = arith.constant 0 : i32
    %dma_wait3A_77 = tpu.memref_slice %arg3[%dma_wait3A_76] : memref<32768xi32, #tpu.memory_space<hbm>> -> memref<8192xi32, #tpu.memory_space<hbm>>
    tpu.wait_dma2 semaphore(%arg10 : memref<!tpu.dma_semaphore, #tpu.memory_space<semaphore_mem>>) src(%dma_wait3A_77 : memref<8192xi32, #tpu.memory_space<hbm>>) dst(%dma_wait3A_75 : memref<8192xi32, #tpu.memory_space<vmem>>)
    %scan3A_78 = arith.constant 0 : i32
    %scan3A_79 = arith.constant 0 : i32
    %scan3A_80 = arith.constant 256 : i32
    %scan3A_81 = arith.addi %scan3A_79, %scan3A_80 : i32
    %scan3A_82 = arith.constant 1 : i32
    %scan3A_83 = scf.for %scan3A_435 = %scan3A_79 to %scan3A_81 step %scan3A_82 iter_args(%scan3A_436 = %scan3A_78) -> (i32)  : i32 {
      %mul3A_437 = arith.constant 32 : i32
      %mul3A_438 = arith.muli %scan3A_435, %mul3A_437 : i32
      %add3A_439 = arith.constant 0 : i32
      %add3A_440 = arith.addi %mul3A_438, %add3A_439 : i32
      %get3A = arith.constant 0 : i32
      %get3A_441 = arith.index_cast %get3A : i32 to index
      %get3A_442 = arith.index_cast %add3A_440 : i32 to index
      %get3A_443 = tpu.vector_load %arg6[%get3A_441, %get3A_442] {strides = array<i32>} : memref<2x8192xi32, #tpu.memory_space<vmem>>, vector<16xi32>,
      %add3A_444 = arith.constant 0 : i32
      %add3A_445 = arith.addi %mul3A_438, %add3A_444 : i32
      %get3A_446 = arith.constant 0 : i32
      %get3A_447 = arith.index_cast %get3A_446 : i32 to index
      %get3A_448 = arith.index_cast %add3A_445 : i32 to index
      %get3A_449 = tpu.vector_load %arg7[%get3A_447, %get3A_448] {strides = array<i32>} : memref<2x8192xi32, #tpu.memory_space<vmem>>, vector<16xi32>,
      %sub3A = vector.broadcast %add3A_7 : i32 to vector<16xi32>
      %sub3A_450 = arith.subi %get3A_443, %sub3A : vector<16xi32>
      %ge3A = arith.constant 0 : i32
      %ge3A_451 = vector.broadcast %ge3A : i32 to vector<16xi32>
      %ge3A_452 = arith.cmpi sge, %sub3A_450, %ge3A_451 : vector<16xi32>
      %lt3A = arith.constant 32 : i32
      %lt3A_453 = vector.broadcast %lt3A : i32 to vector<16xi32>
      %lt3A_454 = arith.cmpi slt, %sub3A_450, %lt3A_453 : vector<16xi32>
      %and3A = arith.andi %ge3A_452, %lt3A_454 : vector<16xi1>
      %mul3A_455 = arith.constant 2048 : i32
      %mul3A_456 = vector.broadcast %mul3A_455 : i32 to vector<16xi32>
      %mul3A_457 = arith.muli %sub3A_450, %mul3A_456 : vector<16xi32>
      %add3A_458 = arith.addi %mul3A_457, %get3A_449 : vector<16xi32>
      %jit3A = arith.constant 0 : i32
      %broadcast_in_dim3A_459 = vector.broadcast %jit3A : i32 to vector<16xi32>
      %select_n3A = arith.select %and3A, %add3A_458, %broadcast_in_dim3A_459 : vector<16xi1>, vector<16xi32>
      tpu.vector_store_idx %arg5[%select_n3A], %broadcast_in_dim3A_3 masked %and3A {add = true} : memref<65536xf32, #tpu.memory_space<vmem>>[vector<16xi32>], vector<16xf32>, vector<16xi1>
      %add3A_460 = arith.constant 16 : i32
      %add3A_461 = arith.addi %mul3A_438, %add3A_460 : i32
      %get3A_462 = arith.constant 0 : i32
      %get3A_463 = arith.index_cast %get3A_462 : i32 to index
      %get3A_464 = arith.index_cast %add3A_461 : i32 to index
      %get3A_465 = tpu.vector_load %arg6[%get3A_463, %get3A_464] {strides = array<i32>} : memref<2x8192xi32, #tpu.memory_space<vmem>>, vector<16xi32>,
      %add3A_466 = arith.constant 16 : i32
      %add3A_467 = arith.addi %mul3A_438, %add3A_466 : i32
      %get3A_468 = arith.constant 0 : i32
      %get3A_469 = arith.index_cast %get3A_468 : i32 to index
      %get3A_470 = arith.index_cast %add3A_467 : i32 to index
      %get3A_471 = tpu.vector_load %arg7[%get3A_469, %get3A_470] {strides = array<i32>} : memref<2x8192xi32, #tpu.memory_space<vmem>>, vector<16xi32>,
      %sub3A_472 = vector.broadcast %add3A_7 : i32 to vector<16xi32>
      %sub3A_473 = arith.subi %get3A_465, %sub3A_472 : vector<16xi32>
      %ge3A_474 = arith.constant 0 : i32
      %ge3A_475 = vector.broadcast %ge3A_474 : i32 to vector<16xi32>
      %ge3A_476 = arith.cmpi sge, %sub3A_473, %ge3A_475 : vector<16xi32>
      %lt3A_477 = arith.constant 32 : i32
      %lt3A_478 = vector.broadcast %lt3A_477 : i32 to vector<16xi32>
      %lt3A_479 = arith.cmpi slt, %sub3A_473, %lt3A_478 : vector<16xi32>
      %and3A_480 = arith.andi %ge3A_476, %lt3A_479 : vector<16xi1>
      %mul3A_481 = arith.constant 2048 : i32
      %mul3A_482 = vector.broadcast %mul3A_481 : i32 to vector<16xi32>
      %mul3A_483 = arith.muli %sub3A_473, %mul3A_482 : vector<16xi32>
      %add3A_484 = arith.addi %mul3A_483, %get3A_471 : vector<16xi32>
      %jit3A_485 = arith.constant 0 : i32
      %broadcast_in_dim3A_486 = vector.broadcast %jit3A_485 : i32 to vector<16xi32>
      %select_n3A_487 = arith.select %and3A_480, %add3A_484, %broadcast_in_dim3A_486 : vector<16xi1>, vector<16xi32>
      tpu.vector_store_idx %arg5[%select_n3A_487], %broadcast_in_dim3A_3 masked %and3A_480 {add = true} : memref<65536xf32, #tpu.memory_space<vmem>>[vector<16xi32>], vector<16xf32>, vector<16xi1>
      %scan3A_488 = arith.constant 0 : i32
      scf.yield %scan3A_488 : i32
    }
    %scan3A_84 = arith.constant 256 : i32
    %dma_start3A_85 = arith.constant 0 : i32
    %dma_start3A_86 = arith.constant 0 : i32
    %dma_start3A_87 = tpu.memref_slice %arg6[%dma_start3A_85, %dma_start3A_86] : memref<2x8192xi32, #tpu.memory_space<vmem>> -> memref<1x8192xi32, #tpu.memory_space<vmem>>
    %dma_start3A_88 = tpu.memref_squeeze %dma_start3A_87 : memref<1x8192xi32, #tpu.memory_space<vmem>> -> memref<8192xi32, #tpu.memory_space<vmem>>
    %dma_start3A_89 = arith.constant 16384 : i32
    %dma_start3A_90 = tpu.memref_slice %arg2[%dma_start3A_89] : memref<32768xi32, #tpu.memory_space<hbm>> -> memref<8192xi32, #tpu.memory_space<hbm>>
    %dma_start3A_91 = arith.constant 0 : i32
    %dma_start3A_92 = tpu.memref_slice %arg6[%dma_start3A_85, %dma_start3A_91] : memref<2x8192xi32, #tpu.memory_space<vmem>> -> memref<1x8192xi32, #tpu.memory_space<vmem>>
    %dma_start3A_93 = tpu.memref_squeeze %dma_start3A_92 : memref<1x8192xi32, #tpu.memory_space<vmem>> -> memref<8192xi32, #tpu.memory_space<vmem>>
    %dma_start3A_94 = arith.constant 16384 : i32
    %dma_start3A_95 = tpu.memref_slice %arg2[%dma_start3A_94] : memref<32768xi32, #tpu.memory_space<hbm>> -> memref<8192xi32, #tpu.memory_space<hbm>>
    tpu.enqueue_dma source(%dma_start3A_95 : memref<8192xi32, #tpu.memory_space<hbm>>) target(%dma_start3A_93 : memref<8192xi32, #tpu.memory_space<vmem>>) target_semaphore(%arg8 : memref<!tpu.dma_semaphore, #tpu.memory_space<semaphore_mem>>)
    %dma_start3A_96 = arith.constant 0 : i32
    %dma_start3A_97 = arith.constant 0 : i32
    %dma_start3A_98 = tpu.memref_slice %arg7[%dma_start3A_96, %dma_start3A_97] : memref<2x8192xi32, #tpu.memory_space<vmem>> -> memref<1x8192xi32, #tpu.memory_space<vmem>>
    %dma_start3A_99 = tpu.memref_squeeze %dma_start3A_98 : memref<1x8192xi32, #tpu.memory_space<vmem>> -> memref<8192xi32, #tpu.memory_space<vmem>>
    %dma_start3A_100 = arith.constant 16384 : i32
    %dma_start3A_101 = tpu.memref_slice %arg3[%dma_start3A_100] : memref<32768xi32, #tpu.memory_space<hbm>> -> memref<8192xi32, #tpu.memory_space<hbm>>
    %dma_start3A_102 = arith.constant 0 : i32
    %dma_start3A_103 = tpu.memref_slice %arg7[%dma_start3A_96, %dma_start3A_102] : memref<2x8192xi32, #tpu.memory_space<vmem>> -> memref<1x8192xi32, #tpu.memory_space<vmem>>
    %dma_start3A_104 = tpu.memref_squeeze %dma_start3A_103 : memref<1x8192xi32, #tpu.memory_space<vmem>> -> memref<8192xi32, #tpu.memory_space<vmem>>
    %dma_start3A_105 = arith.constant 16384 : i32
    %dma_start3A_106 = tpu.memref_slice %arg3[%dma_start3A_105] : memref<32768xi32, #tpu.memory_space<hbm>> -> memref<8192xi32, #tpu.memory_space<hbm>>
    tpu.enqueue_dma source(%dma_start3A_106 : memref<8192xi32, #tpu.memory_space<hbm>>) target(%dma_start3A_104 : memref<8192xi32, #tpu.memory_space<vmem>>) target_semaphore(%arg10 : memref<!tpu.dma_semaphore, #tpu.memory_space<semaphore_mem>>)
    %dma_wait3A_107 = arith.constant 1 : i32
    %dma_wait3A_108 = arith.constant 0 : i32
    %dma_wait3A_109 = tpu.memref_slice %arg6[%dma_wait3A_107, %dma_wait3A_108] : memref<2x8192xi32, #tpu.memory_space<vmem>> -> memref<1x8192xi32, #tpu.memory_space<vmem>>
    %dma_wait3A_110 = tpu.memref_squeeze %dma_wait3A_109 : memref<1x8192xi32, #tpu.memory_space<vmem>> -> memref<8192xi32, #tpu.memory_space<vmem>>
    %dma_wait3A_111 = arith.constant 8192 : i32
    %dma_wait3A_112 = tpu.memref_slice %arg2[%dma_wait3A_111] : memref<32768xi32, #tpu.memory_space<hbm>> -> memref<8192xi32, #tpu.memory_space<hbm>>
    %dma_wait3A_113 = arith.constant 0 : i32
    %dma_wait3A_114 = tpu.memref_slice %arg6[%dma_wait3A_107, %dma_wait3A_113] : memref<2x8192xi32, #tpu.memory_space<vmem>> -> memref<1x8192xi32, #tpu.memory_space<vmem>>
    %dma_wait3A_115 = tpu.memref_squeeze %dma_wait3A_114 : memref<1x8192xi32, #tpu.memory_space<vmem>> -> memref<8192xi32, #tpu.memory_space<vmem>>
    %dma_wait3A_116 = arith.constant 8192 : i32
    %dma_wait3A_117 = tpu.memref_slice %arg2[%dma_wait3A_116] : memref<32768xi32, #tpu.memory_space<hbm>> -> memref<8192xi32, #tpu.memory_space<hbm>>
    tpu.wait_dma2 semaphore(%arg9 : memref<!tpu.dma_semaphore, #tpu.memory_space<semaphore_mem>>) src(%dma_wait3A_117 : memref<8192xi32, #tpu.memory_space<hbm>>) dst(%dma_wait3A_115 : memref<8192xi32, #tpu.memory_space<vmem>>)
    %dma_wait3A_118 = arith.constant 1 : i32
    %dma_wait3A_119 = arith.constant 0 : i32
    %dma_wait3A_120 = tpu.memref_slice %arg7[%dma_wait3A_118, %dma_wait3A_119] : memref<2x8192xi32, #tpu.memory_space<vmem>> -> memref<1x8192xi32, #tpu.memory_space<vmem>>
    %dma_wait3A_121 = tpu.memref_squeeze %dma_wait3A_120 : memref<1x8192xi32, #tpu.memory_space<vmem>> -> memref<8192xi32, #tpu.memory_space<vmem>>
    %dma_wait3A_122 = arith.constant 8192 : i32
    %dma_wait3A_123 = tpu.memref_slice %arg3[%dma_wait3A_122] : memref<32768xi32, #tpu.memory_space<hbm>> -> memref<8192xi32, #tpu.memory_space<hbm>>
    %dma_wait3A_124 = arith.constant 0 : i32
    %dma_wait3A_125 = tpu.memref_slice %arg7[%dma_wait3A_118, %dma_wait3A_124] : memref<2x8192xi32, #tpu.memory_space<vmem>> -> memref<1x8192xi32, #tpu.memory_space<vmem>>
    %dma_wait3A_126 = tpu.memref_squeeze %dma_wait3A_125 : memref<1x8192xi32, #tpu.memory_space<vmem>> -> memref<8192xi32, #tpu.memory_space<vmem>>
    %dma_wait3A_127 = arith.constant 8192 : i32
    %dma_wait3A_128 = tpu.memref_slice %arg3[%dma_wait3A_127] : memref<32768xi32, #tpu.memory_space<hbm>> -> memref<8192xi32, #tpu.memory_space<hbm>>
    tpu.wait_dma2 semaphore(%arg11 : memref<!tpu.dma_semaphore, #tpu.memory_space<semaphore_mem>>) src(%dma_wait3A_128 : memref<8192xi32, #tpu.memory_space<hbm>>) dst(%dma_wait3A_126 : memref<8192xi32, #tpu.memory_space<vmem>>)
    %scan3A_129 = arith.constant 0 : i32
    %scan3A_130 = arith.constant 0 : i32
    %scan3A_131 = arith.constant 256 : i32
    %scan3A_132 = arith.addi %scan3A_130, %scan3A_131 : i32
    %scan3A_133 = arith.constant 1 : i32
    %scan3A_134 = scf.for %scan3A_435 = %scan3A_130 to %scan3A_132 step %scan3A_133 iter_args(%scan3A_436 = %scan3A_129) -> (i32)  : i32 {
      %mul3A_437 = arith.constant 32 : i32
      %mul3A_438 = arith.muli %scan3A_435, %mul3A_437 : i32
      %add3A_439 = arith.constant 0 : i32
      %add3A_440 = arith.addi %mul3A_438, %add3A_439 : i32
      %get3A = arith.constant 1 : i32
      %get3A_441 = arith.index_cast %get3A : i32 to index
      %get3A_442 = arith.index_cast %add3A_440 : i32 to index
      %get3A_443 = tpu.vector_load %arg6[%get3A_441, %get3A_442] {strides = array<i32>} : memref<2x8192xi32, #tpu.memory_space<vmem>>, vector<16xi32>,
      %add3A_444 = arith.constant 0 : i32
      %add3A_445 = arith.addi %mul3A_438, %add3A_444 : i32
      %get3A_446 = arith.constant 1 : i32
      %get3A_447 = arith.index_cast %get3A_446 : i32 to index
      %get3A_448 = arith.index_cast %add3A_445 : i32 to index
      %get3A_449 = tpu.vector_load %arg7[%get3A_447, %get3A_448] {strides = array<i32>} : memref<2x8192xi32, #tpu.memory_space<vmem>>, vector<16xi32>,
      %sub3A = vector.broadcast %add3A_7 : i32 to vector<16xi32>
      %sub3A_450 = arith.subi %get3A_443, %sub3A : vector<16xi32>
      %ge3A = arith.constant 0 : i32
      %ge3A_451 = vector.broadcast %ge3A : i32 to vector<16xi32>
      %ge3A_452 = arith.cmpi sge, %sub3A_450, %ge3A_451 : vector<16xi32>
      %lt3A = arith.constant 32 : i32
      %lt3A_453 = vector.broadcast %lt3A : i32 to vector<16xi32>
      %lt3A_454 = arith.cmpi slt, %sub3A_450, %lt3A_453 : vector<16xi32>
      %and3A = arith.andi %ge3A_452, %lt3A_454 : vector<16xi1>
      %mul3A_455 = arith.constant 2048 : i32
      %mul3A_456 = vector.broadcast %mul3A_455 : i32 to vector<16xi32>
      %mul3A_457 = arith.muli %sub3A_450, %mul3A_456 : vector<16xi32>
      %add3A_458 = arith.addi %mul3A_457, %get3A_449 : vector<16xi32>
      %jit3A = arith.constant 0 : i32
      %broadcast_in_dim3A_459 = vector.broadcast %jit3A : i32 to vector<16xi32>
      %select_n3A = arith.select %and3A, %add3A_458, %broadcast_in_dim3A_459 : vector<16xi1>, vector<16xi32>
      tpu.vector_store_idx %arg5[%select_n3A], %broadcast_in_dim3A_3 masked %and3A {add = true} : memref<65536xf32, #tpu.memory_space<vmem>>[vector<16xi32>], vector<16xf32>, vector<16xi1>
      %add3A_460 = arith.constant 16 : i32
      %add3A_461 = arith.addi %mul3A_438, %add3A_460 : i32
      %get3A_462 = arith.constant 1 : i32
      %get3A_463 = arith.index_cast %get3A_462 : i32 to index
      %get3A_464 = arith.index_cast %add3A_461 : i32 to index
      %get3A_465 = tpu.vector_load %arg6[%get3A_463, %get3A_464] {strides = array<i32>} : memref<2x8192xi32, #tpu.memory_space<vmem>>, vector<16xi32>,
      %add3A_466 = arith.constant 16 : i32
      %add3A_467 = arith.addi %mul3A_438, %add3A_466 : i32
      %get3A_468 = arith.constant 1 : i32
      %get3A_469 = arith.index_cast %get3A_468 : i32 to index
      %get3A_470 = arith.index_cast %add3A_467 : i32 to index
      %get3A_471 = tpu.vector_load %arg7[%get3A_469, %get3A_470] {strides = array<i32>} : memref<2x8192xi32, #tpu.memory_space<vmem>>, vector<16xi32>,
      %sub3A_472 = vector.broadcast %add3A_7 : i32 to vector<16xi32>
      %sub3A_473 = arith.subi %get3A_465, %sub3A_472 : vector<16xi32>
      %ge3A_474 = arith.constant 0 : i32
      %ge3A_475 = vector.broadcast %ge3A_474 : i32 to vector<16xi32>
      %ge3A_476 = arith.cmpi sge, %sub3A_473, %ge3A_475 : vector<16xi32>
      %lt3A_477 = arith.constant 32 : i32
      %lt3A_478 = vector.broadcast %lt3A_477 : i32 to vector<16xi32>
      %lt3A_479 = arith.cmpi slt, %sub3A_473, %lt3A_478 : vector<16xi32>
      %and3A_480 = arith.andi %ge3A_476, %lt3A_479 : vector<16xi1>
      %mul3A_481 = arith.constant 2048 : i32
      %mul3A_482 = vector.broadcast %mul3A_481 : i32 to vector<16xi32>
      %mul3A_483 = arith.muli %sub3A_473, %mul3A_482 : vector<16xi32>
      %add3A_484 = arith.addi %mul3A_483, %get3A_471 : vector<16xi32>
      %jit3A_485 = arith.constant 0 : i32
      %broadcast_in_dim3A_486 = vector.broadcast %jit3A_485 : i32 to vector<16xi32>
      %select_n3A_487 = arith.select %and3A_480, %add3A_484, %broadcast_in_dim3A_486 : vector<16xi1>, vector<16xi32>
      tpu.vector_store_idx %arg5[%select_n3A_487], %broadcast_in_dim3A_3 masked %and3A_480 {add = true} : memref<65536xf32, #tpu.memory_space<vmem>>[vector<16xi32>], vector<16xf32>, vector<16xi1>
      %scan3A_488 = arith.constant 0 : i32
      scf.yield %scan3A_488 : i32
    }
    %scan3A_135 = arith.constant 256 : i32
    %dma_start3A_136 = arith.constant 1 : i32
    %dma_start3A_137 = arith.constant 0 : i32
    %dma_start3A_138 = tpu.memref_slice %arg6[%dma_start3A_136, %dma_start3A_137] : memref<2x8192xi32, #tpu.memory_space<vmem>> -> memref<1x8192xi32, #tpu.memory_space<vmem>>
    %dma_start3A_139 = tpu.memref_squeeze %dma_start3A_138 : memref<1x8192xi32, #tpu.memory_space<vmem>> -> memref<8192xi32, #tpu.memory_space<vmem>>
    %dma_start3A_140 = arith.constant 24576 : i32
    %dma_start3A_141 = tpu.memref_slice %arg2[%dma_start3A_140] : memref<32768xi32, #tpu.memory_space<hbm>> -> memref<8192xi32, #tpu.memory_space<hbm>>
    %dma_start3A_142 = arith.constant 0 : i32
    %dma_start3A_143 = tpu.memref_slice %arg6[%dma_start3A_136, %dma_start3A_142] : memref<2x8192xi32, #tpu.memory_space<vmem>> -> memref<1x8192xi32, #tpu.memory_space<vmem>>
    %dma_start3A_144 = tpu.memref_squeeze %dma_start3A_143 : memref<1x8192xi32, #tpu.memory_space<vmem>> -> memref<8192xi32, #tpu.memory_space<vmem>>
    %dma_start3A_145 = arith.constant 24576 : i32
    %dma_start3A_146 = tpu.memref_slice %arg2[%dma_start3A_145] : memref<32768xi32, #tpu.memory_space<hbm>> -> memref<8192xi32, #tpu.memory_space<hbm>>
    tpu.enqueue_dma source(%dma_start3A_146 : memref<8192xi32, #tpu.memory_space<hbm>>) target(%dma_start3A_144 : memref<8192xi32, #tpu.memory_space<vmem>>) target_semaphore(%arg9 : memref<!tpu.dma_semaphore, #tpu.memory_space<semaphore_mem>>)
    %dma_start3A_147 = arith.constant 1 : i32
    %dma_start3A_148 = arith.constant 0 : i32
    %dma_start3A_149 = tpu.memref_slice %arg7[%dma_start3A_147, %dma_start3A_148] : memref<2x8192xi32, #tpu.memory_space<vmem>> -> memref<1x8192xi32, #tpu.memory_space<vmem>>
    %dma_start3A_150 = tpu.memref_squeeze %dma_start3A_149 : memref<1x8192xi32, #tpu.memory_space<vmem>> -> memref<8192xi32, #tpu.memory_space<vmem>>
    %dma_start3A_151 = arith.constant 24576 : i32
    %dma_start3A_152 = tpu.memref_slice %arg3[%dma_start3A_151] : memref<32768xi32, #tpu.memory_space<hbm>> -> memref<8192xi32, #tpu.memory_space<hbm>>
    %dma_start3A_153 = arith.constant 0 : i32
    %dma_start3A_154 = tpu.memref_slice %arg7[%dma_start3A_147, %dma_start3A_153] : memref<2x8192xi32, #tpu.memory_space<vmem>> -> memref<1x8192xi32, #tpu.memory_space<vmem>>
    %dma_start3A_155 = tpu.memref_squeeze %dma_start3A_154 : memref<1x8192xi32, #tpu.memory_space<vmem>> -> memref<8192xi32, #tpu.memory_space<vmem>>
    %dma_start3A_156 = arith.constant 24576 : i32
    %dma_start3A_157 = tpu.memref_slice %arg3[%dma_start3A_156] : memref<32768xi32, #tpu.memory_space<hbm>> -> memref<8192xi32, #tpu.memory_space<hbm>>
    tpu.enqueue_dma source(%dma_start3A_157 : memref<8192xi32, #tpu.memory_space<hbm>>) target(%dma_start3A_155 : memref<8192xi32, #tpu.memory_space<vmem>>) target_semaphore(%arg11 : memref<!tpu.dma_semaphore, #tpu.memory_space<semaphore_mem>>)
    %dma_wait3A_158 = arith.constant 0 : i32
    %dma_wait3A_159 = arith.constant 0 : i32
    %dma_wait3A_160 = tpu.memref_slice %arg6[%dma_wait3A_158, %dma_wait3A_159] : memref<2x8192xi32, #tpu.memory_space<vmem>> -> memref<1x8192xi32, #tpu.memory_space<vmem>>
    %dma_wait3A_161 = tpu.memref_squeeze %dma_wait3A_160 : memref<1x8192xi32, #tpu.memory_space<vmem>> -> memref<8192xi32, #tpu.memory_space<vmem>>
    %dma_wait3A_162 = arith.constant 16384 : i32
    %dma_wait3A_163 = tpu.memref_slice %arg2[%dma_wait3A_162] : memref<32768xi32, #tpu.memory_space<hbm>> -> memref<8192xi32, #tpu.memory_space<hbm>>
    %dma_wait3A_164 = arith.constant 0 : i32
    %dma_wait3A_165 = tpu.memref_slice %arg6[%dma_wait3A_158, %dma_wait3A_164] : memref<2x8192xi32, #tpu.memory_space<vmem>> -> memref<1x8192xi32, #tpu.memory_space<vmem>>
    %dma_wait3A_166 = tpu.memref_squeeze %dma_wait3A_165 : memref<1x8192xi32, #tpu.memory_space<vmem>> -> memref<8192xi32, #tpu.memory_space<vmem>>
    %dma_wait3A_167 = arith.constant 16384 : i32
    %dma_wait3A_168 = tpu.memref_slice %arg2[%dma_wait3A_167] : memref<32768xi32, #tpu.memory_space<hbm>> -> memref<8192xi32, #tpu.memory_space<hbm>>
    tpu.wait_dma2 semaphore(%arg8 : memref<!tpu.dma_semaphore, #tpu.memory_space<semaphore_mem>>) src(%dma_wait3A_168 : memref<8192xi32, #tpu.memory_space<hbm>>) dst(%dma_wait3A_166 : memref<8192xi32, #tpu.memory_space<vmem>>)
    %dma_wait3A_169 = arith.constant 0 : i32
    %dma_wait3A_170 = arith.constant 0 : i32
    %dma_wait3A_171 = tpu.memref_slice %arg7[%dma_wait3A_169, %dma_wait3A_170] : memref<2x8192xi32, #tpu.memory_space<vmem>> -> memref<1x8192xi32, #tpu.memory_space<vmem>>
    %dma_wait3A_172 = tpu.memref_squeeze %dma_wait3A_171 : memref<1x8192xi32, #tpu.memory_space<vmem>> -> memref<8192xi32, #tpu.memory_space<vmem>>
    %dma_wait3A_173 = arith.constant 16384 : i32
    %dma_wait3A_174 = tpu.memref_slice %arg3[%dma_wait3A_173] : memref<32768xi32, #tpu.memory_space<hbm>> -> memref<8192xi32, #tpu.memory_space<hbm>>
    %dma_wait3A_175 = arith.constant 0 : i32
    %dma_wait3A_176 = tpu.memref_slice %arg7[%dma_wait3A_169, %dma_wait3A_175] : memref<2x8192xi32, #tpu.memory_space<vmem>> -> memref<1x8192xi32, #tpu.memory_space<vmem>>
    %dma_wait3A_177 = tpu.memref_squeeze %dma_wait3A_176 : memref<1x8192xi32, #tpu.memory_space<vmem>> -> memref<8192xi32, #tpu.memory_space<vmem>>
    %dma_wait3A_178 = arith.constant 16384 : i32
    %dma_wait3A_179 = tpu.memref_slice %arg3[%dma_wait3A_178] : memref<32768xi32, #tpu.memory_space<hbm>> -> memref<8192xi32, #tpu.memory_space<hbm>>
    tpu.wait_dma2 semaphore(%arg10 : memref<!tpu.dma_semaphore, #tpu.memory_space<semaphore_mem>>) src(%dma_wait3A_179 : memref<8192xi32, #tpu.memory_space<hbm>>) dst(%dma_wait3A_177 : memref<8192xi32, #tpu.memory_space<vmem>>)
    %scan3A_180 = arith.constant 0 : i32
    %scan3A_181 = arith.constant 0 : i32
    %scan3A_182 = arith.constant 256 : i32
    %scan3A_183 = arith.addi %scan3A_181, %scan3A_182 : i32
    %scan3A_184 = arith.constant 1 : i32
    %scan3A_185 = scf.for %scan3A_435 = %scan3A_181 to %scan3A_183 step %scan3A_184 iter_args(%scan3A_436 = %scan3A_180) -> (i32)  : i32 {
      %mul3A_437 = arith.constant 32 : i32
      %mul3A_438 = arith.muli %scan3A_435, %mul3A_437 : i32
      %add3A_439 = arith.constant 0 : i32
      %add3A_440 = arith.addi %mul3A_438, %add3A_439 : i32
      %get3A = arith.constant 0 : i32
      %get3A_441 = arith.index_cast %get3A : i32 to index
      %get3A_442 = arith.index_cast %add3A_440 : i32 to index
      %get3A_443 = tpu.vector_load %arg6[%get3A_441, %get3A_442] {strides = array<i32>} : memref<2x8192xi32, #tpu.memory_space<vmem>>, vector<16xi32>,
      %add3A_444 = arith.constant 0 : i32
      %add3A_445 = arith.addi %mul3A_438, %add3A_444 : i32
      %get3A_446 = arith.constant 0 : i32
      %get3A_447 = arith.index_cast %get3A_446 : i32 to index
      %get3A_448 = arith.index_cast %add3A_445 : i32 to index
      %get3A_449 = tpu.vector_load %arg7[%get3A_447, %get3A_448] {strides = array<i32>} : memref<2x8192xi32, #tpu.memory_space<vmem>>, vector<16xi32>,
      %sub3A = vector.broadcast %add3A_7 : i32 to vector<16xi32>
      %sub3A_450 = arith.subi %get3A_443, %sub3A : vector<16xi32>
      %ge3A = arith.constant 0 : i32
      %ge3A_451 = vector.broadcast %ge3A : i32 to vector<16xi32>
      %ge3A_452 = arith.cmpi sge, %sub3A_450, %ge3A_451 : vector<16xi32>
      %lt3A = arith.constant 32 : i32
      %lt3A_453 = vector.broadcast %lt3A : i32 to vector<16xi32>
      %lt3A_454 = arith.cmpi slt, %sub3A_450, %lt3A_453 : vector<16xi32>
      %and3A = arith.andi %ge3A_452, %lt3A_454 : vector<16xi1>
      %mul3A_455 = arith.constant 2048 : i32
      %mul3A_456 = vector.broadcast %mul3A_455 : i32 to vector<16xi32>
      %mul3A_457 = arith.muli %sub3A_450, %mul3A_456 : vector<16xi32>
      %add3A_458 = arith.addi %mul3A_457, %get3A_449 : vector<16xi32>
      %jit3A = arith.constant 0 : i32
      %broadcast_in_dim3A_459 = vector.broadcast %jit3A : i32 to vector<16xi32>
      %select_n3A = arith.select %and3A, %add3A_458, %broadcast_in_dim3A_459 : vector<16xi1>, vector<16xi32>
      tpu.vector_store_idx %arg5[%select_n3A], %broadcast_in_dim3A_3 masked %and3A {add = true} : memref<65536xf32, #tpu.memory_space<vmem>>[vector<16xi32>], vector<16xf32>, vector<16xi1>
      %add3A_460 = arith.constant 16 : i32
      %add3A_461 = arith.addi %mul3A_438, %add3A_460 : i32
      %get3A_462 = arith.constant 0 : i32
      %get3A_463 = arith.index_cast %get3A_462 : i32 to index
      %get3A_464 = arith.index_cast %add3A_461 : i32 to index
      %get3A_465 = tpu.vector_load %arg6[%get3A_463, %get3A_464] {strides = array<i32>} : memref<2x8192xi32, #tpu.memory_space<vmem>>, vector<16xi32>,
      %add3A_466 = arith.constant 16 : i32
      %add3A_467 = arith.addi %mul3A_438, %add3A_466 : i32
      %get3A_468 = arith.constant 0 : i32
      %get3A_469 = arith.index_cast %get3A_468 : i32 to index
      %get3A_470 = arith.index_cast %add3A_467 : i32 to index
      %get3A_471 = tpu.vector_load %arg7[%get3A_469, %get3A_470] {strides = array<i32>} : memref<2x8192xi32, #tpu.memory_space<vmem>>, vector<16xi32>,
      %sub3A_472 = vector.broadcast %add3A_7 : i32 to vector<16xi32>
      %sub3A_473 = arith.subi %get3A_465, %sub3A_472 : vector<16xi32>
      %ge3A_474 = arith.constant 0 : i32
      %ge3A_475 = vector.broadcast %ge3A_474 : i32 to vector<16xi32>
      %ge3A_476 = arith.cmpi sge, %sub3A_473, %ge3A_475 : vector<16xi32>
      %lt3A_477 = arith.constant 32 : i32
      %lt3A_478 = vector.broadcast %lt3A_477 : i32 to vector<16xi32>
      %lt3A_479 = arith.cmpi slt, %sub3A_473, %lt3A_478 : vector<16xi32>
      %and3A_480 = arith.andi %ge3A_476, %lt3A_479 : vector<16xi1>
      %mul3A_481 = arith.constant 2048 : i32
      %mul3A_482 = vector.broadcast %mul3A_481 : i32 to vector<16xi32>
      %mul3A_483 = arith.muli %sub3A_473, %mul3A_482 : vector<16xi32>
      %add3A_484 = arith.addi %mul3A_483, %get3A_471 : vector<16xi32>
      %jit3A_485 = arith.constant 0 : i32
      %broadcast_in_dim3A_486 = vector.broadcast %jit3A_485 : i32 to vector<16xi32>
      %select_n3A_487 = arith.select %and3A_480, %add3A_484, %broadcast_in_dim3A_486 : vector<16xi1>, vector<16xi32>
      tpu.vector_store_idx %arg5[%select_n3A_487], %broadcast_in_dim3A_3 masked %and3A_480 {add = true} : memref<65536xf32, #tpu.memory_space<vmem>>[vector<16xi32>], vector<16xf32>, vector<16xi1>
      %scan3A_488 = arith.constant 0 : i32
      scf.yield %scan3A_488 : i32
    }
    %scan3A_186 = arith.constant 256 : i32
    %dma_wait3A_187 = arith.constant 1 : i32
    %dma_wait3A_188 = arith.constant 0 : i32
    %dma_wait3A_189 = tpu.memref_slice %arg6[%dma_wait3A_187, %dma_wait3A_188] : memref<2x8192xi32, #tpu.memory_space<vmem>> -> memref<1x8192xi32, #tpu.memory_space<vmem>>
    %dma_wait3A_190 = tpu.memref_squeeze %dma_wait3A_189 : memref<1x8192xi32, #tpu.memory_space<vmem>> -> memref<8192xi32, #tpu.memory_space<vmem>>
    %dma_wait3A_191 = arith.constant 24576 : i32
    %dma_wait3A_192 = tpu.memref_slice %arg2[%dma_wait3A_191] : memref<32768xi32, #tpu.memory_space<hbm>> -> memref<8192xi32, #tpu.memory_space<hbm>>
    %dma_wait3A_193 = arith.constant 0 : i32
    %dma_wait3A_194 = tpu.memref_slice %arg6[%dma_wait3A_187, %dma_wait3A_193] : memref<2x8192xi32, #tpu.memory_space<vmem>> -> memref<1x8192xi32, #tpu.memory_space<vmem>>
    %dma_wait3A_195 = tpu.memref_squeeze %dma_wait3A_194 : memref<1x8192xi32, #tpu.memory_space<vmem>> -> memref<8192xi32, #tpu.memory_space<vmem>>
    %dma_wait3A_196 = arith.constant 24576 : i32
    %dma_wait3A_197 = tpu.memref_slice %arg2[%dma_wait3A_196] : memref<32768xi32, #tpu.memory_space<hbm>> -> memref<8192xi32, #tpu.memory_space<hbm>>
    tpu.wait_dma2 semaphore(%arg9 : memref<!tpu.dma_semaphore, #tpu.memory_space<semaphore_mem>>) src(%dma_wait3A_197 : memref<8192xi32, #tpu.memory_space<hbm>>) dst(%dma_wait3A_195 : memref<8192xi32, #tpu.memory_space<vmem>>)
    %dma_wait3A_198 = arith.constant 1 : i32
    %dma_wait3A_199 = arith.constant 0 : i32
    %dma_wait3A_200 = tpu.memref_slice %arg7[%dma_wait3A_198, %dma_wait3A_199] : memref<2x8192xi32, #tpu.memory_space<vmem>> -> memref<1x8192xi32, #tpu.memory_space<vmem>>
    %dma_wait3A_201 = tpu.memref_squeeze %dma_wait3A_200 : memref<1x8192xi32, #tpu.memory_space<vmem>> -> memref<8192xi32, #tpu.memory_space<vmem>>
    %dma_wait3A_202 = arith.constant 24576 : i32
    %dma_wait3A_203 = tpu.memref_slice %arg3[%dma_wait3A_202] : memref<32768xi32, #tpu.memory_space<hbm>> -> memref<8192xi32, #tpu.memory_space<hbm>>
    %dma_wait3A_204 = arith.constant 0 : i32
    %dma_wait3A_205 = tpu.memref_slice %arg7[%dma_wait3A_198, %dma_wait3A_204] : memref<2x8192xi32, #tpu.memory_space<vmem>> -> memref<1x8192xi32, #tpu.memory_space<vmem>>
    %dma_wait3A_206 = tpu.memref_squeeze %dma_wait3A_205 : memref<1x8192xi32, #tpu.memory_space<vmem>> -> memref<8192xi32, #tpu.memory_space<vmem>>
    %dma_wait3A_207 = arith.constant 24576 : i32
    %dma_wait3A_208 = tpu.memref_slice %arg3[%dma_wait3A_207] : memref<32768xi32, #tpu.memory_space<hbm>> -> memref<8192xi32, #tpu.memory_space<hbm>>
    tpu.wait_dma2 semaphore(%arg11 : memref<!tpu.dma_semaphore, #tpu.memory_space<semaphore_mem>>) src(%dma_wait3A_208 : memref<8192xi32, #tpu.memory_space<hbm>>) dst(%dma_wait3A_206 : memref<8192xi32, #tpu.memory_space<vmem>>)
    %scan3A_209 = arith.constant 0 : i32
    %scan3A_210 = arith.constant 0 : i32
    %scan3A_211 = arith.constant 256 : i32
    %scan3A_212 = arith.addi %scan3A_210, %scan3A_211 : i32
    %scan3A_213 = arith.constant 1 : i32
    %scan3A_214 = scf.for %scan3A_435 = %scan3A_210 to %scan3A_212 step %scan3A_213 iter_args(%scan3A_436 = %scan3A_209) -> (i32)  : i32 {
      %mul3A_437 = arith.constant 32 : i32
      %mul3A_438 = arith.muli %scan3A_435, %mul3A_437 : i32
      %add3A_439 = arith.constant 0 : i32
      %add3A_440 = arith.addi %mul3A_438, %add3A_439 : i32
      %get3A = arith.constant 1 : i32
      %get3A_441 = arith.index_cast %get3A : i32 to index
      %get3A_442 = arith.index_cast %add3A_440 : i32 to index
      %get3A_443 = tpu.vector_load %arg6[%get3A_441, %get3A_442] {strides = array<i32>} : memref<2x8192xi32, #tpu.memory_space<vmem>>, vector<16xi32>,
      %add3A_444 = arith.constant 0 : i32
      %add3A_445 = arith.addi %mul3A_438, %add3A_444 : i32
      %get3A_446 = arith.constant 1 : i32
      %get3A_447 = arith.index_cast %get3A_446 : i32 to index
      %get3A_448 = arith.index_cast %add3A_445 : i32 to index
      %get3A_449 = tpu.vector_load %arg7[%get3A_447, %get3A_448] {strides = array<i32>} : memref<2x8192xi32, #tpu.memory_space<vmem>>, vector<16xi32>,
      %sub3A = vector.broadcast %add3A_7 : i32 to vector<16xi32>
      %sub3A_450 = arith.subi %get3A_443, %sub3A : vector<16xi32>
      %ge3A = arith.constant 0 : i32
      %ge3A_451 = vector.broadcast %ge3A : i32 to vector<16xi32>
      %ge3A_452 = arith.cmpi sge, %sub3A_450, %ge3A_451 : vector<16xi32>
      %lt3A = arith.constant 32 : i32
      %lt3A_453 = vector.broadcast %lt3A : i32 to vector<16xi32>
      %lt3A_454 = arith.cmpi slt, %sub3A_450, %lt3A_453 : vector<16xi32>
      %and3A = arith.andi %ge3A_452, %lt3A_454 : vector<16xi1>
      %mul3A_455 = arith.constant 2048 : i32
      %mul3A_456 = vector.broadcast %mul3A_455 : i32 to vector<16xi32>
      %mul3A_457 = arith.muli %sub3A_450, %mul3A_456 : vector<16xi32>
      %add3A_458 = arith.addi %mul3A_457, %get3A_449 : vector<16xi32>
      %jit3A = arith.constant 0 : i32
      %broadcast_in_dim3A_459 = vector.broadcast %jit3A : i32 to vector<16xi32>
      %select_n3A = arith.select %and3A, %add3A_458, %broadcast_in_dim3A_459 : vector<16xi1>, vector<16xi32>
      tpu.vector_store_idx %arg5[%select_n3A], %broadcast_in_dim3A_3 masked %and3A {add = true} : memref<65536xf32, #tpu.memory_space<vmem>>[vector<16xi32>], vector<16xf32>, vector<16xi1>
      %add3A_460 = arith.constant 16 : i32
      %add3A_461 = arith.addi %mul3A_438, %add3A_460 : i32
      %get3A_462 = arith.constant 1 : i32
      %get3A_463 = arith.index_cast %get3A_462 : i32 to index
      %get3A_464 = arith.index_cast %add3A_461 : i32 to index
      %get3A_465 = tpu.vector_load %arg6[%get3A_463, %get3A_464] {strides = array<i32>} : memref<2x8192xi32, #tpu.memory_space<vmem>>, vector<16xi32>,
      %add3A_466 = arith.constant 16 : i32
      %add3A_467 = arith.addi %mul3A_438, %add3A_466 : i32
      %get3A_468 = arith.constant 1 : i32
      %get3A_469 = arith.index_cast %get3A_468 : i32 to index
      %get3A_470 = arith.index_cast %add3A_467 : i32 to index
      %get3A_471 = tpu.vector_load %arg7[%get3A_469, %get3A_470] {strides = array<i32>} : memref<2x8192xi32, #tpu.memory_space<vmem>>, vector<16xi32>,
      %sub3A_472 = vector.broadcast %add3A_7 : i32 to vector<16xi32>
      %sub3A_473 = arith.subi %get3A_465, %sub3A_472 : vector<16xi32>
      %ge3A_474 = arith.constant 0 : i32
      %ge3A_475 = vector.broadcast %ge3A_474 : i32 to vector<16xi32>
      %ge3A_476 = arith.cmpi sge, %sub3A_473, %ge3A_475 : vector<16xi32>
      %lt3A_477 = arith.constant 32 : i32
      %lt3A_478 = vector.broadcast %lt3A_477 : i32 to vector<16xi32>
      %lt3A_479 = arith.cmpi slt, %sub3A_473, %lt3A_478 : vector<16xi32>
      %and3A_480 = arith.andi %ge3A_476, %lt3A_479 : vector<16xi1>
      %mul3A_481 = arith.constant 2048 : i32
      %mul3A_482 = vector.broadcast %mul3A_481 : i32 to vector<16xi32>
      %mul3A_483 = arith.muli %sub3A_473, %mul3A_482 : vector<16xi32>
      %add3A_484 = arith.addi %mul3A_483, %get3A_471 : vector<16xi32>
      %jit3A_485 = arith.constant 0 : i32
      %broadcast_in_dim3A_486 = vector.broadcast %jit3A_485 : i32 to vector<16xi32>
      %select_n3A_487 = arith.select %and3A_480, %add3A_484, %broadcast_in_dim3A_486 : vector<16xi1>, vector<16xi32>
      tpu.vector_store_idx %arg5[%select_n3A_487], %broadcast_in_dim3A_3 masked %and3A_480 {add = true} : memref<65536xf32, #tpu.memory_space<vmem>>[vector<16xi32>], vector<16xf32>, vector<16xi1>
      %scan3A_488 = arith.constant 0 : i32
      scf.yield %scan3A_488 : i32
    }
    %scan3A_215 = arith.constant 256 : i32
    %mul3A_216 = arith.constant 2048 : i32
    %mul3A_217 = arith.muli %add3A_7, %mul3A_216 : i32
    "tpu.region"() ({
      %run_scoped3A = tpu.sem_alloc : memref<!tpu.dma_semaphore, #tpu.memory_space<semaphore_mem>>
      %dma_start3A_435 = tpu.memref_slice %arg4[%mul3A_217] : memref<4194304xf32, #tpu.memory_space<hbm>> -> memref<65536xf32, #tpu.memory_space<hbm>>
      %dma_start3A_436 = tpu.memref_slice %arg4[%mul3A_217] : memref<4194304xf32, #tpu.memory_space<hbm>> -> memref<65536xf32, #tpu.memory_space<hbm>>
      tpu.enqueue_dma source(%arg5 : memref<65536xf32, #tpu.memory_space<vmem>>) target(%dma_start3A_436 : memref<65536xf32, #tpu.memory_space<hbm>>) target_semaphore(%run_scoped3A : memref<!tpu.dma_semaphore, #tpu.memory_space<semaphore_mem>>)
      %dma_wait3A_437 = tpu.memref_slice %arg4[%mul3A_217] : memref<4194304xf32, #tpu.memory_space<hbm>> -> memref<65536xf32, #tpu.memory_space<hbm>>
      %dma_wait3A_438 = tpu.memref_slice %arg4[%mul3A_217] : memref<4194304xf32, #tpu.memory_space<hbm>> -> memref<65536xf32, #tpu.memory_space<hbm>>
      tpu.wait_dma2 semaphore(%run_scoped3A : memref<!tpu.dma_semaphore, #tpu.memory_space<semaphore_mem>>) src(%arg5 : memref<65536xf32, #tpu.memory_space<vmem>>) dst(%dma_wait3A_438 : memref<65536xf32, #tpu.memory_space<hbm>>)
      tpu.yield
    }) : () -> ()
    %mul3A_218 = arith.constant 64 : i32
    %mul3A_219 = arith.muli %add3A, %mul3A_218 : i32
    %add3A_220 = arith.constant 32 : i32
    %add3A_221 = arith.addi %mul3A_219, %add3A_220 : i32
    %dma_start3A_222 = arith.constant 0 : i32
    %dma_start3A_223 = arith.constant 0 : i32
    %dma_start3A_224 = tpu.memref_slice %arg6[%dma_start3A_222, %dma_start3A_223] : memref<2x8192xi32, #tpu.memory_space<vmem>> -> memref<1x8192xi32, #tpu.memory_space<vmem>>
    %dma_start3A_225 = tpu.memref_squeeze %dma_start3A_224 : memref<1x8192xi32, #tpu.memory_space<vmem>> -> memref<8192xi32, #tpu.memory_space<vmem>>
    %dma_start3A_226 = arith.constant 0 : i32
    %dma_start3A_227 = tpu.memref_slice %arg2[%dma_start3A_226] : memref<32768xi32, #tpu.memory_space<hbm>> -> memref<8192xi32, #tpu.memory_space<hbm>>
    %dma_start3A_228 = arith.constant 0 : i32
    %dma_start3A_229 = tpu.memref_slice %arg6[%dma_start3A_222, %dma_start3A_228] : memref<2x8192xi32, #tpu.memory_space<vmem>> -> memref<1x8192xi32, #tpu.memory_space<vmem>>
    %dma_start3A_230 = tpu.memref_squeeze %dma_start3A_229 : memref<1x8192xi32, #tpu.memory_space<vmem>> -> memref<8192xi32, #tpu.memory_space<vmem>>
    %dma_start3A_231 = arith.constant 0 : i32
    %dma_start3A_232 = tpu.memref_slice %arg2[%dma_start3A_231] : memref<32768xi32, #tpu.memory_space<hbm>> -> memref<8192xi32, #tpu.memory_space<hbm>>
    tpu.enqueue_dma source(%dma_start3A_232 : memref<8192xi32, #tpu.memory_space<hbm>>) target(%dma_start3A_230 : memref<8192xi32, #tpu.memory_space<vmem>>) target_semaphore(%arg8 : memref<!tpu.dma_semaphore, #tpu.memory_space<semaphore_mem>>)
    %dma_start3A_233 = arith.constant 0 : i32
    %dma_start3A_234 = arith.constant 0 : i32
    %dma_start3A_235 = tpu.memref_slice %arg7[%dma_start3A_233, %dma_start3A_234] : memref<2x8192xi32, #tpu.memory_space<vmem>> -> memref<1x8192xi32, #tpu.memory_space<vmem>>
    %dma_start3A_236 = tpu.memref_squeeze %dma_start3A_235 : memref<1x8192xi32, #tpu.memory_space<vmem>> -> memref<8192xi32, #tpu.memory_space<vmem>>
    %dma_start3A_237 = arith.constant 0 : i32
    %dma_start3A_238 = tpu.memref_slice %arg3[%dma_start3A_237] : memref<32768xi32, #tpu.memory_space<hbm>> -> memref<8192xi32, #tpu.memory_space<hbm>>
    %dma_start3A_239 = arith.constant 0 : i32
    %dma_start3A_240 = tpu.memref_slice %arg7[%dma_start3A_233, %dma_start3A_239] : memref<2x8192xi32, #tpu.memory_space<vmem>> -> memref<1x8192xi32, #tpu.memory_space<vmem>>
    %dma_start3A_241 = tpu.memref_squeeze %dma_start3A_240 : memref<1x8192xi32, #tpu.memory_space<vmem>> -> memref<8192xi32, #tpu.memory_space<vmem>>
    %dma_start3A_242 = arith.constant 0 : i32
    %dma_start3A_243 = tpu.memref_slice %arg3[%dma_start3A_242] : memref<32768xi32, #tpu.memory_space<hbm>> -> memref<8192xi32, #tpu.memory_space<hbm>>
    tpu.enqueue_dma source(%dma_start3A_243 : memref<8192xi32, #tpu.memory_space<hbm>>) target(%dma_start3A_241 : memref<8192xi32, #tpu.memory_space<vmem>>) target_semaphore(%arg10 : memref<!tpu.dma_semaphore, #tpu.memory_space<semaphore_mem>>)
    %scan3A_244 = arith.constant 0 : i32
    %scan3A_245 = arith.constant 0 : i32
    %scan3A_246 = arith.constant 512 : i32
    %scan3A_247 = arith.addi %scan3A_245, %scan3A_246 : i32
    %scan3A_248 = arith.constant 1 : i32
    %scan3A_249 = scf.for %scan3A_435 = %scan3A_245 to %scan3A_247 step %scan3A_248 iter_args(%scan3A_436 = %scan3A_244) -> (i32)  : i32 {
      %mul3A_437 = arith.constant 128 : i32
      %mul3A_438 = arith.muli %scan3A_435, %mul3A_437 : i32
      %add3A_439 = arith.constant 0 : i32
      %add3A_440 = arith.addi %mul3A_438, %add3A_439 : i32
      %swap3A = arith.index_cast %add3A_440 : i32 to index
      %swap3A_441 = tpu.vector_load %arg5[%swap3A] {strides = array<i32>} : memref<65536xf32, #tpu.memory_space<vmem>>, vector<16xf32>,
      tpu.vector_store %arg5[%swap3A], %broadcast_in_dim3A_1 {strides = array<i32>} : memref<65536xf32, #tpu.memory_space<vmem>>, vector<16xf32>,
      %add3A_442 = arith.constant 16 : i32
      %add3A_443 = arith.addi %mul3A_438, %add3A_442 : i32
      %swap3A_444 = arith.index_cast %add3A_443 : i32 to index
      %swap3A_445 = tpu.vector_load %arg5[%swap3A_444] {strides = array<i32>} : memref<65536xf32, #tpu.memory_space<vmem>>, vector<16xf32>,
      tpu.vector_store %arg5[%swap3A_444], %broadcast_in_dim3A_1 {strides = array<i32>} : memref<65536xf32, #tpu.memory_space<vmem>>, vector<16xf32>,
      %add3A_446 = arith.constant 32 : i32
      %add3A_447 = arith.addi %mul3A_438, %add3A_446 : i32
      %swap3A_448 = arith.index_cast %add3A_447 : i32 to index
      %swap3A_449 = tpu.vector_load %arg5[%swap3A_448] {strides = array<i32>} : memref<65536xf32, #tpu.memory_space<vmem>>, vector<16xf32>,
      tpu.vector_store %arg5[%swap3A_448], %broadcast_in_dim3A_1 {strides = array<i32>} : memref<65536xf32, #tpu.memory_space<vmem>>, vector<16xf32>,
      %add3A_450 = arith.constant 48 : i32
      %add3A_451 = arith.addi %mul3A_438, %add3A_450 : i32
      %swap3A_452 = arith.index_cast %add3A_451 : i32 to index
      %swap3A_453 = tpu.vector_load %arg5[%swap3A_452] {strides = array<i32>} : memref<65536xf32, #tpu.memory_space<vmem>>, vector<16xf32>,
      tpu.vector_store %arg5[%swap3A_452], %broadcast_in_dim3A_1 {strides = array<i32>} : memref<65536xf32, #tpu.memory_space<vmem>>, vector<16xf32>,
      %add3A_454 = arith.constant 64 : i32
      %add3A_455 = arith.addi %mul3A_438, %add3A_454 : i32
      %swap3A_456 = arith.index_cast %add3A_455 : i32 to index
      %swap3A_457 = tpu.vector_load %arg5[%swap3A_456] {strides = array<i32>} : memref<65536xf32, #tpu.memory_space<vmem>>, vector<16xf32>,
      tpu.vector_store %arg5[%swap3A_456], %broadcast_in_dim3A_1 {strides = array<i32>} : memref<65536xf32, #tpu.memory_space<vmem>>, vector<16xf32>,
      %add3A_458 = arith.constant 80 : i32
      %add3A_459 = arith.addi %mul3A_438, %add3A_458 : i32
      %swap3A_460 = arith.index_cast %add3A_459 : i32 to index
      %swap3A_461 = tpu.vector_load %arg5[%swap3A_460] {strides = array<i32>} : memref<65536xf32, #tpu.memory_space<vmem>>, vector<16xf32>,
      tpu.vector_store %arg5[%swap3A_460], %broadcast_in_dim3A_1 {strides = array<i32>} : memref<65536xf32, #tpu.memory_space<vmem>>, vector<16xf32>,
      %add3A_462 = arith.constant 96 : i32
      %add3A_463 = arith.addi %mul3A_438, %add3A_462 : i32
      %swap3A_464 = arith.index_cast %add3A_463 : i32 to index
      %swap3A_465 = tpu.vector_load %arg5[%swap3A_464] {strides = array<i32>} : memref<65536xf32, #tpu.memory_space<vmem>>, vector<16xf32>,
      tpu.vector_store %arg5[%swap3A_464], %broadcast_in_dim3A_1 {strides = array<i32>} : memref<65536xf32, #tpu.memory_space<vmem>>, vector<16xf32>,
      %add3A_466 = arith.constant 112 : i32
      %add3A_467 = arith.addi %mul3A_438, %add3A_466 : i32
      %swap3A_468 = arith.index_cast %add3A_467 : i32 to index
      %swap3A_469 = tpu.vector_load %arg5[%swap3A_468] {strides = array<i32>} : memref<65536xf32, #tpu.memory_space<vmem>>, vector<16xf32>,
      tpu.vector_store %arg5[%swap3A_468], %broadcast_in_dim3A_1 {strides = array<i32>} : memref<65536xf32, #tpu.memory_space<vmem>>, vector<16xf32>,
      %scan3A_470 = arith.constant 0 : i32
      scf.yield %scan3A_470 : i32
    }
    %scan3A_250 = arith.constant 512 : i32
    %dma_start3A_251 = arith.constant 1 : i32
    %dma_start3A_252 = arith.constant 0 : i32
    %dma_start3A_253 = tpu.memref_slice %arg6[%dma_start3A_251, %dma_start3A_252] : memref<2x8192xi32, #tpu.memory_space<vmem>> -> memref<1x8192xi32, #tpu.memory_space<vmem>>
    %dma_start3A_254 = tpu.memref_squeeze %dma_start3A_253 : memref<1x8192xi32, #tpu.memory_space<vmem>> -> memref<8192xi32, #tpu.memory_space<vmem>>
    %dma_start3A_255 = arith.constant 8192 : i32
    %dma_start3A_256 = tpu.memref_slice %arg2[%dma_start3A_255] : memref<32768xi32, #tpu.memory_space<hbm>> -> memref<8192xi32, #tpu.memory_space<hbm>>
    %dma_start3A_257 = arith.constant 0 : i32
    %dma_start3A_258 = tpu.memref_slice %arg6[%dma_start3A_251, %dma_start3A_257] : memref<2x8192xi32, #tpu.memory_space<vmem>> -> memref<1x8192xi32, #tpu.memory_space<vmem>>
    %dma_start3A_259 = tpu.memref_squeeze %dma_start3A_258 : memref<1x8192xi32, #tpu.memory_space<vmem>> -> memref<8192xi32, #tpu.memory_space<vmem>>
    %dma_start3A_260 = arith.constant 8192 : i32
    %dma_start3A_261 = tpu.memref_slice %arg2[%dma_start3A_260] : memref<32768xi32, #tpu.memory_space<hbm>> -> memref<8192xi32, #tpu.memory_space<hbm>>
    tpu.enqueue_dma source(%dma_start3A_261 : memref<8192xi32, #tpu.memory_space<hbm>>) target(%dma_start3A_259 : memref<8192xi32, #tpu.memory_space<vmem>>) target_semaphore(%arg9 : memref<!tpu.dma_semaphore, #tpu.memory_space<semaphore_mem>>)
    %dma_start3A_262 = arith.constant 1 : i32
    %dma_start3A_263 = arith.constant 0 : i32
    %dma_start3A_264 = tpu.memref_slice %arg7[%dma_start3A_262, %dma_start3A_263] : memref<2x8192xi32, #tpu.memory_space<vmem>> -> memref<1x8192xi32, #tpu.memory_space<vmem>>
    %dma_start3A_265 = tpu.memref_squeeze %dma_start3A_264 : memref<1x8192xi32, #tpu.memory_space<vmem>> -> memref<8192xi32, #tpu.memory_space<vmem>>
    %dma_start3A_266 = arith.constant 8192 : i32
    %dma_start3A_267 = tpu.memref_slice %arg3[%dma_start3A_266] : memref<32768xi32, #tpu.memory_space<hbm>> -> memref<8192xi32, #tpu.memory_space<hbm>>
    %dma_start3A_268 = arith.constant 0 : i32
    %dma_start3A_269 = tpu.memref_slice %arg7[%dma_start3A_262, %dma_start3A_268] : memref<2x8192xi32, #tpu.memory_space<vmem>> -> memref<1x8192xi32, #tpu.memory_space<vmem>>
    %dma_start3A_270 = tpu.memref_squeeze %dma_start3A_269 : memref<1x8192xi32, #tpu.memory_space<vmem>> -> memref<8192xi32, #tpu.memory_space<vmem>>
    %dma_start3A_271 = arith.constant 8192 : i32
    %dma_start3A_272 = tpu.memref_slice %arg3[%dma_start3A_271] : memref<32768xi32, #tpu.memory_space<hbm>> -> memref<8192xi32, #tpu.memory_space<hbm>>
    tpu.enqueue_dma source(%dma_start3A_272 : memref<8192xi32, #tpu.memory_space<hbm>>) target(%dma_start3A_270 : memref<8192xi32, #tpu.memory_space<vmem>>) target_semaphore(%arg11 : memref<!tpu.dma_semaphore, #tpu.memory_space<semaphore_mem>>)
    %dma_wait3A_273 = arith.constant 0 : i32
    %dma_wait3A_274 = arith.constant 0 : i32
    %dma_wait3A_275 = tpu.memref_slice %arg6[%dma_wait3A_273, %dma_wait3A_274] : memref<2x8192xi32, #tpu.memory_space<vmem>> -> memref<1x8192xi32, #tpu.memory_space<vmem>>
    %dma_wait3A_276 = tpu.memref_squeeze %dma_wait3A_275 : memref<1x8192xi32, #tpu.memory_space<vmem>> -> memref<8192xi32, #tpu.memory_space<vmem>>
    %dma_wait3A_277 = arith.constant 0 : i32
    %dma_wait3A_278 = tpu.memref_slice %arg2[%dma_wait3A_277] : memref<32768xi32, #tpu.memory_space<hbm>> -> memref<8192xi32, #tpu.memory_space<hbm>>
    %dma_wait3A_279 = arith.constant 0 : i32
    %dma_wait3A_280 = tpu.memref_slice %arg6[%dma_wait3A_273, %dma_wait3A_279] : memref<2x8192xi32, #tpu.memory_space<vmem>> -> memref<1x8192xi32, #tpu.memory_space<vmem>>
    %dma_wait3A_281 = tpu.memref_squeeze %dma_wait3A_280 : memref<1x8192xi32, #tpu.memory_space<vmem>> -> memref<8192xi32, #tpu.memory_space<vmem>>
    %dma_wait3A_282 = arith.constant 0 : i32
    %dma_wait3A_283 = tpu.memref_slice %arg2[%dma_wait3A_282] : memref<32768xi32, #tpu.memory_space<hbm>> -> memref<8192xi32, #tpu.memory_space<hbm>>
    tpu.wait_dma2 semaphore(%arg8 : memref<!tpu.dma_semaphore, #tpu.memory_space<semaphore_mem>>) src(%dma_wait3A_283 : memref<8192xi32, #tpu.memory_space<hbm>>) dst(%dma_wait3A_281 : memref<8192xi32, #tpu.memory_space<vmem>>)
    %dma_wait3A_284 = arith.constant 0 : i32
    %dma_wait3A_285 = arith.constant 0 : i32
    %dma_wait3A_286 = tpu.memref_slice %arg7[%dma_wait3A_284, %dma_wait3A_285] : memref<2x8192xi32, #tpu.memory_space<vmem>> -> memref<1x8192xi32, #tpu.memory_space<vmem>>
    %dma_wait3A_287 = tpu.memref_squeeze %dma_wait3A_286 : memref<1x8192xi32, #tpu.memory_space<vmem>> -> memref<8192xi32, #tpu.memory_space<vmem>>
    %dma_wait3A_288 = arith.constant 0 : i32
    %dma_wait3A_289 = tpu.memref_slice %arg3[%dma_wait3A_288] : memref<32768xi32, #tpu.memory_space<hbm>> -> memref<8192xi32, #tpu.memory_space<hbm>>
    %dma_wait3A_290 = arith.constant 0 : i32
    %dma_wait3A_291 = tpu.memref_slice %arg7[%dma_wait3A_284, %dma_wait3A_290] : memref<2x8192xi32, #tpu.memory_space<vmem>> -> memref<1x8192xi32, #tpu.memory_space<vmem>>
    %dma_wait3A_292 = tpu.memref_squeeze %dma_wait3A_291 : memref<1x8192xi32, #tpu.memory_space<vmem>> -> memref<8192xi32, #tpu.memory_space<vmem>>
    %dma_wait3A_293 = arith.constant 0 : i32
    %dma_wait3A_294 = tpu.memref_slice %arg3[%dma_wait3A_293] : memref<32768xi32, #tpu.memory_space<hbm>> -> memref<8192xi32, #tpu.memory_space<hbm>>
    tpu.wait_dma2 semaphore(%arg10 : memref<!tpu.dma_semaphore, #tpu.memory_space<semaphore_mem>>) src(%dma_wait3A_294 : memref<8192xi32, #tpu.memory_space<hbm>>) dst(%dma_wait3A_292 : memref<8192xi32, #tpu.memory_space<vmem>>)
    %scan3A_295 = arith.constant 0 : i32
    %scan3A_296 = arith.constant 0 : i32
    %scan3A_297 = arith.constant 256 : i32
    %scan3A_298 = arith.addi %scan3A_296, %scan3A_297 : i32
    %scan3A_299 = arith.constant 1 : i32
    %scan3A_300 = scf.for %scan3A_435 = %scan3A_296 to %scan3A_298 step %scan3A_299 iter_args(%scan3A_436 = %scan3A_295) -> (i32)  : i32 {
      %mul3A_437 = arith.constant 32 : i32
      %mul3A_438 = arith.muli %scan3A_435, %mul3A_437 : i32
      %add3A_439 = arith.constant 0 : i32
      %add3A_440 = arith.addi %mul3A_438, %add3A_439 : i32
      %get3A = arith.constant 0 : i32
      %get3A_441 = arith.index_cast %get3A : i32 to index
      %get3A_442 = arith.index_cast %add3A_440 : i32 to index
      %get3A_443 = tpu.vector_load %arg6[%get3A_441, %get3A_442] {strides = array<i32>} : memref<2x8192xi32, #tpu.memory_space<vmem>>, vector<16xi32>,
      %add3A_444 = arith.constant 0 : i32
      %add3A_445 = arith.addi %mul3A_438, %add3A_444 : i32
      %get3A_446 = arith.constant 0 : i32
      %get3A_447 = arith.index_cast %get3A_446 : i32 to index
      %get3A_448 = arith.index_cast %add3A_445 : i32 to index
      %get3A_449 = tpu.vector_load %arg7[%get3A_447, %get3A_448] {strides = array<i32>} : memref<2x8192xi32, #tpu.memory_space<vmem>>, vector<16xi32>,
      %sub3A = vector.broadcast %add3A_221 : i32 to vector<16xi32>
      %sub3A_450 = arith.subi %get3A_443, %sub3A : vector<16xi32>
      %ge3A = arith.constant 0 : i32
      %ge3A_451 = vector.broadcast %ge3A : i32 to vector<16xi32>
      %ge3A_452 = arith.cmpi sge, %sub3A_450, %ge3A_451 : vector<16xi32>
      %lt3A = arith.constant 32 : i32
      %lt3A_453 = vector.broadcast %lt3A : i32 to vector<16xi32>
      %lt3A_454 = arith.cmpi slt, %sub3A_450, %lt3A_453 : vector<16xi32>
      %and3A = arith.andi %ge3A_452, %lt3A_454 : vector<16xi1>
      %mul3A_455 = arith.constant 2048 : i32
      %mul3A_456 = vector.broadcast %mul3A_455 : i32 to vector<16xi32>
      %mul3A_457 = arith.muli %sub3A_450, %mul3A_456 : vector<16xi32>
      %add3A_458 = arith.addi %mul3A_457, %get3A_449 : vector<16xi32>
      %jit3A = arith.constant 0 : i32
      %broadcast_in_dim3A_459 = vector.broadcast %jit3A : i32 to vector<16xi32>
      %select_n3A = arith.select %and3A, %add3A_458, %broadcast_in_dim3A_459 : vector<16xi1>, vector<16xi32>
      tpu.vector_store_idx %arg5[%select_n3A], %broadcast_in_dim3A_3 masked %and3A {add = true} : memref<65536xf32, #tpu.memory_space<vmem>>[vector<16xi32>], vector<16xf32>, vector<16xi1>
      %add3A_460 = arith.constant 16 : i32
      %add3A_461 = arith.addi %mul3A_438, %add3A_460 : i32
      %get3A_462 = arith.constant 0 : i32
      %get3A_463 = arith.index_cast %get3A_462 : i32 to index
      %get3A_464 = arith.index_cast %add3A_461 : i32 to index
      %get3A_465 = tpu.vector_load %arg6[%get3A_463, %get3A_464] {strides = array<i32>} : memref<2x8192xi32, #tpu.memory_space<vmem>>, vector<16xi32>,
      %add3A_466 = arith.constant 16 : i32
      %add3A_467 = arith.addi %mul3A_438, %add3A_466 : i32
      %get3A_468 = arith.constant 0 : i32
      %get3A_469 = arith.index_cast %get3A_468 : i32 to index
      %get3A_470 = arith.index_cast %add3A_467 : i32 to index
      %get3A_471 = tpu.vector_load %arg7[%get3A_469, %get3A_470] {strides = array<i32>} : memref<2x8192xi32, #tpu.memory_space<vmem>>, vector<16xi32>,
      %sub3A_472 = vector.broadcast %add3A_221 : i32 to vector<16xi32>
      %sub3A_473 = arith.subi %get3A_465, %sub3A_472 : vector<16xi32>
      %ge3A_474 = arith.constant 0 : i32
      %ge3A_475 = vector.broadcast %ge3A_474 : i32 to vector<16xi32>
      %ge3A_476 = arith.cmpi sge, %sub3A_473, %ge3A_475 : vector<16xi32>
      %lt3A_477 = arith.constant 32 : i32
      %lt3A_478 = vector.broadcast %lt3A_477 : i32 to vector<16xi32>
      %lt3A_479 = arith.cmpi slt, %sub3A_473, %lt3A_478 : vector<16xi32>
      %and3A_480 = arith.andi %ge3A_476, %lt3A_479 : vector<16xi1>
      %mul3A_481 = arith.constant 2048 : i32
      %mul3A_482 = vector.broadcast %mul3A_481 : i32 to vector<16xi32>
      %mul3A_483 = arith.muli %sub3A_473, %mul3A_482 : vector<16xi32>
      %add3A_484 = arith.addi %mul3A_483, %get3A_471 : vector<16xi32>
      %jit3A_485 = arith.constant 0 : i32
      %broadcast_in_dim3A_486 = vector.broadcast %jit3A_485 : i32 to vector<16xi32>
      %select_n3A_487 = arith.select %and3A_480, %add3A_484, %broadcast_in_dim3A_486 : vector<16xi1>, vector<16xi32>
      tpu.vector_store_idx %arg5[%select_n3A_487], %broadcast_in_dim3A_3 masked %and3A_480 {add = true} : memref<65536xf32, #tpu.memory_space<vmem>>[vector<16xi32>], vector<16xf32>, vector<16xi1>
      %scan3A_488 = arith.constant 0 : i32
      scf.yield %scan3A_488 : i32
    }
    %scan3A_301 = arith.constant 256 : i32
    %dma_start3A_302 = arith.constant 0 : i32
    %dma_start3A_303 = arith.constant 0 : i32
    %dma_start3A_304 = tpu.memref_slice %arg6[%dma_start3A_302, %dma_start3A_303] : memref<2x8192xi32, #tpu.memory_space<vmem>> -> memref<1x8192xi32, #tpu.memory_space<vmem>>
    %dma_start3A_305 = tpu.memref_squeeze %dma_start3A_304 : memref<1x8192xi32, #tpu.memory_space<vmem>> -> memref<8192xi32, #tpu.memory_space<vmem>>
    %dma_start3A_306 = arith.constant 16384 : i32
    %dma_start3A_307 = tpu.memref_slice %arg2[%dma_start3A_306] : memref<32768xi32, #tpu.memory_space<hbm>> -> memref<8192xi32, #tpu.memory_space<hbm>>
    %dma_start3A_308 = arith.constant 0 : i32
    %dma_start3A_309 = tpu.memref_slice %arg6[%dma_start3A_302, %dma_start3A_308] : memref<2x8192xi32, #tpu.memory_space<vmem>> -> memref<1x8192xi32, #tpu.memory_space<vmem>>
    %dma_start3A_310 = tpu.memref_squeeze %dma_start3A_309 : memref<1x8192xi32, #tpu.memory_space<vmem>> -> memref<8192xi32, #tpu.memory_space<vmem>>
    %dma_start3A_311 = arith.constant 16384 : i32
    %dma_start3A_312 = tpu.memref_slice %arg2[%dma_start3A_311] : memref<32768xi32, #tpu.memory_space<hbm>> -> memref<8192xi32, #tpu.memory_space<hbm>>
    tpu.enqueue_dma source(%dma_start3A_312 : memref<8192xi32, #tpu.memory_space<hbm>>) target(%dma_start3A_310 : memref<8192xi32, #tpu.memory_space<vmem>>) target_semaphore(%arg8 : memref<!tpu.dma_semaphore, #tpu.memory_space<semaphore_mem>>)
    %dma_start3A_313 = arith.constant 0 : i32
    %dma_start3A_314 = arith.constant 0 : i32
    %dma_start3A_315 = tpu.memref_slice %arg7[%dma_start3A_313, %dma_start3A_314] : memref<2x8192xi32, #tpu.memory_space<vmem>> -> memref<1x8192xi32, #tpu.memory_space<vmem>>
    %dma_start3A_316 = tpu.memref_squeeze %dma_start3A_315 : memref<1x8192xi32, #tpu.memory_space<vmem>> -> memref<8192xi32, #tpu.memory_space<vmem>>
    %dma_start3A_317 = arith.constant 16384 : i32
    %dma_start3A_318 = tpu.memref_slice %arg3[%dma_start3A_317] : memref<32768xi32, #tpu.memory_space<hbm>> -> memref<8192xi32, #tpu.memory_space<hbm>>
    %dma_start3A_319 = arith.constant 0 : i32
    %dma_start3A_320 = tpu.memref_slice %arg7[%dma_start3A_313, %dma_start3A_319] : memref<2x8192xi32, #tpu.memory_space<vmem>> -> memref<1x8192xi32, #tpu.memory_space<vmem>>
    %dma_start3A_321 = tpu.memref_squeeze %dma_start3A_320 : memref<1x8192xi32, #tpu.memory_space<vmem>> -> memref<8192xi32, #tpu.memory_space<vmem>>
    %dma_start3A_322 = arith.constant 16384 : i32
    %dma_start3A_323 = tpu.memref_slice %arg3[%dma_start3A_322] : memref<32768xi32, #tpu.memory_space<hbm>> -> memref<8192xi32, #tpu.memory_space<hbm>>
    tpu.enqueue_dma source(%dma_start3A_323 : memref<8192xi32, #tpu.memory_space<hbm>>) target(%dma_start3A_321 : memref<8192xi32, #tpu.memory_space<vmem>>) target_semaphore(%arg10 : memref<!tpu.dma_semaphore, #tpu.memory_space<semaphore_mem>>)
    %dma_wait3A_324 = arith.constant 1 : i32
    %dma_wait3A_325 = arith.constant 0 : i32
    %dma_wait3A_326 = tpu.memref_slice %arg6[%dma_wait3A_324, %dma_wait3A_325] : memref<2x8192xi32, #tpu.memory_space<vmem>> -> memref<1x8192xi32, #tpu.memory_space<vmem>>
    %dma_wait3A_327 = tpu.memref_squeeze %dma_wait3A_326 : memref<1x8192xi32, #tpu.memory_space<vmem>> -> memref<8192xi32, #tpu.memory_space<vmem>>
    %dma_wait3A_328 = arith.constant 8192 : i32
    %dma_wait3A_329 = tpu.memref_slice %arg2[%dma_wait3A_328] : memref<32768xi32, #tpu.memory_space<hbm>> -> memref<8192xi32, #tpu.memory_space<hbm>>
    %dma_wait3A_330 = arith.constant 0 : i32
    %dma_wait3A_331 = tpu.memref_slice %arg6[%dma_wait3A_324, %dma_wait3A_330] : memref<2x8192xi32, #tpu.memory_space<vmem>> -> memref<1x8192xi32, #tpu.memory_space<vmem>>
    %dma_wait3A_332 = tpu.memref_squeeze %dma_wait3A_331 : memref<1x8192xi32, #tpu.memory_space<vmem>> -> memref<8192xi32, #tpu.memory_space<vmem>>
    %dma_wait3A_333 = arith.constant 8192 : i32
    %dma_wait3A_334 = tpu.memref_slice %arg2[%dma_wait3A_333] : memref<32768xi32, #tpu.memory_space<hbm>> -> memref<8192xi32, #tpu.memory_space<hbm>>
    tpu.wait_dma2 semaphore(%arg9 : memref<!tpu.dma_semaphore, #tpu.memory_space<semaphore_mem>>) src(%dma_wait3A_334 : memref<8192xi32, #tpu.memory_space<hbm>>) dst(%dma_wait3A_332 : memref<8192xi32, #tpu.memory_space<vmem>>)
    %dma_wait3A_335 = arith.constant 1 : i32
    %dma_wait3A_336 = arith.constant 0 : i32
    %dma_wait3A_337 = tpu.memref_slice %arg7[%dma_wait3A_335, %dma_wait3A_336] : memref<2x8192xi32, #tpu.memory_space<vmem>> -> memref<1x8192xi32, #tpu.memory_space<vmem>>
    %dma_wait3A_338 = tpu.memref_squeeze %dma_wait3A_337 : memref<1x8192xi32, #tpu.memory_space<vmem>> -> memref<8192xi32, #tpu.memory_space<vmem>>
    %dma_wait3A_339 = arith.constant 8192 : i32
    %dma_wait3A_340 = tpu.memref_slice %arg3[%dma_wait3A_339] : memref<32768xi32, #tpu.memory_space<hbm>> -> memref<8192xi32, #tpu.memory_space<hbm>>
    %dma_wait3A_341 = arith.constant 0 : i32
    %dma_wait3A_342 = tpu.memref_slice %arg7[%dma_wait3A_335, %dma_wait3A_341] : memref<2x8192xi32, #tpu.memory_space<vmem>> -> memref<1x8192xi32, #tpu.memory_space<vmem>>
    %dma_wait3A_343 = tpu.memref_squeeze %dma_wait3A_342 : memref<1x8192xi32, #tpu.memory_space<vmem>> -> memref<8192xi32, #tpu.memory_space<vmem>>
    %dma_wait3A_344 = arith.constant 8192 : i32
    %dma_wait3A_345 = tpu.memref_slice %arg3[%dma_wait3A_344] : memref<32768xi32, #tpu.memory_space<hbm>> -> memref<8192xi32, #tpu.memory_space<hbm>>
    tpu.wait_dma2 semaphore(%arg11 : memref<!tpu.dma_semaphore, #tpu.memory_space<semaphore_mem>>) src(%dma_wait3A_345 : memref<8192xi32, #tpu.memory_space<hbm>>) dst(%dma_wait3A_343 : memref<8192xi32, #tpu.memory_space<vmem>>)
    %scan3A_346 = arith.constant 0 : i32
    %scan3A_347 = arith.constant 0 : i32
    %scan3A_348 = arith.constant 256 : i32
    %scan3A_349 = arith.addi %scan3A_347, %scan3A_348 : i32
    %scan3A_350 = arith.constant 1 : i32
    %scan3A_351 = scf.for %scan3A_435 = %scan3A_347 to %scan3A_349 step %scan3A_350 iter_args(%scan3A_436 = %scan3A_346) -> (i32)  : i32 {
      %mul3A_437 = arith.constant 32 : i32
      %mul3A_438 = arith.muli %scan3A_435, %mul3A_437 : i32
      %add3A_439 = arith.constant 0 : i32
      %add3A_440 = arith.addi %mul3A_438, %add3A_439 : i32
      %get3A = arith.constant 1 : i32
      %get3A_441 = arith.index_cast %get3A : i32 to index
      %get3A_442 = arith.index_cast %add3A_440 : i32 to index
      %get3A_443 = tpu.vector_load %arg6[%get3A_441, %get3A_442] {strides = array<i32>} : memref<2x8192xi32, #tpu.memory_space<vmem>>, vector<16xi32>,
      %add3A_444 = arith.constant 0 : i32
      %add3A_445 = arith.addi %mul3A_438, %add3A_444 : i32
      %get3A_446 = arith.constant 1 : i32
      %get3A_447 = arith.index_cast %get3A_446 : i32 to index
      %get3A_448 = arith.index_cast %add3A_445 : i32 to index
      %get3A_449 = tpu.vector_load %arg7[%get3A_447, %get3A_448] {strides = array<i32>} : memref<2x8192xi32, #tpu.memory_space<vmem>>, vector<16xi32>,
      %sub3A = vector.broadcast %add3A_221 : i32 to vector<16xi32>
      %sub3A_450 = arith.subi %get3A_443, %sub3A : vector<16xi32>
      %ge3A = arith.constant 0 : i32
      %ge3A_451 = vector.broadcast %ge3A : i32 to vector<16xi32>
      %ge3A_452 = arith.cmpi sge, %sub3A_450, %ge3A_451 : vector<16xi32>
      %lt3A = arith.constant 32 : i32
      %lt3A_453 = vector.broadcast %lt3A : i32 to vector<16xi32>
      %lt3A_454 = arith.cmpi slt, %sub3A_450, %lt3A_453 : vector<16xi32>
      %and3A = arith.andi %ge3A_452, %lt3A_454 : vector<16xi1>
      %mul3A_455 = arith.constant 2048 : i32
      %mul3A_456 = vector.broadcast %mul3A_455 : i32 to vector<16xi32>
      %mul3A_457 = arith.muli %sub3A_450, %mul3A_456 : vector<16xi32>
      %add3A_458 = arith.addi %mul3A_457, %get3A_449 : vector<16xi32>
      %jit3A = arith.constant 0 : i32
      %broadcast_in_dim3A_459 = vector.broadcast %jit3A : i32 to vector<16xi32>
      %select_n3A = arith.select %and3A, %add3A_458, %broadcast_in_dim3A_459 : vector<16xi1>, vector<16xi32>
      tpu.vector_store_idx %arg5[%select_n3A], %broadcast_in_dim3A_3 masked %and3A {add = true} : memref<65536xf32, #tpu.memory_space<vmem>>[vector<16xi32>], vector<16xf32>, vector<16xi1>
      %add3A_460 = arith.constant 16 : i32
      %add3A_461 = arith.addi %mul3A_438, %add3A_460 : i32
      %get3A_462 = arith.constant 1 : i32
      %get3A_463 = arith.index_cast %get3A_462 : i32 to index
      %get3A_464 = arith.index_cast %add3A_461 : i32 to index
      %get3A_465 = tpu.vector_load %arg6[%get3A_463, %get3A_464] {strides = array<i32>} : memref<2x8192xi32, #tpu.memory_space<vmem>>, vector<16xi32>,
      %add3A_466 = arith.constant 16 : i32
      %add3A_467 = arith.addi %mul3A_438, %add3A_466 : i32
      %get3A_468 = arith.constant 1 : i32
      %get3A_469 = arith.index_cast %get3A_468 : i32 to index
      %get3A_470 = arith.index_cast %add3A_467 : i32 to index
      %get3A_471 = tpu.vector_load %arg7[%get3A_469, %get3A_470] {strides = array<i32>} : memref<2x8192xi32, #tpu.memory_space<vmem>>, vector<16xi32>,
      %sub3A_472 = vector.broadcast %add3A_221 : i32 to vector<16xi32>
      %sub3A_473 = arith.subi %get3A_465, %sub3A_472 : vector<16xi32>
      %ge3A_474 = arith.constant 0 : i32
      %ge3A_475 = vector.broadcast %ge3A_474 : i32 to vector<16xi32>
      %ge3A_476 = arith.cmpi sge, %sub3A_473, %ge3A_475 : vector<16xi32>
      %lt3A_477 = arith.constant 32 : i32
      %lt3A_478 = vector.broadcast %lt3A_477 : i32 to vector<16xi32>
      %lt3A_479 = arith.cmpi slt, %sub3A_473, %lt3A_478 : vector<16xi32>
      %and3A_480 = arith.andi %ge3A_476, %lt3A_479 : vector<16xi1>
      %mul3A_481 = arith.constant 2048 : i32
      %mul3A_482 = vector.broadcast %mul3A_481 : i32 to vector<16xi32>
      %mul3A_483 = arith.muli %sub3A_473, %mul3A_482 : vector<16xi32>
      %add3A_484 = arith.addi %mul3A_483, %get3A_471 : vector<16xi32>
      %jit3A_485 = arith.constant 0 : i32
      %broadcast_in_dim3A_486 = vector.broadcast %jit3A_485 : i32 to vector<16xi32>
      %select_n3A_487 = arith.select %and3A_480, %add3A_484, %broadcast_in_dim3A_486 : vector<16xi1>, vector<16xi32>
      tpu.vector_store_idx %arg5[%select_n3A_487], %broadcast_in_dim3A_3 masked %and3A_480 {add = true} : memref<65536xf32, #tpu.memory_space<vmem>>[vector<16xi32>], vector<16xf32>, vector<16xi1>
      %scan3A_488 = arith.constant 0 : i32
      scf.yield %scan3A_488 : i32
    }
    %scan3A_352 = arith.constant 256 : i32
    %dma_start3A_353 = arith.constant 1 : i32
    %dma_start3A_354 = arith.constant 0 : i32
    %dma_start3A_355 = tpu.memref_slice %arg6[%dma_start3A_353, %dma_start3A_354] : memref<2x8192xi32, #tpu.memory_space<vmem>> -> memref<1x8192xi32, #tpu.memory_space<vmem>>
    %dma_start3A_356 = tpu.memref_squeeze %dma_start3A_355 : memref<1x8192xi32, #tpu.memory_space<vmem>> -> memref<8192xi32, #tpu.memory_space<vmem>>
    %dma_start3A_357 = arith.constant 24576 : i32
    %dma_start3A_358 = tpu.memref_slice %arg2[%dma_start3A_357] : memref<32768xi32, #tpu.memory_space<hbm>> -> memref<8192xi32, #tpu.memory_space<hbm>>
    %dma_start3A_359 = arith.constant 0 : i32
    %dma_start3A_360 = tpu.memref_slice %arg6[%dma_start3A_353, %dma_start3A_359] : memref<2x8192xi32, #tpu.memory_space<vmem>> -> memref<1x8192xi32, #tpu.memory_space<vmem>>
    %dma_start3A_361 = tpu.memref_squeeze %dma_start3A_360 : memref<1x8192xi32, #tpu.memory_space<vmem>> -> memref<8192xi32, #tpu.memory_space<vmem>>
    %dma_start3A_362 = arith.constant 24576 : i32
    %dma_start3A_363 = tpu.memref_slice %arg2[%dma_start3A_362] : memref<32768xi32, #tpu.memory_space<hbm>> -> memref<8192xi32, #tpu.memory_space<hbm>>
    tpu.enqueue_dma source(%dma_start3A_363 : memref<8192xi32, #tpu.memory_space<hbm>>) target(%dma_start3A_361 : memref<8192xi32, #tpu.memory_space<vmem>>) target_semaphore(%arg9 : memref<!tpu.dma_semaphore, #tpu.memory_space<semaphore_mem>>)
    %dma_start3A_364 = arith.constant 1 : i32
    %dma_start3A_365 = arith.constant 0 : i32
    %dma_start3A_366 = tpu.memref_slice %arg7[%dma_start3A_364, %dma_start3A_365] : memref<2x8192xi32, #tpu.memory_space<vmem>> -> memref<1x8192xi32, #tpu.memory_space<vmem>>
    %dma_start3A_367 = tpu.memref_squeeze %dma_start3A_366 : memref<1x8192xi32, #tpu.memory_space<vmem>> -> memref<8192xi32, #tpu.memory_space<vmem>>
    %dma_start3A_368 = arith.constant 24576 : i32
    %dma_start3A_369 = tpu.memref_slice %arg3[%dma_start3A_368] : memref<32768xi32, #tpu.memory_space<hbm>> -> memref<8192xi32, #tpu.memory_space<hbm>>
    %dma_start3A_370 = arith.constant 0 : i32
    %dma_start3A_371 = tpu.memref_slice %arg7[%dma_start3A_364, %dma_start3A_370] : memref<2x8192xi32, #tpu.memory_space<vmem>> -> memref<1x8192xi32, #tpu.memory_space<vmem>>
    %dma_start3A_372 = tpu.memref_squeeze %dma_start3A_371 : memref<1x8192xi32, #tpu.memory_space<vmem>> -> memref<8192xi32, #tpu.memory_space<vmem>>
    %dma_start3A_373 = arith.constant 24576 : i32
    %dma_start3A_374 = tpu.memref_slice %arg3[%dma_start3A_373] : memref<32768xi32, #tpu.memory_space<hbm>> -> memref<8192xi32, #tpu.memory_space<hbm>>
    tpu.enqueue_dma source(%dma_start3A_374 : memref<8192xi32, #tpu.memory_space<hbm>>) target(%dma_start3A_372 : memref<8192xi32, #tpu.memory_space<vmem>>) target_semaphore(%arg11 : memref<!tpu.dma_semaphore, #tpu.memory_space<semaphore_mem>>)
    %dma_wait3A_375 = arith.constant 0 : i32
    %dma_wait3A_376 = arith.constant 0 : i32
    %dma_wait3A_377 = tpu.memref_slice %arg6[%dma_wait3A_375, %dma_wait3A_376] : memref<2x8192xi32, #tpu.memory_space<vmem>> -> memref<1x8192xi32, #tpu.memory_space<vmem>>
    %dma_wait3A_378 = tpu.memref_squeeze %dma_wait3A_377 : memref<1x8192xi32, #tpu.memory_space<vmem>> -> memref<8192xi32, #tpu.memory_space<vmem>>
    %dma_wait3A_379 = arith.constant 16384 : i32
    %dma_wait3A_380 = tpu.memref_slice %arg2[%dma_wait3A_379] : memref<32768xi32, #tpu.memory_space<hbm>> -> memref<8192xi32, #tpu.memory_space<hbm>>
    %dma_wait3A_381 = arith.constant 0 : i32
    %dma_wait3A_382 = tpu.memref_slice %arg6[%dma_wait3A_375, %dma_wait3A_381] : memref<2x8192xi32, #tpu.memory_space<vmem>> -> memref<1x8192xi32, #tpu.memory_space<vmem>>
    %dma_wait3A_383 = tpu.memref_squeeze %dma_wait3A_382 : memref<1x8192xi32, #tpu.memory_space<vmem>> -> memref<8192xi32, #tpu.memory_space<vmem>>
    %dma_wait3A_384 = arith.constant 16384 : i32
    %dma_wait3A_385 = tpu.memref_slice %arg2[%dma_wait3A_384] : memref<32768xi32, #tpu.memory_space<hbm>> -> memref<8192xi32, #tpu.memory_space<hbm>>
    tpu.wait_dma2 semaphore(%arg8 : memref<!tpu.dma_semaphore, #tpu.memory_space<semaphore_mem>>) src(%dma_wait3A_385 : memref<8192xi32, #tpu.memory_space<hbm>>) dst(%dma_wait3A_383 : memref<8192xi32, #tpu.memory_space<vmem>>)
    %dma_wait3A_386 = arith.constant 0 : i32
    %dma_wait3A_387 = arith.constant 0 : i32
    %dma_wait3A_388 = tpu.memref_slice %arg7[%dma_wait3A_386, %dma_wait3A_387] : memref<2x8192xi32, #tpu.memory_space<vmem>> -> memref<1x8192xi32, #tpu.memory_space<vmem>>
    %dma_wait3A_389 = tpu.memref_squeeze %dma_wait3A_388 : memref<1x8192xi32, #tpu.memory_space<vmem>> -> memref<8192xi32, #tpu.memory_space<vmem>>
    %dma_wait3A_390 = arith.constant 16384 : i32
    %dma_wait3A_391 = tpu.memref_slice %arg3[%dma_wait3A_390] : memref<32768xi32, #tpu.memory_space<hbm>> -> memref<8192xi32, #tpu.memory_space<hbm>>
    %dma_wait3A_392 = arith.constant 0 : i32
    %dma_wait3A_393 = tpu.memref_slice %arg7[%dma_wait3A_386, %dma_wait3A_392] : memref<2x8192xi32, #tpu.memory_space<vmem>> -> memref<1x8192xi32, #tpu.memory_space<vmem>>
    %dma_wait3A_394 = tpu.memref_squeeze %dma_wait3A_393 : memref<1x8192xi32, #tpu.memory_space<vmem>> -> memref<8192xi32, #tpu.memory_space<vmem>>
    %dma_wait3A_395 = arith.constant 16384 : i32
    %dma_wait3A_396 = tpu.memref_slice %arg3[%dma_wait3A_395] : memref<32768xi32, #tpu.memory_space<hbm>> -> memref<8192xi32, #tpu.memory_space<hbm>>
    tpu.wait_dma2 semaphore(%arg10 : memref<!tpu.dma_semaphore, #tpu.memory_space<semaphore_mem>>) src(%dma_wait3A_396 : memref<8192xi32, #tpu.memory_space<hbm>>) dst(%dma_wait3A_394 : memref<8192xi32, #tpu.memory_space<vmem>>)
    %scan3A_397 = arith.constant 0 : i32
    %scan3A_398 = arith.constant 0 : i32
    %scan3A_399 = arith.constant 256 : i32
    %scan3A_400 = arith.addi %scan3A_398, %scan3A_399 : i32
    %scan3A_401 = arith.constant 1 : i32
    %scan3A_402 = scf.for %scan3A_435 = %scan3A_398 to %scan3A_400 step %scan3A_401 iter_args(%scan3A_436 = %scan3A_397) -> (i32)  : i32 {
      %mul3A_437 = arith.constant 32 : i32
      %mul3A_438 = arith.muli %scan3A_435, %mul3A_437 : i32
      %add3A_439 = arith.constant 0 : i32
      %add3A_440 = arith.addi %mul3A_438, %add3A_439 : i32
      %get3A = arith.constant 0 : i32
      %get3A_441 = arith.index_cast %get3A : i32 to index
      %get3A_442 = arith.index_cast %add3A_440 : i32 to index
      %get3A_443 = tpu.vector_load %arg6[%get3A_441, %get3A_442] {strides = array<i32>} : memref<2x8192xi32, #tpu.memory_space<vmem>>, vector<16xi32>,
      %add3A_444 = arith.constant 0 : i32
      %add3A_445 = arith.addi %mul3A_438, %add3A_444 : i32
      %get3A_446 = arith.constant 0 : i32
      %get3A_447 = arith.index_cast %get3A_446 : i32 to index
      %get3A_448 = arith.index_cast %add3A_445 : i32 to index
      %get3A_449 = tpu.vector_load %arg7[%get3A_447, %get3A_448] {strides = array<i32>} : memref<2x8192xi32, #tpu.memory_space<vmem>>, vector<16xi32>,
      %sub3A = vector.broadcast %add3A_221 : i32 to vector<16xi32>
      %sub3A_450 = arith.subi %get3A_443, %sub3A : vector<16xi32>
      %ge3A = arith.constant 0 : i32
      %ge3A_451 = vector.broadcast %ge3A : i32 to vector<16xi32>
      %ge3A_452 = arith.cmpi sge, %sub3A_450, %ge3A_451 : vector<16xi32>
      %lt3A = arith.constant 32 : i32
      %lt3A_453 = vector.broadcast %lt3A : i32 to vector<16xi32>
      %lt3A_454 = arith.cmpi slt, %sub3A_450, %lt3A_453 : vector<16xi32>
      %and3A = arith.andi %ge3A_452, %lt3A_454 : vector<16xi1>
      %mul3A_455 = arith.constant 2048 : i32
      %mul3A_456 = vector.broadcast %mul3A_455 : i32 to vector<16xi32>
      %mul3A_457 = arith.muli %sub3A_450, %mul3A_456 : vector<16xi32>
      %add3A_458 = arith.addi %mul3A_457, %get3A_449 : vector<16xi32>
      %jit3A = arith.constant 0 : i32
      %broadcast_in_dim3A_459 = vector.broadcast %jit3A : i32 to vector<16xi32>
      %select_n3A = arith.select %and3A, %add3A_458, %broadcast_in_dim3A_459 : vector<16xi1>, vector<16xi32>
      tpu.vector_store_idx %arg5[%select_n3A], %broadcast_in_dim3A_3 masked %and3A {add = true} : memref<65536xf32, #tpu.memory_space<vmem>>[vector<16xi32>], vector<16xf32>, vector<16xi1>
      %add3A_460 = arith.constant 16 : i32
      %add3A_461 = arith.addi %mul3A_438, %add3A_460 : i32
      %get3A_462 = arith.constant 0 : i32
      %get3A_463 = arith.index_cast %get3A_462 : i32 to index
      %get3A_464 = arith.index_cast %add3A_461 : i32 to index
      %get3A_465 = tpu.vector_load %arg6[%get3A_463, %get3A_464] {strides = array<i32>} : memref<2x8192xi32, #tpu.memory_space<vmem>>, vector<16xi32>,
      %add3A_466 = arith.constant 16 : i32
      %add3A_467 = arith.addi %mul3A_438, %add3A_466 : i32
      %get3A_468 = arith.constant 0 : i32
      %get3A_469 = arith.index_cast %get3A_468 : i32 to index
      %get3A_470 = arith.index_cast %add3A_467 : i32 to index
      %get3A_471 = tpu.vector_load %arg7[%get3A_469, %get3A_470] {strides = array<i32>} : memref<2x8192xi32, #tpu.memory_space<vmem>>, vector<16xi32>,
      %sub3A_472 = vector.broadcast %add3A_221 : i32 to vector<16xi32>
      %sub3A_473 = arith.subi %get3A_465, %sub3A_472 : vector<16xi32>
      %ge3A_474 = arith.constant 0 : i32
      %ge3A_475 = vector.broadcast %ge3A_474 : i32 to vector<16xi32>
      %ge3A_476 = arith.cmpi sge, %sub3A_473, %ge3A_475 : vector<16xi32>
      %lt3A_477 = arith.constant 32 : i32
      %lt3A_478 = vector.broadcast %lt3A_477 : i32 to vector<16xi32>
      %lt3A_479 = arith.cmpi slt, %sub3A_473, %lt3A_478 : vector<16xi32>
      %and3A_480 = arith.andi %ge3A_476, %lt3A_479 : vector<16xi1>
      %mul3A_481 = arith.constant 2048 : i32
      %mul3A_482 = vector.broadcast %mul3A_481 : i32 to vector<16xi32>
      %mul3A_483 = arith.muli %sub3A_473, %mul3A_482 : vector<16xi32>
      %add3A_484 = arith.addi %mul3A_483, %get3A_471 : vector<16xi32>
      %jit3A_485 = arith.constant 0 : i32
      %broadcast_in_dim3A_486 = vector.broadcast %jit3A_485 : i32 to vector<16xi32>
      %select_n3A_487 = arith.select %and3A_480, %add3A_484, %broadcast_in_dim3A_486 : vector<16xi1>, vector<16xi32>
      tpu.vector_store_idx %arg5[%select_n3A_487], %broadcast_in_dim3A_3 masked %and3A_480 {add = true} : memref<65536xf32, #tpu.memory_space<vmem>>[vector<16xi32>], vector<16xf32>, vector<16xi1>
      %scan3A_488 = arith.constant 0 : i32
      scf.yield %scan3A_488 : i32
    }
    %scan3A_403 = arith.constant 256 : i32
    %dma_wait3A_404 = arith.constant 1 : i32
    %dma_wait3A_405 = arith.constant 0 : i32
    %dma_wait3A_406 = tpu.memref_slice %arg6[%dma_wait3A_404, %dma_wait3A_405] : memref<2x8192xi32, #tpu.memory_space<vmem>> -> memref<1x8192xi32, #tpu.memory_space<vmem>>
    %dma_wait3A_407 = tpu.memref_squeeze %dma_wait3A_406 : memref<1x8192xi32, #tpu.memory_space<vmem>> -> memref<8192xi32, #tpu.memory_space<vmem>>
    %dma_wait3A_408 = arith.constant 24576 : i32
    %dma_wait3A_409 = tpu.memref_slice %arg2[%dma_wait3A_408] : memref<32768xi32, #tpu.memory_space<hbm>> -> memref<8192xi32, #tpu.memory_space<hbm>>
    %dma_wait3A_410 = arith.constant 0 : i32
    %dma_wait3A_411 = tpu.memref_slice %arg6[%dma_wait3A_404, %dma_wait3A_410] : memref<2x8192xi32, #tpu.memory_space<vmem>> -> memref<1x8192xi32, #tpu.memory_space<vmem>>
    %dma_wait3A_412 = tpu.memref_squeeze %dma_wait3A_411 : memref<1x8192xi32, #tpu.memory_space<vmem>> -> memref<8192xi32, #tpu.memory_space<vmem>>
    %dma_wait3A_413 = arith.constant 24576 : i32
    %dma_wait3A_414 = tpu.memref_slice %arg2[%dma_wait3A_413] : memref<32768xi32, #tpu.memory_space<hbm>> -> memref<8192xi32, #tpu.memory_space<hbm>>
    tpu.wait_dma2 semaphore(%arg9 : memref<!tpu.dma_semaphore, #tpu.memory_space<semaphore_mem>>) src(%dma_wait3A_414 : memref<8192xi32, #tpu.memory_space<hbm>>) dst(%dma_wait3A_412 : memref<8192xi32, #tpu.memory_space<vmem>>)
    %dma_wait3A_415 = arith.constant 1 : i32
    %dma_wait3A_416 = arith.constant 0 : i32
    %dma_wait3A_417 = tpu.memref_slice %arg7[%dma_wait3A_415, %dma_wait3A_416] : memref<2x8192xi32, #tpu.memory_space<vmem>> -> memref<1x8192xi32, #tpu.memory_space<vmem>>
    %dma_wait3A_418 = tpu.memref_squeeze %dma_wait3A_417 : memref<1x8192xi32, #tpu.memory_space<vmem>> -> memref<8192xi32, #tpu.memory_space<vmem>>
    %dma_wait3A_419 = arith.constant 24576 : i32
    %dma_wait3A_420 = tpu.memref_slice %arg3[%dma_wait3A_419] : memref<32768xi32, #tpu.memory_space<hbm>> -> memref<8192xi32, #tpu.memory_space<hbm>>
    %dma_wait3A_421 = arith.constant 0 : i32
    %dma_wait3A_422 = tpu.memref_slice %arg7[%dma_wait3A_415, %dma_wait3A_421] : memref<2x8192xi32, #tpu.memory_space<vmem>> -> memref<1x8192xi32, #tpu.memory_space<vmem>>
    %dma_wait3A_423 = tpu.memref_squeeze %dma_wait3A_422 : memref<1x8192xi32, #tpu.memory_space<vmem>> -> memref<8192xi32, #tpu.memory_space<vmem>>
    %dma_wait3A_424 = arith.constant 24576 : i32
    %dma_wait3A_425 = tpu.memref_slice %arg3[%dma_wait3A_424] : memref<32768xi32, #tpu.memory_space<hbm>> -> memref<8192xi32, #tpu.memory_space<hbm>>
    tpu.wait_dma2 semaphore(%arg11 : memref<!tpu.dma_semaphore, #tpu.memory_space<semaphore_mem>>) src(%dma_wait3A_425 : memref<8192xi32, #tpu.memory_space<hbm>>) dst(%dma_wait3A_423 : memref<8192xi32, #tpu.memory_space<vmem>>)
    %scan3A_426 = arith.constant 0 : i32
    %scan3A_427 = arith.constant 0 : i32
    %scan3A_428 = arith.constant 256 : i32
    %scan3A_429 = arith.addi %scan3A_427, %scan3A_428 : i32
    %scan3A_430 = arith.constant 1 : i32
    %scan3A_431 = scf.for %scan3A_435 = %scan3A_427 to %scan3A_429 step %scan3A_430 iter_args(%scan3A_436 = %scan3A_426) -> (i32)  : i32 {
      %mul3A_437 = arith.constant 32 : i32
      %mul3A_438 = arith.muli %scan3A_435, %mul3A_437 : i32
      %add3A_439 = arith.constant 0 : i32
      %add3A_440 = arith.addi %mul3A_438, %add3A_439 : i32
      %get3A = arith.constant 1 : i32
      %get3A_441 = arith.index_cast %get3A : i32 to index
      %get3A_442 = arith.index_cast %add3A_440 : i32 to index
      %get3A_443 = tpu.vector_load %arg6[%get3A_441, %get3A_442] {strides = array<i32>} : memref<2x8192xi32, #tpu.memory_space<vmem>>, vector<16xi32>,
      %add3A_444 = arith.constant 0 : i32
      %add3A_445 = arith.addi %mul3A_438, %add3A_444 : i32
      %get3A_446 = arith.constant 1 : i32
      %get3A_447 = arith.index_cast %get3A_446 : i32 to index
      %get3A_448 = arith.index_cast %add3A_445 : i32 to index
      %get3A_449 = tpu.vector_load %arg7[%get3A_447, %get3A_448] {strides = array<i32>} : memref<2x8192xi32, #tpu.memory_space<vmem>>, vector<16xi32>,
      %sub3A = vector.broadcast %add3A_221 : i32 to vector<16xi32>
      %sub3A_450 = arith.subi %get3A_443, %sub3A : vector<16xi32>
      %ge3A = arith.constant 0 : i32
      %ge3A_451 = vector.broadcast %ge3A : i32 to vector<16xi32>
      %ge3A_452 = arith.cmpi sge, %sub3A_450, %ge3A_451 : vector<16xi32>
      %lt3A = arith.constant 32 : i32
      %lt3A_453 = vector.broadcast %lt3A : i32 to vector<16xi32>
      %lt3A_454 = arith.cmpi slt, %sub3A_450, %lt3A_453 : vector<16xi32>
      %and3A = arith.andi %ge3A_452, %lt3A_454 : vector<16xi1>
      %mul3A_455 = arith.constant 2048 : i32
      %mul3A_456 = vector.broadcast %mul3A_455 : i32 to vector<16xi32>
      %mul3A_457 = arith.muli %sub3A_450, %mul3A_456 : vector<16xi32>
      %add3A_458 = arith.addi %mul3A_457, %get3A_449 : vector<16xi32>
      %jit3A = arith.constant 0 : i32
      %broadcast_in_dim3A_459 = vector.broadcast %jit3A : i32 to vector<16xi32>
      %select_n3A = arith.select %and3A, %add3A_458, %broadcast_in_dim3A_459 : vector<16xi1>, vector<16xi32>
      tpu.vector_store_idx %arg5[%select_n3A], %broadcast_in_dim3A_3 masked %and3A {add = true} : memref<65536xf32, #tpu.memory_space<vmem>>[vector<16xi32>], vector<16xf32>, vector<16xi1>
      %add3A_460 = arith.constant 16 : i32
      %add3A_461 = arith.addi %mul3A_438, %add3A_460 : i32
      %get3A_462 = arith.constant 1 : i32
      %get3A_463 = arith.index_cast %get3A_462 : i32 to index
      %get3A_464 = arith.index_cast %add3A_461 : i32 to index
      %get3A_465 = tpu.vector_load %arg6[%get3A_463, %get3A_464] {strides = array<i32>} : memref<2x8192xi32, #tpu.memory_space<vmem>>, vector<16xi32>,
      %add3A_466 = arith.constant 16 : i32
      %add3A_467 = arith.addi %mul3A_438, %add3A_466 : i32
      %get3A_468 = arith.constant 1 : i32
      %get3A_469 = arith.index_cast %get3A_468 : i32 to index
      %get3A_470 = arith.index_cast %add3A_467 : i32 to index
      %get3A_471 = tpu.vector_load %arg7[%get3A_469, %get3A_470] {strides = array<i32>} : memref<2x8192xi32, #tpu.memory_space<vmem>>, vector<16xi32>,
      %sub3A_472 = vector.broadcast %add3A_221 : i32 to vector<16xi32>
      %sub3A_473 = arith.subi %get3A_465, %sub3A_472 : vector<16xi32>
      %ge3A_474 = arith.constant 0 : i32
      %ge3A_475 = vector.broadcast %ge3A_474 : i32 to vector<16xi32>
      %ge3A_476 = arith.cmpi sge, %sub3A_473, %ge3A_475 : vector<16xi32>
      %lt3A_477 = arith.constant 32 : i32
      %lt3A_478 = vector.broadcast %lt3A_477 : i32 to vector<16xi32>
      %lt3A_479 = arith.cmpi slt, %sub3A_473, %lt3A_478 : vector<16xi32>
      %and3A_480 = arith.andi %ge3A_476, %lt3A_479 : vector<16xi1>
      %mul3A_481 = arith.constant 2048 : i32
      %mul3A_482 = vector.broadcast %mul3A_481 : i32 to vector<16xi32>
      %mul3A_483 = arith.muli %sub3A_473, %mul3A_482 : vector<16xi32>
      %add3A_484 = arith.addi %mul3A_483, %get3A_471 : vector<16xi32>
      %jit3A_485 = arith.constant 0 : i32
      %broadcast_in_dim3A_486 = vector.broadcast %jit3A_485 : i32 to vector<16xi32>
      %select_n3A_487 = arith.select %and3A_480, %add3A_484, %broadcast_in_dim3A_486 : vector<16xi1>, vector<16xi32>
      tpu.vector_store_idx %arg5[%select_n3A_487], %broadcast_in_dim3A_3 masked %and3A_480 {add = true} : memref<65536xf32, #tpu.memory_space<vmem>>[vector<16xi32>], vector<16xf32>, vector<16xi1>
      %scan3A_488 = arith.constant 0 : i32
      scf.yield %scan3A_488 : i32
    }
    %scan3A_432 = arith.constant 256 : i32
    %mul3A_433 = arith.constant 2048 : i32
    %mul3A_434 = arith.muli %add3A_221, %mul3A_433 : i32
    "tpu.region"() ({
      %run_scoped3A = tpu.sem_alloc : memref<!tpu.dma_semaphore, #tpu.memory_space<semaphore_mem>>
      %dma_start3A_435 = tpu.memref_slice %arg4[%mul3A_434] : memref<4194304xf32, #tpu.memory_space<hbm>> -> memref<65536xf32, #tpu.memory_space<hbm>>
      %dma_start3A_436 = tpu.memref_slice %arg4[%mul3A_434] : memref<4194304xf32, #tpu.memory_space<hbm>> -> memref<65536xf32, #tpu.memory_space<hbm>>
      tpu.enqueue_dma source(%arg5 : memref<65536xf32, #tpu.memory_space<vmem>>) target(%dma_start3A_436 : memref<65536xf32, #tpu.memory_space<hbm>>) target_semaphore(%run_scoped3A : memref<!tpu.dma_semaphore, #tpu.memory_space<semaphore_mem>>)
      %dma_wait3A_437 = tpu.memref_slice %arg4[%mul3A_434] : memref<4194304xf32, #tpu.memory_space<hbm>> -> memref<65536xf32, #tpu.memory_space<hbm>>
      %dma_wait3A_438 = tpu.memref_slice %arg4[%mul3A_434] : memref<4194304xf32, #tpu.memory_space<hbm>> -> memref<65536xf32, #tpu.memory_space<hbm>>
      tpu.wait_dma2 semaphore(%run_scoped3A : memref<!tpu.dma_semaphore, #tpu.memory_space<semaphore_mem>>) src(%arg5 : memref<65536xf32, #tpu.memory_space<vmem>>) dst(%dma_wait3A_438 : memref<65536xf32, #tpu.memory_space<hbm>>)
      tpu.yield
    }) : () -> ()
    return
  }
}

#map = affine_map<(d0, d1) -> (0)>
module attributes {stable_mosaic.version = 14 : i64} {
  func.func @_sc_counts_body(%arg0: i32, %arg1: i32, %arg2: memref<32768xi32, #tpu.memory_space<hbm>>, %arg3: memref<32768xi32, #tpu.memory_space<hbm>>, %arg4: memref<4194304xf32, #tpu.memory_space<hbm>>, %arg5: memref<65536xf32, #tpu.memory_space<vmem>>, %arg6: memref<2x8192xi32, #tpu.memory_space<vmem>>, %arg7: memref<2x8192xi32, #tpu.memory_space<vmem>>, %arg8: memref<!tpu.dma_semaphore, #tpu.memory_space<semaphore_mem>>, %arg9: memref<!tpu.dma_semaphore, #tpu.memory_space<semaphore_mem>>, %arg10: memref<!tpu.dma_semaphore, #tpu.memory_space<semaphore_mem>>, %arg11: memref<!tpu.dma_semaphore, #tpu.memory_space<semaphore_mem>>) attributes {dimension_semantics = [#tpu.dimension_semantics<core_parallel>, #tpu.dimension_semantics<subcore_parallel>], iteration_bounds = array<i64: 2, 16>, scalar_prefetch = 0 : i64, scratch_operands = 7 : i64, tpu.core_type = #tpu.core_type<sc_vector_subcore>, window_params = [{transform_indices = #map}, {transform_indices = #map}, {transform_indices = #map}]} {
    %mul3A = arith.constant 2 : i32
    %mul3A_0 = arith.muli %arg1, %mul3A : i32
    %add3A = arith.addi %mul3A_0, %arg0 : i32
    %broadcast_in_dim3A = arith.constant 0.000000e+00 : f32
    %broadcast_in_dim3A_1 = vector.broadcast %broadcast_in_dim3A : f32 to vector<16xf32>
    %broadcast_in_dim3A_2 = arith.constant 1.000000e+00 : f32
    %broadcast_in_dim3A_3 = vector.broadcast %broadcast_in_dim3A_2 : f32 to vector<16xf32>
    %mul3A_4 = arith.constant 64 : i32
    %mul3A_5 = arith.muli %add3A, %mul3A_4 : i32
    %add3A_6 = arith.constant 0 : i32
    %add3A_7 = arith.addi %mul3A_5, %add3A_6 : i32
    %dma_start3A = arith.constant 0 : i32
    %dma_start3A_8 = arith.constant 0 : i32
    %dma_start3A_9 = tpu.memref_slice %arg6[%dma_start3A, %dma_start3A_8] : memref<2x8192xi32, #tpu.memory_space<vmem>> -> memref<1x8192xi32, #tpu.memory_space<vmem>>
    %dma_start3A_10 = tpu.memref_squeeze %dma_start3A_9 : memref<1x8192xi32, #tpu.memory_space<vmem>> -> memref<8192xi32, #tpu.memory_space<vmem>>
    %dma_start3A_11 = arith.constant 0 : i32
    %dma_start3A_12 = tpu.memref_slice %arg2[%dma_start3A_11] : memref<32768xi32, #tpu.memory_space<hbm>> -> memref<8192xi32, #tpu.memory_space<hbm>>
    %dma_start3A_13 = arith.constant 0 : i32
    %dma_start3A_14 = tpu.memref_slice %arg6[%dma_start3A, %dma_start3A_13] : memref<2x8192xi32, #tpu.memory_space<vmem>> -> memref<1x8192xi32, #tpu.memory_space<vmem>>
    %dma_start3A_15 = tpu.memref_squeeze %dma_start3A_14 : memref<1x8192xi32, #tpu.memory_space<vmem>> -> memref<8192xi32, #tpu.memory_space<vmem>>
    %dma_start3A_16 = arith.constant 0 : i32
    %dma_start3A_17 = tpu.memref_slice %arg2[%dma_start3A_16] : memref<32768xi32, #tpu.memory_space<hbm>> -> memref<8192xi32, #tpu.memory_space<hbm>>
    tpu.enqueue_dma source(%dma_start3A_17 : memref<8192xi32, #tpu.memory_space<hbm>>) target(%dma_start3A_15 : memref<8192xi32, #tpu.memory_space<vmem>>) target_semaphore(%arg8 : memref<!tpu.dma_semaphore, #tpu.memory_space<semaphore_mem>>)
    %dma_start3A_18 = arith.constant 0 : i32
    %dma_start3A_19 = arith.constant 0 : i32
    %dma_start3A_20 = tpu.memref_slice %arg7[%dma_start3A_18, %dma_start3A_19] : memref<2x8192xi32, #tpu.memory_space<vmem>> -> memref<1x8192xi32, #tpu.memory_space<vmem>>
    %dma_start3A_21 = tpu.memref_squeeze %dma_start3A_20 : memref<1x8192xi32, #tpu.memory_space<vmem>> -> memref<8192xi32, #tpu.memory_space<vmem>>
    %dma_start3A_22 = arith.constant 0 : i32
    %dma_start3A_23 = tpu.memref_slice %arg3[%dma_start3A_22] : memref<32768xi32, #tpu.memory_space<hbm>> -> memref<8192xi32, #tpu.memory_space<hbm>>
    %dma_start3A_24 = arith.constant 0 : i32
    %dma_start3A_25 = tpu.memref_slice %arg7[%dma_start3A_18, %dma_start3A_24] : memref<2x8192xi32, #tpu.memory_space<vmem>> -> memref<1x8192xi32, #tpu.memory_space<vmem>>
    %dma_start3A_26 = tpu.memref_squeeze %dma_start3A_25 : memref<1x8192xi32, #tpu.memory_space<vmem>> -> memref<8192xi32, #tpu.memory_space<vmem>>
    %dma_start3A_27 = arith.constant 0 : i32
    %dma_start3A_28 = tpu.memref_slice %arg3[%dma_start3A_27] : memref<32768xi32, #tpu.memory_space<hbm>> -> memref<8192xi32, #tpu.memory_space<hbm>>
    tpu.enqueue_dma source(%dma_start3A_28 : memref<8192xi32, #tpu.memory_space<hbm>>) target(%dma_start3A_26 : memref<8192xi32, #tpu.memory_space<vmem>>) target_semaphore(%arg10 : memref<!tpu.dma_semaphore, #tpu.memory_space<semaphore_mem>>)
    %scan3A = arith.constant 0 : i32
    %scan3A_29 = arith.constant 0 : i32
    %scan3A_30 = arith.constant 512 : i32
    %scan3A_31 = arith.addi %scan3A_29, %scan3A_30 : i32
    %scan3A_32 = arith.constant 1 : i32
    %scan3A_33 = scf.for %scan3A_435 = %scan3A_29 to %scan3A_31 step %scan3A_32 iter_args(%scan3A_436 = %scan3A) -> (i32)  : i32 {
      %mul3A_437 = arith.constant 128 : i32
      %mul3A_438 = arith.muli %scan3A_435, %mul3A_437 : i32
      %add3A_439 = arith.constant 0 : i32
      %add3A_440 = arith.addi %mul3A_438, %add3A_439 : i32
      %swap3A = arith.index_cast %add3A_440 : i32 to index
      %swap3A_441 = tpu.vector_load %arg5[%swap3A] {strides = array<i32>} : memref<65536xf32, #tpu.memory_space<vmem>>, vector<16xf32>,
      tpu.vector_store %arg5[%swap3A], %broadcast_in_dim3A_1 {strides = array<i32>} : memref<65536xf32, #tpu.memory_space<vmem>>, vector<16xf32>,
      %add3A_442 = arith.constant 16 : i32
      %add3A_443 = arith.addi %mul3A_438, %add3A_442 : i32
      %swap3A_444 = arith.index_cast %add3A_443 : i32 to index
      %swap3A_445 = tpu.vector_load %arg5[%swap3A_444] {strides = array<i32>} : memref<65536xf32, #tpu.memory_space<vmem>>, vector<16xf32>,
      tpu.vector_store %arg5[%swap3A_444], %broadcast_in_dim3A_1 {strides = array<i32>} : memref<65536xf32, #tpu.memory_space<vmem>>, vector<16xf32>,
      %add3A_446 = arith.constant 32 : i32
      %add3A_447 = arith.addi %mul3A_438, %add3A_446 : i32
      %swap3A_448 = arith.index_cast %add3A_447 : i32 to index
      %swap3A_449 = tpu.vector_load %arg5[%swap3A_448] {strides = array<i32>} : memref<65536xf32, #tpu.memory_space<vmem>>, vector<16xf32>,
      tpu.vector_store %arg5[%swap3A_448], %broadcast_in_dim3A_1 {strides = array<i32>} : memref<65536xf32, #tpu.memory_space<vmem>>, vector<16xf32>,
      %add3A_450 = arith.constant 48 : i32
      %add3A_451 = arith.addi %mul3A_438, %add3A_450 : i32
      %swap3A_452 = arith.index_cast %add3A_451 : i32 to index
      %swap3A_453 = tpu.vector_load %arg5[%swap3A_452] {strides = array<i32>} : memref<65536xf32, #tpu.memory_space<vmem>>, vector<16xf32>,
      tpu.vector_store %arg5[%swap3A_452], %broadcast_in_dim3A_1 {strides = array<i32>} : memref<65536xf32, #tpu.memory_space<vmem>>, vector<16xf32>,
      %add3A_454 = arith.constant 64 : i32
      %add3A_455 = arith.addi %mul3A_438, %add3A_454 : i32
      %swap3A_456 = arith.index_cast %add3A_455 : i32 to index
      %swap3A_457 = tpu.vector_load %arg5[%swap3A_456] {strides = array<i32>} : memref<65536xf32, #tpu.memory_space<vmem>>, vector<16xf32>,
      tpu.vector_store %arg5[%swap3A_456], %broadcast_in_dim3A_1 {strides = array<i32>} : memref<65536xf32, #tpu.memory_space<vmem>>, vector<16xf32>,
      %add3A_458 = arith.constant 80 : i32
      %add3A_459 = arith.addi %mul3A_438, %add3A_458 : i32
      %swap3A_460 = arith.index_cast %add3A_459 : i32 to index
      %swap3A_461 = tpu.vector_load %arg5[%swap3A_460] {strides = array<i32>} : memref<65536xf32, #tpu.memory_space<vmem>>, vector<16xf32>,
      tpu.vector_store %arg5[%swap3A_460], %broadcast_in_dim3A_1 {strides = array<i32>} : memref<65536xf32, #tpu.memory_space<vmem>>, vector<16xf32>,
      %add3A_462 = arith.constant 96 : i32
      %add3A_463 = arith.addi %mul3A_438, %add3A_462 : i32
      %swap3A_464 = arith.index_cast %add3A_463 : i32 to index
      %swap3A_465 = tpu.vector_load %arg5[%swap3A_464] {strides = array<i32>} : memref<65536xf32, #tpu.memory_space<vmem>>, vector<16xf32>,
      tpu.vector_store %arg5[%swap3A_464], %broadcast_in_dim3A_1 {strides = array<i32>} : memref<65536xf32, #tpu.memory_space<vmem>>, vector<16xf32>,
      %add3A_466 = arith.constant 112 : i32
      %add3A_467 = arith.addi %mul3A_438, %add3A_466 : i32
      %swap3A_468 = arith.index_cast %add3A_467 : i32 to index
      %swap3A_469 = tpu.vector_load %arg5[%swap3A_468] {strides = array<i32>} : memref<65536xf32, #tpu.memory_space<vmem>>, vector<16xf32>,
      tpu.vector_store %arg5[%swap3A_468], %broadcast_in_dim3A_1 {strides = array<i32>} : memref<65536xf32, #tpu.memory_space<vmem>>, vector<16xf32>,
      %scan3A_470 = arith.constant 0 : i32
      scf.yield %scan3A_470 : i32
    }
    %scan3A_34 = arith.constant 512 : i32
    %dma_start3A_35 = arith.constant 1 : i32
    %dma_start3A_36 = arith.constant 0 : i32
    %dma_start3A_37 = tpu.memref_slice %arg6[%dma_start3A_35, %dma_start3A_36] : memref<2x8192xi32, #tpu.memory_space<vmem>> -> memref<1x8192xi32, #tpu.memory_space<vmem>>
    %dma_start3A_38 = tpu.memref_squeeze %dma_start3A_37 : memref<1x8192xi32, #tpu.memory_space<vmem>> -> memref<8192xi32, #tpu.memory_space<vmem>>
    %dma_start3A_39 = arith.constant 8192 : i32
    %dma_start3A_40 = tpu.memref_slice %arg2[%dma_start3A_39] : memref<32768xi32, #tpu.memory_space<hbm>> -> memref<8192xi32, #tpu.memory_space<hbm>>
    %dma_start3A_41 = arith.constant 0 : i32
    %dma_start3A_42 = tpu.memref_slice %arg6[%dma_start3A_35, %dma_start3A_41] : memref<2x8192xi32, #tpu.memory_space<vmem>> -> memref<1x8192xi32, #tpu.memory_space<vmem>>
    %dma_start3A_43 = tpu.memref_squeeze %dma_start3A_42 : memref<1x8192xi32, #tpu.memory_space<vmem>> -> memref<8192xi32, #tpu.memory_space<vmem>>
    %dma_start3A_44 = arith.constant 8192 : i32
    %dma_start3A_45 = tpu.memref_slice %arg2[%dma_start3A_44] : memref<32768xi32, #tpu.memory_space<hbm>> -> memref<8192xi32, #tpu.memory_space<hbm>>
    tpu.enqueue_dma source(%dma_start3A_45 : memref<8192xi32, #tpu.memory_space<hbm>>) target(%dma_start3A_43 : memref<8192xi32, #tpu.memory_space<vmem>>) target_semaphore(%arg9 : memref<!tpu.dma_semaphore, #tpu.memory_space<semaphore_mem>>)
    %dma_start3A_46 = arith.constant 1 : i32
    %dma_start3A_47 = arith.constant 0 : i32
    %dma_start3A_48 = tpu.memref_slice %arg7[%dma_start3A_46, %dma_start3A_47] : memref<2x8192xi32, #tpu.memory_space<vmem>> -> memref<1x8192xi32, #tpu.memory_space<vmem>>
    %dma_start3A_49 = tpu.memref_squeeze %dma_start3A_48 : memref<1x8192xi32, #tpu.memory_space<vmem>> -> memref<8192xi32, #tpu.memory_space<vmem>>
    %dma_start3A_50 = arith.constant 8192 : i32
    %dma_start3A_51 = tpu.memref_slice %arg3[%dma_start3A_50] : memref<32768xi32, #tpu.memory_space<hbm>> -> memref<8192xi32, #tpu.memory_space<hbm>>
    %dma_start3A_52 = arith.constant 0 : i32
    %dma_start3A_53 = tpu.memref_slice %arg7[%dma_start3A_46, %dma_start3A_52] : memref<2x8192xi32, #tpu.memory_space<vmem>> -> memref<1x8192xi32, #tpu.memory_space<vmem>>
    %dma_start3A_54 = tpu.memref_squeeze %dma_start3A_53 : memref<1x8192xi32, #tpu.memory_space<vmem>> -> memref<8192xi32, #tpu.memory_space<vmem>>
    %dma_start3A_55 = arith.constant 8192 : i32
    %dma_start3A_56 = tpu.memref_slice %arg3[%dma_start3A_55] : memref<32768xi32, #tpu.memory_space<hbm>> -> memref<8192xi32, #tpu.memory_space<hbm>>
    tpu.enqueue_dma source(%dma_start3A_56 : memref<8192xi32, #tpu.memory_space<hbm>>) target(%dma_start3A_54 : memref<8192xi32, #tpu.memory_space<vmem>>) target_semaphore(%arg11 : memref<!tpu.dma_semaphore, #tpu.memory_space<semaphore_mem>>)
    %dma_wait3A = arith.constant 0 : i32
    %dma_wait3A_57 = arith.constant 0 : i32
    %dma_wait3A_58 = tpu.memref_slice %arg6[%dma_wait3A, %dma_wait3A_57] : memref<2x8192xi32, #tpu.memory_space<vmem>> -> memref<1x8192xi32, #tpu.memory_space<vmem>>
    %dma_wait3A_59 = tpu.memref_squeeze %dma_wait3A_58 : memref<1x8192xi32, #tpu.memory_space<vmem>> -> memref<8192xi32, #tpu.memory_space<vmem>>
    %dma_wait3A_60 = arith.constant 0 : i32
    %dma_wait3A_61 = tpu.memref_slice %arg2[%dma_wait3A_60] : memref<32768xi32, #tpu.memory_space<hbm>> -> memref<8192xi32, #tpu.memory_space<hbm>>
    %dma_wait3A_62 = arith.constant 0 : i32
    %dma_wait3A_63 = tpu.memref_slice %arg6[%dma_wait3A, %dma_wait3A_62] : memref<2x8192xi32, #tpu.memory_space<vmem>> -> memref<1x8192xi32, #tpu.memory_space<vmem>>
    %dma_wait3A_64 = tpu.memref_squeeze %dma_wait3A_63 : memref<1x8192xi32, #tpu.memory_space<vmem>> -> memref<8192xi32, #tpu.memory_space<vmem>>
    %dma_wait3A_65 = arith.constant 0 : i32
    %dma_wait3A_66 = tpu.memref_slice %arg2[%dma_wait3A_65] : memref<32768xi32, #tpu.memory_space<hbm>> -> memref<8192xi32, #tpu.memory_space<hbm>>
    tpu.wait_dma2 semaphore(%arg8 : memref<!tpu.dma_semaphore, #tpu.memory_space<semaphore_mem>>) src(%dma_wait3A_66 : memref<8192xi32, #tpu.memory_space<hbm>>) dst(%dma_wait3A_64 : memref<8192xi32, #tpu.memory_space<vmem>>)
    %dma_wait3A_67 = arith.constant 0 : i32
    %dma_wait3A_68 = arith.constant 0 : i32
    %dma_wait3A_69 = tpu.memref_slice %arg7[%dma_wait3A_67, %dma_wait3A_68] : memref<2x8192xi32, #tpu.memory_space<vmem>> -> memref<1x8192xi32, #tpu.memory_space<vmem>>
    %dma_wait3A_70 = tpu.memref_squeeze %dma_wait3A_69 : memref<1x8192xi32, #tpu.memory_space<vmem>> -> memref<8192xi32, #tpu.memory_space<vmem>>
    %dma_wait3A_71 = arith.constant 0 : i32
    %dma_wait3A_72 = tpu.memref_slice %arg3[%dma_wait3A_71] : memref<32768xi32, #tpu.memory_space<hbm>> -> memref<8192xi32, #tpu.memory_space<hbm>>
    %dma_wait3A_73 = arith.constant 0 : i32
    %dma_wait3A_74 = tpu.memref_slice %arg7[%dma_wait3A_67, %dma_wait3A_73] : memref<2x8192xi32, #tpu.memory_space<vmem>> -> memref<1x8192xi32, #tpu.memory_space<vmem>>
    %dma_wait3A_75 = tpu.memref_squeeze %dma_wait3A_74 : memref<1x8192xi32, #tpu.memory_space<vmem>> -> memref<8192xi32, #tpu.memory_space<vmem>>
    %dma_wait3A_76 = arith.constant 0 : i32
    %dma_wait3A_77 = tpu.memref_slice %arg3[%dma_wait3A_76] : memref<32768xi32, #tpu.memory_space<hbm>> -> memref<8192xi32, #tpu.memory_space<hbm>>
    tpu.wait_dma2 semaphore(%arg10 : memref<!tpu.dma_semaphore, #tpu.memory_space<semaphore_mem>>) src(%dma_wait3A_77 : memref<8192xi32, #tpu.memory_space<hbm>>) dst(%dma_wait3A_75 : memref<8192xi32, #tpu.memory_space<vmem>>)
    %scan3A_78 = arith.constant 0 : i32
    %scan3A_79 = arith.constant 0 : i32
    %scan3A_80 = arith.constant 256 : i32
    %scan3A_81 = arith.addi %scan3A_79, %scan3A_80 : i32
    %scan3A_82 = arith.constant 1 : i32
    %scan3A_83 = scf.for %scan3A_435 = %scan3A_79 to %scan3A_81 step %scan3A_82 iter_args(%scan3A_436 = %scan3A_78) -> (i32)  : i32 {
      %mul3A_437 = arith.constant 32 : i32
      %mul3A_438 = arith.muli %scan3A_435, %mul3A_437 : i32
      %add3A_439 = arith.constant 0 : i32
      %add3A_440 = arith.addi %mul3A_438, %add3A_439 : i32
      %get3A = arith.constant 0 : i32
      %get3A_441 = arith.index_cast %get3A : i32 to index
      %get3A_442 = arith.index_cast %add3A_440 : i32 to index
      %get3A_443 = tpu.vector_load %arg6[%get3A_441, %get3A_442] {strides = array<i32>} : memref<2x8192xi32, #tpu.memory_space<vmem>>, vector<16xi32>,
      %add3A_444 = arith.constant 0 : i32
      %add3A_445 = arith.addi %mul3A_438, %add3A_444 : i32
      %get3A_446 = arith.constant 0 : i32
      %get3A_447 = arith.index_cast %get3A_446 : i32 to index
      %get3A_448 = arith.index_cast %add3A_445 : i32 to index
      %get3A_449 = tpu.vector_load %arg7[%get3A_447, %get3A_448] {strides = array<i32>} : memref<2x8192xi32, #tpu.memory_space<vmem>>, vector<16xi32>,
      %sub3A = vector.broadcast %add3A_7 : i32 to vector<16xi32>
      %sub3A_450 = arith.subi %get3A_443, %sub3A : vector<16xi32>
      %ge3A = arith.constant 0 : i32
      %ge3A_451 = vector.broadcast %ge3A : i32 to vector<16xi32>
      %ge3A_452 = arith.cmpi sge, %sub3A_450, %ge3A_451 : vector<16xi32>
      %lt3A = arith.constant 32 : i32
      %lt3A_453 = vector.broadcast %lt3A : i32 to vector<16xi32>
      %lt3A_454 = arith.cmpi slt, %sub3A_450, %lt3A_453 : vector<16xi32>
      %and3A = arith.andi %ge3A_452, %lt3A_454 : vector<16xi1>
      %mul3A_455 = arith.constant 2048 : i32
      %mul3A_456 = vector.broadcast %mul3A_455 : i32 to vector<16xi32>
      %mul3A_457 = arith.muli %sub3A_450, %mul3A_456 : vector<16xi32>
      %add3A_458 = arith.addi %mul3A_457, %get3A_449 : vector<16xi32>
      %jit3A = arith.constant 0 : i32
      %broadcast_in_dim3A_459 = vector.broadcast %jit3A : i32 to vector<16xi32>
      %select_n3A = arith.select %and3A, %add3A_458, %broadcast_in_dim3A_459 : vector<16xi1>, vector<16xi32>
      tpu.vector_store_idx %arg5[%select_n3A], %broadcast_in_dim3A_3 masked %and3A {add = true} : memref<65536xf32, #tpu.memory_space<vmem>>[vector<16xi32>], vector<16xf32>, vector<16xi1>
      %add3A_460 = arith.constant 16 : i32
      %add3A_461 = arith.addi %mul3A_438, %add3A_460 : i32
      %get3A_462 = arith.constant 0 : i32
      %get3A_463 = arith.index_cast %get3A_462 : i32 to index
      %get3A_464 = arith.index_cast %add3A_461 : i32 to index
      %get3A_465 = tpu.vector_load %arg6[%get3A_463, %get3A_464] {strides = array<i32>} : memref<2x8192xi32, #tpu.memory_space<vmem>>, vector<16xi32>,
      %add3A_466 = arith.constant 16 : i32
      %add3A_467 = arith.addi %mul3A_438, %add3A_466 : i32
      %get3A_468 = arith.constant 0 : i32
      %get3A_469 = arith.index_cast %get3A_468 : i32 to index
      %get3A_470 = arith.index_cast %add3A_467 : i32 to index
      %get3A_471 = tpu.vector_load %arg7[%get3A_469, %get3A_470] {strides = array<i32>} : memref<2x8192xi32, #tpu.memory_space<vmem>>, vector<16xi32>,
      %sub3A_472 = vector.broadcast %add3A_7 : i32 to vector<16xi32>
      %sub3A_473 = arith.subi %get3A_465, %sub3A_472 : vector<16xi32>
      %ge3A_474 = arith.constant 0 : i32
      %ge3A_475 = vector.broadcast %ge3A_474 : i32 to vector<16xi32>
      %ge3A_476 = arith.cmpi sge, %sub3A_473, %ge3A_475 : vector<16xi32>
      %lt3A_477 = arith.constant 32 : i32
      %lt3A_478 = vector.broadcast %lt3A_477 : i32 to vector<16xi32>
      %lt3A_479 = arith.cmpi slt, %sub3A_473, %lt3A_478 : vector<16xi32>
      %and3A_480 = arith.andi %ge3A_476, %lt3A_479 : vector<16xi1>
      %mul3A_481 = arith.constant 2048 : i32
      %mul3A_482 = vector.broadcast %mul3A_481 : i32 to vector<16xi32>
      %mul3A_483 = arith.muli %sub3A_473, %mul3A_482 : vector<16xi32>
      %add3A_484 = arith.addi %mul3A_483, %get3A_471 : vector<16xi32>
      %jit3A_485 = arith.constant 0 : i32
      %broadcast_in_dim3A_486 = vector.broadcast %jit3A_485 : i32 to vector<16xi32>
      %select_n3A_487 = arith.select %and3A_480, %add3A_484, %broadcast_in_dim3A_486 : vector<16xi1>, vector<16xi32>
      tpu.vector_store_idx %arg5[%select_n3A_487], %broadcast_in_dim3A_3 masked %and3A_480 {add = true} : memref<65536xf32, #tpu.memory_space<vmem>>[vector<16xi32>], vector<16xf32>, vector<16xi1>
      %scan3A_488 = arith.constant 0 : i32
      scf.yield %scan3A_488 : i32
    }
    %scan3A_84 = arith.constant 256 : i32
    %dma_start3A_85 = arith.constant 0 : i32
    %dma_start3A_86 = arith.constant 0 : i32
    %dma_start3A_87 = tpu.memref_slice %arg6[%dma_start3A_85, %dma_start3A_86] : memref<2x8192xi32, #tpu.memory_space<vmem>> -> memref<1x8192xi32, #tpu.memory_space<vmem>>
    %dma_start3A_88 = tpu.memref_squeeze %dma_start3A_87 : memref<1x8192xi32, #tpu.memory_space<vmem>> -> memref<8192xi32, #tpu.memory_space<vmem>>
    %dma_start3A_89 = arith.constant 16384 : i32
    %dma_start3A_90 = tpu.memref_slice %arg2[%dma_start3A_89] : memref<32768xi32, #tpu.memory_space<hbm>> -> memref<8192xi32, #tpu.memory_space<hbm>>
    %dma_start3A_91 = arith.constant 0 : i32
    %dma_start3A_92 = tpu.memref_slice %arg6[%dma_start3A_85, %dma_start3A_91] : memref<2x8192xi32, #tpu.memory_space<vmem>> -> memref<1x8192xi32, #tpu.memory_space<vmem>>
    %dma_start3A_93 = tpu.memref_squeeze %dma_start3A_92 : memref<1x8192xi32, #tpu.memory_space<vmem>> -> memref<8192xi32, #tpu.memory_space<vmem>>
    %dma_start3A_94 = arith.constant 16384 : i32
    %dma_start3A_95 = tpu.memref_slice %arg2[%dma_start3A_94] : memref<32768xi32, #tpu.memory_space<hbm>> -> memref<8192xi32, #tpu.memory_space<hbm>>
    tpu.enqueue_dma source(%dma_start3A_95 : memref<8192xi32, #tpu.memory_space<hbm>>) target(%dma_start3A_93 : memref<8192xi32, #tpu.memory_space<vmem>>) target_semaphore(%arg8 : memref<!tpu.dma_semaphore, #tpu.memory_space<semaphore_mem>>)
    %dma_start3A_96 = arith.constant 0 : i32
    %dma_start3A_97 = arith.constant 0 : i32
    %dma_start3A_98 = tpu.memref_slice %arg7[%dma_start3A_96, %dma_start3A_97] : memref<2x8192xi32, #tpu.memory_space<vmem>> -> memref<1x8192xi32, #tpu.memory_space<vmem>>
    %dma_start3A_99 = tpu.memref_squeeze %dma_start3A_98 : memref<1x8192xi32, #tpu.memory_space<vmem>> -> memref<8192xi32, #tpu.memory_space<vmem>>
    %dma_start3A_100 = arith.constant 16384 : i32
    %dma_start3A_101 = tpu.memref_slice %arg3[%dma_start3A_100] : memref<32768xi32, #tpu.memory_space<hbm>> -> memref<8192xi32, #tpu.memory_space<hbm>>
    %dma_start3A_102 = arith.constant 0 : i32
    %dma_start3A_103 = tpu.memref_slice %arg7[%dma_start3A_96, %dma_start3A_102] : memref<2x8192xi32, #tpu.memory_space<vmem>> -> memref<1x8192xi32, #tpu.memory_space<vmem>>
    %dma_start3A_104 = tpu.memref_squeeze %dma_start3A_103 : memref<1x8192xi32, #tpu.memory_space<vmem>> -> memref<8192xi32, #tpu.memory_space<vmem>>
    %dma_start3A_105 = arith.constant 16384 : i32
    %dma_start3A_106 = tpu.memref_slice %arg3[%dma_start3A_105] : memref<32768xi32, #tpu.memory_space<hbm>> -> memref<8192xi32, #tpu.memory_space<hbm>>
    tpu.enqueue_dma source(%dma_start3A_106 : memref<8192xi32, #tpu.memory_space<hbm>>) target(%dma_start3A_104 : memref<8192xi32, #tpu.memory_space<vmem>>) target_semaphore(%arg10 : memref<!tpu.dma_semaphore, #tpu.memory_space<semaphore_mem>>)
    %dma_wait3A_107 = arith.constant 1 : i32
    %dma_wait3A_108 = arith.constant 0 : i32
    %dma_wait3A_109 = tpu.memref_slice %arg6[%dma_wait3A_107, %dma_wait3A_108] : memref<2x8192xi32, #tpu.memory_space<vmem>> -> memref<1x8192xi32, #tpu.memory_space<vmem>>
    %dma_wait3A_110 = tpu.memref_squeeze %dma_wait3A_109 : memref<1x8192xi32, #tpu.memory_space<vmem>> -> memref<8192xi32, #tpu.memory_space<vmem>>
    %dma_wait3A_111 = arith.constant 8192 : i32
    %dma_wait3A_112 = tpu.memref_slice %arg2[%dma_wait3A_111] : memref<32768xi32, #tpu.memory_space<hbm>> -> memref<8192xi32, #tpu.memory_space<hbm>>
    %dma_wait3A_113 = arith.constant 0 : i32
    %dma_wait3A_114 = tpu.memref_slice %arg6[%dma_wait3A_107, %dma_wait3A_113] : memref<2x8192xi32, #tpu.memory_space<vmem>> -> memref<1x8192xi32, #tpu.memory_space<vmem>>
    %dma_wait3A_115 = tpu.memref_squeeze %dma_wait3A_114 : memref<1x8192xi32, #tpu.memory_space<vmem>> -> memref<8192xi32, #tpu.memory_space<vmem>>
    %dma_wait3A_116 = arith.constant 8192 : i32
    %dma_wait3A_117 = tpu.memref_slice %arg2[%dma_wait3A_116] : memref<32768xi32, #tpu.memory_space<hbm>> -> memref<8192xi32, #tpu.memory_space<hbm>>
    tpu.wait_dma2 semaphore(%arg9 : memref<!tpu.dma_semaphore, #tpu.memory_space<semaphore_mem>>) src(%dma_wait3A_117 : memref<8192xi32, #tpu.memory_space<hbm>>) dst(%dma_wait3A_115 : memref<8192xi32, #tpu.memory_space<vmem>>)
    %dma_wait3A_118 = arith.constant 1 : i32
    %dma_wait3A_119 = arith.constant 0 : i32
    %dma_wait3A_120 = tpu.memref_slice %arg7[%dma_wait3A_118, %dma_wait3A_119] : memref<2x8192xi32, #tpu.memory_space<vmem>> -> memref<1x8192xi32, #tpu.memory_space<vmem>>
    %dma_wait3A_121 = tpu.memref_squeeze %dma_wait3A_120 : memref<1x8192xi32, #tpu.memory_space<vmem>> -> memref<8192xi32, #tpu.memory_space<vmem>>
    %dma_wait3A_122 = arith.constant 8192 : i32
    %dma_wait3A_123 = tpu.memref_slice %arg3[%dma_wait3A_122] : memref<32768xi32, #tpu.memory_space<hbm>> -> memref<8192xi32, #tpu.memory_space<hbm>>
    %dma_wait3A_124 = arith.constant 0 : i32
    %dma_wait3A_125 = tpu.memref_slice %arg7[%dma_wait3A_118, %dma_wait3A_124] : memref<2x8192xi32, #tpu.memory_space<vmem>> -> memref<1x8192xi32, #tpu.memory_space<vmem>>
    %dma_wait3A_126 = tpu.memref_squeeze %dma_wait3A_125 : memref<1x8192xi32, #tpu.memory_space<vmem>> -> memref<8192xi32, #tpu.memory_space<vmem>>
    %dma_wait3A_127 = arith.constant 8192 : i32
    %dma_wait3A_128 = tpu.memref_slice %arg3[%dma_wait3A_127] : memref<32768xi32, #tpu.memory_space<hbm>> -> memref<8192xi32, #tpu.memory_space<hbm>>
    tpu.wait_dma2 semaphore(%arg11 : memref<!tpu.dma_semaphore, #tpu.memory_space<semaphore_mem>>) src(%dma_wait3A_128 : memref<8192xi32, #tpu.memory_space<hbm>>) dst(%dma_wait3A_126 : memref<8192xi32, #tpu.memory_space<vmem>>)
    %scan3A_129 = arith.constant 0 : i32
    %scan3A_130 = arith.constant 0 : i32
    %scan3A_131 = arith.constant 256 : i32
    %scan3A_132 = arith.addi %scan3A_130, %scan3A_131 : i32
    %scan3A_133 = arith.constant 1 : i32
    %scan3A_134 = scf.for %scan3A_435 = %scan3A_130 to %scan3A_132 step %scan3A_133 iter_args(%scan3A_436 = %scan3A_129) -> (i32)  : i32 {
      %mul3A_437 = arith.constant 32 : i32
      %mul3A_438 = arith.muli %scan3A_435, %mul3A_437 : i32
      %add3A_439 = arith.constant 0 : i32
      %add3A_440 = arith.addi %mul3A_438, %add3A_439 : i32
      %get3A = arith.constant 1 : i32
      %get3A_441 = arith.index_cast %get3A : i32 to index
      %get3A_442 = arith.index_cast %add3A_440 : i32 to index
      %get3A_443 = tpu.vector_load %arg6[%get3A_441, %get3A_442] {strides = array<i32>} : memref<2x8192xi32, #tpu.memory_space<vmem>>, vector<16xi32>,
      %add3A_444 = arith.constant 0 : i32
      %add3A_445 = arith.addi %mul3A_438, %add3A_444 : i32
      %get3A_446 = arith.constant 1 : i32
      %get3A_447 = arith.index_cast %get3A_446 : i32 to index
      %get3A_448 = arith.index_cast %add3A_445 : i32 to index
      %get3A_449 = tpu.vector_load %arg7[%get3A_447, %get3A_448] {strides = array<i32>} : memref<2x8192xi32, #tpu.memory_space<vmem>>, vector<16xi32>,
      %sub3A = vector.broadcast %add3A_7 : i32 to vector<16xi32>
      %sub3A_450 = arith.subi %get3A_443, %sub3A : vector<16xi32>
      %ge3A = arith.constant 0 : i32
      %ge3A_451 = vector.broadcast %ge3A : i32 to vector<16xi32>
      %ge3A_452 = arith.cmpi sge, %sub3A_450, %ge3A_451 : vector<16xi32>
      %lt3A = arith.constant 32 : i32
      %lt3A_453 = vector.broadcast %lt3A : i32 to vector<16xi32>
      %lt3A_454 = arith.cmpi slt, %sub3A_450, %lt3A_453 : vector<16xi32>
      %and3A = arith.andi %ge3A_452, %lt3A_454 : vector<16xi1>
      %mul3A_455 = arith.constant 2048 : i32
      %mul3A_456 = vector.broadcast %mul3A_455 : i32 to vector<16xi32>
      %mul3A_457 = arith.muli %sub3A_450, %mul3A_456 : vector<16xi32>
      %add3A_458 = arith.addi %mul3A_457, %get3A_449 : vector<16xi32>
      %jit3A = arith.constant 0 : i32
      %broadcast_in_dim3A_459 = vector.broadcast %jit3A : i32 to vector<16xi32>
      %select_n3A = arith.select %and3A, %add3A_458, %broadcast_in_dim3A_459 : vector<16xi1>, vector<16xi32>
      tpu.vector_store_idx %arg5[%select_n3A], %broadcast_in_dim3A_3 masked %and3A {add = true} : memref<65536xf32, #tpu.memory_space<vmem>>[vector<16xi32>], vector<16xf32>, vector<16xi1>
      %add3A_460 = arith.constant 16 : i32
      %add3A_461 = arith.addi %mul3A_438, %add3A_460 : i32
      %get3A_462 = arith.constant 1 : i32
      %get3A_463 = arith.index_cast %get3A_462 : i32 to index
      %get3A_464 = arith.index_cast %add3A_461 : i32 to index
      %get3A_465 = tpu.vector_load %arg6[%get3A_463, %get3A_464] {strides = array<i32>} : memref<2x8192xi32, #tpu.memory_space<vmem>>, vector<16xi32>,
      %add3A_466 = arith.constant 16 : i32
      %add3A_467 = arith.addi %mul3A_438, %add3A_466 : i32
      %get3A_468 = arith.constant 1 : i32
      %get3A_469 = arith.index_cast %get3A_468 : i32 to index
      %get3A_470 = arith.index_cast %add3A_467 : i32 to index
      %get3A_471 = tpu.vector_load %arg7[%get3A_469, %get3A_470] {strides = array<i32>} : memref<2x8192xi32, #tpu.memory_space<vmem>>, vector<16xi32>,
      %sub3A_472 = vector.broadcast %add3A_7 : i32 to vector<16xi32>
      %sub3A_473 = arith.subi %get3A_465, %sub3A_472 : vector<16xi32>
      %ge3A_474 = arith.constant 0 : i32
      %ge3A_475 = vector.broadcast %ge3A_474 : i32 to vector<16xi32>
      %ge3A_476 = arith.cmpi sge, %sub3A_473, %ge3A_475 : vector<16xi32>
      %lt3A_477 = arith.constant 32 : i32
      %lt3A_478 = vector.broadcast %lt3A_477 : i32 to vector<16xi32>
      %lt3A_479 = arith.cmpi slt, %sub3A_473, %lt3A_478 : vector<16xi32>
      %and3A_480 = arith.andi %ge3A_476, %lt3A_479 : vector<16xi1>
      %mul3A_481 = arith.constant 2048 : i32
      %mul3A_482 = vector.broadcast %mul3A_481 : i32 to vector<16xi32>
      %mul3A_483 = arith.muli %sub3A_473, %mul3A_482 : vector<16xi32>
      %add3A_484 = arith.addi %mul3A_483, %get3A_471 : vector<16xi32>
      %jit3A_485 = arith.constant 0 : i32
      %broadcast_in_dim3A_486 = vector.broadcast %jit3A_485 : i32 to vector<16xi32>
      %select_n3A_487 = arith.select %and3A_480, %add3A_484, %broadcast_in_dim3A_486 : vector<16xi1>, vector<16xi32>
      tpu.vector_store_idx %arg5[%select_n3A_487], %broadcast_in_dim3A_3 masked %and3A_480 {add = true} : memref<65536xf32, #tpu.memory_space<vmem>>[vector<16xi32>], vector<16xf32>, vector<16xi1>
      %scan3A_488 = arith.constant 0 : i32
      scf.yield %scan3A_488 : i32
    }
    %scan3A_135 = arith.constant 256 : i32
    %dma_start3A_136 = arith.constant 1 : i32
    %dma_start3A_137 = arith.constant 0 : i32
    %dma_start3A_138 = tpu.memref_slice %arg6[%dma_start3A_136, %dma_start3A_137] : memref<2x8192xi32, #tpu.memory_space<vmem>> -> memref<1x8192xi32, #tpu.memory_space<vmem>>
    %dma_start3A_139 = tpu.memref_squeeze %dma_start3A_138 : memref<1x8192xi32, #tpu.memory_space<vmem>> -> memref<8192xi32, #tpu.memory_space<vmem>>
    %dma_start3A_140 = arith.constant 24576 : i32
    %dma_start3A_141 = tpu.memref_slice %arg2[%dma_start3A_140] : memref<32768xi32, #tpu.memory_space<hbm>> -> memref<8192xi32, #tpu.memory_space<hbm>>
    %dma_start3A_142 = arith.constant 0 : i32
    %dma_start3A_143 = tpu.memref_slice %arg6[%dma_start3A_136, %dma_start3A_142] : memref<2x8192xi32, #tpu.memory_space<vmem>> -> memref<1x8192xi32, #tpu.memory_space<vmem>>
    %dma_start3A_144 = tpu.memref_squeeze %dma_start3A_143 : memref<1x8192xi32, #tpu.memory_space<vmem>> -> memref<8192xi32, #tpu.memory_space<vmem>>
    %dma_start3A_145 = arith.constant 24576 : i32
    %dma_start3A_146 = tpu.memref_slice %arg2[%dma_start3A_145] : memref<32768xi32, #tpu.memory_space<hbm>> -> memref<8192xi32, #tpu.memory_space<hbm>>
    tpu.enqueue_dma source(%dma_start3A_146 : memref<8192xi32, #tpu.memory_space<hbm>>) target(%dma_start3A_144 : memref<8192xi32, #tpu.memory_space<vmem>>) target_semaphore(%arg9 : memref<!tpu.dma_semaphore, #tpu.memory_space<semaphore_mem>>)
    %dma_start3A_147 = arith.constant 1 : i32
    %dma_start3A_148 = arith.constant 0 : i32
    %dma_start3A_149 = tpu.memref_slice %arg7[%dma_start3A_147, %dma_start3A_148] : memref<2x8192xi32, #tpu.memory_space<vmem>> -> memref<1x8192xi32, #tpu.memory_space<vmem>>
    %dma_start3A_150 = tpu.memref_squeeze %dma_start3A_149 : memref<1x8192xi32, #tpu.memory_space<vmem>> -> memref<8192xi32, #tpu.memory_space<vmem>>
    %dma_start3A_151 = arith.constant 24576 : i32
    %dma_start3A_152 = tpu.memref_slice %arg3[%dma_start3A_151] : memref<32768xi32, #tpu.memory_space<hbm>> -> memref<8192xi32, #tpu.memory_space<hbm>>
    %dma_start3A_153 = arith.constant 0 : i32
    %dma_start3A_154 = tpu.memref_slice %arg7[%dma_start3A_147, %dma_start3A_153] : memref<2x8192xi32, #tpu.memory_space<vmem>> -> memref<1x8192xi32, #tpu.memory_space<vmem>>
    %dma_start3A_155 = tpu.memref_squeeze %dma_start3A_154 : memref<1x8192xi32, #tpu.memory_space<vmem>> -> memref<8192xi32, #tpu.memory_space<vmem>>
    %dma_start3A_156 = arith.constant 24576 : i32
    %dma_start3A_157 = tpu.memref_slice %arg3[%dma_start3A_156] : memref<32768xi32, #tpu.memory_space<hbm>> -> memref<8192xi32, #tpu.memory_space<hbm>>
    tpu.enqueue_dma source(%dma_start3A_157 : memref<8192xi32, #tpu.memory_space<hbm>>) target(%dma_start3A_155 : memref<8192xi32, #tpu.memory_space<vmem>>) target_semaphore(%arg11 : memref<!tpu.dma_semaphore, #tpu.memory_space<semaphore_mem>>)
    %dma_wait3A_158 = arith.constant 0 : i32
    %dma_wait3A_159 = arith.constant 0 : i32
    %dma_wait3A_160 = tpu.memref_slice %arg6[%dma_wait3A_158, %dma_wait3A_159] : memref<2x8192xi32, #tpu.memory_space<vmem>> -> memref<1x8192xi32, #tpu.memory_space<vmem>>
    %dma_wait3A_161 = tpu.memref_squeeze %dma_wait3A_160 : memref<1x8192xi32, #tpu.memory_space<vmem>> -> memref<8192xi32, #tpu.memory_space<vmem>>
    %dma_wait3A_162 = arith.constant 16384 : i32
    %dma_wait3A_163 = tpu.memref_slice %arg2[%dma_wait3A_162] : memref<32768xi32, #tpu.memory_space<hbm>> -> memref<8192xi32, #tpu.memory_space<hbm>>
    %dma_wait3A_164 = arith.constant 0 : i32
    %dma_wait3A_165 = tpu.memref_slice %arg6[%dma_wait3A_158, %dma_wait3A_164] : memref<2x8192xi32, #tpu.memory_space<vmem>> -> memref<1x8192xi32, #tpu.memory_space<vmem>>
    %dma_wait3A_166 = tpu.memref_squeeze %dma_wait3A_165 : memref<1x8192xi32, #tpu.memory_space<vmem>> -> memref<8192xi32, #tpu.memory_space<vmem>>
    %dma_wait3A_167 = arith.constant 16384 : i32
    %dma_wait3A_168 = tpu.memref_slice %arg2[%dma_wait3A_167] : memref<32768xi32, #tpu.memory_space<hbm>> -> memref<8192xi32, #tpu.memory_space<hbm>>
    tpu.wait_dma2 semaphore(%arg8 : memref<!tpu.dma_semaphore, #tpu.memory_space<semaphore_mem>>) src(%dma_wait3A_168 : memref<8192xi32, #tpu.memory_space<hbm>>) dst(%dma_wait3A_166 : memref<8192xi32, #tpu.memory_space<vmem>>)
    %dma_wait3A_169 = arith.constant 0 : i32
    %dma_wait3A_170 = arith.constant 0 : i32
    %dma_wait3A_171 = tpu.memref_slice %arg7[%dma_wait3A_169, %dma_wait3A_170] : memref<2x8192xi32, #tpu.memory_space<vmem>> -> memref<1x8192xi32, #tpu.memory_space<vmem>>
    %dma_wait3A_172 = tpu.memref_squeeze %dma_wait3A_171 : memref<1x8192xi32, #tpu.memory_space<vmem>> -> memref<8192xi32, #tpu.memory_space<vmem>>
    %dma_wait3A_173 = arith.constant 16384 : i32
    %dma_wait3A_174 = tpu.memref_slice %arg3[%dma_wait3A_173] : memref<32768xi32, #tpu.memory_space<hbm>> -> memref<8192xi32, #tpu.memory_space<hbm>>
    %dma_wait3A_175 = arith.constant 0 : i32
    %dma_wait3A_176 = tpu.memref_slice %arg7[%dma_wait3A_169, %dma_wait3A_175] : memref<2x8192xi32, #tpu.memory_space<vmem>> -> memref<1x8192xi32, #tpu.memory_space<vmem>>
    %dma_wait3A_177 = tpu.memref_squeeze %dma_wait3A_176 : memref<1x8192xi32, #tpu.memory_space<vmem>> -> memref<8192xi32, #tpu.memory_space<vmem>>
    %dma_wait3A_178 = arith.constant 16384 : i32
    %dma_wait3A_179 = tpu.memref_slice %arg3[%dma_wait3A_178] : memref<32768xi32, #tpu.memory_space<hbm>> -> memref<8192xi32, #tpu.memory_space<hbm>>
    tpu.wait_dma2 semaphore(%arg10 : memref<!tpu.dma_semaphore, #tpu.memory_space<semaphore_mem>>) src(%dma_wait3A_179 : memref<8192xi32, #tpu.memory_space<hbm>>) dst(%dma_wait3A_177 : memref<8192xi32, #tpu.memory_space<vmem>>)
    %scan3A_180 = arith.constant 0 : i32
    %scan3A_181 = arith.constant 0 : i32
    %scan3A_182 = arith.constant 256 : i32
    %scan3A_183 = arith.addi %scan3A_181, %scan3A_182 : i32
    %scan3A_184 = arith.constant 1 : i32
    %scan3A_185 = scf.for %scan3A_435 = %scan3A_181 to %scan3A_183 step %scan3A_184 iter_args(%scan3A_436 = %scan3A_180) -> (i32)  : i32 {
      %mul3A_437 = arith.constant 32 : i32
      %mul3A_438 = arith.muli %scan3A_435, %mul3A_437 : i32
      %add3A_439 = arith.constant 0 : i32
      %add3A_440 = arith.addi %mul3A_438, %add3A_439 : i32
      %get3A = arith.constant 0 : i32
      %get3A_441 = arith.index_cast %get3A : i32 to index
      %get3A_442 = arith.index_cast %add3A_440 : i32 to index
      %get3A_443 = tpu.vector_load %arg6[%get3A_441, %get3A_442] {strides = array<i32>} : memref<2x8192xi32, #tpu.memory_space<vmem>>, vector<16xi32>,
      %add3A_444 = arith.constant 0 : i32
      %add3A_445 = arith.addi %mul3A_438, %add3A_444 : i32
      %get3A_446 = arith.constant 0 : i32
      %get3A_447 = arith.index_cast %get3A_446 : i32 to index
      %get3A_448 = arith.index_cast %add3A_445 : i32 to index
      %get3A_449 = tpu.vector_load %arg7[%get3A_447, %get3A_448] {strides = array<i32>} : memref<2x8192xi32, #tpu.memory_space<vmem>>, vector<16xi32>,
      %sub3A = vector.broadcast %add3A_7 : i32 to vector<16xi32>
      %sub3A_450 = arith.subi %get3A_443, %sub3A : vector<16xi32>
      %ge3A = arith.constant 0 : i32
      %ge3A_451 = vector.broadcast %ge3A : i32 to vector<16xi32>
      %ge3A_452 = arith.cmpi sge, %sub3A_450, %ge3A_451 : vector<16xi32>
      %lt3A = arith.constant 32 : i32
      %lt3A_453 = vector.broadcast %lt3A : i32 to vector<16xi32>
      %lt3A_454 = arith.cmpi slt, %sub3A_450, %lt3A_453 : vector<16xi32>
      %and3A = arith.andi %ge3A_452, %lt3A_454 : vector<16xi1>
      %mul3A_455 = arith.constant 2048 : i32
      %mul3A_456 = vector.broadcast %mul3A_455 : i32 to vector<16xi32>
      %mul3A_457 = arith.muli %sub3A_450, %mul3A_456 : vector<16xi32>
      %add3A_458 = arith.addi %mul3A_457, %get3A_449 : vector<16xi32>
      %jit3A = arith.constant 0 : i32
      %broadcast_in_dim3A_459 = vector.broadcast %jit3A : i32 to vector<16xi32>
      %select_n3A = arith.select %and3A, %add3A_458, %broadcast_in_dim3A_459 : vector<16xi1>, vector<16xi32>
      tpu.vector_store_idx %arg5[%select_n3A], %broadcast_in_dim3A_3 masked %and3A {add = true} : memref<65536xf32, #tpu.memory_space<vmem>>[vector<16xi32>], vector<16xf32>, vector<16xi1>
      %add3A_460 = arith.constant 16 : i32
      %add3A_461 = arith.addi %mul3A_438, %add3A_460 : i32
      %get3A_462 = arith.constant 0 : i32
      %get3A_463 = arith.index_cast %get3A_462 : i32 to index
      %get3A_464 = arith.index_cast %add3A_461 : i32 to index
      %get3A_465 = tpu.vector_load %arg6[%get3A_463, %get3A_464] {strides = array<i32>} : memref<2x8192xi32, #tpu.memory_space<vmem>>, vector<16xi32>,
      %add3A_466 = arith.constant 16 : i32
      %add3A_467 = arith.addi %mul3A_438, %add3A_466 : i32
      %get3A_468 = arith.constant 0 : i32
      %get3A_469 = arith.index_cast %get3A_468 : i32 to index
      %get3A_470 = arith.index_cast %add3A_467 : i32 to index
      %get3A_471 = tpu.vector_load %arg7[%get3A_469, %get3A_470] {strides = array<i32>} : memref<2x8192xi32, #tpu.memory_space<vmem>>, vector<16xi32>,
      %sub3A_472 = vector.broadcast %add3A_7 : i32 to vector<16xi32>
      %sub3A_473 = arith.subi %get3A_465, %sub3A_472 : vector<16xi32>
      %ge3A_474 = arith.constant 0 : i32
      %ge3A_475 = vector.broadcast %ge3A_474 : i32 to vector<16xi32>
      %ge3A_476 = arith.cmpi sge, %sub3A_473, %ge3A_475 : vector<16xi32>
      %lt3A_477 = arith.constant 32 : i32
      %lt3A_478 = vector.broadcast %lt3A_477 : i32 to vector<16xi32>
      %lt3A_479 = arith.cmpi slt, %sub3A_473, %lt3A_478 : vector<16xi32>
      %and3A_480 = arith.andi %ge3A_476, %lt3A_479 : vector<16xi1>
      %mul3A_481 = arith.constant 2048 : i32
      %mul3A_482 = vector.broadcast %mul3A_481 : i32 to vector<16xi32>
      %mul3A_483 = arith.muli %sub3A_473, %mul3A_482 : vector<16xi32>
      %add3A_484 = arith.addi %mul3A_483, %get3A_471 : vector<16xi32>
      %jit3A_485 = arith.constant 0 : i32
      %broadcast_in_dim3A_486 = vector.broadcast %jit3A_485 : i32 to vector<16xi32>
      %select_n3A_487 = arith.select %and3A_480, %add3A_484, %broadcast_in_dim3A_486 : vector<16xi1>, vector<16xi32>
      tpu.vector_store_idx %arg5[%select_n3A_487], %broadcast_in_dim3A_3 masked %and3A_480 {add = true} : memref<65536xf32, #tpu.memory_space<vmem>>[vector<16xi32>], vector<16xf32>, vector<16xi1>
      %scan3A_488 = arith.constant 0 : i32
      scf.yield %scan3A_488 : i32
    }
    %scan3A_186 = arith.constant 256 : i32
    %dma_wait3A_187 = arith.constant 1 : i32
    %dma_wait3A_188 = arith.constant 0 : i32
    %dma_wait3A_189 = tpu.memref_slice %arg6[%dma_wait3A_187, %dma_wait3A_188] : memref<2x8192xi32, #tpu.memory_space<vmem>> -> memref<1x8192xi32, #tpu.memory_space<vmem>>
    %dma_wait3A_190 = tpu.memref_squeeze %dma_wait3A_189 : memref<1x8192xi32, #tpu.memory_space<vmem>> -> memref<8192xi32, #tpu.memory_space<vmem>>
    %dma_wait3A_191 = arith.constant 24576 : i32
    %dma_wait3A_192 = tpu.memref_slice %arg2[%dma_wait3A_191] : memref<32768xi32, #tpu.memory_space<hbm>> -> memref<8192xi32, #tpu.memory_space<hbm>>
    %dma_wait3A_193 = arith.constant 0 : i32
    %dma_wait3A_194 = tpu.memref_slice %arg6[%dma_wait3A_187, %dma_wait3A_193] : memref<2x8192xi32, #tpu.memory_space<vmem>> -> memref<1x8192xi32, #tpu.memory_space<vmem>>
    %dma_wait3A_195 = tpu.memref_squeeze %dma_wait3A_194 : memref<1x8192xi32, #tpu.memory_space<vmem>> -> memref<8192xi32, #tpu.memory_space<vmem>>
    %dma_wait3A_196 = arith.constant 24576 : i32
    %dma_wait3A_197 = tpu.memref_slice %arg2[%dma_wait3A_196] : memref<32768xi32, #tpu.memory_space<hbm>> -> memref<8192xi32, #tpu.memory_space<hbm>>
    tpu.wait_dma2 semaphore(%arg9 : memref<!tpu.dma_semaphore, #tpu.memory_space<semaphore_mem>>) src(%dma_wait3A_197 : memref<8192xi32, #tpu.memory_space<hbm>>) dst(%dma_wait3A_195 : memref<8192xi32, #tpu.memory_space<vmem>>)
    %dma_wait3A_198 = arith.constant 1 : i32
    %dma_wait3A_199 = arith.constant 0 : i32
    %dma_wait3A_200 = tpu.memref_slice %arg7[%dma_wait3A_198, %dma_wait3A_199] : memref<2x8192xi32, #tpu.memory_space<vmem>> -> memref<1x8192xi32, #tpu.memory_space<vmem>>
    %dma_wait3A_201 = tpu.memref_squeeze %dma_wait3A_200 : memref<1x8192xi32, #tpu.memory_space<vmem>> -> memref<8192xi32, #tpu.memory_space<vmem>>
    %dma_wait3A_202 = arith.constant 24576 : i32
    %dma_wait3A_203 = tpu.memref_slice %arg3[%dma_wait3A_202] : memref<32768xi32, #tpu.memory_space<hbm>> -> memref<8192xi32, #tpu.memory_space<hbm>>
    %dma_wait3A_204 = arith.constant 0 : i32
    %dma_wait3A_205 = tpu.memref_slice %arg7[%dma_wait3A_198, %dma_wait3A_204] : memref<2x8192xi32, #tpu.memory_space<vmem>> -> memref<1x8192xi32, #tpu.memory_space<vmem>>
    %dma_wait3A_206 = tpu.memref_squeeze %dma_wait3A_205 : memref<1x8192xi32, #tpu.memory_space<vmem>> -> memref<8192xi32, #tpu.memory_space<vmem>>
    %dma_wait3A_207 = arith.constant 24576 : i32
    %dma_wait3A_208 = tpu.memref_slice %arg3[%dma_wait3A_207] : memref<32768xi32, #tpu.memory_space<hbm>> -> memref<8192xi32, #tpu.memory_space<hbm>>
    tpu.wait_dma2 semaphore(%arg11 : memref<!tpu.dma_semaphore, #tpu.memory_space<semaphore_mem>>) src(%dma_wait3A_208 : memref<8192xi32, #tpu.memory_space<hbm>>) dst(%dma_wait3A_206 : memref<8192xi32, #tpu.memory_space<vmem>>)
    %scan3A_209 = arith.constant 0 : i32
    %scan3A_210 = arith.constant 0 : i32
    %scan3A_211 = arith.constant 256 : i32
    %scan3A_212 = arith.addi %scan3A_210, %scan3A_211 : i32
    %scan3A_213 = arith.constant 1 : i32
    %scan3A_214 = scf.for %scan3A_435 = %scan3A_210 to %scan3A_212 step %scan3A_213 iter_args(%scan3A_436 = %scan3A_209) -> (i32)  : i32 {
      %mul3A_437 = arith.constant 32 : i32
      %mul3A_438 = arith.muli %scan3A_435, %mul3A_437 : i32
      %add3A_439 = arith.constant 0 : i32
      %add3A_440 = arith.addi %mul3A_438, %add3A_439 : i32
      %get3A = arith.constant 1 : i32
      %get3A_441 = arith.index_cast %get3A : i32 to index
      %get3A_442 = arith.index_cast %add3A_440 : i32 to index
      %get3A_443 = tpu.vector_load %arg6[%get3A_441, %get3A_442] {strides = array<i32>} : memref<2x8192xi32, #tpu.memory_space<vmem>>, vector<16xi32>,
      %add3A_444 = arith.constant 0 : i32
      %add3A_445 = arith.addi %mul3A_438, %add3A_444 : i32
      %get3A_446 = arith.constant 1 : i32
      %get3A_447 = arith.index_cast %get3A_446 : i32 to index
      %get3A_448 = arith.index_cast %add3A_445 : i32 to index
      %get3A_449 = tpu.vector_load %arg7[%get3A_447, %get3A_448] {strides = array<i32>} : memref<2x8192xi32, #tpu.memory_space<vmem>>, vector<16xi32>,
      %sub3A = vector.broadcast %add3A_7 : i32 to vector<16xi32>
      %sub3A_450 = arith.subi %get3A_443, %sub3A : vector<16xi32>
      %ge3A = arith.constant 0 : i32
      %ge3A_451 = vector.broadcast %ge3A : i32 to vector<16xi32>
      %ge3A_452 = arith.cmpi sge, %sub3A_450, %ge3A_451 : vector<16xi32>
      %lt3A = arith.constant 32 : i32
      %lt3A_453 = vector.broadcast %lt3A : i32 to vector<16xi32>
      %lt3A_454 = arith.cmpi slt, %sub3A_450, %lt3A_453 : vector<16xi32>
      %and3A = arith.andi %ge3A_452, %lt3A_454 : vector<16xi1>
      %mul3A_455 = arith.constant 2048 : i32
      %mul3A_456 = vector.broadcast %mul3A_455 : i32 to vector<16xi32>
      %mul3A_457 = arith.muli %sub3A_450, %mul3A_456 : vector<16xi32>
      %add3A_458 = arith.addi %mul3A_457, %get3A_449 : vector<16xi32>
      %jit3A = arith.constant 0 : i32
      %broadcast_in_dim3A_459 = vector.broadcast %jit3A : i32 to vector<16xi32>
      %select_n3A = arith.select %and3A, %add3A_458, %broadcast_in_dim3A_459 : vector<16xi1>, vector<16xi32>
      tpu.vector_store_idx %arg5[%select_n3A], %broadcast_in_dim3A_3 masked %and3A {add = true} : memref<65536xf32, #tpu.memory_space<vmem>>[vector<16xi32>], vector<16xf32>, vector<16xi1>
      %add3A_460 = arith.constant 16 : i32
      %add3A_461 = arith.addi %mul3A_438, %add3A_460 : i32
      %get3A_462 = arith.constant 1 : i32
      %get3A_463 = arith.index_cast %get3A_462 : i32 to index
      %get3A_464 = arith.index_cast %add3A_461 : i32 to index
      %get3A_465 = tpu.vector_load %arg6[%get3A_463, %get3A_464] {strides = array<i32>} : memref<2x8192xi32, #tpu.memory_space<vmem>>, vector<16xi32>,
      %add3A_466 = arith.constant 16 : i32
      %add3A_467 = arith.addi %mul3A_438, %add3A_466 : i32
      %get3A_468 = arith.constant 1 : i32
      %get3A_469 = arith.index_cast %get3A_468 : i32 to index
      %get3A_470 = arith.index_cast %add3A_467 : i32 to index
      %get3A_471 = tpu.vector_load %arg7[%get3A_469, %get3A_470] {strides = array<i32>} : memref<2x8192xi32, #tpu.memory_space<vmem>>, vector<16xi32>,
      %sub3A_472 = vector.broadcast %add3A_7 : i32 to vector<16xi32>
      %sub3A_473 = arith.subi %get3A_465, %sub3A_472 : vector<16xi32>
      %ge3A_474 = arith.constant 0 : i32
      %ge3A_475 = vector.broadcast %ge3A_474 : i32 to vector<16xi32>
      %ge3A_476 = arith.cmpi sge, %sub3A_473, %ge3A_475 : vector<16xi32>
      %lt3A_477 = arith.constant 32 : i32
      %lt3A_478 = vector.broadcast %lt3A_477 : i32 to vector<16xi32>
      %lt3A_479 = arith.cmpi slt, %sub3A_473, %lt3A_478 : vector<16xi32>
      %and3A_480 = arith.andi %ge3A_476, %lt3A_479 : vector<16xi1>
      %mul3A_481 = arith.constant 2048 : i32
      %mul3A_482 = vector.broadcast %mul3A_481 : i32 to vector<16xi32>
      %mul3A_483 = arith.muli %sub3A_473, %mul3A_482 : vector<16xi32>
      %add3A_484 = arith.addi %mul3A_483, %get3A_471 : vector<16xi32>
      %jit3A_485 = arith.constant 0 : i32
      %broadcast_in_dim3A_486 = vector.broadcast %jit3A_485 : i32 to vector<16xi32>
      %select_n3A_487 = arith.select %and3A_480, %add3A_484, %broadcast_in_dim3A_486 : vector<16xi1>, vector<16xi32>
      tpu.vector_store_idx %arg5[%select_n3A_487], %broadcast_in_dim3A_3 masked %and3A_480 {add = true} : memref<65536xf32, #tpu.memory_space<vmem>>[vector<16xi32>], vector<16xf32>, vector<16xi1>
      %scan3A_488 = arith.constant 0 : i32
      scf.yield %scan3A_488 : i32
    }
    %scan3A_215 = arith.constant 256 : i32
    %mul3A_216 = arith.constant 2048 : i32
    %mul3A_217 = arith.muli %add3A_7, %mul3A_216 : i32
    "tpu.region"() ({
      %run_scoped3A = tpu.sem_alloc : memref<!tpu.dma_semaphore, #tpu.memory_space<semaphore_mem>>
      %dma_start3A_435 = tpu.memref_slice %arg4[%mul3A_217] : memref<4194304xf32, #tpu.memory_space<hbm>> -> memref<65536xf32, #tpu.memory_space<hbm>>
      %dma_start3A_436 = tpu.memref_slice %arg4[%mul3A_217] : memref<4194304xf32, #tpu.memory_space<hbm>> -> memref<65536xf32, #tpu.memory_space<hbm>>
      tpu.enqueue_dma source(%arg5 : memref<65536xf32, #tpu.memory_space<vmem>>) target(%dma_start3A_436 : memref<65536xf32, #tpu.memory_space<hbm>>) target_semaphore(%run_scoped3A : memref<!tpu.dma_semaphore, #tpu.memory_space<semaphore_mem>>)
      %dma_wait3A_437 = tpu.memref_slice %arg4[%mul3A_217] : memref<4194304xf32, #tpu.memory_space<hbm>> -> memref<65536xf32, #tpu.memory_space<hbm>>
      %dma_wait3A_438 = tpu.memref_slice %arg4[%mul3A_217] : memref<4194304xf32, #tpu.memory_space<hbm>> -> memref<65536xf32, #tpu.memory_space<hbm>>
      tpu.wait_dma2 semaphore(%run_scoped3A : memref<!tpu.dma_semaphore, #tpu.memory_space<semaphore_mem>>) src(%arg5 : memref<65536xf32, #tpu.memory_space<vmem>>) dst(%dma_wait3A_438 : memref<65536xf32, #tpu.memory_space<hbm>>)
      tpu.yield
    }) : () -> ()
    %mul3A_218 = arith.constant 64 : i32
    %mul3A_219 = arith.muli %add3A, %mul3A_218 : i32
    %add3A_220 = arith.constant 32 : i32
    %add3A_221 = arith.addi %mul3A_219, %add3A_220 : i32
    %dma_start3A_222 = arith.constant 0 : i32
    %dma_start3A_223 = arith.constant 0 : i32
    %dma_start3A_224 = tpu.memref_slice %arg6[%dma_start3A_222, %dma_start3A_223] : memref<2x8192xi32, #tpu.memory_space<vmem>> -> memref<1x8192xi32, #tpu.memory_space<vmem>>
    %dma_start3A_225 = tpu.memref_squeeze %dma_start3A_224 : memref<1x8192xi32, #tpu.memory_space<vmem>> -> memref<8192xi32, #tpu.memory_space<vmem>>
    %dma_start3A_226 = arith.constant 0 : i32
    %dma_start3A_227 = tpu.memref_slice %arg2[%dma_start3A_226] : memref<32768xi32, #tpu.memory_space<hbm>> -> memref<8192xi32, #tpu.memory_space<hbm>>
    %dma_start3A_228 = arith.constant 0 : i32
    %dma_start3A_229 = tpu.memref_slice %arg6[%dma_start3A_222, %dma_start3A_228] : memref<2x8192xi32, #tpu.memory_space<vmem>> -> memref<1x8192xi32, #tpu.memory_space<vmem>>
    %dma_start3A_230 = tpu.memref_squeeze %dma_start3A_229 : memref<1x8192xi32, #tpu.memory_space<vmem>> -> memref<8192xi32, #tpu.memory_space<vmem>>
    %dma_start3A_231 = arith.constant 0 : i32
    %dma_start3A_232 = tpu.memref_slice %arg2[%dma_start3A_231] : memref<32768xi32, #tpu.memory_space<hbm>> -> memref<8192xi32, #tpu.memory_space<hbm>>
    tpu.enqueue_dma source(%dma_start3A_232 : memref<8192xi32, #tpu.memory_space<hbm>>) target(%dma_start3A_230 : memref<8192xi32, #tpu.memory_space<vmem>>) target_semaphore(%arg8 : memref<!tpu.dma_semaphore, #tpu.memory_space<semaphore_mem>>)
    %dma_start3A_233 = arith.constant 0 : i32
    %dma_start3A_234 = arith.constant 0 : i32
    %dma_start3A_235 = tpu.memref_slice %arg7[%dma_start3A_233, %dma_start3A_234] : memref<2x8192xi32, #tpu.memory_space<vmem>> -> memref<1x8192xi32, #tpu.memory_space<vmem>>
    %dma_start3A_236 = tpu.memref_squeeze %dma_start3A_235 : memref<1x8192xi32, #tpu.memory_space<vmem>> -> memref<8192xi32, #tpu.memory_space<vmem>>
    %dma_start3A_237 = arith.constant 0 : i32
    %dma_start3A_238 = tpu.memref_slice %arg3[%dma_start3A_237] : memref<32768xi32, #tpu.memory_space<hbm>> -> memref<8192xi32, #tpu.memory_space<hbm>>
    %dma_start3A_239 = arith.constant 0 : i32
    %dma_start3A_240 = tpu.memref_slice %arg7[%dma_start3A_233, %dma_start3A_239] : memref<2x8192xi32, #tpu.memory_space<vmem>> -> memref<1x8192xi32, #tpu.memory_space<vmem>>
    %dma_start3A_241 = tpu.memref_squeeze %dma_start3A_240 : memref<1x8192xi32, #tpu.memory_space<vmem>> -> memref<8192xi32, #tpu.memory_space<vmem>>
    %dma_start3A_242 = arith.constant 0 : i32
    %dma_start3A_243 = tpu.memref_slice %arg3[%dma_start3A_242] : memref<32768xi32, #tpu.memory_space<hbm>> -> memref<8192xi32, #tpu.memory_space<hbm>>
    tpu.enqueue_dma source(%dma_start3A_243 : memref<8192xi32, #tpu.memory_space<hbm>>) target(%dma_start3A_241 : memref<8192xi32, #tpu.memory_space<vmem>>) target_semaphore(%arg10 : memref<!tpu.dma_semaphore, #tpu.memory_space<semaphore_mem>>)
    %scan3A_244 = arith.constant 0 : i32
    %scan3A_245 = arith.constant 0 : i32
    %scan3A_246 = arith.constant 512 : i32
    %scan3A_247 = arith.addi %scan3A_245, %scan3A_246 : i32
    %scan3A_248 = arith.constant 1 : i32
    %scan3A_249 = scf.for %scan3A_435 = %scan3A_245 to %scan3A_247 step %scan3A_248 iter_args(%scan3A_436 = %scan3A_244) -> (i32)  : i32 {
      %mul3A_437 = arith.constant 128 : i32
      %mul3A_438 = arith.muli %scan3A_435, %mul3A_437 : i32
      %add3A_439 = arith.constant 0 : i32
      %add3A_440 = arith.addi %mul3A_438, %add3A_439 : i32
      %swap3A = arith.index_cast %add3A_440 : i32 to index
      %swap3A_441 = tpu.vector_load %arg5[%swap3A] {strides = array<i32>} : memref<65536xf32, #tpu.memory_space<vmem>>, vector<16xf32>,
      tpu.vector_store %arg5[%swap3A], %broadcast_in_dim3A_1 {strides = array<i32>} : memref<65536xf32, #tpu.memory_space<vmem>>, vector<16xf32>,
      %add3A_442 = arith.constant 16 : i32
      %add3A_443 = arith.addi %mul3A_438, %add3A_442 : i32
      %swap3A_444 = arith.index_cast %add3A_443 : i32 to index
      %swap3A_445 = tpu.vector_load %arg5[%swap3A_444] {strides = array<i32>} : memref<65536xf32, #tpu.memory_space<vmem>>, vector<16xf32>,
      tpu.vector_store %arg5[%swap3A_444], %broadcast_in_dim3A_1 {strides = array<i32>} : memref<65536xf32, #tpu.memory_space<vmem>>, vector<16xf32>,
      %add3A_446 = arith.constant 32 : i32
      %add3A_447 = arith.addi %mul3A_438, %add3A_446 : i32
      %swap3A_448 = arith.index_cast %add3A_447 : i32 to index
      %swap3A_449 = tpu.vector_load %arg5[%swap3A_448] {strides = array<i32>} : memref<65536xf32, #tpu.memory_space<vmem>>, vector<16xf32>,
      tpu.vector_store %arg5[%swap3A_448], %broadcast_in_dim3A_1 {strides = array<i32>} : memref<65536xf32, #tpu.memory_space<vmem>>, vector<16xf32>,
      %add3A_450 = arith.constant 48 : i32
      %add3A_451 = arith.addi %mul3A_438, %add3A_450 : i32
      %swap3A_452 = arith.index_cast %add3A_451 : i32 to index
      %swap3A_453 = tpu.vector_load %arg5[%swap3A_452] {strides = array<i32>} : memref<65536xf32, #tpu.memory_space<vmem>>, vector<16xf32>,
      tpu.vector_store %arg5[%swap3A_452], %broadcast_in_dim3A_1 {strides = array<i32>} : memref<65536xf32, #tpu.memory_space<vmem>>, vector<16xf32>,
      %add3A_454 = arith.constant 64 : i32
      %add3A_455 = arith.addi %mul3A_438, %add3A_454 : i32
      %swap3A_456 = arith.index_cast %add3A_455 : i32 to index
      %swap3A_457 = tpu.vector_load %arg5[%swap3A_456] {strides = array<i32>} : memref<65536xf32, #tpu.memory_space<vmem>>, vector<16xf32>,
      tpu.vector_store %arg5[%swap3A_456], %broadcast_in_dim3A_1 {strides = array<i32>} : memref<65536xf32, #tpu.memory_space<vmem>>, vector<16xf32>,
      %add3A_458 = arith.constant 80 : i32
      %add3A_459 = arith.addi %mul3A_438, %add3A_458 : i32
      %swap3A_460 = arith.index_cast %add3A_459 : i32 to index
      %swap3A_461 = tpu.vector_load %arg5[%swap3A_460] {strides = array<i32>} : memref<65536xf32, #tpu.memory_space<vmem>>, vector<16xf32>,
      tpu.vector_store %arg5[%swap3A_460], %broadcast_in_dim3A_1 {strides = array<i32>} : memref<65536xf32, #tpu.memory_space<vmem>>, vector<16xf32>,
      %add3A_462 = arith.constant 96 : i32
      %add3A_463 = arith.addi %mul3A_438, %add3A_462 : i32
      %swap3A_464 = arith.index_cast %add3A_463 : i32 to index
      %swap3A_465 = tpu.vector_load %arg5[%swap3A_464] {strides = array<i32>} : memref<65536xf32, #tpu.memory_space<vmem>>, vector<16xf32>,
      tpu.vector_store %arg5[%swap3A_464], %broadcast_in_dim3A_1 {strides = array<i32>} : memref<65536xf32, #tpu.memory_space<vmem>>, vector<16xf32>,
      %add3A_466 = arith.constant 112 : i32
      %add3A_467 = arith.addi %mul3A_438, %add3A_466 : i32
      %swap3A_468 = arith.index_cast %add3A_467 : i32 to index
      %swap3A_469 = tpu.vector_load %arg5[%swap3A_468] {strides = array<i32>} : memref<65536xf32, #tpu.memory_space<vmem>>, vector<16xf32>,
      tpu.vector_store %arg5[%swap3A_468], %broadcast_in_dim3A_1 {strides = array<i32>} : memref<65536xf32, #tpu.memory_space<vmem>>, vector<16xf32>,
      %scan3A_470 = arith.constant 0 : i32
      scf.yield %scan3A_470 : i32
    }
    %scan3A_250 = arith.constant 512 : i32
    %dma_start3A_251 = arith.constant 1 : i32
    %dma_start3A_252 = arith.constant 0 : i32
    %dma_start3A_253 = tpu.memref_slice %arg6[%dma_start3A_251, %dma_start3A_252] : memref<2x8192xi32, #tpu.memory_space<vmem>> -> memref<1x8192xi32, #tpu.memory_space<vmem>>
    %dma_start3A_254 = tpu.memref_squeeze %dma_start3A_253 : memref<1x8192xi32, #tpu.memory_space<vmem>> -> memref<8192xi32, #tpu.memory_space<vmem>>
    %dma_start3A_255 = arith.constant 8192 : i32
    %dma_start3A_256 = tpu.memref_slice %arg2[%dma_start3A_255] : memref<32768xi32, #tpu.memory_space<hbm>> -> memref<8192xi32, #tpu.memory_space<hbm>>
    %dma_start3A_257 = arith.constant 0 : i32
    %dma_start3A_258 = tpu.memref_slice %arg6[%dma_start3A_251, %dma_start3A_257] : memref<2x8192xi32, #tpu.memory_space<vmem>> -> memref<1x8192xi32, #tpu.memory_space<vmem>>
    %dma_start3A_259 = tpu.memref_squeeze %dma_start3A_258 : memref<1x8192xi32, #tpu.memory_space<vmem>> -> memref<8192xi32, #tpu.memory_space<vmem>>
    %dma_start3A_260 = arith.constant 8192 : i32
    %dma_start3A_261 = tpu.memref_slice %arg2[%dma_start3A_260] : memref<32768xi32, #tpu.memory_space<hbm>> -> memref<8192xi32, #tpu.memory_space<hbm>>
    tpu.enqueue_dma source(%dma_start3A_261 : memref<8192xi32, #tpu.memory_space<hbm>>) target(%dma_start3A_259 : memref<8192xi32, #tpu.memory_space<vmem>>) target_semaphore(%arg9 : memref<!tpu.dma_semaphore, #tpu.memory_space<semaphore_mem>>)
    %dma_start3A_262 = arith.constant 1 : i32
    %dma_start3A_263 = arith.constant 0 : i32
    %dma_start3A_264 = tpu.memref_slice %arg7[%dma_start3A_262, %dma_start3A_263] : memref<2x8192xi32, #tpu.memory_space<vmem>> -> memref<1x8192xi32, #tpu.memory_space<vmem>>
    %dma_start3A_265 = tpu.memref_squeeze %dma_start3A_264 : memref<1x8192xi32, #tpu.memory_space<vmem>> -> memref<8192xi32, #tpu.memory_space<vmem>>
    %dma_start3A_266 = arith.constant 8192 : i32
    %dma_start3A_267 = tpu.memref_slice %arg3[%dma_start3A_266] : memref<32768xi32, #tpu.memory_space<hbm>> -> memref<8192xi32, #tpu.memory_space<hbm>>
    %dma_start3A_268 = arith.constant 0 : i32
    %dma_start3A_269 = tpu.memref_slice %arg7[%dma_start3A_262, %dma_start3A_268] : memref<2x8192xi32, #tpu.memory_space<vmem>> -> memref<1x8192xi32, #tpu.memory_space<vmem>>
    %dma_start3A_270 = tpu.memref_squeeze %dma_start3A_269 : memref<1x8192xi32, #tpu.memory_space<vmem>> -> memref<8192xi32, #tpu.memory_space<vmem>>
    %dma_start3A_271 = arith.constant 8192 : i32
    %dma_start3A_272 = tpu.memref_slice %arg3[%dma_start3A_271] : memref<32768xi32, #tpu.memory_space<hbm>> -> memref<8192xi32, #tpu.memory_space<hbm>>
    tpu.enqueue_dma source(%dma_start3A_272 : memref<8192xi32, #tpu.memory_space<hbm>>) target(%dma_start3A_270 : memref<8192xi32, #tpu.memory_space<vmem>>) target_semaphore(%arg11 : memref<!tpu.dma_semaphore, #tpu.memory_space<semaphore_mem>>)
    %dma_wait3A_273 = arith.constant 0 : i32
    %dma_wait3A_274 = arith.constant 0 : i32
    %dma_wait3A_275 = tpu.memref_slice %arg6[%dma_wait3A_273, %dma_wait3A_274] : memref<2x8192xi32, #tpu.memory_space<vmem>> -> memref<1x8192xi32, #tpu.memory_space<vmem>>
    %dma_wait3A_276 = tpu.memref_squeeze %dma_wait3A_275 : memref<1x8192xi32, #tpu.memory_space<vmem>> -> memref<8192xi32, #tpu.memory_space<vmem>>
    %dma_wait3A_277 = arith.constant 0 : i32
    %dma_wait3A_278 = tpu.memref_slice %arg2[%dma_wait3A_277] : memref<32768xi32, #tpu.memory_space<hbm>> -> memref<8192xi32, #tpu.memory_space<hbm>>
    %dma_wait3A_279 = arith.constant 0 : i32
    %dma_wait3A_280 = tpu.memref_slice %arg6[%dma_wait3A_273, %dma_wait3A_279] : memref<2x8192xi32, #tpu.memory_space<vmem>> -> memref<1x8192xi32, #tpu.memory_space<vmem>>
    %dma_wait3A_281 = tpu.memref_squeeze %dma_wait3A_280 : memref<1x8192xi32, #tpu.memory_space<vmem>> -> memref<8192xi32, #tpu.memory_space<vmem>>
    %dma_wait3A_282 = arith.constant 0 : i32
    %dma_wait3A_283 = tpu.memref_slice %arg2[%dma_wait3A_282] : memref<32768xi32, #tpu.memory_space<hbm>> -> memref<8192xi32, #tpu.memory_space<hbm>>
    tpu.wait_dma2 semaphore(%arg8 : memref<!tpu.dma_semaphore, #tpu.memory_space<semaphore_mem>>) src(%dma_wait3A_283 : memref<8192xi32, #tpu.memory_space<hbm>>) dst(%dma_wait3A_281 : memref<8192xi32, #tpu.memory_space<vmem>>)
    %dma_wait3A_284 = arith.constant 0 : i32
    %dma_wait3A_285 = arith.constant 0 : i32
    %dma_wait3A_286 = tpu.memref_slice %arg7[%dma_wait3A_284, %dma_wait3A_285] : memref<2x8192xi32, #tpu.memory_space<vmem>> -> memref<1x8192xi32, #tpu.memory_space<vmem>>
    %dma_wait3A_287 = tpu.memref_squeeze %dma_wait3A_286 : memref<1x8192xi32, #tpu.memory_space<vmem>> -> memref<8192xi32, #tpu.memory_space<vmem>>
    %dma_wait3A_288 = arith.constant 0 : i32
    %dma_wait3A_289 = tpu.memref_slice %arg3[%dma_wait3A_288] : memref<32768xi32, #tpu.memory_space<hbm>> -> memref<8192xi32, #tpu.memory_space<hbm>>
    %dma_wait3A_290 = arith.constant 0 : i32
    %dma_wait3A_291 = tpu.memref_slice %arg7[%dma_wait3A_284, %dma_wait3A_290] : memref<2x8192xi32, #tpu.memory_space<vmem>> -> memref<1x8192xi32, #tpu.memory_space<vmem>>
    %dma_wait3A_292 = tpu.memref_squeeze %dma_wait3A_291 : memref<1x8192xi32, #tpu.memory_space<vmem>> -> memref<8192xi32, #tpu.memory_space<vmem>>
    %dma_wait3A_293 = arith.constant 0 : i32
    %dma_wait3A_294 = tpu.memref_slice %arg3[%dma_wait3A_293] : memref<32768xi32, #tpu.memory_space<hbm>> -> memref<8192xi32, #tpu.memory_space<hbm>>
    tpu.wait_dma2 semaphore(%arg10 : memref<!tpu.dma_semaphore, #tpu.memory_space<semaphore_mem>>) src(%dma_wait3A_294 : memref<8192xi32, #tpu.memory_space<hbm>>) dst(%dma_wait3A_292 : memref<8192xi32, #tpu.memory_space<vmem>>)
    %scan3A_295 = arith.constant 0 : i32
    %scan3A_296 = arith.constant 0 : i32
    %scan3A_297 = arith.constant 256 : i32
    %scan3A_298 = arith.addi %scan3A_296, %scan3A_297 : i32
    %scan3A_299 = arith.constant 1 : i32
    %scan3A_300 = scf.for %scan3A_435 = %scan3A_296 to %scan3A_298 step %scan3A_299 iter_args(%scan3A_436 = %scan3A_295) -> (i32)  : i32 {
      %mul3A_437 = arith.constant 32 : i32
      %mul3A_438 = arith.muli %scan3A_435, %mul3A_437 : i32
      %add3A_439 = arith.constant 0 : i32
      %add3A_440 = arith.addi %mul3A_438, %add3A_439 : i32
      %get3A = arith.constant 0 : i32
      %get3A_441 = arith.index_cast %get3A : i32 to index
      %get3A_442 = arith.index_cast %add3A_440 : i32 to index
      %get3A_443 = tpu.vector_load %arg6[%get3A_441, %get3A_442] {strides = array<i32>} : memref<2x8192xi32, #tpu.memory_space<vmem>>, vector<16xi32>,
      %add3A_444 = arith.constant 0 : i32
      %add3A_445 = arith.addi %mul3A_438, %add3A_444 : i32
      %get3A_446 = arith.constant 0 : i32
      %get3A_447 = arith.index_cast %get3A_446 : i32 to index
      %get3A_448 = arith.index_cast %add3A_445 : i32 to index
      %get3A_449 = tpu.vector_load %arg7[%get3A_447, %get3A_448] {strides = array<i32>} : memref<2x8192xi32, #tpu.memory_space<vmem>>, vector<16xi32>,
      %sub3A = vector.broadcast %add3A_221 : i32 to vector<16xi32>
      %sub3A_450 = arith.subi %get3A_443, %sub3A : vector<16xi32>
      %ge3A = arith.constant 0 : i32
      %ge3A_451 = vector.broadcast %ge3A : i32 to vector<16xi32>
      %ge3A_452 = arith.cmpi sge, %sub3A_450, %ge3A_451 : vector<16xi32>
      %lt3A = arith.constant 32 : i32
      %lt3A_453 = vector.broadcast %lt3A : i32 to vector<16xi32>
      %lt3A_454 = arith.cmpi slt, %sub3A_450, %lt3A_453 : vector<16xi32>
      %and3A = arith.andi %ge3A_452, %lt3A_454 : vector<16xi1>
      %mul3A_455 = arith.constant 2048 : i32
      %mul3A_456 = vector.broadcast %mul3A_455 : i32 to vector<16xi32>
      %mul3A_457 = arith.muli %sub3A_450, %mul3A_456 : vector<16xi32>
      %add3A_458 = arith.addi %mul3A_457, %get3A_449 : vector<16xi32>
      %jit3A = arith.constant 0 : i32
      %broadcast_in_dim3A_459 = vector.broadcast %jit3A : i32 to vector<16xi32>
      %select_n3A = arith.select %and3A, %add3A_458, %broadcast_in_dim3A_459 : vector<16xi1>, vector<16xi32>
      tpu.vector_store_idx %arg5[%select_n3A], %broadcast_in_dim3A_3 masked %and3A {add = true} : memref<65536xf32, #tpu.memory_space<vmem>>[vector<16xi32>], vector<16xf32>, vector<16xi1>
      %add3A_460 = arith.constant 16 : i32
      %add3A_461 = arith.addi %mul3A_438, %add3A_460 : i32
      %get3A_462 = arith.constant 0 : i32
      %get3A_463 = arith.index_cast %get3A_462 : i32 to index
      %get3A_464 = arith.index_cast %add3A_461 : i32 to index
      %get3A_465 = tpu.vector_load %arg6[%get3A_463, %get3A_464] {strides = array<i32>} : memref<2x8192xi32, #tpu.memory_space<vmem>>, vector<16xi32>,
      %add3A_466 = arith.constant 16 : i32
      %add3A_467 = arith.addi %mul3A_438, %add3A_466 : i32
      %get3A_468 = arith.constant 0 : i32
      %get3A_469 = arith.index_cast %get3A_468 : i32 to index
      %get3A_470 = arith.index_cast %add3A_467 : i32 to index
      %get3A_471 = tpu.vector_load %arg7[%get3A_469, %get3A_470] {strides = array<i32>} : memref<2x8192xi32, #tpu.memory_space<vmem>>, vector<16xi32>,
      %sub3A_472 = vector.broadcast %add3A_221 : i32 to vector<16xi32>
      %sub3A_473 = arith.subi %get3A_465, %sub3A_472 : vector<16xi32>
      %ge3A_474 = arith.constant 0 : i32
      %ge3A_475 = vector.broadcast %ge3A_474 : i32 to vector<16xi32>
      %ge3A_476 = arith.cmpi sge, %sub3A_473, %ge3A_475 : vector<16xi32>
      %lt3A_477 = arith.constant 32 : i32
      %lt3A_478 = vector.broadcast %lt3A_477 : i32 to vector<16xi32>
      %lt3A_479 = arith.cmpi slt, %sub3A_473, %lt3A_478 : vector<16xi32>
      %and3A_480 = arith.andi %ge3A_476, %lt3A_479 : vector<16xi1>
      %mul3A_481 = arith.constant 2048 : i32
      %mul3A_482 = vector.broadcast %mul3A_481 : i32 to vector<16xi32>
      %mul3A_483 = arith.muli %sub3A_473, %mul3A_482 : vector<16xi32>
      %add3A_484 = arith.addi %mul3A_483, %get3A_471 : vector<16xi32>
      %jit3A_485 = arith.constant 0 : i32
      %broadcast_in_dim3A_486 = vector.broadcast %jit3A_485 : i32 to vector<16xi32>
      %select_n3A_487 = arith.select %and3A_480, %add3A_484, %broadcast_in_dim3A_486 : vector<16xi1>, vector<16xi32>
      tpu.vector_store_idx %arg5[%select_n3A_487], %broadcast_in_dim3A_3 masked %and3A_480 {add = true} : memref<65536xf32, #tpu.memory_space<vmem>>[vector<16xi32>], vector<16xf32>, vector<16xi1>
      %scan3A_488 = arith.constant 0 : i32
      scf.yield %scan3A_488 : i32
    }
    %scan3A_301 = arith.constant 256 : i32
    %dma_start3A_302 = arith.constant 0 : i32
    %dma_start3A_303 = arith.constant 0 : i32
    %dma_start3A_304 = tpu.memref_slice %arg6[%dma_start3A_302, %dma_start3A_303] : memref<2x8192xi32, #tpu.memory_space<vmem>> -> memref<1x8192xi32, #tpu.memory_space<vmem>>
    %dma_start3A_305 = tpu.memref_squeeze %dma_start3A_304 : memref<1x8192xi32, #tpu.memory_space<vmem>> -> memref<8192xi32, #tpu.memory_space<vmem>>
    %dma_start3A_306 = arith.constant 16384 : i32
    %dma_start3A_307 = tpu.memref_slice %arg2[%dma_start3A_306] : memref<32768xi32, #tpu.memory_space<hbm>> -> memref<8192xi32, #tpu.memory_space<hbm>>
    %dma_start3A_308 = arith.constant 0 : i32
    %dma_start3A_309 = tpu.memref_slice %arg6[%dma_start3A_302, %dma_start3A_308] : memref<2x8192xi32, #tpu.memory_space<vmem>> -> memref<1x8192xi32, #tpu.memory_space<vmem>>
    %dma_start3A_310 = tpu.memref_squeeze %dma_start3A_309 : memref<1x8192xi32, #tpu.memory_space<vmem>> -> memref<8192xi32, #tpu.memory_space<vmem>>
    %dma_start3A_311 = arith.constant 16384 : i32
    %dma_start3A_312 = tpu.memref_slice %arg2[%dma_start3A_311] : memref<32768xi32, #tpu.memory_space<hbm>> -> memref<8192xi32, #tpu.memory_space<hbm>>
    tpu.enqueue_dma source(%dma_start3A_312 : memref<8192xi32, #tpu.memory_space<hbm>>) target(%dma_start3A_310 : memref<8192xi32, #tpu.memory_space<vmem>>) target_semaphore(%arg8 : memref<!tpu.dma_semaphore, #tpu.memory_space<semaphore_mem>>)
    %dma_start3A_313 = arith.constant 0 : i32
    %dma_start3A_314 = arith.constant 0 : i32
    %dma_start3A_315 = tpu.memref_slice %arg7[%dma_start3A_313, %dma_start3A_314] : memref<2x8192xi32, #tpu.memory_space<vmem>> -> memref<1x8192xi32, #tpu.memory_space<vmem>>
    %dma_start3A_316 = tpu.memref_squeeze %dma_start3A_315 : memref<1x8192xi32, #tpu.memory_space<vmem>> -> memref<8192xi32, #tpu.memory_space<vmem>>
    %dma_start3A_317 = arith.constant 16384 : i32
    %dma_start3A_318 = tpu.memref_slice %arg3[%dma_start3A_317] : memref<32768xi32, #tpu.memory_space<hbm>> -> memref<8192xi32, #tpu.memory_space<hbm>>
    %dma_start3A_319 = arith.constant 0 : i32
    %dma_start3A_320 = tpu.memref_slice %arg7[%dma_start3A_313, %dma_start3A_319] : memref<2x8192xi32, #tpu.memory_space<vmem>> -> memref<1x8192xi32, #tpu.memory_space<vmem>>
    %dma_start3A_321 = tpu.memref_squeeze %dma_start3A_320 : memref<1x8192xi32, #tpu.memory_space<vmem>> -> memref<8192xi32, #tpu.memory_space<vmem>>
    %dma_start3A_322 = arith.constant 16384 : i32
    %dma_start3A_323 = tpu.memref_slice %arg3[%dma_start3A_322] : memref<32768xi32, #tpu.memory_space<hbm>> -> memref<8192xi32, #tpu.memory_space<hbm>>
    tpu.enqueue_dma source(%dma_start3A_323 : memref<8192xi32, #tpu.memory_space<hbm>>) target(%dma_start3A_321 : memref<8192xi32, #tpu.memory_space<vmem>>) target_semaphore(%arg10 : memref<!tpu.dma_semaphore, #tpu.memory_space<semaphore_mem>>)
    %dma_wait3A_324 = arith.constant 1 : i32
    %dma_wait3A_325 = arith.constant 0 : i32
    %dma_wait3A_326 = tpu.memref_slice %arg6[%dma_wait3A_324, %dma_wait3A_325] : memref<2x8192xi32, #tpu.memory_space<vmem>> -> memref<1x8192xi32, #tpu.memory_space<vmem>>
    %dma_wait3A_327 = tpu.memref_squeeze %dma_wait3A_326 : memref<1x8192xi32, #tpu.memory_space<vmem>> -> memref<8192xi32, #tpu.memory_space<vmem>>
    %dma_wait3A_328 = arith.constant 8192 : i32
    %dma_wait3A_329 = tpu.memref_slice %arg2[%dma_wait3A_328] : memref<32768xi32, #tpu.memory_space<hbm>> -> memref<8192xi32, #tpu.memory_space<hbm>>
    %dma_wait3A_330 = arith.constant 0 : i32
    %dma_wait3A_331 = tpu.memref_slice %arg6[%dma_wait3A_324, %dma_wait3A_330] : memref<2x8192xi32, #tpu.memory_space<vmem>> -> memref<1x8192xi32, #tpu.memory_space<vmem>>
    %dma_wait3A_332 = tpu.memref_squeeze %dma_wait3A_331 : memref<1x8192xi32, #tpu.memory_space<vmem>> -> memref<8192xi32, #tpu.memory_space<vmem>>
    %dma_wait3A_333 = arith.constant 8192 : i32
    %dma_wait3A_334 = tpu.memref_slice %arg2[%dma_wait3A_333] : memref<32768xi32, #tpu.memory_space<hbm>> -> memref<8192xi32, #tpu.memory_space<hbm>>
    tpu.wait_dma2 semaphore(%arg9 : memref<!tpu.dma_semaphore, #tpu.memory_space<semaphore_mem>>) src(%dma_wait3A_334 : memref<8192xi32, #tpu.memory_space<hbm>>) dst(%dma_wait3A_332 : memref<8192xi32, #tpu.memory_space<vmem>>)
    %dma_wait3A_335 = arith.constant 1 : i32
    %dma_wait3A_336 = arith.constant 0 : i32
    %dma_wait3A_337 = tpu.memref_slice %arg7[%dma_wait3A_335, %dma_wait3A_336] : memref<2x8192xi32, #tpu.memory_space<vmem>> -> memref<1x8192xi32, #tpu.memory_space<vmem>>
    %dma_wait3A_338 = tpu.memref_squeeze %dma_wait3A_337 : memref<1x8192xi32, #tpu.memory_space<vmem>> -> memref<8192xi32, #tpu.memory_space<vmem>>
    %dma_wait3A_339 = arith.constant 8192 : i32
    %dma_wait3A_340 = tpu.memref_slice %arg3[%dma_wait3A_339] : memref<32768xi32, #tpu.memory_space<hbm>> -> memref<8192xi32, #tpu.memory_space<hbm>>
    %dma_wait3A_341 = arith.constant 0 : i32
    %dma_wait3A_342 = tpu.memref_slice %arg7[%dma_wait3A_335, %dma_wait3A_341] : memref<2x8192xi32, #tpu.memory_space<vmem>> -> memref<1x8192xi32, #tpu.memory_space<vmem>>
    %dma_wait3A_343 = tpu.memref_squeeze %dma_wait3A_342 : memref<1x8192xi32, #tpu.memory_space<vmem>> -> memref<8192xi32, #tpu.memory_space<vmem>>
    %dma_wait3A_344 = arith.constant 8192 : i32
    %dma_wait3A_345 = tpu.memref_slice %arg3[%dma_wait3A_344] : memref<32768xi32, #tpu.memory_space<hbm>> -> memref<8192xi32, #tpu.memory_space<hbm>>
    tpu.wait_dma2 semaphore(%arg11 : memref<!tpu.dma_semaphore, #tpu.memory_space<semaphore_mem>>) src(%dma_wait3A_345 : memref<8192xi32, #tpu.memory_space<hbm>>) dst(%dma_wait3A_343 : memref<8192xi32, #tpu.memory_space<vmem>>)
    %scan3A_346 = arith.constant 0 : i32
    %scan3A_347 = arith.constant 0 : i32
    %scan3A_348 = arith.constant 256 : i32
    %scan3A_349 = arith.addi %scan3A_347, %scan3A_348 : i32
    %scan3A_350 = arith.constant 1 : i32
    %scan3A_351 = scf.for %scan3A_435 = %scan3A_347 to %scan3A_349 step %scan3A_350 iter_args(%scan3A_436 = %scan3A_346) -> (i32)  : i32 {
      %mul3A_437 = arith.constant 32 : i32
      %mul3A_438 = arith.muli %scan3A_435, %mul3A_437 : i32
      %add3A_439 = arith.constant 0 : i32
      %add3A_440 = arith.addi %mul3A_438, %add3A_439 : i32
      %get3A = arith.constant 1 : i32
      %get3A_441 = arith.index_cast %get3A : i32 to index
      %get3A_442 = arith.index_cast %add3A_440 : i32 to index
      %get3A_443 = tpu.vector_load %arg6[%get3A_441, %get3A_442] {strides = array<i32>} : memref<2x8192xi32, #tpu.memory_space<vmem>>, vector<16xi32>,
      %add3A_444 = arith.constant 0 : i32
      %add3A_445 = arith.addi %mul3A_438, %add3A_444 : i32
      %get3A_446 = arith.constant 1 : i32
      %get3A_447 = arith.index_cast %get3A_446 : i32 to index
      %get3A_448 = arith.index_cast %add3A_445 : i32 to index
      %get3A_449 = tpu.vector_load %arg7[%get3A_447, %get3A_448] {strides = array<i32>} : memref<2x8192xi32, #tpu.memory_space<vmem>>, vector<16xi32>,
      %sub3A = vector.broadcast %add3A_221 : i32 to vector<16xi32>
      %sub3A_450 = arith.subi %get3A_443, %sub3A : vector<16xi32>
      %ge3A = arith.constant 0 : i32
      %ge3A_451 = vector.broadcast %ge3A : i32 to vector<16xi32>
      %ge3A_452 = arith.cmpi sge, %sub3A_450, %ge3A_451 : vector<16xi32>
      %lt3A = arith.constant 32 : i32
      %lt3A_453 = vector.broadcast %lt3A : i32 to vector<16xi32>
      %lt3A_454 = arith.cmpi slt, %sub3A_450, %lt3A_453 : vector<16xi32>
      %and3A = arith.andi %ge3A_452, %lt3A_454 : vector<16xi1>
      %mul3A_455 = arith.constant 2048 : i32
      %mul3A_456 = vector.broadcast %mul3A_455 : i32 to vector<16xi32>
      %mul3A_457 = arith.muli %sub3A_450, %mul3A_456 : vector<16xi32>
      %add3A_458 = arith.addi %mul3A_457, %get3A_449 : vector<16xi32>
      %jit3A = arith.constant 0 : i32
      %broadcast_in_dim3A_459 = vector.broadcast %jit3A : i32 to vector<16xi32>
      %select_n3A = arith.select %and3A, %add3A_458, %broadcast_in_dim3A_459 : vector<16xi1>, vector<16xi32>
      tpu.vector_store_idx %arg5[%select_n3A], %broadcast_in_dim3A_3 masked %and3A {add = true} : memref<65536xf32, #tpu.memory_space<vmem>>[vector<16xi32>], vector<16xf32>, vector<16xi1>
      %add3A_460 = arith.constant 16 : i32
      %add3A_461 = arith.addi %mul3A_438, %add3A_460 : i32
      %get3A_462 = arith.constant 1 : i32
      %get3A_463 = arith.index_cast %get3A_462 : i32 to index
      %get3A_464 = arith.index_cast %add3A_461 : i32 to index
      %get3A_465 = tpu.vector_load %arg6[%get3A_463, %get3A_464] {strides = array<i32>} : memref<2x8192xi32, #tpu.memory_space<vmem>>, vector<16xi32>,
      %add3A_466 = arith.constant 16 : i32
      %add3A_467 = arith.addi %mul3A_438, %add3A_466 : i32
      %get3A_468 = arith.constant 1 : i32
      %get3A_469 = arith.index_cast %get3A_468 : i32 to index
      %get3A_470 = arith.index_cast %add3A_467 : i32 to index
      %get3A_471 = tpu.vector_load %arg7[%get3A_469, %get3A_470] {strides = array<i32>} : memref<2x8192xi32, #tpu.memory_space<vmem>>, vector<16xi32>,
      %sub3A_472 = vector.broadcast %add3A_221 : i32 to vector<16xi32>
      %sub3A_473 = arith.subi %get3A_465, %sub3A_472 : vector<16xi32>
      %ge3A_474 = arith.constant 0 : i32
      %ge3A_475 = vector.broadcast %ge3A_474 : i32 to vector<16xi32>
      %ge3A_476 = arith.cmpi sge, %sub3A_473, %ge3A_475 : vector<16xi32>
      %lt3A_477 = arith.constant 32 : i32
      %lt3A_478 = vector.broadcast %lt3A_477 : i32 to vector<16xi32>
      %lt3A_479 = arith.cmpi slt, %sub3A_473, %lt3A_478 : vector<16xi32>
      %and3A_480 = arith.andi %ge3A_476, %lt3A_479 : vector<16xi1>
      %mul3A_481 = arith.constant 2048 : i32
      %mul3A_482 = vector.broadcast %mul3A_481 : i32 to vector<16xi32>
      %mul3A_483 = arith.muli %sub3A_473, %mul3A_482 : vector<16xi32>
      %add3A_484 = arith.addi %mul3A_483, %get3A_471 : vector<16xi32>
      %jit3A_485 = arith.constant 0 : i32
      %broadcast_in_dim3A_486 = vector.broadcast %jit3A_485 : i32 to vector<16xi32>
      %select_n3A_487 = arith.select %and3A_480, %add3A_484, %broadcast_in_dim3A_486 : vector<16xi1>, vector<16xi32>
      tpu.vector_store_idx %arg5[%select_n3A_487], %broadcast_in_dim3A_3 masked %and3A_480 {add = true} : memref<65536xf32, #tpu.memory_space<vmem>>[vector<16xi32>], vector<16xf32>, vector<16xi1>
      %scan3A_488 = arith.constant 0 : i32
      scf.yield %scan3A_488 : i32
    }
    %scan3A_352 = arith.constant 256 : i32
    %dma_start3A_353 = arith.constant 1 : i32
    %dma_start3A_354 = arith.constant 0 : i32
    %dma_start3A_355 = tpu.memref_slice %arg6[%dma_start3A_353, %dma_start3A_354] : memref<2x8192xi32, #tpu.memory_space<vmem>> -> memref<1x8192xi32, #tpu.memory_space<vmem>>
    %dma_start3A_356 = tpu.memref_squeeze %dma_start3A_355 : memref<1x8192xi32, #tpu.memory_space<vmem>> -> memref<8192xi32, #tpu.memory_space<vmem>>
    %dma_start3A_357 = arith.constant 24576 : i32
    %dma_start3A_358 = tpu.memref_slice %arg2[%dma_start3A_357] : memref<32768xi32, #tpu.memory_space<hbm>> -> memref<8192xi32, #tpu.memory_space<hbm>>
    %dma_start3A_359 = arith.constant 0 : i32
    %dma_start3A_360 = tpu.memref_slice %arg6[%dma_start3A_353, %dma_start3A_359] : memref<2x8192xi32, #tpu.memory_space<vmem>> -> memref<1x8192xi32, #tpu.memory_space<vmem>>
    %dma_start3A_361 = tpu.memref_squeeze %dma_start3A_360 : memref<1x8192xi32, #tpu.memory_space<vmem>> -> memref<8192xi32, #tpu.memory_space<vmem>>
    %dma_start3A_362 = arith.constant 24576 : i32
    %dma_start3A_363 = tpu.memref_slice %arg2[%dma_start3A_362] : memref<32768xi32, #tpu.memory_space<hbm>> -> memref<8192xi32, #tpu.memory_space<hbm>>
    tpu.enqueue_dma source(%dma_start3A_363 : memref<8192xi32, #tpu.memory_space<hbm>>) target(%dma_start3A_361 : memref<8192xi32, #tpu.memory_space<vmem>>) target_semaphore(%arg9 : memref<!tpu.dma_semaphore, #tpu.memory_space<semaphore_mem>>)
    %dma_start3A_364 = arith.constant 1 : i32
    %dma_start3A_365 = arith.constant 0 : i32
    %dma_start3A_366 = tpu.memref_slice %arg7[%dma_start3A_364, %dma_start3A_365] : memref<2x8192xi32, #tpu.memory_space<vmem>> -> memref<1x8192xi32, #tpu.memory_space<vmem>>
    %dma_start3A_367 = tpu.memref_squeeze %dma_start3A_366 : memref<1x8192xi32, #tpu.memory_space<vmem>> -> memref<8192xi32, #tpu.memory_space<vmem>>
    %dma_start3A_368 = arith.constant 24576 : i32
    %dma_start3A_369 = tpu.memref_slice %arg3[%dma_start3A_368] : memref<32768xi32, #tpu.memory_space<hbm>> -> memref<8192xi32, #tpu.memory_space<hbm>>
    %dma_start3A_370 = arith.constant 0 : i32
    %dma_start3A_371 = tpu.memref_slice %arg7[%dma_start3A_364, %dma_start3A_370] : memref<2x8192xi32, #tpu.memory_space<vmem>> -> memref<1x8192xi32, #tpu.memory_space<vmem>>
    %dma_start3A_372 = tpu.memref_squeeze %dma_start3A_371 : memref<1x8192xi32, #tpu.memory_space<vmem>> -> memref<8192xi32, #tpu.memory_space<vmem>>
    %dma_start3A_373 = arith.constant 24576 : i32
    %dma_start3A_374 = tpu.memref_slice %arg3[%dma_start3A_373] : memref<32768xi32, #tpu.memory_space<hbm>> -> memref<8192xi32, #tpu.memory_space<hbm>>
    tpu.enqueue_dma source(%dma_start3A_374 : memref<8192xi32, #tpu.memory_space<hbm>>) target(%dma_start3A_372 : memref<8192xi32, #tpu.memory_space<vmem>>) target_semaphore(%arg11 : memref<!tpu.dma_semaphore, #tpu.memory_space<semaphore_mem>>)
    %dma_wait3A_375 = arith.constant 0 : i32
    %dma_wait3A_376 = arith.constant 0 : i32
    %dma_wait3A_377 = tpu.memref_slice %arg6[%dma_wait3A_375, %dma_wait3A_376] : memref<2x8192xi32, #tpu.memory_space<vmem>> -> memref<1x8192xi32, #tpu.memory_space<vmem>>
    %dma_wait3A_378 = tpu.memref_squeeze %dma_wait3A_377 : memref<1x8192xi32, #tpu.memory_space<vmem>> -> memref<8192xi32, #tpu.memory_space<vmem>>
    %dma_wait3A_379 = arith.constant 16384 : i32
    %dma_wait3A_380 = tpu.memref_slice %arg2[%dma_wait3A_379] : memref<32768xi32, #tpu.memory_space<hbm>> -> memref<8192xi32, #tpu.memory_space<hbm>>
    %dma_wait3A_381 = arith.constant 0 : i32
    %dma_wait3A_382 = tpu.memref_slice %arg6[%dma_wait3A_375, %dma_wait3A_381] : memref<2x8192xi32, #tpu.memory_space<vmem>> -> memref<1x8192xi32, #tpu.memory_space<vmem>>
    %dma_wait3A_383 = tpu.memref_squeeze %dma_wait3A_382 : memref<1x8192xi32, #tpu.memory_space<vmem>> -> memref<8192xi32, #tpu.memory_space<vmem>>
    %dma_wait3A_384 = arith.constant 16384 : i32
    %dma_wait3A_385 = tpu.memref_slice %arg2[%dma_wait3A_384] : memref<32768xi32, #tpu.memory_space<hbm>> -> memref<8192xi32, #tpu.memory_space<hbm>>
    tpu.wait_dma2 semaphore(%arg8 : memref<!tpu.dma_semaphore, #tpu.memory_space<semaphore_mem>>) src(%dma_wait3A_385 : memref<8192xi32, #tpu.memory_space<hbm>>) dst(%dma_wait3A_383 : memref<8192xi32, #tpu.memory_space<vmem>>)
    %dma_wait3A_386 = arith.constant 0 : i32
    %dma_wait3A_387 = arith.constant 0 : i32
    %dma_wait3A_388 = tpu.memref_slice %arg7[%dma_wait3A_386, %dma_wait3A_387] : memref<2x8192xi32, #tpu.memory_space<vmem>> -> memref<1x8192xi32, #tpu.memory_space<vmem>>
    %dma_wait3A_389 = tpu.memref_squeeze %dma_wait3A_388 : memref<1x8192xi32, #tpu.memory_space<vmem>> -> memref<8192xi32, #tpu.memory_space<vmem>>
    %dma_wait3A_390 = arith.constant 16384 : i32
    %dma_wait3A_391 = tpu.memref_slice %arg3[%dma_wait3A_390] : memref<32768xi32, #tpu.memory_space<hbm>> -> memref<8192xi32, #tpu.memory_space<hbm>>
    %dma_wait3A_392 = arith.constant 0 : i32
    %dma_wait3A_393 = tpu.memref_slice %arg7[%dma_wait3A_386, %dma_wait3A_392] : memref<2x8192xi32, #tpu.memory_space<vmem>> -> memref<1x8192xi32, #tpu.memory_space<vmem>>
    %dma_wait3A_394 = tpu.memref_squeeze %dma_wait3A_393 : memref<1x8192xi32, #tpu.memory_space<vmem>> -> memref<8192xi32, #tpu.memory_space<vmem>>
    %dma_wait3A_395 = arith.constant 16384 : i32
    %dma_wait3A_396 = tpu.memref_slice %arg3[%dma_wait3A_395] : memref<32768xi32, #tpu.memory_space<hbm>> -> memref<8192xi32, #tpu.memory_space<hbm>>
    tpu.wait_dma2 semaphore(%arg10 : memref<!tpu.dma_semaphore, #tpu.memory_space<semaphore_mem>>) src(%dma_wait3A_396 : memref<8192xi32, #tpu.memory_space<hbm>>) dst(%dma_wait3A_394 : memref<8192xi32, #tpu.memory_space<vmem>>)
    %scan3A_397 = arith.constant 0 : i32
    %scan3A_398 = arith.constant 0 : i32
    %scan3A_399 = arith.constant 256 : i32
    %scan3A_400 = arith.addi %scan3A_398, %scan3A_399 : i32
    %scan3A_401 = arith.constant 1 : i32
    %scan3A_402 = scf.for %scan3A_435 = %scan3A_398 to %scan3A_400 step %scan3A_401 iter_args(%scan3A_436 = %scan3A_397) -> (i32)  : i32 {
      %mul3A_437 = arith.constant 32 : i32
      %mul3A_438 = arith.muli %scan3A_435, %mul3A_437 : i32
      %add3A_439 = arith.constant 0 : i32
      %add3A_440 = arith.addi %mul3A_438, %add3A_439 : i32
      %get3A = arith.constant 0 : i32
      %get3A_441 = arith.index_cast %get3A : i32 to index
      %get3A_442 = arith.index_cast %add3A_440 : i32 to index
      %get3A_443 = tpu.vector_load %arg6[%get3A_441, %get3A_442] {strides = array<i32>} : memref<2x8192xi32, #tpu.memory_space<vmem>>, vector<16xi32>,
      %add3A_444 = arith.constant 0 : i32
      %add3A_445 = arith.addi %mul3A_438, %add3A_444 : i32
      %get3A_446 = arith.constant 0 : i32
      %get3A_447 = arith.index_cast %get3A_446 : i32 to index
      %get3A_448 = arith.index_cast %add3A_445 : i32 to index
      %get3A_449 = tpu.vector_load %arg7[%get3A_447, %get3A_448] {strides = array<i32>} : memref<2x8192xi32, #tpu.memory_space<vmem>>, vector<16xi32>,
      %sub3A = vector.broadcast %add3A_221 : i32 to vector<16xi32>
      %sub3A_450 = arith.subi %get3A_443, %sub3A : vector<16xi32>
      %ge3A = arith.constant 0 : i32
      %ge3A_451 = vector.broadcast %ge3A : i32 to vector<16xi32>
      %ge3A_452 = arith.cmpi sge, %sub3A_450, %ge3A_451 : vector<16xi32>
      %lt3A = arith.constant 32 : i32
      %lt3A_453 = vector.broadcast %lt3A : i32 to vector<16xi32>
      %lt3A_454 = arith.cmpi slt, %sub3A_450, %lt3A_453 : vector<16xi32>
      %and3A = arith.andi %ge3A_452, %lt3A_454 : vector<16xi1>
      %mul3A_455 = arith.constant 2048 : i32
      %mul3A_456 = vector.broadcast %mul3A_455 : i32 to vector<16xi32>
      %mul3A_457 = arith.muli %sub3A_450, %mul3A_456 : vector<16xi32>
      %add3A_458 = arith.addi %mul3A_457, %get3A_449 : vector<16xi32>
      %jit3A = arith.constant 0 : i32
      %broadcast_in_dim3A_459 = vector.broadcast %jit3A : i32 to vector<16xi32>
      %select_n3A = arith.select %and3A, %add3A_458, %broadcast_in_dim3A_459 : vector<16xi1>, vector<16xi32>
      tpu.vector_store_idx %arg5[%select_n3A], %broadcast_in_dim3A_3 masked %and3A {add = true} : memref<65536xf32, #tpu.memory_space<vmem>>[vector<16xi32>], vector<16xf32>, vector<16xi1>
      %add3A_460 = arith.constant 16 : i32
      %add3A_461 = arith.addi %mul3A_438, %add3A_460 : i32
      %get3A_462 = arith.constant 0 : i32
      %get3A_463 = arith.index_cast %get3A_462 : i32 to index
      %get3A_464 = arith.index_cast %add3A_461 : i32 to index
      %get3A_465 = tpu.vector_load %arg6[%get3A_463, %get3A_464] {strides = array<i32>} : memref<2x8192xi32, #tpu.memory_space<vmem>>, vector<16xi32>,
      %add3A_466 = arith.constant 16 : i32
      %add3A_467 = arith.addi %mul3A_438, %add3A_466 : i32
      %get3A_468 = arith.constant 0 : i32
      %get3A_469 = arith.index_cast %get3A_468 : i32 to index
      %get3A_470 = arith.index_cast %add3A_467 : i32 to index
      %get3A_471 = tpu.vector_load %arg7[%get3A_469, %get3A_470] {strides = array<i32>} : memref<2x8192xi32, #tpu.memory_space<vmem>>, vector<16xi32>,
      %sub3A_472 = vector.broadcast %add3A_221 : i32 to vector<16xi32>
      %sub3A_473 = arith.subi %get3A_465, %sub3A_472 : vector<16xi32>
      %ge3A_474 = arith.constant 0 : i32
      %ge3A_475 = vector.broadcast %ge3A_474 : i32 to vector<16xi32>
      %ge3A_476 = arith.cmpi sge, %sub3A_473, %ge3A_475 : vector<16xi32>
      %lt3A_477 = arith.constant 32 : i32
      %lt3A_478 = vector.broadcast %lt3A_477 : i32 to vector<16xi32>
      %lt3A_479 = arith.cmpi slt, %sub3A_473, %lt3A_478 : vector<16xi32>
      %and3A_480 = arith.andi %ge3A_476, %lt3A_479 : vector<16xi1>
      %mul3A_481 = arith.constant 2048 : i32
      %mul3A_482 = vector.broadcast %mul3A_481 : i32 to vector<16xi32>
      %mul3A_483 = arith.muli %sub3A_473, %mul3A_482 : vector<16xi32>
      %add3A_484 = arith.addi %mul3A_483, %get3A_471 : vector<16xi32>
      %jit3A_485 = arith.constant 0 : i32
      %broadcast_in_dim3A_486 = vector.broadcast %jit3A_485 : i32 to vector<16xi32>
      %select_n3A_487 = arith.select %and3A_480, %add3A_484, %broadcast_in_dim3A_486 : vector<16xi1>, vector<16xi32>
      tpu.vector_store_idx %arg5[%select_n3A_487], %broadcast_in_dim3A_3 masked %and3A_480 {add = true} : memref<65536xf32, #tpu.memory_space<vmem>>[vector<16xi32>], vector<16xf32>, vector<16xi1>
      %scan3A_488 = arith.constant 0 : i32
      scf.yield %scan3A_488 : i32
    }
    %scan3A_403 = arith.constant 256 : i32
    %dma_wait3A_404 = arith.constant 1 : i32
    %dma_wait3A_405 = arith.constant 0 : i32
    %dma_wait3A_406 = tpu.memref_slice %arg6[%dma_wait3A_404, %dma_wait3A_405] : memref<2x8192xi32, #tpu.memory_space<vmem>> -> memref<1x8192xi32, #tpu.memory_space<vmem>>
    %dma_wait3A_407 = tpu.memref_squeeze %dma_wait3A_406 : memref<1x8192xi32, #tpu.memory_space<vmem>> -> memref<8192xi32, #tpu.memory_space<vmem>>
    %dma_wait3A_408 = arith.constant 24576 : i32
    %dma_wait3A_409 = tpu.memref_slice %arg2[%dma_wait3A_408] : memref<32768xi32, #tpu.memory_space<hbm>> -> memref<8192xi32, #tpu.memory_space<hbm>>
    %dma_wait3A_410 = arith.constant 0 : i32
    %dma_wait3A_411 = tpu.memref_slice %arg6[%dma_wait3A_404, %dma_wait3A_410] : memref<2x8192xi32, #tpu.memory_space<vmem>> -> memref<1x8192xi32, #tpu.memory_space<vmem>>
    %dma_wait3A_412 = tpu.memref_squeeze %dma_wait3A_411 : memref<1x8192xi32, #tpu.memory_space<vmem>> -> memref<8192xi32, #tpu.memory_space<vmem>>
    %dma_wait3A_413 = arith.constant 24576 : i32
    %dma_wait3A_414 = tpu.memref_slice %arg2[%dma_wait3A_413] : memref<32768xi32, #tpu.memory_space<hbm>> -> memref<8192xi32, #tpu.memory_space<hbm>>
    tpu.wait_dma2 semaphore(%arg9 : memref<!tpu.dma_semaphore, #tpu.memory_space<semaphore_mem>>) src(%dma_wait3A_414 : memref<8192xi32, #tpu.memory_space<hbm>>) dst(%dma_wait3A_412 : memref<8192xi32, #tpu.memory_space<vmem>>)
    %dma_wait3A_415 = arith.constant 1 : i32
    %dma_wait3A_416 = arith.constant 0 : i32
    %dma_wait3A_417 = tpu.memref_slice %arg7[%dma_wait3A_415, %dma_wait3A_416] : memref<2x8192xi32, #tpu.memory_space<vmem>> -> memref<1x8192xi32, #tpu.memory_space<vmem>>
    %dma_wait3A_418 = tpu.memref_squeeze %dma_wait3A_417 : memref<1x8192xi32, #tpu.memory_space<vmem>> -> memref<8192xi32, #tpu.memory_space<vmem>>
    %dma_wait3A_419 = arith.constant 24576 : i32
    %dma_wait3A_420 = tpu.memref_slice %arg3[%dma_wait3A_419] : memref<32768xi32, #tpu.memory_space<hbm>> -> memref<8192xi32, #tpu.memory_space<hbm>>
    %dma_wait3A_421 = arith.constant 0 : i32
    %dma_wait3A_422 = tpu.memref_slice %arg7[%dma_wait3A_415, %dma_wait3A_421] : memref<2x8192xi32, #tpu.memory_space<vmem>> -> memref<1x8192xi32, #tpu.memory_space<vmem>>
    %dma_wait3A_423 = tpu.memref_squeeze %dma_wait3A_422 : memref<1x8192xi32, #tpu.memory_space<vmem>> -> memref<8192xi32, #tpu.memory_space<vmem>>
    %dma_wait3A_424 = arith.constant 24576 : i32
    %dma_wait3A_425 = tpu.memref_slice %arg3[%dma_wait3A_424] : memref<32768xi32, #tpu.memory_space<hbm>> -> memref<8192xi32, #tpu.memory_space<hbm>>
    tpu.wait_dma2 semaphore(%arg11 : memref<!tpu.dma_semaphore, #tpu.memory_space<semaphore_mem>>) src(%dma_wait3A_425 : memref<8192xi32, #tpu.memory_space<hbm>>) dst(%dma_wait3A_423 : memref<8192xi32, #tpu.memory_space<vmem>>)
    %scan3A_426 = arith.constant 0 : i32
    %scan3A_427 = arith.constant 0 : i32
    %scan3A_428 = arith.constant 256 : i32
    %scan3A_429 = arith.addi %scan3A_427, %scan3A_428 : i32
    %scan3A_430 = arith.constant 1 : i32
    %scan3A_431 = scf.for %scan3A_435 = %scan3A_427 to %scan3A_429 step %scan3A_430 iter_args(%scan3A_436 = %scan3A_426) -> (i32)  : i32 {
      %mul3A_437 = arith.constant 32 : i32
      %mul3A_438 = arith.muli %scan3A_435, %mul3A_437 : i32
      %add3A_439 = arith.constant 0 : i32
      %add3A_440 = arith.addi %mul3A_438, %add3A_439 : i32
      %get3A = arith.constant 1 : i32
      %get3A_441 = arith.index_cast %get3A : i32 to index
      %get3A_442 = arith.index_cast %add3A_440 : i32 to index
      %get3A_443 = tpu.vector_load %arg6[%get3A_441, %get3A_442] {strides = array<i32>} : memref<2x8192xi32, #tpu.memory_space<vmem>>, vector<16xi32>,
      %add3A_444 = arith.constant 0 : i32
      %add3A_445 = arith.addi %mul3A_438, %add3A_444 : i32
      %get3A_446 = arith.constant 1 : i32
      %get3A_447 = arith.index_cast %get3A_446 : i32 to index
      %get3A_448 = arith.index_cast %add3A_445 : i32 to index
      %get3A_449 = tpu.vector_load %arg7[%get3A_447, %get3A_448] {strides = array<i32>} : memref<2x8192xi32, #tpu.memory_space<vmem>>, vector<16xi32>,
      %sub3A = vector.broadcast %add3A_221 : i32 to vector<16xi32>
      %sub3A_450 = arith.subi %get3A_443, %sub3A : vector<16xi32>
      %ge3A = arith.constant 0 : i32
      %ge3A_451 = vector.broadcast %ge3A : i32 to vector<16xi32>
      %ge3A_452 = arith.cmpi sge, %sub3A_450, %ge3A_451 : vector<16xi32>
      %lt3A = arith.constant 32 : i32
      %lt3A_453 = vector.broadcast %lt3A : i32 to vector<16xi32>
      %lt3A_454 = arith.cmpi slt, %sub3A_450, %lt3A_453 : vector<16xi32>
      %and3A = arith.andi %ge3A_452, %lt3A_454 : vector<16xi1>
      %mul3A_455 = arith.constant 2048 : i32
      %mul3A_456 = vector.broadcast %mul3A_455 : i32 to vector<16xi32>
      %mul3A_457 = arith.muli %sub3A_450, %mul3A_456 : vector<16xi32>
      %add3A_458 = arith.addi %mul3A_457, %get3A_449 : vector<16xi32>
      %jit3A = arith.constant 0 : i32
      %broadcast_in_dim3A_459 = vector.broadcast %jit3A : i32 to vector<16xi32>
      %select_n3A = arith.select %and3A, %add3A_458, %broadcast_in_dim3A_459 : vector<16xi1>, vector<16xi32>
      tpu.vector_store_idx %arg5[%select_n3A], %broadcast_in_dim3A_3 masked %and3A {add = true} : memref<65536xf32, #tpu.memory_space<vmem>>[vector<16xi32>], vector<16xf32>, vector<16xi1>
      %add3A_460 = arith.constant 16 : i32
      %add3A_461 = arith.addi %mul3A_438, %add3A_460 : i32
      %get3A_462 = arith.constant 1 : i32
      %get3A_463 = arith.index_cast %get3A_462 : i32 to index
      %get3A_464 = arith.index_cast %add3A_461 : i32 to index
      %get3A_465 = tpu.vector_load %arg6[%get3A_463, %get3A_464] {strides = array<i32>} : memref<2x8192xi32, #tpu.memory_space<vmem>>, vector<16xi32>,
      %add3A_466 = arith.constant 16 : i32
      %add3A_467 = arith.addi %mul3A_438, %add3A_466 : i32
      %get3A_468 = arith.constant 1 : i32
      %get3A_469 = arith.index_cast %get3A_468 : i32 to index
      %get3A_470 = arith.index_cast %add3A_467 : i32 to index
      %get3A_471 = tpu.vector_load %arg7[%get3A_469, %get3A_470] {strides = array<i32>} : memref<2x8192xi32, #tpu.memory_space<vmem>>, vector<16xi32>,
      %sub3A_472 = vector.broadcast %add3A_221 : i32 to vector<16xi32>
      %sub3A_473 = arith.subi %get3A_465, %sub3A_472 : vector<16xi32>
      %ge3A_474 = arith.constant 0 : i32
      %ge3A_475 = vector.broadcast %ge3A_474 : i32 to vector<16xi32>
      %ge3A_476 = arith.cmpi sge, %sub3A_473, %ge3A_475 : vector<16xi32>
      %lt3A_477 = arith.constant 32 : i32
      %lt3A_478 = vector.broadcast %lt3A_477 : i32 to vector<16xi32>
      %lt3A_479 = arith.cmpi slt, %sub3A_473, %lt3A_478 : vector<16xi32>
      %and3A_480 = arith.andi %ge3A_476, %lt3A_479 : vector<16xi1>
      %mul3A_481 = arith.constant 2048 : i32
      %mul3A_482 = vector.broadcast %mul3A_481 : i32 to vector<16xi32>
      %mul3A_483 = arith.muli %sub3A_473, %mul3A_482 : vector<16xi32>
      %add3A_484 = arith.addi %mul3A_483, %get3A_471 : vector<16xi32>
      %jit3A_485 = arith.constant 0 : i32
      %broadcast_in_dim3A_486 = vector.broadcast %jit3A_485 : i32 to vector<16xi32>
      %select_n3A_487 = arith.select %and3A_480, %add3A_484, %broadcast_in_dim3A_486 : vector<16xi1>, vector<16xi32>
      tpu.vector_store_idx %arg5[%select_n3A_487], %broadcast_in_dim3A_3 masked %and3A_480 {add = true} : memref<65536xf32, #tpu.memory_space<vmem>>[vector<16xi32>], vector<16xf32>, vector<16xi1>
      %scan3A_488 = arith.constant 0 : i32
      scf.yield %scan3A_488 : i32
    }
    %scan3A_432 = arith.constant 256 : i32
    %mul3A_433 = arith.constant 2048 : i32
    %mul3A_434 = arith.muli %add3A_221, %mul3A_433 : i32
    "tpu.region"() ({
      %run_scoped3A = tpu.sem_alloc : memref<!tpu.dma_semaphore, #tpu.memory_space<semaphore_mem>>
      %dma_start3A_435 = tpu.memref_slice %arg4[%mul3A_434] : memref<4194304xf32, #tpu.memory_space<hbm>> -> memref<65536xf32, #tpu.memory_space<hbm>>
      %dma_start3A_436 = tpu.memref_slice %arg4[%mul3A_434] : memref<4194304xf32, #tpu.memory_space<hbm>> -> memref<65536xf32, #tpu.memory_space<hbm>>
      tpu.enqueue_dma source(%arg5 : memref<65536xf32, #tpu.memory_space<vmem>>) target(%dma_start3A_436 : memref<65536xf32, #tpu.memory_space<hbm>>) target_semaphore(%run_scoped3A : memref<!tpu.dma_semaphore, #tpu.memory_space<semaphore_mem>>)
      %dma_wait3A_437 = tpu.memref_slice %arg4[%mul3A_434] : memref<4194304xf32, #tpu.memory_space<hbm>> -> memref<65536xf32, #tpu.memory_space<hbm>>
      %dma_wait3A_438 = tpu.memref_slice %arg4[%mul3A_434] : memref<4194304xf32, #tpu.memory_space<hbm>> -> memref<65536xf32, #tpu.memory_space<hbm>>
      tpu.wait_dma2 semaphore(%run_scoped3A : memref<!tpu.dma_semaphore, #tpu.memory_space<semaphore_mem>>) src(%arg5 : memref<65536xf32, #tpu.memory_space<vmem>>) dst(%dma_wait3A_438 : memref<65536xf32, #tpu.memory_space<hbm>>)
      tpu.yield
    }) : () -> ()
    return
  }
}

module attributes {stable_mosaic.version = 14 : i64} {
  func.func @_prep_body(%arg0: i32, %arg1: memref<256x2048xf32, #tpu.memory_space<vmem>>, %arg2: memref<256x2048xf32, #tpu.memory_space<vmem>>, %arg3: memref<256x2048xbf16, #tpu.memory_space<vmem>>, %arg4: memref<256x2048xbf16, #tpu.memory_space<vmem>>) attributes {dimension_semantics = [#tpu.dimension_semantics<arbitrary>], iteration_bounds = array<i64: 8>, scalar_prefetch = 0 : i64, scratch_operands = 0 : i64, tpu.core_type = #tpu.core_type<tc>, window_params = [{transform_indices = @transform_0, window_bounds = array<i64: 256, 2048>}, {transform_indices = @transform_1, window_bounds = array<i64: 256, 2048>}, {transform_indices = @transform_2, window_bounds = array<i64: 256, 2048>}, {transform_indices = @transform_3, window_bounds = array<i64: 256, 2048>}]} {
    %get3A = arith.constant 0 : index
    %get3A_0 = arith.constant 0 : index
    %get3A_1 = vector.load %arg1[%get3A, %get3A_0] : memref<256x2048xf32, #tpu.memory_space<vmem>>, vector<256x2048xf32>
    %get3A_2 = arith.constant 0 : index
    %get3A_3 = arith.constant 0 : index
    %get3A_4 = vector.load %arg2[%get3A_2, %get3A_3] : memref<256x2048xf32, #tpu.memory_space<vmem>>, vector<256x2048xf32>
    %add3A = arith.addf %get3A_1, %get3A_4 : vector<256x2048xf32>
    %mul3A = arith.constant 256 : i32
    %mul3A_5 = arith.muli %arg0, %mul3A : i32
    %iota3A = tpu.iota {dimensions = array<i32: 0>} : vector<256x2048xi32>
    %add3A_6 = vector.broadcast %mul3A_5 : i32 to vector<256x2048xi32>
    %add3A_7 = arith.addi %add3A_6, %iota3A : vector<256x2048xi32>
    %iota3A_8 = tpu.iota {dimensions = array<i32: 1>} : vector<256x2048xi32>
    %eq3A = arith.cmpi eq, %add3A_7, %iota3A_8 : vector<256x2048xi32>
    %gt3A = arith.constant 0.000000e+00 : f32
    %gt3A_9 = vector.broadcast %gt3A : f32 to vector<256x2048xf32>
    %gt3A_10 = arith.cmpf ogt, %add3A, %gt3A_9 : vector<256x2048xf32>
    %or3A = arith.ori %gt3A_10, %eq3A : vector<256x2048xi1>
    %jit3A = arith.constant 1.000000e+00 : f32
    %jit3A_11 = arith.constant 0.000000e+00 : f32
    %broadcast_in_dim3A = vector.broadcast %jit3A : f32 to vector<256x2048xf32>
    %broadcast_in_dim3A_12 = vector.broadcast %jit3A_11 : f32 to vector<256x2048xf32>
    %select_n3A = arith.select %or3A, %broadcast_in_dim3A, %broadcast_in_dim3A_12 : vector<256x2048xi1>, vector<256x2048xf32>
    %convert_element_type3A = arith.truncf %select_n3A : vector<256x2048xf32> to vector<256x2048xbf16>
    %swap3A = arith.constant 0 : index
    %swap3A_13 = arith.constant 0 : index
    %swap3A_14 = vector.load %arg3[%swap3A, %swap3A_13] : memref<256x2048xbf16, #tpu.memory_space<vmem>>, vector<256x2048xbf16>
    tpu.vector_store %arg3[%swap3A, %swap3A_13], %convert_element_type3A {strides = array<i32>} : memref<256x2048xbf16, #tpu.memory_space<vmem>>, vector<256x2048xbf16>,
    %jit3A_15 = arith.constant 1.000000e+00 : f32
    %jit3A_16 = arith.constant 0x7F800000 : f32
    %broadcast_in_dim3A_17 = vector.broadcast %jit3A_15 : f32 to vector<256x2048xf32>
    %broadcast_in_dim3A_18 = vector.broadcast %jit3A_16 : f32 to vector<256x2048xf32>
    %select_n3A_19 = arith.select %gt3A_10, %broadcast_in_dim3A_17, %broadcast_in_dim3A_18 : vector<256x2048xi1>, vector<256x2048xf32>
    %jit3A_20 = arith.constant 0.000000e+00 : f32
    %broadcast_in_dim3A_21 = vector.broadcast %jit3A_20 : f32 to vector<256x2048xf32>
    %select_n3A_22 = arith.select %eq3A, %broadcast_in_dim3A_21, %select_n3A_19 : vector<256x2048xi1>, vector<256x2048xf32>
    %convert_element_type3A_23 = arith.truncf %select_n3A_22 : vector<256x2048xf32> to vector<256x2048xbf16>
    %swap3A_24 = arith.constant 0 : index
    %swap3A_25 = arith.constant 0 : index
    %swap3A_26 = vector.load %arg4[%swap3A_24, %swap3A_25] : memref<256x2048xbf16, #tpu.memory_space<vmem>>, vector<256x2048xbf16>
    tpu.vector_store %arg4[%swap3A_24, %swap3A_25], %convert_element_type3A_23 {strides = array<i32>} : memref<256x2048xbf16, #tpu.memory_space<vmem>>, vector<256x2048xbf16>,
    return
  }
  func.func @transform_0(%arg0: i32) -> (i32, i32) {
    %c0_i32 = arith.constant 0 : i32
    %c0_i32_0 = arith.constant 0 : i32
    return %arg0, %c0_i32 : i32, i32
  }
  func.func @transform_1(%arg0: i32) -> (i32, i32) {
    %c0_i32 = arith.constant 0 : i32
    %c0_i32_0 = arith.constant 0 : i32
    return %arg0, %c0_i32 : i32, i32
  }
  func.func @transform_2(%arg0: i32) -> (i32, i32) {
    %c0_i32 = arith.constant 0 : i32
    %c0_i32_0 = arith.constant 0 : i32
    return %arg0, %c0_i32 : i32, i32
  }
  func.func @transform_3(%arg0: i32) -> (i32, i32) {
    %c0_i32 = arith.constant 0 : i32
    %c0_i32_0 = arith.constant 0 : i32
    return %arg0, %c0_i32 : i32, i32
  }
}

module attributes {stable_mosaic.version = 14 : i64} {
  func.func @_bfs_body(%arg0: i32, %arg1: memref<2048x2048xbf16, #tpu.memory_space<vmem>>, %arg2: memref<256x2048xbf16, #tpu.memory_space<vmem>>, %arg3: memref<256x2048xbf16, #tpu.memory_space<vmem>>) attributes {dimension_semantics = [#tpu.dimension_semantics<arbitrary>], iteration_bounds = array<i64: 8>, scalar_prefetch = 0 : i64, scratch_operands = 0 : i64, tpu.core_type = #tpu.core_type<tc>, window_params = [{pipeline_mode = #tpu.pipeline_mode<synchronous>, transform_indices = @transform_0, window_bounds = array<i64: 2048, 2048>}, {transform_indices = @transform_1, window_bounds = array<i64: 256, 2048>}, {transform_indices = @transform_2, window_bounds = array<i64: 256, 2048>}]} {
    %get3A = arith.constant 0 : index
    %get3A_0 = arith.constant 0 : index
    %get3A_1 = vector.load %arg2[%get3A, %get3A_0] : memref<256x2048xbf16, #tpu.memory_space<vmem>>, vector<256x2048xbf16>
    %convert_element_type3A = arith.extf %get3A_1 : vector<256x2048xbf16> to vector<256x2048xf32>
    %le3A = arith.constant 1.000000e+00 : f32
    %le3A_2 = vector.broadcast %le3A : f32 to vector<256x2048xf32>
    %le3A_3 = arith.cmpf ole, %convert_element_type3A, %le3A_2 : vector<256x2048xf32>
    %jit3A = arith.constant 1.000000e+00 : f32
    %jit3A_4 = arith.constant 0.000000e+00 : f32
    %broadcast_in_dim3A = vector.broadcast %jit3A : f32 to vector<256x2048xf32>
    %broadcast_in_dim3A_5 = vector.broadcast %jit3A_4 : f32 to vector<256x2048xf32>
    %select_n3A = arith.select %le3A_3, %broadcast_in_dim3A, %broadcast_in_dim3A_5 : vector<256x2048xi1>, vector<256x2048xf32>
    %convert_element_type3A_6 = arith.truncf %select_n3A : vector<256x2048xf32> to vector<256x2048xbf16>
    %get3A_7 = arith.constant 0 : index
    %get3A_8 = arith.constant 0 : index
    %get3A_9 = vector.load %arg1[%get3A_7, %get3A_8] : memref<2048x2048xbf16, #tpu.memory_space<vmem>>, vector<2048x2048xbf16>
    %dot_general3A = arith.constant dense<0.000000e+00> : vector<256x2048xf32>
    %dot_general3A_10 = tpu.matmul %convert_element_type3A_6, %get3A_9, %dot_general3A {dimension_numbers = #tpu.dot_dimension_numbers<[1], [0], [0], [1], [0, 0, 1, 1], [], []>, transpose_lhs_hint = false} : vector<256x2048xbf16>, vector<2048x2048xbf16>, vector<256x2048xf32> -> vector<256x2048xf32>
    %gt3A = arith.constant 0.000000e+00 : f32
    %gt3A_11 = vector.broadcast %gt3A : f32 to vector<256x2048xf32>
    %gt3A_12 = arith.cmpf ogt, %dot_general3A_10, %gt3A_11 : vector<256x2048xf32>
    %eq3A = arith.constant 0x7F800000 : f32
    %eq3A_13 = vector.broadcast %eq3A : f32 to vector<256x2048xf32>
    %eq3A_14 = arith.cmpf oeq, %convert_element_type3A, %eq3A_13 : vector<256x2048xf32>
    %and3A = arith.andi %gt3A_12, %eq3A_14 : vector<256x2048xi1>
    %jit3A_15 = arith.constant 2.000000e+00 : f32
    %broadcast_in_dim3A_16 = vector.broadcast %jit3A_15 : f32 to vector<256x2048xf32>
    %select_n3A_17 = arith.select %and3A, %broadcast_in_dim3A_16, %convert_element_type3A : vector<256x2048xi1>, vector<256x2048xf32>
    %convert_element_type3A_18 = arith.truncf %select_n3A_17 : vector<256x2048xf32> to vector<256x2048xbf16>
    %swap3A = arith.constant 0 : index
    %swap3A_19 = arith.constant 0 : index
    %swap3A_20 = vector.load %arg3[%swap3A, %swap3A_19] : memref<256x2048xbf16, #tpu.memory_space<vmem>>, vector<256x2048xbf16>
    tpu.vector_store %arg3[%swap3A, %swap3A_19], %convert_element_type3A_18 {strides = array<i32>} : memref<256x2048xbf16, #tpu.memory_space<vmem>>, vector<256x2048xbf16>,
    return
  }
  func.func @transform_0(%arg0: i32) -> (i32, i32) {
    %c0_i32 = arith.constant 0 : i32
    %c0_i32_0 = arith.constant 0 : i32
    %c0_i32_1 = arith.constant 0 : i32
    return %c0_i32, %c0_i32_0 : i32, i32
  }
  func.func @transform_1(%arg0: i32) -> (i32, i32) {
    %c0_i32 = arith.constant 0 : i32
    %c0_i32_0 = arith.constant 0 : i32
    return %arg0, %c0_i32 : i32, i32
  }
  func.func @transform_2(%arg0: i32) -> (i32, i32) {
    %c0_i32 = arith.constant 0 : i32
    %c0_i32_0 = arith.constant 0 : i32
    return %arg0, %c0_i32 : i32, i32
  }
}

module attributes {stable_mosaic.version = 14 : i64} {
  func.func @_bfs_body(%arg0: i32, %arg1: memref<2048x2048xbf16, #tpu.memory_space<vmem>>, %arg2: memref<256x2048xbf16, #tpu.memory_space<vmem>>, %arg3: memref<256x2048xbf16, #tpu.memory_space<vmem>>) attributes {dimension_semantics = [#tpu.dimension_semantics<arbitrary>], iteration_bounds = array<i64: 8>, scalar_prefetch = 0 : i64, scratch_operands = 0 : i64, tpu.core_type = #tpu.core_type<tc>, window_params = [{pipeline_mode = #tpu.pipeline_mode<synchronous>, transform_indices = @transform_0, window_bounds = array<i64: 2048, 2048>}, {transform_indices = @transform_1, window_bounds = array<i64: 256, 2048>}, {transform_indices = @transform_2, window_bounds = array<i64: 256, 2048>}]} {
    %get3A = arith.constant 0 : index
    %get3A_0 = arith.constant 0 : index
    %get3A_1 = vector.load %arg2[%get3A, %get3A_0] : memref<256x2048xbf16, #tpu.memory_space<vmem>>, vector<256x2048xbf16>
    %convert_element_type3A = arith.extf %get3A_1 : vector<256x2048xbf16> to vector<256x2048xf32>
    %le3A = arith.constant 2.000000e+00 : f32
    %le3A_2 = vector.broadcast %le3A : f32 to vector<256x2048xf32>
    %le3A_3 = arith.cmpf ole, %convert_element_type3A, %le3A_2 : vector<256x2048xf32>
    %jit3A = arith.constant 1.000000e+00 : f32
    %jit3A_4 = arith.constant 0.000000e+00 : f32
    %broadcast_in_dim3A = vector.broadcast %jit3A : f32 to vector<256x2048xf32>
    %broadcast_in_dim3A_5 = vector.broadcast %jit3A_4 : f32 to vector<256x2048xf32>
    %select_n3A = arith.select %le3A_3, %broadcast_in_dim3A, %broadcast_in_dim3A_5 : vector<256x2048xi1>, vector<256x2048xf32>
    %convert_element_type3A_6 = arith.truncf %select_n3A : vector<256x2048xf32> to vector<256x2048xbf16>
    %get3A_7 = arith.constant 0 : index
    %get3A_8 = arith.constant 0 : index
    %get3A_9 = vector.load %arg1[%get3A_7, %get3A_8] : memref<2048x2048xbf16, #tpu.memory_space<vmem>>, vector<2048x2048xbf16>
    %dot_general3A = arith.constant dense<0.000000e+00> : vector<256x2048xf32>
    %dot_general3A_10 = tpu.matmul %convert_element_type3A_6, %get3A_9, %dot_general3A {dimension_numbers = #tpu.dot_dimension_numbers<[1], [0], [0], [1], [0, 0, 1, 1], [], []>, transpose_lhs_hint = false} : vector<256x2048xbf16>, vector<2048x2048xbf16>, vector<256x2048xf32> -> vector<256x2048xf32>
    %gt3A = arith.constant 0.000000e+00 : f32
    %gt3A_11 = vector.broadcast %gt3A : f32 to vector<256x2048xf32>
    %gt3A_12 = arith.cmpf ogt, %dot_general3A_10, %gt3A_11 : vector<256x2048xf32>
    %eq3A = arith.constant 0x7F800000 : f32
    %eq3A_13 = vector.broadcast %eq3A : f32 to vector<256x2048xf32>
    %eq3A_14 = arith.cmpf oeq, %convert_element_type3A, %eq3A_13 : vector<256x2048xf32>
    %and3A = arith.andi %gt3A_12, %eq3A_14 : vector<256x2048xi1>
    %jit3A_15 = arith.constant 3.000000e+00 : f32
    %broadcast_in_dim3A_16 = vector.broadcast %jit3A_15 : f32 to vector<256x2048xf32>
    %select_n3A_17 = arith.select %and3A, %broadcast_in_dim3A_16, %convert_element_type3A : vector<256x2048xi1>, vector<256x2048xf32>
    %convert_element_type3A_18 = arith.truncf %select_n3A_17 : vector<256x2048xf32> to vector<256x2048xbf16>
    %swap3A = arith.constant 0 : index
    %swap3A_19 = arith.constant 0 : index
    %swap3A_20 = vector.load %arg3[%swap3A, %swap3A_19] : memref<256x2048xbf16, #tpu.memory_space<vmem>>, vector<256x2048xbf16>
    tpu.vector_store %arg3[%swap3A, %swap3A_19], %convert_element_type3A_18 {strides = array<i32>} : memref<256x2048xbf16, #tpu.memory_space<vmem>>, vector<256x2048xbf16>,
    return
  }
  func.func @transform_0(%arg0: i32) -> (i32, i32) {
    %c0_i32 = arith.constant 0 : i32
    %c0_i32_0 = arith.constant 0 : i32
    %c0_i32_1 = arith.constant 0 : i32
    return %c0_i32, %c0_i32_0 : i32, i32
  }
  func.func @transform_1(%arg0: i32) -> (i32, i32) {
    %c0_i32 = arith.constant 0 : i32
    %c0_i32_0 = arith.constant 0 : i32
    return %arg0, %c0_i32 : i32, i32
  }
  func.func @transform_2(%arg0: i32) -> (i32, i32) {
    %c0_i32 = arith.constant 0 : i32
    %c0_i32_0 = arith.constant 0 : i32
    return %arg0, %c0_i32 : i32, i32
  }
}

module attributes {stable_mosaic.version = 14 : i64} {
  func.func @_bfs_body(%arg0: i32, %arg1: memref<2048x2048xbf16, #tpu.memory_space<vmem>>, %arg2: memref<256x2048xbf16, #tpu.memory_space<vmem>>, %arg3: memref<256x2048xbf16, #tpu.memory_space<vmem>>) attributes {dimension_semantics = [#tpu.dimension_semantics<arbitrary>], iteration_bounds = array<i64: 8>, scalar_prefetch = 0 : i64, scratch_operands = 0 : i64, tpu.core_type = #tpu.core_type<tc>, window_params = [{pipeline_mode = #tpu.pipeline_mode<synchronous>, transform_indices = @transform_0, window_bounds = array<i64: 2048, 2048>}, {transform_indices = @transform_1, window_bounds = array<i64: 256, 2048>}, {transform_indices = @transform_2, window_bounds = array<i64: 256, 2048>}]} {
    %get3A = arith.constant 0 : index
    %get3A_0 = arith.constant 0 : index
    %get3A_1 = vector.load %arg2[%get3A, %get3A_0] : memref<256x2048xbf16, #tpu.memory_space<vmem>>, vector<256x2048xbf16>
    %convert_element_type3A = arith.extf %get3A_1 : vector<256x2048xbf16> to vector<256x2048xf32>
    %le3A = arith.constant 3.000000e+00 : f32
    %le3A_2 = vector.broadcast %le3A : f32 to vector<256x2048xf32>
    %le3A_3 = arith.cmpf ole, %convert_element_type3A, %le3A_2 : vector<256x2048xf32>
    %jit3A = arith.constant 1.000000e+00 : f32
    %jit3A_4 = arith.constant 0.000000e+00 : f32
    %broadcast_in_dim3A = vector.broadcast %jit3A : f32 to vector<256x2048xf32>
    %broadcast_in_dim3A_5 = vector.broadcast %jit3A_4 : f32 to vector<256x2048xf32>
    %select_n3A = arith.select %le3A_3, %broadcast_in_dim3A, %broadcast_in_dim3A_5 : vector<256x2048xi1>, vector<256x2048xf32>
    %convert_element_type3A_6 = arith.truncf %select_n3A : vector<256x2048xf32> to vector<256x2048xbf16>
    %get3A_7 = arith.constant 0 : index
    %get3A_8 = arith.constant 0 : index
    %get3A_9 = vector.load %arg1[%get3A_7, %get3A_8] : memref<2048x2048xbf16, #tpu.memory_space<vmem>>, vector<2048x2048xbf16>
    %dot_general3A = arith.constant dense<0.000000e+00> : vector<256x2048xf32>
    %dot_general3A_10 = tpu.matmul %convert_element_type3A_6, %get3A_9, %dot_general3A {dimension_numbers = #tpu.dot_dimension_numbers<[1], [0], [0], [1], [0, 0, 1, 1], [], []>, transpose_lhs_hint = false} : vector<256x2048xbf16>, vector<2048x2048xbf16>, vector<256x2048xf32> -> vector<256x2048xf32>
    %gt3A = arith.constant 0.000000e+00 : f32
    %gt3A_11 = vector.broadcast %gt3A : f32 to vector<256x2048xf32>
    %gt3A_12 = arith.cmpf ogt, %dot_general3A_10, %gt3A_11 : vector<256x2048xf32>
    %eq3A = arith.constant 0x7F800000 : f32
    %eq3A_13 = vector.broadcast %eq3A : f32 to vector<256x2048xf32>
    %eq3A_14 = arith.cmpf oeq, %convert_element_type3A, %eq3A_13 : vector<256x2048xf32>
    %and3A = arith.andi %gt3A_12, %eq3A_14 : vector<256x2048xi1>
    %jit3A_15 = arith.constant 4.000000e+00 : f32
    %broadcast_in_dim3A_16 = vector.broadcast %jit3A_15 : f32 to vector<256x2048xf32>
    %select_n3A_17 = arith.select %and3A, %broadcast_in_dim3A_16, %convert_element_type3A : vector<256x2048xi1>, vector<256x2048xf32>
    %convert_element_type3A_18 = arith.truncf %select_n3A_17 : vector<256x2048xf32> to vector<256x2048xbf16>
    %swap3A = arith.constant 0 : index
    %swap3A_19 = arith.constant 0 : index
    %swap3A_20 = vector.load %arg3[%swap3A, %swap3A_19] : memref<256x2048xbf16, #tpu.memory_space<vmem>>, vector<256x2048xbf16>
    tpu.vector_store %arg3[%swap3A, %swap3A_19], %convert_element_type3A_18 {strides = array<i32>} : memref<256x2048xbf16, #tpu.memory_space<vmem>>, vector<256x2048xbf16>,
    return
  }
  func.func @transform_0(%arg0: i32) -> (i32, i32) {
    %c0_i32 = arith.constant 0 : i32
    %c0_i32_0 = arith.constant 0 : i32
    %c0_i32_1 = arith.constant 0 : i32
    return %c0_i32, %c0_i32_0 : i32, i32
  }
  func.func @transform_1(%arg0: i32) -> (i32, i32) {
    %c0_i32 = arith.constant 0 : i32
    %c0_i32_0 = arith.constant 0 : i32
    return %arg0, %c0_i32 : i32, i32
  }
  func.func @transform_2(%arg0: i32) -> (i32, i32) {
    %c0_i32 = arith.constant 0 : i32
    %c0_i32_0 = arith.constant 0 : i32
    return %arg0, %c0_i32 : i32, i32
  }
}

module attributes {stable_mosaic.version = 14 : i64} {
  func.func @_bfs_body(%arg0: i32, %arg1: memref<2048x2048xbf16, #tpu.memory_space<vmem>>, %arg2: memref<256x2048xbf16, #tpu.memory_space<vmem>>, %arg3: memref<256x2048xbf16, #tpu.memory_space<vmem>>) attributes {dimension_semantics = [#tpu.dimension_semantics<arbitrary>], iteration_bounds = array<i64: 8>, scalar_prefetch = 0 : i64, scratch_operands = 0 : i64, tpu.core_type = #tpu.core_type<tc>, window_params = [{pipeline_mode = #tpu.pipeline_mode<synchronous>, transform_indices = @transform_0, window_bounds = array<i64: 2048, 2048>}, {transform_indices = @transform_1, window_bounds = array<i64: 256, 2048>}, {transform_indices = @transform_2, window_bounds = array<i64: 256, 2048>}]} {
    %get3A = arith.constant 0 : index
    %get3A_0 = arith.constant 0 : index
    %get3A_1 = vector.load %arg2[%get3A, %get3A_0] : memref<256x2048xbf16, #tpu.memory_space<vmem>>, vector<256x2048xbf16>
    %convert_element_type3A = arith.extf %get3A_1 : vector<256x2048xbf16> to vector<256x2048xf32>
    %le3A = arith.constant 4.000000e+00 : f32
    %le3A_2 = vector.broadcast %le3A : f32 to vector<256x2048xf32>
    %le3A_3 = arith.cmpf ole, %convert_element_type3A, %le3A_2 : vector<256x2048xf32>
    %jit3A = arith.constant 1.000000e+00 : f32
    %jit3A_4 = arith.constant 0.000000e+00 : f32
    %broadcast_in_dim3A = vector.broadcast %jit3A : f32 to vector<256x2048xf32>
    %broadcast_in_dim3A_5 = vector.broadcast %jit3A_4 : f32 to vector<256x2048xf32>
    %select_n3A = arith.select %le3A_3, %broadcast_in_dim3A, %broadcast_in_dim3A_5 : vector<256x2048xi1>, vector<256x2048xf32>
    %convert_element_type3A_6 = arith.truncf %select_n3A : vector<256x2048xf32> to vector<256x2048xbf16>
    %get3A_7 = arith.constant 0 : index
    %get3A_8 = arith.constant 0 : index
    %get3A_9 = vector.load %arg1[%get3A_7, %get3A_8] : memref<2048x2048xbf16, #tpu.memory_space<vmem>>, vector<2048x2048xbf16>
    %dot_general3A = arith.constant dense<0.000000e+00> : vector<256x2048xf32>
    %dot_general3A_10 = tpu.matmul %convert_element_type3A_6, %get3A_9, %dot_general3A {dimension_numbers = #tpu.dot_dimension_numbers<[1], [0], [0], [1], [0, 0, 1, 1], [], []>, transpose_lhs_hint = false} : vector<256x2048xbf16>, vector<2048x2048xbf16>, vector<256x2048xf32> -> vector<256x2048xf32>
    %gt3A = arith.constant 0.000000e+00 : f32
    %gt3A_11 = vector.broadcast %gt3A : f32 to vector<256x2048xf32>
    %gt3A_12 = arith.cmpf ogt, %dot_general3A_10, %gt3A_11 : vector<256x2048xf32>
    %eq3A = arith.constant 0x7F800000 : f32
    %eq3A_13 = vector.broadcast %eq3A : f32 to vector<256x2048xf32>
    %eq3A_14 = arith.cmpf oeq, %convert_element_type3A, %eq3A_13 : vector<256x2048xf32>
    %and3A = arith.andi %gt3A_12, %eq3A_14 : vector<256x2048xi1>
    %jit3A_15 = arith.constant 5.000000e+00 : f32
    %broadcast_in_dim3A_16 = vector.broadcast %jit3A_15 : f32 to vector<256x2048xf32>
    %select_n3A_17 = arith.select %and3A, %broadcast_in_dim3A_16, %convert_element_type3A : vector<256x2048xi1>, vector<256x2048xf32>
    %convert_element_type3A_18 = arith.truncf %select_n3A_17 : vector<256x2048xf32> to vector<256x2048xbf16>
    %swap3A = arith.constant 0 : index
    %swap3A_19 = arith.constant 0 : index
    %swap3A_20 = vector.load %arg3[%swap3A, %swap3A_19] : memref<256x2048xbf16, #tpu.memory_space<vmem>>, vector<256x2048xbf16>
    tpu.vector_store %arg3[%swap3A, %swap3A_19], %convert_element_type3A_18 {strides = array<i32>} : memref<256x2048xbf16, #tpu.memory_space<vmem>>, vector<256x2048xbf16>,
    return
  }
  func.func @transform_0(%arg0: i32) -> (i32, i32) {
    %c0_i32 = arith.constant 0 : i32
    %c0_i32_0 = arith.constant 0 : i32
    %c0_i32_1 = arith.constant 0 : i32
    return %c0_i32, %c0_i32_0 : i32, i32
  }
  func.func @transform_1(%arg0: i32) -> (i32, i32) {
    %c0_i32 = arith.constant 0 : i32
    %c0_i32_0 = arith.constant 0 : i32
    return %arg0, %c0_i32 : i32, i32
  }
  func.func @transform_2(%arg0: i32) -> (i32, i32) {
    %c0_i32 = arith.constant 0 : i32
    %c0_i32_0 = arith.constant 0 : i32
    return %arg0, %c0_i32 : i32, i32
  }
}

module attributes {stable_mosaic.version = 14 : i64} {
  func.func @_bfs_body(%arg0: i32, %arg1: memref<2048x2048xbf16, #tpu.memory_space<vmem>>, %arg2: memref<256x2048xbf16, #tpu.memory_space<vmem>>, %arg3: memref<256x2048xbf16, #tpu.memory_space<vmem>>) attributes {dimension_semantics = [#tpu.dimension_semantics<arbitrary>], iteration_bounds = array<i64: 8>, scalar_prefetch = 0 : i64, scratch_operands = 0 : i64, tpu.core_type = #tpu.core_type<tc>, window_params = [{pipeline_mode = #tpu.pipeline_mode<synchronous>, transform_indices = @transform_0, window_bounds = array<i64: 2048, 2048>}, {transform_indices = @transform_1, window_bounds = array<i64: 256, 2048>}, {transform_indices = @transform_2, window_bounds = array<i64: 256, 2048>}]} {
    %get3A = arith.constant 0 : index
    %get3A_0 = arith.constant 0 : index
    %get3A_1 = vector.load %arg2[%get3A, %get3A_0] : memref<256x2048xbf16, #tpu.memory_space<vmem>>, vector<256x2048xbf16>
    %convert_element_type3A = arith.extf %get3A_1 : vector<256x2048xbf16> to vector<256x2048xf32>
    %le3A = arith.constant 5.000000e+00 : f32
    %le3A_2 = vector.broadcast %le3A : f32 to vector<256x2048xf32>
    %le3A_3 = arith.cmpf ole, %convert_element_type3A, %le3A_2 : vector<256x2048xf32>
    %jit3A = arith.constant 1.000000e+00 : f32
    %jit3A_4 = arith.constant 0.000000e+00 : f32
    %broadcast_in_dim3A = vector.broadcast %jit3A : f32 to vector<256x2048xf32>
    %broadcast_in_dim3A_5 = vector.broadcast %jit3A_4 : f32 to vector<256x2048xf32>
    %select_n3A = arith.select %le3A_3, %broadcast_in_dim3A, %broadcast_in_dim3A_5 : vector<256x2048xi1>, vector<256x2048xf32>
    %convert_element_type3A_6 = arith.truncf %select_n3A : vector<256x2048xf32> to vector<256x2048xbf16>
    %get3A_7 = arith.constant 0 : index
    %get3A_8 = arith.constant 0 : index
    %get3A_9 = vector.load %arg1[%get3A_7, %get3A_8] : memref<2048x2048xbf16, #tpu.memory_space<vmem>>, vector<2048x2048xbf16>
    %dot_general3A = arith.constant dense<0.000000e+00> : vector<256x2048xf32>
    %dot_general3A_10 = tpu.matmul %convert_element_type3A_6, %get3A_9, %dot_general3A {dimension_numbers = #tpu.dot_dimension_numbers<[1], [0], [0], [1], [0, 0, 1, 1], [], []>, transpose_lhs_hint = false} : vector<256x2048xbf16>, vector<2048x2048xbf16>, vector<256x2048xf32> -> vector<256x2048xf32>
    %gt3A = arith.constant 0.000000e+00 : f32
    %gt3A_11 = vector.broadcast %gt3A : f32 to vector<256x2048xf32>
    %gt3A_12 = arith.cmpf ogt, %dot_general3A_10, %gt3A_11 : vector<256x2048xf32>
    %eq3A = arith.constant 0x7F800000 : f32
    %eq3A_13 = vector.broadcast %eq3A : f32 to vector<256x2048xf32>
    %eq3A_14 = arith.cmpf oeq, %convert_element_type3A, %eq3A_13 : vector<256x2048xf32>
    %and3A = arith.andi %gt3A_12, %eq3A_14 : vector<256x2048xi1>
    %jit3A_15 = arith.constant 6.000000e+00 : f32
    %broadcast_in_dim3A_16 = vector.broadcast %jit3A_15 : f32 to vector<256x2048xf32>
    %select_n3A_17 = arith.select %and3A, %broadcast_in_dim3A_16, %convert_element_type3A : vector<256x2048xi1>, vector<256x2048xf32>
    %convert_element_type3A_18 = arith.truncf %select_n3A_17 : vector<256x2048xf32> to vector<256x2048xbf16>
    %swap3A = arith.constant 0 : index
    %swap3A_19 = arith.constant 0 : index
    %swap3A_20 = vector.load %arg3[%swap3A, %swap3A_19] : memref<256x2048xbf16, #tpu.memory_space<vmem>>, vector<256x2048xbf16>
    tpu.vector_store %arg3[%swap3A, %swap3A_19], %convert_element_type3A_18 {strides = array<i32>} : memref<256x2048xbf16, #tpu.memory_space<vmem>>, vector<256x2048xbf16>,
    return
  }
  func.func @transform_0(%arg0: i32) -> (i32, i32) {
    %c0_i32 = arith.constant 0 : i32
    %c0_i32_0 = arith.constant 0 : i32
    %c0_i32_1 = arith.constant 0 : i32
    return %c0_i32, %c0_i32_0 : i32, i32
  }
  func.func @transform_1(%arg0: i32) -> (i32, i32) {
    %c0_i32 = arith.constant 0 : i32
    %c0_i32_0 = arith.constant 0 : i32
    return %arg0, %c0_i32 : i32, i32
  }
  func.func @transform_2(%arg0: i32) -> (i32, i32) {
    %c0_i32 = arith.constant 0 : i32
    %c0_i32_0 = arith.constant 0 : i32
    return %arg0, %c0_i32 : i32, i32
  }
}

module attributes {stable_mosaic.version = 14 : i64} {
  func.func @_gnn_body(%arg0: i32, %arg1: memref<256x2048xf32, #tpu.memory_space<vmem>>, %arg2: memref<2048x128xf32, #tpu.memory_space<vmem>>, %arg3: memref<128x128xf32, #tpu.memory_space<vmem>>, %arg4: memref<1x128xf32, #tpu.memory_space<vmem>>, %arg5: memref<256x128xf32, #tpu.memory_space<vmem>>) attributes {dimension_semantics = [#tpu.dimension_semantics<arbitrary>], iteration_bounds = array<i64: 8>, scalar_prefetch = 0 : i64, scratch_operands = 0 : i64, tpu.core_type = #tpu.core_type<tc>, window_params = [{transform_indices = @transform_0, window_bounds = array<i64: 256, 2048>}, {pipeline_mode = #tpu.pipeline_mode<synchronous>, transform_indices = @transform_1, window_bounds = array<i64: 2048, 128>}, {pipeline_mode = #tpu.pipeline_mode<synchronous>, transform_indices = @transform_2, window_bounds = array<i64: 128, 128>}, {pipeline_mode = #tpu.pipeline_mode<synchronous>, transform_indices = @transform_3, window_bounds = array<i64: 1, 128>}, {transform_indices = @transform_4, window_bounds = array<i64: 256, 128>}]} {
    %get3A = arith.constant 0 : index
    %get3A_0 = arith.constant 0 : index
    %get3A_1 = vector.load %arg1[%get3A, %get3A_0] : memref<256x2048xf32, #tpu.memory_space<vmem>>, vector<256x2048xf32>
    %get3A_2 = arith.constant 0 : index
    %get3A_3 = arith.constant 0 : index
    %get3A_4 = vector.load %arg2[%get3A_2, %get3A_3] : memref<2048x128xf32, #tpu.memory_space<vmem>>, vector<2048x128xf32>
    %dot_general3A = arith.constant dense<0.000000e+00> : vector<256x128xf32>
    %dot_general3A_5 = tpu.matmul %get3A_1, %get3A_4, %dot_general3A {dimension_numbers = #tpu.dot_dimension_numbers<[1], [0], [0], [1], [0, 0, 1, 1], [], []>, transpose_lhs_hint = false} : vector<256x2048xf32>, vector<2048x128xf32>, vector<256x128xf32> -> vector<256x128xf32>
    %reduce_sum3A = arith.constant dense<0.000000e+00> : vector<256xf32>
    %reduce_sum3A_6 = vector.multi_reduction <add>, %get3A_1, %reduce_sum3A [1] : vector<256x2048xf32> to vector<256xf32>
    %broadcast_in_dim3A = vector.shape_cast %reduce_sum3A_6 : vector<256xf32> to vector<256x1xf32>
    %add3A = arith.constant 1.000000e+00 : f32
    %add3A_7 = vector.broadcast %add3A : f32 to vector<256x1xf32>
    %add3A_8 = arith.addf %broadcast_in_dim3A, %add3A_7 : vector<256x1xf32>
    %mul3A = arith.constant 256 : i32
    %mul3A_9 = arith.muli %arg0, %mul3A : i32
    %get3A_10 = arith.index_cast %mul3A_9 : i32 to index
    %get3A_11 = arith.constant 0 : index
    %get3A_12 = vector.load %arg2[%get3A_10, %get3A_11] : memref<2048x128xf32, #tpu.memory_space<vmem>>, vector<256x128xf32>
    %add3A_13 = arith.addf %get3A_12, %dot_general3A_5 : vector<256x128xf32>
    %div3A = vector.broadcast %add3A_8 : vector<256x1xf32> to vector<256x128xf32>
    %div3A_14 = arith.divf %add3A_13, %div3A : vector<256x128xf32>
    %get3A_15 = arith.constant 0 : index
    %get3A_16 = arith.constant 0 : index
    %get3A_17 = vector.load %arg3[%get3A_15, %get3A_16] : memref<128x128xf32, #tpu.memory_space<vmem>>, vector<128x128xf32>
    %dot_general3A_18 = arith.constant dense<0.000000e+00> : vector<256x128xf32>
    %dot_general3A_19 = tpu.matmul %div3A_14, %get3A_17, %dot_general3A_18 {dimension_numbers = #tpu.dot_dimension_numbers<[1], [0], [0], [1], [0, 0, 1, 1], [], []>, transpose_lhs_hint = false} : vector<256x128xf32>, vector<128x128xf32>, vector<256x128xf32> -> vector<256x128xf32>
    %get3A_20 = arith.constant 0 : index
    %get3A_21 = arith.constant 0 : index
    %get3A_22 = vector.load %arg4[%get3A_20, %get3A_21] : memref<1x128xf32, #tpu.memory_space<vmem>>, vector<1x128xf32>
    %add3A_23 = vector.broadcast %get3A_22 : vector<1x128xf32> to vector<256x128xf32>
    %add3A_24 = arith.addf %dot_general3A_19, %add3A_23 : vector<256x128xf32>
    %max3A = arith.constant 0.000000e+00 : f32
    %max3A_25 = vector.broadcast %max3A : f32 to vector<256x128xf32>
    %max3A_26 = arith.maximumf %add3A_24, %max3A_25 : vector<256x128xf32>
    %swap3A = arith.constant 0 : index
    %swap3A_27 = arith.constant 0 : index
    %swap3A_28 = vector.load %arg5[%swap3A, %swap3A_27] : memref<256x128xf32, #tpu.memory_space<vmem>>, vector<256x128xf32>
    tpu.vector_store %arg5[%swap3A, %swap3A_27], %max3A_26 {strides = array<i32>} : memref<256x128xf32, #tpu.memory_space<vmem>>, vector<256x128xf32>,
    return
  }
  func.func @transform_0(%arg0: i32) -> (i32, i32) {
    %c0_i32 = arith.constant 0 : i32
    %c0_i32_0 = arith.constant 0 : i32
    return %arg0, %c0_i32 : i32, i32
  }
  func.func @transform_1(%arg0: i32) -> (i32, i32) {
    %c0_i32 = arith.constant 0 : i32
    %c0_i32_0 = arith.constant 0 : i32
    %c0_i32_1 = arith.constant 0 : i32
    return %c0_i32, %c0_i32_0 : i32, i32
  }
  func.func @transform_2(%arg0: i32) -> (i32, i32) {
    %c0_i32 = arith.constant 0 : i32
    %c0_i32_0 = arith.constant 0 : i32
    %c0_i32_1 = arith.constant 0 : i32
    return %c0_i32, %c0_i32_0 : i32, i32
  }
  func.func @transform_3(%arg0: i32) -> (i32, i32) {
    %c0_i32 = arith.constant 0 : i32
    %c0_i32_0 = arith.constant 0 : i32
    %c0_i32_1 = arith.constant 0 : i32
    return %c0_i32, %c0_i32_0 : i32, i32
  }
  func.func @transform_4(%arg0: i32) -> (i32, i32) {
    %c0_i32 = arith.constant 0 : i32
    %c0_i32_0 = arith.constant 0 : i32
    return %arg0, %c0_i32 : i32, i32
  }
}

module attributes {stable_mosaic.version = 14 : i64} {
  func.func @_gnn_body(%arg0: i32, %arg1: memref<256x2048xf32, #tpu.memory_space<vmem>>, %arg2: memref<2048x128xf32, #tpu.memory_space<vmem>>, %arg3: memref<128x128xf32, #tpu.memory_space<vmem>>, %arg4: memref<1x128xf32, #tpu.memory_space<vmem>>, %arg5: memref<256x128xf32, #tpu.memory_space<vmem>>) attributes {dimension_semantics = [#tpu.dimension_semantics<arbitrary>], iteration_bounds = array<i64: 8>, scalar_prefetch = 0 : i64, scratch_operands = 0 : i64, tpu.core_type = #tpu.core_type<tc>, window_params = [{transform_indices = @transform_0, window_bounds = array<i64: 256, 2048>}, {pipeline_mode = #tpu.pipeline_mode<synchronous>, transform_indices = @transform_1, window_bounds = array<i64: 2048, 128>}, {pipeline_mode = #tpu.pipeline_mode<synchronous>, transform_indices = @transform_2, window_bounds = array<i64: 128, 128>}, {pipeline_mode = #tpu.pipeline_mode<synchronous>, transform_indices = @transform_3, window_bounds = array<i64: 1, 128>}, {transform_indices = @transform_4, window_bounds = array<i64: 256, 128>}]} {
    %get3A = arith.constant 0 : index
    %get3A_0 = arith.constant 0 : index
    %get3A_1 = vector.load %arg1[%get3A, %get3A_0] : memref<256x2048xf32, #tpu.memory_space<vmem>>, vector<256x2048xf32>
    %get3A_2 = arith.constant 0 : index
    %get3A_3 = arith.constant 0 : index
    %get3A_4 = vector.load %arg2[%get3A_2, %get3A_3] : memref<2048x128xf32, #tpu.memory_space<vmem>>, vector<2048x128xf32>
    %dot_general3A = arith.constant dense<0.000000e+00> : vector<256x128xf32>
    %dot_general3A_5 = tpu.matmul %get3A_1, %get3A_4, %dot_general3A {dimension_numbers = #tpu.dot_dimension_numbers<[1], [0], [0], [1], [0, 0, 1, 1], [], []>, transpose_lhs_hint = false} : vector<256x2048xf32>, vector<2048x128xf32>, vector<256x128xf32> -> vector<256x128xf32>
    %reduce_sum3A = arith.constant dense<0.000000e+00> : vector<256xf32>
    %reduce_sum3A_6 = vector.multi_reduction <add>, %get3A_1, %reduce_sum3A [1] : vector<256x2048xf32> to vector<256xf32>
    %broadcast_in_dim3A = vector.shape_cast %reduce_sum3A_6 : vector<256xf32> to vector<256x1xf32>
    %add3A = arith.constant 1.000000e+00 : f32
    %add3A_7 = vector.broadcast %add3A : f32 to vector<256x1xf32>
    %add3A_8 = arith.addf %broadcast_in_dim3A, %add3A_7 : vector<256x1xf32>
    %mul3A = arith.constant 256 : i32
    %mul3A_9 = arith.muli %arg0, %mul3A : i32
    %get3A_10 = arith.index_cast %mul3A_9 : i32 to index
    %get3A_11 = arith.constant 0 : index
    %get3A_12 = vector.load %arg2[%get3A_10, %get3A_11] : memref<2048x128xf32, #tpu.memory_space<vmem>>, vector<256x128xf32>
    %add3A_13 = arith.addf %get3A_12, %dot_general3A_5 : vector<256x128xf32>
    %div3A = vector.broadcast %add3A_8 : vector<256x1xf32> to vector<256x128xf32>
    %div3A_14 = arith.divf %add3A_13, %div3A : vector<256x128xf32>
    %get3A_15 = arith.constant 0 : index
    %get3A_16 = arith.constant 0 : index
    %get3A_17 = vector.load %arg3[%get3A_15, %get3A_16] : memref<128x128xf32, #tpu.memory_space<vmem>>, vector<128x128xf32>
    %dot_general3A_18 = arith.constant dense<0.000000e+00> : vector<256x128xf32>
    %dot_general3A_19 = tpu.matmul %div3A_14, %get3A_17, %dot_general3A_18 {dimension_numbers = #tpu.dot_dimension_numbers<[1], [0], [0], [1], [0, 0, 1, 1], [], []>, transpose_lhs_hint = false} : vector<256x128xf32>, vector<128x128xf32>, vector<256x128xf32> -> vector<256x128xf32>
    %get3A_20 = arith.constant 0 : index
    %get3A_21 = arith.constant 0 : index
    %get3A_22 = vector.load %arg4[%get3A_20, %get3A_21] : memref<1x128xf32, #tpu.memory_space<vmem>>, vector<1x128xf32>
    %add3A_23 = vector.broadcast %get3A_22 : vector<1x128xf32> to vector<256x128xf32>
    %add3A_24 = arith.addf %dot_general3A_19, %add3A_23 : vector<256x128xf32>
    %swap3A = arith.constant 0 : index
    %swap3A_25 = arith.constant 0 : index
    %swap3A_26 = vector.load %arg5[%swap3A, %swap3A_25] : memref<256x128xf32, #tpu.memory_space<vmem>>, vector<256x128xf32>
    tpu.vector_store %arg5[%swap3A, %swap3A_25], %add3A_24 {strides = array<i32>} : memref<256x128xf32, #tpu.memory_space<vmem>>, vector<256x128xf32>,
    return
  }
  func.func @transform_0(%arg0: i32) -> (i32, i32) {
    %c0_i32 = arith.constant 0 : i32
    %c0_i32_0 = arith.constant 0 : i32
    return %arg0, %c0_i32 : i32, i32
  }
  func.func @transform_1(%arg0: i32) -> (i32, i32) {
    %c0_i32 = arith.constant 0 : i32
    %c0_i32_0 = arith.constant 0 : i32
    %c0_i32_1 = arith.constant 0 : i32
    return %c0_i32, %c0_i32_0 : i32, i32
  }
  func.func @transform_2(%arg0: i32) -> (i32, i32) {
    %c0_i32 = arith.constant 0 : i32
    %c0_i32_0 = arith.constant 0 : i32
    %c0_i32_1 = arith.constant 0 : i32
    return %c0_i32, %c0_i32_0 : i32, i32
  }
  func.func @transform_3(%arg0: i32) -> (i32, i32) {
    %c0_i32 = arith.constant 0 : i32
    %c0_i32_0 = arith.constant 0 : i32
    %c0_i32_1 = arith.constant 0 : i32
    return %c0_i32, %c0_i32_0 : i32, i32
  }
  func.func @transform_4(%arg0: i32) -> (i32, i32) {
    %c0_i32 = arith.constant 0 : i32
    %c0_i32_0 = arith.constant 0 : i32
    return %arg0, %c0_i32 : i32, i32
  }
}

module attributes {stable_mosaic.version = 14 : i64} {
  func.func @_head_body(%arg0: i32, %arg1: memref<2048x128xf32, #tpu.memory_space<vmem>>, %arg2: memref<1x2048xi32, #tpu.memory_space<vmem>>, %arg3: memref<2048x3xf32, #tpu.memory_space<vmem>>, %arg4: memref<128x128xf32, #tpu.memory_space<vmem>>, %arg5: memref<1x128xf32, #tpu.memory_space<vmem>>, %arg6: memref<128x3xf32, #tpu.memory_space<vmem>>, %arg7: memref<1x3xf32, #tpu.memory_space<vmem>>, %arg8: memref<2048x3xf32, #tpu.memory_space<vmem>>, %arg9: memref<16x128xf32, #tpu.memory_space<vmem>>, %arg10: memref<1x1xf32, #tpu.memory_space<vmem>>) attributes {dimension_semantics = [#tpu.dimension_semantics<arbitrary>], iteration_bounds = array<i64: 1>, scalar_prefetch = 0 : i64, scratch_operands = 0 : i64, tpu.core_type = #tpu.core_type<tc>, window_params = [{pipeline_mode = #tpu.pipeline_mode<synchronous>, transform_indices = @transform_0, window_bounds = array<i64: 2048, 128>}, {pipeline_mode = #tpu.pipeline_mode<synchronous>, transform_indices = @transform_1, window_bounds = array<i64: 1, 2048>}, {pipeline_mode = #tpu.pipeline_mode<synchronous>, transform_indices = @transform_2, window_bounds = array<i64: 2048, 3>}, {pipeline_mode = #tpu.pipeline_mode<synchronous>, transform_indices = @transform_3, window_bounds = array<i64: 128, 128>}, {pipeline_mode = #tpu.pipeline_mode<synchronous>, transform_indices = @transform_4, window_bounds = array<i64: 1, 128>}, {pipeline_mode = #tpu.pipeline_mode<synchronous>, transform_indices = @transform_5, window_bounds = array<i64: 128, 3>}, {pipeline_mode = #tpu.pipeline_mode<synchronous>, transform_indices = @transform_6, window_bounds = array<i64: 1, 3>}, {pipeline_mode = #tpu.pipeline_mode<synchronous>, transform_indices = @transform_7, window_bounds = array<i64: 2048, 3>}, {pipeline_mode = #tpu.pipeline_mode<synchronous>, transform_indices = @transform_8, window_bounds = array<i64: 16, 128>}, {pipeline_mode = #tpu.pipeline_mode<synchronous>, transform_indices = @transform_9, window_bounds = array<i64: 1, 1>}]} {
    %get3A = arith.constant 0 : index
    %get3A_0 = arith.constant 0 : index
    %get3A_1 = vector.load %arg1[%get3A, %get3A_0] : memref<2048x128xf32, #tpu.memory_space<vmem>>, vector<2048x128xf32>
    %get3A_2 = arith.constant 0 : index
    %get3A_3 = arith.constant 0 : index
    %get3A_4 = vector.load %arg4[%get3A_2, %get3A_3] : memref<128x128xf32, #tpu.memory_space<vmem>>, vector<128x128xf32>
    %dot_general3A = arith.constant dense<0.000000e+00> : vector<2048x128xf32>
    %dot_general3A_5 = tpu.matmul %get3A_1, %get3A_4, %dot_general3A {dimension_numbers = #tpu.dot_dimension_numbers<[1], [0], [0], [1], [0, 0, 1, 1], [], []>, transpose_lhs_hint = false} : vector<2048x128xf32>, vector<128x128xf32>, vector<2048x128xf32> -> vector<2048x128xf32>
    %get3A_6 = arith.constant 0 : index
    %get3A_7 = arith.constant 0 : index
    %get3A_8 = vector.load %arg5[%get3A_6, %get3A_7] : memref<1x128xf32, #tpu.memory_space<vmem>>, vector<1x128xf32>
    %add3A = vector.broadcast %get3A_8 : vector<1x128xf32> to vector<2048x128xf32>
    %add3A_9 = arith.addf %dot_general3A_5, %add3A : vector<2048x128xf32>
    %max3A = arith.constant 0.000000e+00 : f32
    %max3A_10 = vector.broadcast %max3A : f32 to vector<2048x128xf32>
    %max3A_11 = arith.maximumf %add3A_9, %max3A_10 : vector<2048x128xf32>
    %get3A_12 = arith.constant 0 : index
    %get3A_13 = arith.constant 0 : index
    %get3A_14 = vector.load %arg6[%get3A_12, %get3A_13] : memref<128x3xf32, #tpu.memory_space<vmem>>, vector<128x3xf32>
    %dot_general3A_15 = arith.constant dense<0.000000e+00> : vector<2048x3xf32>
    %dot_general3A_16 = tpu.matmul %max3A_11, %get3A_14, %dot_general3A_15 {dimension_numbers = #tpu.dot_dimension_numbers<[1], [0], [0], [1], [0, 0, 1, 1], [], []>, transpose_lhs_hint = false} : vector<2048x128xf32>, vector<128x3xf32>, vector<2048x3xf32> -> vector<2048x3xf32>
    %get3A_17 = arith.constant 0 : index
    %get3A_18 = arith.constant 0 : index
    %get3A_19 = vector.load %arg7[%get3A_17, %get3A_18] : memref<1x3xf32, #tpu.memory_space<vmem>>, vector<1x3xf32>
    %add3A_20 = vector.broadcast %get3A_19 : vector<1x3xf32> to vector<2048x3xf32>
    %add3A_21 = arith.addf %dot_general3A_16, %add3A_20 : vector<2048x3xf32>
    %swap3A = arith.constant 0 : index
    %swap3A_22 = arith.constant 0 : index
    %swap3A_23 = vector.load %arg8[%swap3A, %swap3A_22] : memref<2048x3xf32, #tpu.memory_space<vmem>>, vector<2048x3xf32>
    tpu.vector_store %arg8[%swap3A, %swap3A_22], %add3A_21 {strides = array<i32>} : memref<2048x3xf32, #tpu.memory_space<vmem>>, vector<2048x3xf32>,
    %iota3A = tpu.iota {dimensions = array<i32: 0>} : vector<16x2048xi32>
    %get3A_24 = arith.constant 0 : index
    %get3A_25 = arith.constant 0 : index
    %get3A_26 = vector.load %arg2[%get3A_24, %get3A_25] : memref<1x2048xi32, #tpu.memory_space<vmem>>, vector<1x2048xi32>
    %eq3A = vector.broadcast %get3A_26 : vector<1x2048xi32> to vector<16x2048xi32>
    %eq3A_27 = arith.cmpi eq, %eq3A, %iota3A : vector<16x2048xi32>
    %jit3A = arith.constant 1.000000e+00 : f32
    %jit3A_28 = arith.constant 0.000000e+00 : f32
    %broadcast_in_dim3A = vector.broadcast %jit3A : f32 to vector<16x2048xf32>
    %broadcast_in_dim3A_29 = vector.broadcast %jit3A_28 : f32 to vector<16x2048xf32>
    %select_n3A = arith.select %eq3A_27, %broadcast_in_dim3A, %broadcast_in_dim3A_29 : vector<16x2048xi1>, vector<16x2048xf32>
    %reduce_sum3A = arith.constant dense<0.000000e+00> : vector<16xf32>
    %reduce_sum3A_30 = vector.multi_reduction <add>, %select_n3A, %reduce_sum3A [1] : vector<16x2048xf32> to vector<16xf32>
    %broadcast_in_dim3A_31 = vector.shape_cast %reduce_sum3A_30 : vector<16xf32> to vector<16x1xf32>
    %dot_general3A_32 = arith.constant dense<0.000000e+00> : vector<16x128xf32>
    %dot_general3A_33 = tpu.matmul %select_n3A, %get3A_1, %dot_general3A_32 {dimension_numbers = #tpu.dot_dimension_numbers<[1], [0], [0], [1], [0, 0, 1, 1], [], []>, transpose_lhs_hint = false} : vector<16x2048xf32>, vector<2048x128xf32>, vector<16x128xf32> -> vector<16x128xf32>
    %max3A_34 = arith.constant 1.000000e+00 : f32
    %max3A_35 = vector.broadcast %max3A_34 : f32 to vector<16x1xf32>
    %max3A_36 = arith.maximumf %broadcast_in_dim3A_31, %max3A_35 : vector<16x1xf32>
    %div3A = vector.broadcast %max3A_36 : vector<16x1xf32> to vector<16x128xf32>
    %div3A_37 = arith.divf %dot_general3A_33, %div3A : vector<16x128xf32>
    %swap3A_38 = arith.constant 0 : index
    %swap3A_39 = arith.constant 0 : index
    %swap3A_40 = vector.load %arg9[%swap3A_38, %swap3A_39] : memref<16x128xf32, #tpu.memory_space<vmem>>, vector<16x128xf32>
    tpu.vector_store %arg9[%swap3A_38, %swap3A_39], %div3A_37 {strides = array<i32>} : memref<16x128xf32, #tpu.memory_space<vmem>>, vector<16x128xf32>,
    %get3A_41 = arith.constant 0 : index
    %get3A_42 = arith.constant 0 : index
    %get3A_43 = vector.load %arg3[%get3A_41, %get3A_42] : memref<2048x3xf32, #tpu.memory_space<vmem>>, vector<2048x3xf32>
    %sub3A = arith.subf %add3A_21, %get3A_43 : vector<2048x3xf32>
    %mul3A = arith.mulf %sub3A, %sub3A : vector<2048x3xf32>
    %reduce_sum3A_44 = vector.shape_cast %mul3A : vector<2048x3xf32> to vector<1x2048x3xf32>
    %reduce_sum3A_45 = arith.constant dense<0.000000e+00> : vector<1xf32>
    %reduce_sum3A_46 = vector.multi_reduction <add>, %reduce_sum3A_44, %reduce_sum3A_45 [1, 2] : vector<1x2048x3xf32> to vector<1xf32>
    %reduce_sum3A_47 = vector.shape_cast %reduce_sum3A_46 : vector<1xf32> to vector<1x1x1xf32>
    %reduce_sum3A_48 = vector.extract %reduce_sum3A_47[0, 0, 0] : f32 from vector<1x1x1xf32>
    %div3A_49 = arith.constant 6.144000e+03 : f32
    %div3A_50 = arith.divf %reduce_sum3A_48, %div3A_49 : f32
    %reshape3A = vector.broadcast %div3A_50 : f32 to vector<1x1xf32>
    %swap3A_51 = arith.constant 0 : index
    %swap3A_52 = arith.constant 0 : index
    %swap3A_53 = vector.load %arg10[%swap3A_51, %swap3A_52] : memref<1x1xf32, #tpu.memory_space<vmem>>, vector<1x1xf32>
    tpu.vector_store %arg10[%swap3A_51, %swap3A_52], %reshape3A {strides = array<i32>} : memref<1x1xf32, #tpu.memory_space<vmem>>, vector<1x1xf32>,
    return
  }
  func.func @transform_0(%arg0: i32) -> (i32, i32) {
    %c0_i32 = arith.constant 0 : i32
    %c0_i32_0 = arith.constant 0 : i32
    %c0_i32_1 = arith.constant 0 : i32
    return %c0_i32, %c0_i32_0 : i32, i32
  }
  func.func @transform_1(%arg0: i32) -> (i32, i32) {
    %c0_i32 = arith.constant 0 : i32
    %c0_i32_0 = arith.constant 0 : i32
    %c0_i32_1 = arith.constant 0 : i32
    return %c0_i32, %c0_i32_0 : i32, i32
  }
  func.func @transform_2(%arg0: i32) -> (i32, i32) {
    %c0_i32 = arith.constant 0 : i32
    %c0_i32_0 = arith.constant 0 : i32
    %c0_i32_1 = arith.constant 0 : i32
    return %c0_i32, %c0_i32_0 : i32, i32
  }
  func.func @transform_3(%arg0: i32) -> (i32, i32) {
    %c0_i32 = arith.constant 0 : i32
    %c0_i32_0 = arith.constant 0 : i32
    %c0_i32_1 = arith.constant 0 : i32
    return %c0_i32, %c0_i32_0 : i32, i32
  }
  func.func @transform_4(%arg0: i32) -> (i32, i32) {
    %c0_i32 = arith.constant 0 : i32
    %c0_i32_0 = arith.constant 0 : i32
    %c0_i32_1 = arith.constant 0 : i32
    return %c0_i32, %c0_i32_0 : i32, i32
  }
  func.func @transform_5(%arg0: i32) -> (i32, i32) {
    %c0_i32 = arith.constant 0 : i32
    %c0_i32_0 = arith.constant 0 : i32
    %c0_i32_1 = arith.constant 0 : i32
    return %c0_i32, %c0_i32_0 : i32, i32
  }
  func.func @transform_6(%arg0: i32) -> (i32, i32) {
    %c0_i32 = arith.constant 0 : i32
    %c0_i32_0 = arith.constant 0 : i32
    %c0_i32_1 = arith.constant 0 : i32
    return %c0_i32, %c0_i32_0 : i32, i32
  }
  func.func @transform_7(%arg0: i32) -> (i32, i32) {
    %c0_i32 = arith.constant 0 : i32
    %c0_i32_0 = arith.constant 0 : i32
    %c0_i32_1 = arith.constant 0 : i32
    return %c0_i32, %c0_i32_0 : i32, i32
  }
  func.func @transform_8(%arg0: i32) -> (i32, i32) {
    %c0_i32 = arith.constant 0 : i32
    %c0_i32_0 = arith.constant 0 : i32
    %c0_i32_1 = arith.constant 0 : i32
    return %c0_i32, %c0_i32_0 : i32, i32
  }
  func.func @transform_9(%arg0: i32) -> (i32, i32) {
    %c0_i32 = arith.constant 0 : i32
    %c0_i32_0 = arith.constant 0 : i32
    %c0_i32_1 = arith.constant 0 : i32
    return %c0_i32, %c0_i32_0 : i32, i32
  }
}

module attributes {stable_mosaic.version = 14 : i64} {
  func.func @_mani_body(%arg0: i32, %arg1: memref<256x2048xbf16, #tpu.memory_space<vmem>>, %arg2: memref<256x3xf32, #tpu.memory_space<vmem>>, %arg3: memref<3x2048xf32, #tpu.memory_space<vmem>>, %arg4: memref<1x1xf32, #tpu.memory_space<vmem>>) attributes {dimension_semantics = [#tpu.dimension_semantics<arbitrary>], iteration_bounds = array<i64: 8>, scalar_prefetch = 0 : i64, scratch_operands = 0 : i64, tpu.core_type = #tpu.core_type<tc>, window_params = [{transform_indices = @transform_0, window_bounds = array<i64: 256, 2048>}, {transform_indices = @transform_1, window_bounds = array<i64: 256, 3>}, {pipeline_mode = #tpu.pipeline_mode<synchronous>, transform_indices = @transform_2, window_bounds = array<i64: 3, 2048>}, {pipeline_mode = #tpu.pipeline_mode<synchronous>, transform_indices = @transform_3, window_bounds = array<i64: 1, 1>}]} {
    %broadcast_in_dim3A = arith.constant 0.000000e+00 : f32
    %broadcast_in_dim3A_0 = vector.broadcast %broadcast_in_dim3A : f32 to vector<256x2048xf32>
    %get3A = arith.constant 0 : index
    %get3A_1 = arith.constant 0 : index
    %get3A_2 = vector.load %arg2[%get3A, %get3A_1] : memref<256x3xf32, #tpu.memory_space<vmem>>, vector<256x1xf32>
    %get3A_3 = arith.constant 0 : index
    %get3A_4 = arith.constant 0 : index
    %get3A_5 = vector.load %arg3[%get3A_3, %get3A_4] : memref<3x2048xf32, #tpu.memory_space<vmem>>, vector<1x2048xf32>
    %sub3A = vector.broadcast %get3A_2 : vector<256x1xf32> to vector<256x2048xf32>
    %sub3A_6 = vector.broadcast %get3A_5 : vector<1x2048xf32> to vector<256x2048xf32>
    %sub3A_7 = arith.subf %sub3A, %sub3A_6 : vector<256x2048xf32>
    %mul3A = arith.mulf %sub3A_7, %sub3A_7 : vector<256x2048xf32>
    %add3A = arith.addf %broadcast_in_dim3A_0, %mul3A : vector<256x2048xf32>
    %get3A_8 = arith.constant 0 : index
    %get3A_9 = arith.constant 1 : index
    %get3A_10 = vector.load %arg2[%get3A_8, %get3A_9] : memref<256x3xf32, #tpu.memory_space<vmem>>, vector<256x1xf32>
    %get3A_11 = arith.constant 1 : index
    %get3A_12 = arith.constant 0 : index
    %get3A_13 = vector.load %arg3[%get3A_11, %get3A_12] : memref<3x2048xf32, #tpu.memory_space<vmem>>, vector<1x2048xf32>
    %sub3A_14 = vector.broadcast %get3A_10 : vector<256x1xf32> to vector<256x2048xf32>
    %sub3A_15 = vector.broadcast %get3A_13 : vector<1x2048xf32> to vector<256x2048xf32>
    %sub3A_16 = arith.subf %sub3A_14, %sub3A_15 : vector<256x2048xf32>
    %mul3A_17 = arith.mulf %sub3A_16, %sub3A_16 : vector<256x2048xf32>
    %add3A_18 = arith.addf %add3A, %mul3A_17 : vector<256x2048xf32>
    %get3A_19 = arith.constant 0 : index
    %get3A_20 = arith.constant 2 : index
    %get3A_21 = vector.load %arg2[%get3A_19, %get3A_20] : memref<256x3xf32, #tpu.memory_space<vmem>>, vector<256x1xf32>
    %get3A_22 = arith.constant 2 : index
    %get3A_23 = arith.constant 0 : index
    %get3A_24 = vector.load %arg3[%get3A_22, %get3A_23] : memref<3x2048xf32, #tpu.memory_space<vmem>>, vector<1x2048xf32>
    %sub3A_25 = vector.broadcast %get3A_21 : vector<256x1xf32> to vector<256x2048xf32>
    %sub3A_26 = vector.broadcast %get3A_24 : vector<1x2048xf32> to vector<256x2048xf32>
    %sub3A_27 = arith.subf %sub3A_25, %sub3A_26 : vector<256x2048xf32>
    %mul3A_28 = arith.mulf %sub3A_27, %sub3A_27 : vector<256x2048xf32>
    %add3A_29 = arith.addf %add3A_18, %mul3A_28 : vector<256x2048xf32>
    %add3A_30 = arith.constant 9.99999996E-13 : f32
    %add3A_31 = vector.broadcast %add3A_30 : f32 to vector<256x2048xf32>
    %add3A_32 = arith.addf %add3A_29, %add3A_31 : vector<256x2048xf32>
    %sqrt3A = math.sqrt %add3A_32 : vector<256x2048xf32>
    %neg3A = arith.constant 0.000000e+00 : f32
    %neg3A_33 = vector.broadcast %neg3A : f32 to vector<256x2048xf32>
    %neg3A_34 = arith.subf %neg3A_33, %sqrt3A : vector<256x2048xf32>
    %div3A = arith.constant 1.000000e+00 : f32
    %div3A_35 = vector.broadcast %div3A : f32 to vector<256x2048xf32>
    %div3A_36 = arith.divf %neg3A_34, %div3A_35 : vector<256x2048xf32>
    %exp3A = math.exp %div3A_36 : vector<256x2048xf32>
    %get3A_37 = arith.constant 0 : index
    %get3A_38 = arith.constant 0 : index
    %get3A_39 = vector.load %arg1[%get3A_37, %get3A_38] : memref<256x2048xbf16, #tpu.memory_space<vmem>>, vector<256x2048xbf16>
    %convert_element_type3A = arith.extf %get3A_39 : vector<256x2048xbf16> to vector<256x2048xf32>
    %neg3A_40 = arith.constant 0.000000e+00 : f32
    %neg3A_41 = vector.broadcast %neg3A_40 : f32 to vector<256x2048xf32>
    %neg3A_42 = arith.subf %neg3A_41, %convert_element_type3A : vector<256x2048xf32>
    %div3A_43 = arith.constant 2.000000e+00 : f32
    %div3A_44 = vector.broadcast %div3A_43 : f32 to vector<256x2048xf32>
    %div3A_45 = arith.divf %neg3A_42, %div3A_44 : vector<256x2048xf32>
    %exp3A_46 = math.exp %div3A_45 : vector<256x2048xf32>
    %sub3A_47 = arith.subf %exp3A_46, %exp3A : vector<256x2048xf32>
    %mul3A_48 = arith.mulf %sub3A_47, %sub3A_47 : vector<256x2048xf32>
    %reduce_sum3A = vector.shape_cast %mul3A_48 : vector<256x2048xf32> to vector<1x256x2048xf32>
    %reduce_sum3A_49 = arith.constant dense<0.000000e+00> : vector<1xf32>
    %reduce_sum3A_50 = vector.multi_reduction <add>, %reduce_sum3A, %reduce_sum3A_49 [1, 2] : vector<1x256x2048xf32> to vector<1xf32>
    %reduce_sum3A_51 = vector.shape_cast %reduce_sum3A_50 : vector<1xf32> to vector<1x1x1xf32>
    %reduce_sum3A_52 = vector.extract %reduce_sum3A_51[0, 0, 0] : f32 from vector<1x1x1xf32>
    %reshape3A = vector.broadcast %reduce_sum3A_52 : f32 to vector<1x1xf32>
    %eq3A = arith.constant 0 : i32
    %eq3A_53 = arith.cmpi eq, %arg0, %eq3A : i32
    %get3A_54 = arith.constant 0 : index
    %get3A_55 = arith.constant 0 : index
    %get3A_56 = vector.load %arg4[%get3A_54, %get3A_55] : memref<1x1xf32, #tpu.memory_space<vmem>>, vector<1x1xf32>
    %add3A_57 = arith.addf %get3A_56, %reshape3A : vector<1x1xf32>
    %select_n3A = arith.select %eq3A_53, %reshape3A, %add3A_57 : vector<1x1xf32>
    %swap3A = arith.constant 0 : index
    %swap3A_58 = arith.constant 0 : index
    %swap3A_59 = vector.load %arg4[%swap3A, %swap3A_58] : memref<1x1xf32, #tpu.memory_space<vmem>>, vector<1x1xf32>
    tpu.vector_store %arg4[%swap3A, %swap3A_58], %select_n3A {strides = array<i32>} : memref<1x1xf32, #tpu.memory_space<vmem>>, vector<1x1xf32>,
    return
  }
  func.func @transform_0(%arg0: i32) -> (i32, i32) {
    %c0_i32 = arith.constant 0 : i32
    %c0_i32_0 = arith.constant 0 : i32
    return %arg0, %c0_i32 : i32, i32
  }
  func.func @transform_1(%arg0: i32) -> (i32, i32) {
    %c0_i32 = arith.constant 0 : i32
    %c0_i32_0 = arith.constant 0 : i32
    return %arg0, %c0_i32 : i32, i32
  }
  func.func @transform_2(%arg0: i32) -> (i32, i32) {
    %c0_i32 = arith.constant 0 : i32
    %c0_i32_0 = arith.constant 0 : i32
    %c0_i32_1 = arith.constant 0 : i32
    return %c0_i32, %c0_i32_0 : i32, i32
  }
  func.func @transform_3(%arg0: i32) -> (i32, i32) {
    %c0_i32 = arith.constant 0 : i32
    %c0_i32_0 = arith.constant 0 : i32
    %c0_i32_1 = arith.constant 0 : i32
    return %c0_i32, %c0_i32_0 : i32, i32
  }
}

</mosaic_0001>

<sc_bundles>
// kernel: kernel.15.cloned.1.call-start
scs
__scs_entry_jumppad:
0x0: {  	(pc) =	sbr.rel $0x88, $3  }
0x1: {  	(tag) =	ssettag $0x0;
	lr =	simm.s32 $0x1  }
0x2: {  	[smem:$0x3F97] =	sst lr;
	_ =	strace $0xD0000000  }
0x3: {  	_ = 	snop  }
0x4: {  	_ = 	snop  }
0x5: {  	_ = 	snop  }
0x6: {  	_ = 	snop  }
0x7: {  	_ = 	snop  }
__scs_overlays_trampoline_lowered:
0x8: {  	[smem:$0x3FA6] =	sst s0  }
0x9: {  	[smem:$0x3FA7] =	sst s1  }
0xa: {  	[smem:$0x3FA8] =	sst s2  }
0xb: {  	[smem:$0x3FA9] =	sst s3  }
0xc: {  	[smem:$0x3FAA] =	sst s4  }
0xd: {  	[smem:$0x3FAB] =	sst s5  }
0xe: {  	[smem:$0x3FAC] =	sst s6  }
0xf: {  	[smem:$0x3FAD] =	sst s7  }
0x10: {  	[smem:$0x3FAE] =	sst s8  }
0x11: {  	[smem:$0x3FAF] =	sst s9;
	s0 =	simm.s32 @!p0 $0x0  }
0x12: {  	s1 =	sld [smem:$0x3F95];
	s0 =	simm.s32 @p0 $0x1  }
0x13: {  	[smem:$0x3FB0] =	sst s0;
	s0 =	simm.s32 @!p1 $0x0  }
0x14: {  	s2 =	sld [smem:$0x3F94];
	s0 =	simm.s32 @p1 $0x1  }
0x15: {  	[smem:$0x3FB1] =	sst s0;
	s0 =	simm.s32 @!p2 $0x0  }
0x16: {  	s3 =	sld [smem:$0x3FDB];
	s0 =	simm.s32 @p2 $0x1  }
0x17: {  	s4 =	simm.s32 $0x1BF5;
	[smem:$0x3FB3] =	sst s0  }
0x18: {  	s0 =	sld [smem:$0x3F96];
	_ =	swait.ge [sflag:s4], $0x0  }
0x19: {  	s7 =	sld [smem:$0x3F97]  }
0x1a: {  	s8 =	sadd.s32 $0xFFFFE003, lr  }
0x1b: {  	s9 =	sadd.s32 $0xFFFFFEF7, lr;
	s5 =	simm.s32 $0xFFFFFFFF;
	p2 =	slt.u32 s8, $0xFFFFF086  }
0x1c: {  	p1 =	slt.u32 s9, $0xF7A;
	s5 =	simm.s32 @!p2 $0x0  }
0x1d: {  	s5 =	simm.s32 @p1 $0x1;
	p0 =	seq.s32 s7, s2  }
0x1e: {  	s7 =	smul.u32 @!p0 $0xF7A, s2;
	p2 =	seq.s32 @!p0 s5, $0x0  }
0x1f: {  	s9 =	smul.u32 $0xF7A, s1;
	s8 =	simm.s32 @!p0 $0x1BF5;
	p2 =	por !p2, p0  }
0x20: {  	[sflag:s8] =	ssyncset.s32 @!p0 $0xFFFFF086;
	s6 =	sadd.s32 @!p0 s3, s7;
	s7 =	simm.s32 @!p0 $0x108  }
0x21: {  	s3 =	sadd.s32 s3, s9;
	s6 =	sadd.s32 @!p0 $0x88, s6;
	s7 =	simm.s32 @p2 $0x1082  }
0x22: {  	[simem:s7], [sflag:s8] =	dma.local @!p0 [hbm:s6], $0xF7A  }
0x23: {  	s9 =	sor.u32 $0xD0000000, s2;
	s6 =	simm.s32 $0x108;
	_ =	swait.ge @!p0 [sflag:s8], $0x0  }
0x24: {  	s3 =	sadd.s32 $0x88, s3;
	s6 =	simm.s32 @!p1 $0x1082;
	[sflag:s4] =	ssyncset.s32 $0xFFFFF086  }
0x25: {  	[simem:s6], [sflag:s4] =	dma.local [hbm:s3], $0xF7A  }
0x26: {  	[smem:$0x3F97] =	sst s1;
	(tag) =	ssettag s2;
	_ =	strace s9  }
0x27: {  	s1 =	sld [smem:$0x3FA7]  }
0x28: {  	s2 =	sld [smem:$0x3FA8]  }
0x29: {  	s4 =	sld [smem:$0x3FAA]  }
0x2a: {  	p0 =	seq.s32 s5, $0x0;
	s5 =	sld [smem:$0x3FAB]  }
0x2b: {  	s6 =	sld [smem:$0x3FAC]  }
0x2c: {  	s7 =	sld [smem:$0x3FAD]  }
0x2d: {  	s3 =	simm.s32 $0x108;
	s8 =	sld [smem:$0x3FAE]  }
0x2e: {  	s3 =	simm.s32 @!p0 $0x1082;
	s9 =	sld [smem:$0x3FAF]  }
0x2f: {  	lr =	sadd.s32 s0, s3;
	s0 =	sld [smem:$0x3FA6]  }
0x30: {  	s3 =	sld [smem:$0x3FA9]  }
0x31: {  	[smem:$0x3FB2] =	sst s10  }
0x32: {  	s10 =	sld [smem:$0x3FB0];
	_ =	sdelay $0x3  }
0x33: {  	p0 =	seq.s32 s10, $0x1;
	s10 =	sld [smem:$0x3FB2];
	_ =	sdelay $0x3  }
0x34: {  	[smem:$0x3FB2] =	sst s10  }
0x35: {  	s10 =	sld [smem:$0x3FB1];
	_ =	sdelay $0x3  }
0x36: {  	p1 =	seq.s32 s10, $0x1;
	s10 =	sld [smem:$0x3FB2];
	_ =	sdelay $0x3  }
0x37: {  	[smem:$0x3FB2] =	sst s10  }
0x38: {  	s10 =	sld [smem:$0x3FB3]  }
0x39: {  	_ = 	snop;
	(pc) =	sbr.ind lr, $3  }
0x3a: {  	_ = 	snop  }
0x3b: {  	_ = 	snop  }
0x3c: {  	p2 =	seq.s32 s10, $0x1;
	s10 =	sld [smem:$0x3FB2]  }
0x3d: {  	_ =	shalt  }
0x3e: {  	_ =	shalt  }
0x3f: {  	_ =	shalt  }
0x40: {  	_ =	shalt  }
0x41: {  	_ =	shalt  }
0x42: {  	_ =	shalt  }
0x43: {  	_ =	shalt  }
0x44: {  	_ =	shalt  }
0x45: {  	_ =	shalt  }
0x46: {  	_ =	shalt  }
0x47: {  	_ =	shalt  }
0x48: {  	_ =	shalt  }
0x49: {  	_ =	shalt  }
0x4a: {  	_ =	shalt  }
0x4b: {  	_ =	shalt  }
0x4c: {  	_ =	shalt  }
0x4d: {  	_ =	shalt  }
0x4e: {  	_ =	shalt  }
0x4f: {  	_ =	shalt  }
0x50: {  	_ =	shalt  }
0x51: {  	_ =	shalt  }
0x52: {  	_ =	shalt  }
0x53: {  	_ =	shalt  }
0x54: {  	_ =	shalt  }
0x55: {  	_ =	shalt  }
0x56: {  	_ =	shalt  }
0x57: {  	_ =	shalt  }
0x58: {  	_ =	shalt  }
0x59: {  	_ =	shalt  }
0x5a: {  	_ =	shalt  }
0x5b: {  	_ =	shalt  }
0x5c: {  	_ =	shalt  }
0x5d: {  	_ =	shalt  }
0x5e: {  	_ =	shalt  }
0x5f: {  	_ =	shalt  }
0x60: {  	_ =	shalt  }
0x61: {  	_ =	shalt  }
0x62: {  	_ =	shalt  }
0x63: {  	_ =	shalt  }
0x64: {  	_ =	shalt  }
0x65: {  	_ =	shalt  }
0x66: {  	_ =	shalt  }
0x67: {  	_ =	shalt  }
0x68: {  	_ =	shalt  }
0x69: {  	_ =	shalt  }
0x6a: {  	_ =	shalt  }
0x6b: {  	_ =	shalt  }
0x6c: {  	_ =	shalt  }
0x6d: {  	_ =	shalt  }
0x6e: {  	_ =	shalt  }
0x6f: {  	_ =	shalt  }
0x70: {  	_ =	shalt  }
0x71: {  	_ =	shalt  }
0x72: {  	_ =	shalt  }
0x73: {  	_ =	shalt  }
0x74: {  	_ =	shalt  }
0x75: {  	_ =	shalt  }
0x76: {  	_ =	shalt  }
0x77: {  	_ =	shalt  }
0x78: {  	_ =	shalt  }
0x79: {  	_ =	shalt  }
0x7a: {  	_ =	shalt  }
0x7b: {  	_ =	shalt  }
0x7c: {  	_ =	shalt  }
0x7d: {  	_ =	shalt  }
0x7e: {  	_ =	shalt  }
0x7f: {  	_ =	shalt  }
0x80: {  	_ =	shalt  }
0x81: {  	_ =	shalt  }
0x82: {  	_ =	shalt  }
0x83: {  	_ =	shalt  }
0x84: {  	_ =	shalt  }
0x85: {  	_ =	shalt  }
0x86: {  	_ =	shalt  }
0x87: {  	_ =	shalt  }
.Lfunc_end0:
.L_simem_size_0:
called_computation_lowered:
.L_overlay_start_0:
0x88: {  	s2 =	sld [smem:$0x3FD9]  }
0x89: {  	s3 =	sld [smem:$0x3FFE];
	_ =	sdelay $0x1  }
0x8a: {  	s1 =	srdreg.scid  }
0x8b: {  	s0 =	sand.u32 $0x1, s1  }
0x8c: {  	s16 =	sshll.u32 s0, $0xA;
	s2 =	sadd.s32 s3, s2  }
0x8d: {  	s2 =	sadd.s32 s2, s16  }
0x8e: {  	[smem:$0x3FBE] =	sst s2  }
0x8f: {  	_ = 	snop  }
0x90: {  	(tm) =	ssettm $0x1  }
0x91: {  	s17 =	sld [smem:$0x3FFB];
	_ =	sdelay $0x3  }
0x92: {  	_ =	strace s17  }
0x93: {  	s2 =	sld [smem:$0x3FFC];
	_ =	sdelay $0x3  }
0x94: {  	_ =	strace s2  }
0x95: {  	s2 =	sld [smem:$0x3FFD];
	_ =	sdelay $0x3  }
0x96: {  	_ =	strace s2  }
0x97: {  	_ =	strace $0x8FFFFFFF  }
0x98: {  	s18 =	sld [smem:$0x3FDB];
	_ =	sdelay $0x1  }
0x99: {  	s19 =	simm.s32 $_scs_section_size  }
0x9a: {  	s4 =	simm.s32 $_size__tile_overlayer_lowered;
	s5 =	simm.s32 $_tile_overlayer_lowered  }
0x9b: {  	s22 =	simm.s32 $0x1BFF;
	s21 =	sshll.u32 s5, $0x1;
	s2 =	sadd.s32 s19, s18  }
0x9c: {  	s6 =	simm.s32 $0x0;
	s20 =	sshll.u32 s4, $0x1;
	s4 =	sadd.s32 s21, s2  }
0x9d: {  	[timem:s6], [sflag:s22] =	dma.local [hbm:s4], s20  }
0x9e: {  	_ =	swait.ge [sflag:s22], s20  }
0x9f: {  	s3 =	ssub.s32 $0x0, s20;
	[sflag:s22] =	ssyncset.done $0x0  }
0xa0: {  	[sflag:s22] =	ssyncadd.s32 s3;
	_ =	sdelay $0x1  }
0xa1: {  	s23 =	simm.s32 $0x1B8B  }
0xa2: {  	_ =	swait.ge [sflag:s23], $0x1  }
0xa3: {  	[sflag:s23] =	ssyncset.done $0x0  }
0xa4: {  	s25 =	simm.s32 $0x1B8E;
	s24 =	sld [smem:$0x3FFE];
	[sflag:s23] =	ssyncadd.s32 $0xFFFFFFFF  }
0xa5: {  	s26 =	simm.s32 $execute0_lowered;
	[smem:$0x3FD2] =	sst s25  }
0xa6: {  	s4 =	sshll.u32 s26, $0x1;
	_ =	strace $0x80000046;
	[dreg:$0x1] =	wrdreg $0xFFFFFFFF  }
0xa7: {  	s28 =	simm.s32 $_size_execute0_lowered;
	s2 =	sadd.s32 s2, s4;
	[dreg:$0x0] =	wrdreg $0x0  }
0xa8: {  	s4 =	sshll.u32 s28, $0x1;
	[dreg:$0x2] =	wrdreg s2  }
0xa9: {  	[dreg:$0x3] =	wrdreg s4  }
0xaa: {  	[dreg:$0x4] =	wrdreg $0xC0  }
0xab: {  	_ =	task [dreg:s6], $0x5FFFF  }
0xac: {  	[dreg:$0x1] =	wrdreg $0xFFFFFFFF  }
0xad: {  	[dreg:$0x0] =	wrdreg $0x60  }
0xae: {  	[dreg:$0x2] =	wrdreg s24  }
0xaf: {  	[dreg:$0x3] =	wrdreg $0x9  }
0xb0: {  	_ =	task.clear_ibuf [dreg:s6], $0x4FFFF;
	_ =	strace $0x90000046  }
0xb1: {  	s29 =	simm.s32 $0x9;
	_ =	strace $0x80000048  }
0xb2: {  	_ =	swait.ge [sflag:s29], $0x1  }
0xb3: {  	[sflag:s29] =	ssyncadd.s32 $0xFFFFFFFF  }
0xb4: {  	_ =	strace $0x90000048  }
0xb5: {  	_ =	sfence  }
0xb6: {  	s30 =	sld [smem:$0x0];
	_ =	sdelay $0x2  }
0xb7: {  	s31 =	sshll.u32 s1, $0xD;
	s1 =	sshrl.u32 s1, $0x2  }
0xb8: {  	s3 =	sand.u32 $0x4000, s31;
	s1 =	sadd.s32 s1, s30  }
0xb9: {  	s0 =	sor.u32 s3, s0;
	s1 =	sshll.u32 s1, $0x11  }
0xba: {  	s0 =	sor.u32 s1, s0  }
0xbb: {  	s0 =	sadd.s32 $0x8F2B, s0  }
0xbc: {  	[sflag:s0] =	ssyncadd.remote.s32 $0x1  }
0xbd: {  	_ =	sfence.sel $0xFFFF  }
0xbe: {  	[dreg:$0x0] =	wrdreg $0xFFFFFFFF;
	(pc) =	sbr.abs _section_cstart, $3  }
0xbf: {  	[dreg:$0x1] =	wrdreg $0xFFFFFFFF  }
0xc0: {  	_ =	task.clear_ibuf [dreg:s6], $0x2FFFF;
	_ =	strace $0x9FFFFFFF  }
0xc1: {  	(tm) =	ssettm $0x7FFFFFFF  }
tec
execute0_lowered:
.L_overlay_start_1:
0x0: {  	(tag) =	ssettag $0x1  }
0x1: {  	s10 =	rddreg [dreg:$0x0]  }
0x2: {  	s0 =	rddreg [dreg:$0x1]  }
0x3: {  	s2 =	simm.s32 $0x0;
	s3 =	srdreg.scid;
	s1 =	stileid.u32  }
0x4: {  	s16 =	simm.s32 $0x2;
	s18 =	simm.s32 $0x5;
	s19 =	simm.s32 $0x0  }
0x5: {  	[smem:$0x7FF] =	sst s2;
	s5 =	sand.u32 $0x1, s3;
	s3 =	sadd.s32 $0x4C00, s10  }
0x6: {  	s7 =	sshll.u32 s1, $0x1;
	s4 =	sadd.s32 $0x3C00, s10;
	s12 =	sadd.s32 $0x5C00, s10  }
0x7: {  	s9 =	sadd.s32 $0x5800, s10;
	_ =	strace $0x80000047;
	s6 =	ssub.s32 $0x2, s5  }
0x8: {  	s11 =	sor.u32 s5, s7;
	s5 =	sadd.s32 $0x5000, s10;
	s7 =	sadd.s32 $0x5400, s10  }
0x9: {  	s8 =	sshrl.u32 s6, $0x1;
	s14 =	sshll.u32 s11, $0x6;
	s11 =	sshll.u32 s11, $0xE  }
0xa: {  	s13 =	ssub.s32 s6, s8;
	s6 =	sadd.s32 $0x4000, s10;
	s8 =	sadd.s32 $0x4400, s10  }
0xb: {  	s17 =	sor.u32 $0x20, s14;
	s10 =	sadd.s32 $0x4800, s10;
	s11 =	sadd.s32 s12, s11  }
0xc: {  	v0 =	vmov s14;
	s14 =	simm.s32 $0x1;
	s15 =	sshll.u32 s17, $0x8;
	s13 =	smax.u32 s13, $0x1  }
0xd: {  	v2 =	vimm.f32 $0.0e+00;
	v3 =	vimm.f32 $1.000000000e+00;
	v1 =	vmov s17;
	s17 =	simm.s32 $0x4;
	s12 =	sadd.s32 s12, s15;
	s15 =	simm.s32 $0x3  }
.LBB2_1:
0xe: {  	s21 =	simm.s32 $0x10000;
	s22 =	simm.s32 $0x0  }
.LBB2_2:
0xf: {  	p0 =	sne.s32 s22, $0x3F0  }
.Ltmp0:
0x10: {  	_ = 	snop;
	(pc) =	sbr.rel @p0 .LBB2_2-.Ltmp0, $4  }
0x11: {  	_ = 	snop  }
0x12: {  	s23 =	sadd.s32 s22, s3;
	s20 =	simm.s32 $0x0  }
0x13: {  	[tilespmem:s21], [sflag:$0x1] =	stream.linear.gather [hbm4b:s23+s20], $0x80, $0x38;
	[tilespmem:$0x18000] =	vst v63  }
0x14: {  	s22 =	sadd.s32 $0x10, s22;
	s21 =	sadd.s32 $0x100, s21  }
0x15: {  	s21 =	simm.s32 $0x14000  }
0x16: {  	s22 =	simm.s32 $0x10;
	s24 =	sadd.s32 $0x0, s4;
	s23 =	simm.s32 $0x14100  }
.LBB2_4:
0x17: {  	[tilespmem:s21], [sflag:$0x3] =	stream.linear.gather [hbm4b:s24+s20], $0x80, $0x38;
	[tilespmem:$0x18000] =	vst v63  }
0x18: {  	s24 =	smov.u32 s22;
	s21 =	smov.u32 s23;
	p0 =	sne.s32 s22, $0x3F0  }
.Ltmp1:
0x19: {  	s22 =	sadd.s32 $0x10, s22;
	(pc) =	sbr.rel @p0 .LBB2_4-.Ltmp1, $2  }
0x1a: {  	_ =	sdelay $0x2  }
0x1b: {  	s23 =	sadd.s32 $0x100, s23;
	s24 =	sadd.s32 s24, s4  }
0x1c: {  	[tilespmem:s21], [sflag:$0x3] =	stream.linear.gather [hbm4b:s24+s20], $0x80, $0x38;
	[tilespmem:$0x18000] =	vst v63  }
0x1d: {  	s20 =	simm.s32 $0x0;
	s21 =	simm.s32 $0x200  }
.LBB2_6:
0x1e: {  	p0 =	sne.s32 s21, $0x3FE00;
	[tilespmem:s20+$0x70] =	vst v2  }
0x1f: {  	[tilespmem:s20+$0x0] =	vst v2  }
0x20: {  	[tilespmem:s20+$0x10] =	vst v2  }
.Ltmp2:
0x21: {  	[tilespmem:s20+$0x20] =	vst v2;
	(pc) =	sbr.rel @p0 .LBB2_6-.Ltmp2, $4  }
0x22: {  	[tilespmem:s20+$0x30] =	vst v2  }
0x23: {  	[tilespmem:s20+$0x40] =	vst v2  }
0x24: {  	[tilespmem:s20+$0x50] =	vst v2  }
0x25: {  	[tilespmem:s20+$0x60] =	vst v2;
	s20 =	sshra.s32 s21, $0x2;
	s21 =	sadd.s32 $0x200, s21  }
0x26: {  	[tilespmem:s20+$0x70] =	vst v2  }
0x27: {  	[tilespmem:s20+$0x0] =	vst v2  }
0x28: {  	[tilespmem:s20+$0x10] =	vst v2  }
0x29: {  	[tilespmem:s20+$0x20] =	vst v2  }
0x2a: {  	[tilespmem:s20+$0x30] =	vst v2  }
0x2b: {  	[tilespmem:s20+$0x40] =	vst v2  }
0x2c: {  	[tilespmem:s20+$0x50] =	vst v2;
	s21 =	simm.s32 $0x10080  }
0x2d: {  	[tilespmem:s20+$0x60] =	vst v2;
	s20 =	simm.s32 $0x10;
	s23 =	sadd.s32 $0x0, s5;
	s22 =	simm.s32 $0x10180  }
.LBB2_8:
0x2e: {  	[tilespmem:s21], [sflag:$0x2] =	stream.linear.gather [hbm4b:s23+s2], $0x80, $0x38;
	[tilespmem:$0x18000] =	vst v63  }
0x2f: {  	s23 =	smov.u32 s20;
	s21 =	smov.u32 s22;
	p0 =	sne.s32 s20, $0x3F0  }
.Ltmp3:
0x30: {  	s20 =	sadd.s32 $0x10, s20;
	(pc) =	sbr.rel @p0 .LBB2_8-.Ltmp3, $2  }
0x31: {  	_ =	sdelay $0x2  }
0x32: {  	s22 =	sadd.s32 $0x100, s22;
	s23 =	sadd.s32 s23, s5  }
0x33: {  	[tilespmem:s21], [sflag:$0x2] =	stream.linear.gather [hbm4b:s23+s2], $0x80, $0x38;
	[tilespmem:$0x18000] =	vst v63  }
0x34: {  	s20 =	simm.s32 $0x14080  }
0x35: {  	s21 =	simm.s32 $0x10;
	s23 =	sadd.s32 $0x0, s6;
	s22 =	simm.s32 $0x14180  }
.LBB2_10:
0x36: {  	[tilespmem:s20], [sflag:$0x4] =	stream.linear.gather [hbm4b:s23+s2], $0x80, $0x38;
	[tilespmem:$0x18000] =	vst v63  }
0x37: {  	s23 =	smov.u32 s21;
	s20 =	smov.u32 s22;
	p0 =	sne.s32 s21, $0x3F0  }
.Ltmp4:
0x38: {  	s21 =	sadd.s32 $0x10, s21;
	(pc) =	sbr.rel @p0 .LBB2_10-.Ltmp4, $2  }
0x39: {  	_ =	sdelay $0x2  }
0x3a: {  	s22 =	sadd.s32 $0x100, s22;
	s23 =	sadd.s32 s23, s6  }
0x3b: {  	[tilespmem:s20], [sflag:$0x4] =	stream.linear.gather [hbm4b:s23+s2], $0x80, $0x38;
	[tilespmem:$0x18000] =	vst v63  }
0x3c: {  	_ =	swait.ge [sflag:s14], $0x2000  }
0x3d: {  	[sflag:s14] =	ssyncset.done $0x0  }
0x3e: {  	[sflag:s14] =	ssyncadd.s32 $0xFFFFE000  }
0x3f: {  	_ =	swait.ge [sflag:s15], $0x2000  }
0x40: {  	[sflag:s15] =	ssyncset.done $0x0  }
0x41: {  	s20 =	simm.s32 $0x0;
	s21 =	simm.s32 $0x0;
	[sflag:s15] =	ssyncadd.s32 $0xFFFFE000  }
.LBB2_12:
0x42: {  	s22 =	sand.u32 $0x60, s21;
	s23 =	sand.u32 $0x3F00, s20  }
0x43: {  	s22 =	sor.u32 s22, s23  }
0x44: {  	v4 =	vld [tilespmem:s22+$0x10000];
	_ =	sdelay $0x1  }
0x45: {  	v5 =	vld [tilespmem:s22+$0x14000];
	_ =	sdelay $0x2  }
0x46: {  	v4 =	vsub.s32 v4, v0  }
0x47: {  	v6 =	vshll.u32 v4, $0xB  }
0x48: {  	vm0 =	vlt.u32 v4, $0x20;
	v4 =	vadd.s32 v5, v6  }
0x49: {  	v4 =	vnsel vm0, $0x0, v4;
	_ =	sdelay $0x4  }
0x4a: {  	[tilespmem:v4+s2+$0x0] =	vst.idx.add.f32.msk vm0, v3  }
0x4b: {  	v4 =	vld [tilespmem:s22+$0x10010];
	_ =	sdelay $0x1  }
0x4c: {  	v5 =	vld [tilespmem:s22+$0x14010];
	_ =	sdelay $0x2  }
0x4d: {  	v4 =	vsub.s32 v4, v0  }
0x4e: {  	v63 =	vshll.u32 v4, $0xB  }
0x4f: {  	vm15 =	vlt.u32 v4, $0x20;
	v4 =	vadd.s32 v5, v63  }
0x50: {  	p0 =	sne.s32 s21, $0x1FE0;
	v4 =	vnsel vm15, $0x0, v4  }
.Ltmp5:
0x51: {  	_ = 	snop;
	(pc) =	sbr.rel @p0 .LBB2_12-.Ltmp5, $2  }
0x52: {  	_ =	sdelay $0x2  }
0x53: {  	s20 =	sadd.s32 $0x40, s20;
	s21 =	sadd.s32 $0x20, s21;
	[tilespmem:v4+s2+$0x0] =	vst.idx.add.f32.msk vm15, v3  }
0x54: {  	s20 =	simm.s32 $0x10000  }
0x55: {  	s21 =	simm.s32 $0x10;
	s23 =	sadd.s32 $0x0, s7;
	s22 =	simm.s32 $0x10100  }
.LBB2_14:
0x56: {  	[tilespmem:s20], [sflag:$0x1] =	stream.linear.gather [hbm4b:s23+s2], $0x80, $0x38;
	[tilespmem:$0x18000] =	vst v63  }
0x57: {  	s23 =	smov.u32 s21;
	s20 =	smov.u32 s22;
	p0 =	sne.s32 s21, $0x3F0  }
.Ltmp6:
0x58: {  	s21 =	sadd.s32 $0x10, s21;
	(pc) =	sbr.rel @p0 .LBB2_14-.Ltmp6, $2  }
0x59: {  	_ =	sdelay $0x2  }
0x5a: {  	s22 =	sadd.s32 $0x100, s22;
	s23 =	sadd.s32 s23, s7  }
0x5b: {  	[tilespmem:s20], [sflag:$0x1] =	stream.linear.gather [hbm4b:s23+s2], $0x80, $0x38;
	[tilespmem:$0x18000] =	vst v63  }
0x5c: {  	s20 =	simm.s32 $0x14000  }
0x5d: {  	s21 =	simm.s32 $0x10;
	s23 =	sadd.s32 $0x0, s8;
	s22 =	simm.s32 $0x14100  }
.LBB2_16:
0x5e: {  	[tilespmem:s20], [sflag:$0x3] =	stream.linear.gather [hbm4b:s23+s2], $0x80, $0x38;
	[tilespmem:$0x18000] =	vst v63  }
0x5f: {  	s23 =	smov.u32 s21;
	s20 =	smov.u32 s22;
	p0 =	sne.s32 s21, $0x3F0  }
.Ltmp7:
0x60: {  	s21 =	sadd.s32 $0x10, s21;
	(pc) =	sbr.rel @p0 .LBB2_16-.Ltmp7, $2  }
0x61: {  	_ =	sdelay $0x2  }
0x62: {  	s22 =	sadd.s32 $0x100, s22;
	s23 =	sadd.s32 s23, s8  }
0x63: {  	[tilespmem:s20], [sflag:$0x3] =	stream.linear.gather [hbm4b:s23+s2], $0x80, $0x38;
	[tilespmem:$0x18000] =	vst v63  }
0x64: {  	_ =	swait.ge [sflag:s16], $0x2000  }
0x65: {  	[sflag:s16] =	ssyncset.done $0x0  }
0x66: {  	[sflag:s16] =	ssyncadd.s32 $0xFFFFE000  }
0x67: {  	_ =	swait.ge [sflag:s17], $0x2000  }
0x68: {  	[sflag:s17] =	ssyncset.done $0x0  }
0x69: {  	s20 =	simm.s32 $0x0;
	s21 =	simm.s32 $0x0;
	[sflag:s17] =	ssyncadd.s32 $0xFFFFE000  }
.LBB2_18:
0x6a: {  	s22 =	sand.u32 $0x60, s21;
	s23 =	sand.u32 $0x3F00, s20  }
0x6b: {  	s22 =	sor.u32 s22, s23  }
0x6c: {  	v4 =	vld [tilespmem:s22+$0x10080];
	_ =	sdelay $0x1  }
0x6d: {  	v5 =	vld [tilespmem:s22+$0x14080];
	_ =	sdelay $0x2  }
0x6e: {  	v4 =	vsub.s32 v4, v0  }
0x6f: {  	v6 =	vshll.u32 v4, $0xB  }
0x70: {  	vm0 =	vlt.u32 v4, $0x20;
	v4 =	vadd.s32 v5, v6  }
0x71: {  	v4 =	vnsel vm0, $0x0, v4;
	_ =	sdelay $0x4  }
0x72: {  	[tilespmem:v4+s2+$0x0] =	vst.idx.add.f32.msk vm0, v3  }
0x73: {  	v4 =	vld [tilespmem:s22+$0x10090];
	_ =	sdelay $0x1  }
0x74: {  	v5 =	vld [tilespmem:s22+$0x14090];
	_ =	sdelay $0x2  }
0x75: {  	v4 =	vsub.s32 v4, v0  }
0x76: {  	v63 =	vshll.u32 v4, $0xB  }
0x77: {  	vm15 =	vlt.u32 v4, $0x20;
	v4 =	vadd.s32 v5, v63  }
0x78: {  	p0 =	sne.s32 s21, $0x1FE0;
	v4 =	vnsel vm15, $0x0, v4  }
.Ltmp8:
0x79: {  	_ = 	snop;
	(pc) =	sbr.rel @p0 .LBB2_18-.Ltmp8, $2  }
0x7a: {  	_ =	sdelay $0x2  }
0x7b: {  	s20 =	sadd.s32 $0x40, s20;
	s21 =	sadd.s32 $0x20, s21;
	[tilespmem:v4+s2+$0x0] =	vst.idx.add.f32.msk vm15, v3  }
0x7c: {  	s20 =	simm.s32 $0x10080  }
0x7d: {  	s21 =	simm.s32 $0x10;
	s23 =	sadd.s32 $0x0, s9;
	s22 =	simm.s32 $0x10180  }
.LBB2_20:
0x7e: {  	[tilespmem:s20], [sflag:$0x2] =	stream.linear.gather [hbm4b:s23+s2], $0x80, $0x38;
	[tilespmem:$0x18000] =	vst v63  }
0x7f: {  	s23 =	smov.u32 s21;
	s20 =	smov.u32 s22;
	p0 =	sne.s32 s21, $0x3F0  }
.Ltmp9:
0x80: {  	s21 =	sadd.s32 $0x10, s21;
	(pc) =	sbr.rel @p0 .LBB2_20-.Ltmp9, $2  }
0x81: {  	_ =	sdelay $0x2  }
0x82: {  	s22 =	sadd.s32 $0x100, s22;
	s23 =	sadd.s32 s23, s9  }
0x83: {  	[tilespmem:s20], [sflag:$0x2] =	stream.linear.gather [hbm4b:s23+s2], $0x80, $0x38;
	[tilespmem:$0x18000] =	vst v63  }
0x84: {  	s20 =	simm.s32 $0x14080  }
0x85: {  	s21 =	simm.s32 $0x10;
	s23 =	sadd.s32 $0x0, s10;
	s22 =	simm.s32 $0x14180  }
.LBB2_22:
0x86: {  	[tilespmem:s20], [sflag:$0x4] =	stream.linear.gather [hbm4b:s23+s2], $0x80, $0x38;
	[tilespmem:$0x18000] =	vst v63  }
0x87: {  	s23 =	smov.u32 s21;
	s20 =	smov.u32 s22;
	p0 =	sne.s32 s21, $0x3F0  }
.Ltmp10:
0x88: {  	s21 =	sadd.s32 $0x10, s21;
	(pc) =	sbr.rel @p0 .LBB2_22-.Ltmp10, $2  }
0x89: {  	_ =	sdelay $0x2  }
0x8a: {  	s22 =	sadd.s32 $0x100, s22;
	s23 =	sadd.s32 s23, s10  }
0x8b: {  	[tilespmem:s20], [sflag:$0x4] =	stream.linear.gather [hbm4b:s23+s2], $0x80, $0x38;
	[tilespmem:$0x18000] =	vst v63  }
0x8c: {  	_ =	swait.ge [sflag:s14], $0x2000  }
0x8d: {  	[sflag:s14] =	ssyncset.done $0x0  }
0x8e: {  	[sflag:s14] =	ssyncadd.s32 $0xFFFFE000  }
0x8f: {  	_ =	swait.ge [sflag:s15], $0x2000  }
0x90: {  	[sflag:s15] =	ssyncset.done $0x0  }
0x91: {  	s20 =	simm.s32 $0x0;
	s21 =	simm.s32 $0x0;
	[sflag:s15] =	ssyncadd.s32 $0xFFFFE000  }
.LBB2_24:
0x92: {  	s22 =	sand.u32 $0x60, s21;
	s23 =	sand.u32 $0x3F00, s20  }
0x93: {  	s22 =	sor.u32 s22, s23  }
0x94: {  	v4 =	vld [tilespmem:s22+$0x10000];
	_ =	sdelay $0x1  }
0x95: {  	v5 =	vld [tilespmem:s22+$0x14000];
	_ =	sdelay $0x2  }
0x96: {  	v4 =	vsub.s32 v4, v0  }
0x97: {  	v6 =	vshll.u32 v4, $0xB  }
0x98: {  	vm0 =	vlt.u32 v4, $0x20;
	v4 =	vadd.s32 v5, v6  }
0x99: {  	v4 =	vnsel vm0, $0x0, v4;
	_ =	sdelay $0x4  }
0x9a: {  	[tilespmem:v4+s2+$0x0] =	vst.idx.add.f32.msk vm0, v3  }
0x9b: {  	v4 =	vld [tilespmem:s22+$0x10010];
	_ =	sdelay $0x1  }
0x9c: {  	v5 =	vld [tilespmem:s22+$0x14010];
	_ =	sdelay $0x2  }
0x9d: {  	v4 =	vsub.s32 v4, v0  }
0x9e: {  	v63 =	vshll.u32 v4, $0xB  }
0x9f: {  	vm15 =	vlt.u32 v4, $0x20;
	v4 =	vadd.s32 v5, v63  }
0xa0: {  	p0 =	sne.s32 s21, $0x1FE0;
	v4 =	vnsel vm15, $0x0, v4  }
.Ltmp11:
0xa1: {  	_ = 	snop;
	(pc) =	sbr.rel @p0 .LBB2_24-.Ltmp11, $2  }
0xa2: {  	_ =	sdelay $0x2  }
0xa3: {  	s20 =	sadd.s32 $0x40, s20;
	s21 =	sadd.s32 $0x20, s21;
	[tilespmem:v4+s2+$0x0] =	vst.idx.add.f32.msk vm15, v3  }
0xa4: {  	_ =	swait.ge [sflag:s16], $0x2000  }
0xa5: {  	[sflag:s16] =	ssyncset.done $0x0  }
0xa6: {  	[sflag:s16] =	ssyncadd.s32 $0xFFFFE000  }
0xa7: {  	_ =	swait.ge [sflag:s17], $0x2000  }
0xa8: {  	[sflag:s17] =	ssyncset.done $0x0  }
0xa9: {  	s20 =	simm.s32 $0x0;
	s21 =	simm.s32 $0x0;
	[sflag:s17] =	ssyncadd.s32 $0xFFFFE000  }
.LBB2_26:
0xaa: {  	s22 =	sand.u32 $0x60, s21;
	s23 =	sand.u32 $0x3F00, s20  }
0xab: {  	s22 =	sor.u32 s22, s23  }
0xac: {  	v4 =	vld [tilespmem:s22+$0x10080];
	_ =	sdelay $0x1  }
0xad: {  	v5 =	vld [tilespmem:s22+$0x14080];
	_ =	sdelay $0x2  }
0xae: {  	v4 =	vsub.s32 v4, v0  }
0xaf: {  	v6 =	vshll.u32 v4, $0xB  }
0xb0: {  	vm0 =	vlt.u32 v4, $0x20;
	v4 =	vadd.s32 v5, v6  }
0xb1: {  	v4 =	vnsel vm0, $0x0, v4;
	_ =	sdelay $0x4  }
0xb2: {  	[tilespmem:v4+s2+$0x0] =	vst.idx.add.f32.msk vm0, v3  }
0xb3: {  	v4 =	vld [tilespmem:s22+$0x10090];
	_ =	sdelay $0x1  }
0xb4: {  	v5 =	vld [tilespmem:s22+$0x14090];
	_ =	sdelay $0x2  }
0xb5: {  	v4 =	vsub.s32 v4, v0  }
0xb6: {  	v63 =	vshll.u32 v4, $0xB  }
0xb7: {  	vm15 =	vlt.u32 v4, $0x20;
	v4 =	vadd.s32 v5, v63  }
0xb8: {  	p0 =	sne.s32 s21, $0x1FE0;
	v4 =	vnsel vm15, $0x0, v4  }
.Ltmp12:
0xb9: {  	_ = 	snop;
	(pc) =	sbr.rel @p0 .LBB2_26-.Ltmp12, $2  }
0xba: {  	_ =	sdelay $0x2  }
0xbb: {  	s20 =	sadd.s32 $0x40, s20;
	s21 =	sadd.s32 $0x20, s21;
	[tilespmem:v4+s2+$0x0] =	vst.idx.add.f32.msk vm15, v3  }
0xbc: {  	s20 =	simm.s32 $0x0  }
0xbd: {  	[hbm4b:s11+s20] =	stream.linear.scatter [tilespmem:s20], [sflag:$0x5], $0x10000, $0x38;
	[tilespmem:$0x18000] =	vst v63  }
0xbe: {  	_ =	swait.ge [sflag:s18], $0x10000  }
0xbf: {  	[sflag:s18] =	ssyncset.done $0x0  }
0xc0: {  	s21 =	simm.s32 $0x10000;
	s22 =	simm.s32 $0x0;
	[sflag:s18] =	ssyncadd.s32 $0xFFFF0000  }
.LBB2_28:
0xc1: {  	p0 =	sne.s32 s22, $0x3F0  }
.Ltmp13:
0xc2: {  	_ = 	snop;
	(pc) =	sbr.rel @p0 .LBB2_28-.Ltmp13, $4  }
0xc3: {  	_ = 	snop  }
0xc4: {  	s23 =	sadd.s32 s22, s3  }
0xc5: {  	[tilespmem:s21], [sflag:$0x1] =	stream.linear.gather [hbm4b:s23+s20], $0x80, $0x38;
	[tilespmem:$0x18000] =	vst v63  }
0xc6: {  	s22 =	sadd.s32 $0x10, s22;
	s21 =	sadd.s32 $0x100, s21  }
0xc7: {  	s21 =	simm.s32 $0x14000;
	s22 =	sadd.s32 $0x0, s4;
	s20 =	simm.s32 $0x0  }
0xc8: {  	[tilespmem:s21], [sflag:$0x3] =	stream.linear.gather [hbm4b:s22+s20], $0x80, $0x38;
	[tilespmem:$0x18000] =	vst v63  }
0xc9: {  	s22 =	simm.s32 $0x10  }
.LBB2_30:
0xca: {  	p0 =	sne.s32 s22, $0x3F0  }
.Ltmp14:
0xcb: {  	_ = 	snop;
	(pc) =	sbr.rel @p0 .LBB2_30-.Ltmp14, $4  }
0xcc: {  	_ = 	snop  }
0xcd: {  	s23 =	sadd.s32 s22, s4;
	s21 =	sadd.s32 $0x100, s21  }
0xce: {  	s22 =	sadd.s32 $0x10, s22  }
0xcf: {  	[tilespmem:s21], [sflag:$0x3] =	stream.linear.gather [hbm4b:s23+s20], $0x80, $0x38;
	[tilespmem:$0x18000] =	vst v63  }
0xd0: {  	s21 =	simm.s32 $0x0;
	s22 =	simm.s32 $0x200  }
.LBB2_32:
0xd1: {  	p0 =	sne.s32 s22, $0x3FE00;
	[tilespmem:s21+$0x70] =	vst v2  }
0xd2: {  	[tilespmem:s21+$0x0] =	vst v2  }
0xd3: {  	[tilespmem:s21+$0x10] =	vst v2  }
.Ltmp15:
0xd4: {  	[tilespmem:s21+$0x20] =	vst v2;
	(pc) =	sbr.rel @p0 .LBB2_32-.Ltmp15, $4  }
0xd5: {  	[tilespmem:s21+$0x30] =	vst v2  }
0xd6: {  	[tilespmem:s21+$0x40] =	vst v2  }
0xd7: {  	[tilespmem:s21+$0x50] =	vst v2  }
0xd8: {  	[tilespmem:s21+$0x60] =	vst v2;
	s21 =	sshra.s32 s22, $0x2;
	s22 =	sadd.s32 $0x200, s22  }
0xd9: {  	[tilespmem:s21+$0x70] =	vst v2  }
0xda: {  	[tilespmem:s21+$0x0] =	vst v2  }
0xdb: {  	[tilespmem:s21+$0x10] =	vst v2  }
0xdc: {  	[tilespmem:s21+$0x20] =	vst v2  }
0xdd: {  	[tilespmem:s21+$0x30] =	vst v2  }
0xde: {  	[tilespmem:s21+$0x40] =	vst v2  }
0xdf: {  	[tilespmem:s21+$0x50] =	vst v2  }
0xe0: {  	[tilespmem:s21+$0x60] =	vst v2;
	s21 =	simm.s32 $0x10080  }
.LBB2_34:
0xe1: {  	p0 =	sne.s32 s20, $0x3F0  }
.Ltmp16:
0xe2: {  	_ = 	snop;
	(pc) =	sbr.rel @p0 .LBB2_34-.Ltmp16, $4  }
0xe3: {  	_ = 	snop  }
0xe4: {  	s22 =	sadd.s32 s20, s5;
	s23 =	simm.s32 $0x0  }
0xe5: {  	[tilespmem:s21], [sflag:$0x2] =	stream.linear.gather [hbm4b:s22+s23], $0x80, $0x38;
	[tilespmem:$0x18000] =	vst v63  }
0xe6: {  	s20 =	sadd.s32 $0x10, s20;
	s21 =	sadd.s32 $0x100, s21  }
0xe7: {  	s20 =	simm.s32 $0x14080  }
0xe8: {  	s21 =	simm.s32 $0x10;
	s23 =	sadd.s32 $0x0, s6;
	s22 =	simm.s32 $0x14180  }
.LBB2_36:
0xe9: {  	[tilespmem:s20], [sflag:$0x4] =	stream.linear.gather [hbm4b:s23+s2], $0x80, $0x38;
	[tilespmem:$0x18000] =	vst v63  }
0xea: {  	s23 =	smov.u32 s21;
	s20 =	smov.u32 s22;
	p0 =	sne.s32 s21, $0x3F0  }
.Ltmp17:
0xeb: {  	s21 =	sadd.s32 $0x10, s21;
	(pc) =	sbr.rel @p0 .LBB2_36-.Ltmp17, $2  }
0xec: {  	_ =	sdelay $0x2  }
0xed: {  	s22 =	sadd.s32 $0x100, s22;
	s23 =	sadd.s32 s23, s6  }
0xee: {  	[tilespmem:s20], [sflag:$0x4] =	stream.linear.gather [hbm4b:s23+s2], $0x80, $0x38;
	[tilespmem:$0x18000] =	vst v63  }
0xef: {  	_ =	swait.ge [sflag:s14], $0x2000  }
0xf0: {  	[sflag:s14] =	ssyncset.done $0x0  }
0xf1: {  	[sflag:s14] =	ssyncadd.s32 $0xFFFFE000  }
0xf2: {  	_ =	swait.ge [sflag:s15], $0x2000  }
0xf3: {  	s20 =	simm.s32 $0x0;
	[sflag:s15] =	ssyncset.done $0x0  }
0xf4: {  	s21 =	simm.s32 $0x0;
	s22 =	simm.s32 $0x0;
	[sflag:s15] =	ssyncadd.s32 $0xFFFFE000  }
.LBB2_38:
0xf5: {  	s23 =	sand.u32 $0x60, s22;
	s24 =	sand.u32 $0x3F00, s21  }
0xf6: {  	s23 =	sor.u32 s23, s24  }
0xf7: {  	v4 =	vld [tilespmem:s23+$0x10000];
	_ =	sdelay $0x1  }
0xf8: {  	v5 =	vld [tilespmem:s23+$0x14000];
	_ =	sdelay $0x2  }
0xf9: {  	v4 =	vsub.s32 v4, v1  }
0xfa: {  	v6 =	vshll.u32 v4, $0xB  }
0xfb: {  	vm0 =	vlt.u32 v4, $0x20;
	v4 =	vadd.s32 v5, v6  }
0xfc: {  	v4 =	vnsel vm0, $0x0, v4;
	_ =	sdelay $0x4  }
0xfd: {  	[tilespmem:v4+s20+$0x0] =	vst.idx.add.f32.msk vm0, v3  }
0xfe: {  	v4 =	vld [tilespmem:s23+$0x10010];
	_ =	sdelay $0x1  }
0xff: {  	v5 =	vld [tilespmem:s23+$0x14010];
	_ =	sdelay $0x2  }
0x100: {  	v4 =	vsub.s32 v4, v1  }
0x101: {  	v63 =	vshll.u32 v4, $0xB  }
0x102: {  	vm15 =	vlt.u32 v4, $0x20;
	v4 =	vadd.s32 v5, v63  }
0x103: {  	p0 =	sne.s32 s22, $0x1FE0;
	v4 =	vnsel vm15, $0x0, v4  }
.Ltmp18:
0x104: {  	_ = 	snop;
	(pc) =	sbr.rel @p0 .LBB2_38-.Ltmp18, $2  }
0x105: {  	_ =	sdelay $0x2  }
0x106: {  	s21 =	sadd.s32 $0x40, s21;
	s22 =	sadd.s32 $0x20, s22;
	[tilespmem:v4+s20+$0x0] =	vst.idx.add.f32.msk vm15, v3  }
0x107: {  	s21 =	simm.s32 $0x10000  }
.LBB2_40:
0x108: {  	p0 =	sne.s32 s20, $0x3F0  }
.Ltmp19:
0x109: {  	_ = 	snop;
	(pc) =	sbr.rel @p0 .LBB2_40-.Ltmp19, $4  }
0x10a: {  	_ = 	snop  }
0x10b: {  	s22 =	sadd.s32 s20, s7;
	s23 =	simm.s32 $0x0  }
0x10c: {  	[tilespmem:s21], [sflag:$0x1] =	stream.linear.gather [hbm4b:s22+s23], $0x80, $0x38;
	[tilespmem:$0x18000] =	vst v63  }
0x10d: {  	s20 =	sadd.s32 $0x10, s20;
	s21 =	sadd.s32 $0x100, s21  }
0x10e: {  	s20 =	simm.s32 $0x14000  }
0x10f: {  	s21 =	simm.s32 $0x10;
	s23 =	sadd.s32 $0x0, s8;
	s22 =	simm.s32 $0x14100  }
.LBB2_42:
0x110: {  	[tilespmem:s20], [sflag:$0x3] =	stream.linear.gather [hbm4b:s23+s2], $0x80, $0x38;
	[tilespmem:$0x18000] =	vst v63  }
0x111: {  	s23 =	smov.u32 s21;
	s20 =	smov.u32 s22;
	p0 =	sne.s32 s21, $0x3F0  }
.Ltmp20:
0x112: {  	s21 =	sadd.s32 $0x10, s21;
	(pc) =	sbr.rel @p0 .LBB2_42-.Ltmp20, $2  }
0x113: {  	_ =	sdelay $0x2  }
0x114: {  	s22 =	sadd.s32 $0x100, s22;
	s23 =	sadd.s32 s23, s8  }
0x115: {  	[tilespmem:s20], [sflag:$0x3] =	stream.linear.gather [hbm4b:s23+s2], $0x80, $0x38;
	[tilespmem:$0x18000] =	vst v63  }
0x116: {  	_ =	swait.ge [sflag:s16], $0x2000  }
0x117: {  	[sflag:s16] =	ssyncset.done $0x0  }
0x118: {  	[sflag:s16] =	ssyncadd.s32 $0xFFFFE000  }
0x119: {  	_ =	swait.ge [sflag:s17], $0x2000  }
0x11a: {  	s20 =	simm.s32 $0x0;
	[sflag:s17] =	ssyncset.done $0x0  }
0x11b: {  	s21 =	simm.s32 $0x0;
	s22 =	simm.s32 $0x0;
	[sflag:s17] =	ssyncadd.s32 $0xFFFFE000  }
.LBB2_44:
0x11c: {  	s23 =	sand.u32 $0x60, s22;
	s24 =	sand.u32 $0x3F00, s21  }
0x11d: {  	s23 =	sor.u32 s23, s24  }
0x11e: {  	v4 =	vld [tilespmem:s23+$0x10080];
	_ =	sdelay $0x1  }
0x11f: {  	v5 =	vld [tilespmem:s23+$0x14080];
	_ =	sdelay $0x2  }
0x120: {  	v4 =	vsub.s32 v4, v1  }
0x121: {  	v6 =	vshll.u32 v4, $0xB  }
0x122: {  	vm0 =	vlt.u32 v4, $0x20;
	v4 =	vadd.s32 v5, v6  }
0x123: {  	v4 =	vnsel vm0, $0x0, v4;
	_ =	sdelay $0x4  }
0x124: {  	[tilespmem:v4+s20+$0x0] =	vst.idx.add.f32.msk vm0, v3  }
0x125: {  	v4 =	vld [tilespmem:s23+$0x10090];
	_ =	sdelay $0x1  }
0x126: {  	v5 =	vld [tilespmem:s23+$0x14090];
	_ =	sdelay $0x2  }
0x127: {  	v4 =	vsub.s32 v4, v1  }
0x128: {  	v63 =	vshll.u32 v4, $0xB  }
0x129: {  	vm15 =	vlt.u32 v4, $0x20;
	v4 =	vadd.s32 v5, v63  }
0x12a: {  	p0 =	sne.s32 s22, $0x1FE0;
	v4 =	vnsel vm15, $0x0, v4  }
.Ltmp21:
0x12b: {  	_ = 	snop;
	(pc) =	sbr.rel @p0 .LBB2_44-.Ltmp21, $2  }
0x12c: {  	_ =	sdelay $0x2  }
0x12d: {  	s21 =	sadd.s32 $0x40, s21;
	s22 =	sadd.s32 $0x20, s22;
	[tilespmem:v4+s20+$0x0] =	vst.idx.add.f32.msk vm15, v3  }
0x12e: {  	s21 =	simm.s32 $0x10080  }
.LBB2_46:
0x12f: {  	p0 =	sne.s32 s20, $0x3F0  }
.Ltmp22:
0x130: {  	_ = 	snop;
	(pc) =	sbr.rel @p0 .LBB2_46-.Ltmp22, $4  }
0x131: {  	_ = 	snop  }
0x132: {  	s22 =	sadd.s32 s20, s9;
	s23 =	simm.s32 $0x0  }
0x133: {  	[tilespmem:s21], [sflag:$0x2] =	stream.linear.gather [hbm4b:s22+s23], $0x80, $0x38;
	[tilespmem:$0x18000] =	vst v63  }
0x134: {  	s20 =	sadd.s32 $0x10, s20;
	s21 =	sadd.s32 $0x100, s21  }
0x135: {  	s20 =	simm.s32 $0x14080  }
0x136: {  	s21 =	simm.s32 $0x10;
	s23 =	sadd.s32 $0x0, s10;
	s22 =	simm.s32 $0x14180  }
.LBB2_48:
0x137: {  	[tilespmem:s20], [sflag:$0x4] =	stream.linear.gather [hbm4b:s23+s2], $0x80, $0x38;
	[tilespmem:$0x18000] =	vst v63  }
0x138: {  	s23 =	smov.u32 s21;
	s20 =	smov.u32 s22;
	p0 =	sne.s32 s21, $0x3F0  }
.Ltmp23:
0x139: {  	s21 =	sadd.s32 $0x10, s21;
	(pc) =	sbr.rel @p0 .LBB2_48-.Ltmp23, $2  }
0x13a: {  	_ =	sdelay $0x2  }
0x13b: {  	s22 =	sadd.s32 $0x100, s22;
	s23 =	sadd.s32 s23, s10  }
0x13c: {  	[tilespmem:s20], [sflag:$0x4] =	stream.linear.gather [hbm4b:s23+s2], $0x80, $0x38;
	[tilespmem:$0x18000] =	vst v63  }
0x13d: {  	_ =	swait.ge [sflag:s14], $0x2000  }
0x13e: {  	[sflag:s14] =	ssyncset.done $0x0  }
0x13f: {  	[sflag:s14] =	ssyncadd.s32 $0xFFFFE000  }
0x140: {  	_ =	swait.ge [sflag:s15], $0x2000  }
0x141: {  	[sflag:s15] =	ssyncset.done $0x0  }
0x142: {  	s20 =	simm.s32 $0x0;
	s21 =	simm.s32 $0x0;
	[sflag:s15] =	ssyncadd.s32 $0xFFFFE000  }
.LBB2_50:
0x143: {  	s22 =	sand.u32 $0x60, s21;
	s23 =	sand.u32 $0x3F00, s20  }
0x144: {  	s22 =	sor.u32 s22, s23  }
0x145: {  	v4 =	vld [tilespmem:s22+$0x10000];
	_ =	sdelay $0x1  }
0x146: {  	v5 =	vld [tilespmem:s22+$0x14000];
	_ =	sdelay $0x2  }
0x147: {  	v4 =	vsub.s32 v4, v1  }
0x148: {  	v6 =	vshll.u32 v4, $0xB  }
0x149: {  	vm0 =	vlt.u32 v4, $0x20;
	v4 =	vadd.s32 v5, v6  }
0x14a: {  	v4 =	vnsel vm0, $0x0, v4;
	_ =	sdelay $0x4  }
0x14b: {  	[tilespmem:v4+s2+$0x0] =	vst.idx.add.f32.msk vm0, v3  }
0x14c: {  	v4 =	vld [tilespmem:s22+$0x10010];
	_ =	sdelay $0x1  }
0x14d: {  	v5 =	vld [tilespmem:s22+$0x14010];
	_ =	sdelay $0x2  }
0x14e: {  	v4 =	vsub.s32 v4, v1  }
0x14f: {  	v63 =	vshll.u32 v4, $0xB  }
0x150: {  	vm15 =	vlt.u32 v4, $0x20;
	v4 =	vadd.s32 v5, v63  }
0x151: {  	p0 =	sne.s32 s21, $0x1FE0;
	v4 =	vnsel vm15, $0x0, v4  }
.Ltmp24:
0x152: {  	_ = 	snop;
	(pc) =	sbr.rel @p0 .LBB2_50-.Ltmp24, $2  }
0x153: {  	_ =	sdelay $0x2  }
0x154: {  	s20 =	sadd.s32 $0x40, s20;
	s21 =	sadd.s32 $0x20, s21;
	[tilespmem:v4+s2+$0x0] =	vst.idx.add.f32.msk vm15, v3  }
0x155: {  	_ =	swait.ge [sflag:s16], $0x2000  }
0x156: {  	[sflag:s16] =	ssyncset.done $0x0  }
0x157: {  	[sflag:s16] =	ssyncadd.s32 $0xFFFFE000  }
0x158: {  	_ =	swait.ge [sflag:s17], $0x2000  }
0x159: {  	[sflag:s17] =	ssyncset.done $0x0  }
0x15a: {  	s20 =	simm.s32 $0x0;
	s21 =	simm.s32 $0x0;
	[sflag:s17] =	ssyncadd.s32 $0xFFFFE000  }
.LBB2_52:
0x15b: {  	s22 =	sand.u32 $0x60, s21;
	s23 =	sand.u32 $0x3F00, s20  }
0x15c: {  	s22 =	sor.u32 s22, s23  }
0x15d: {  	v4 =	vld [tilespmem:s22+$0x10080];
	_ =	sdelay $0x1  }
0x15e: {  	v5 =	vld [tilespmem:s22+$0x14080];
	_ =	sdelay $0x2  }
0x15f: {  	v4 =	vsub.s32 v4, v1  }
0x160: {  	v6 =	vshll.u32 v4, $0xB  }
0x161: {  	vm0 =	vlt.u32 v4, $0x20;
	v4 =	vadd.s32 v5, v6  }
0x162: {  	v4 =	vnsel vm0, $0x0, v4;
	_ =	sdelay $0x4  }
0x163: {  	[tilespmem:v4+s2+$0x0] =	vst.idx.add.f32.msk vm0, v3  }
0x164: {  	v4 =	vld [tilespmem:s22+$0x10090];
	_ =	sdelay $0x1  }
0x165: {  	v5 =	vld [tilespmem:s22+$0x14090];
	_ =	sdelay $0x2  }
0x166: {  	v4 =	vsub.s32 v4, v1  }
0x167: {  	v63 =	vshll.u32 v4, $0xB  }
0x168: {  	vm15 =	vlt.u32 v4, $0x20;
	v4 =	vadd.s32 v5, v63  }
0x169: {  	p0 =	sne.s32 s21, $0x1FE0;
	v4 =	vnsel vm15, $0x0, v4  }
.Ltmp25:
0x16a: {  	_ = 	snop;
	(pc) =	sbr.rel @p0 .LBB2_52-.Ltmp25, $2  }
0x16b: {  	_ =	sdelay $0x2  }
0x16c: {  	s20 =	sadd.s32 $0x40, s20;
	s21 =	sadd.s32 $0x20, s21;
	[tilespmem:v4+s2+$0x0] =	vst.idx.add.f32.msk vm15, v3  }
0x16d: {  	s19 =	sadd.s32 $0x1, s19  }
0x16e: {  	p0 =	sne.s32 s19, s13  }
.Ltmp26:
0x16f: {  	_ = 	snop;
	(pc) =	sbr.rel @p0 .LBB2_1-.Ltmp26, $4  }
0x170: {  	[hbm4b:s12+s2] =	stream.linear.scatter [tilespmem:s2], [sflag:$0x5], $0x10000, $0x38;
	[tilespmem:$0x18000] =	vst v63  }
0x171: {  	_ =	swait.ge [sflag:s18], $0x10000  }
0x172: {  	[sflag:s18] =	ssyncset.done $0x0  }
0x173: {  	[sflag:s18] =	ssyncadd.s32 $0xFFFF0000  }
0x174: {  	_ =	sfence.sel $0x180000  }
0x175: {  	[bflag:$0x0] =	sbarrier.arrive $0xFFFF  }
0x176: {  	p0 =	sne.s32 s1, $0x0;
	_ =	strace $0x90000047  }
0x177: {  	s0 =	sadd.s32 @!p0 $0x100000, s0;
	[bflag:$0x2] =	sbarrier.arrive $0xFFFF  }
0x178: {  	[sflag:s0] =	ssyncadd.tile.s32 @!p0 $0x1;
	_ =	shalt  }
.Lfunc_end2:
_tile_overlayer_lowered:
.L_overlay_start_2:
0x179: {  	(tag) =	ssettag $0x2  }
0x17a: {  	s0 =	rddreg [dreg:$0x0];
	s2 =	stileid.u32  }
0x17b: {  	s1 =	rddreg [dreg:$0x1];
	p0 =	sne.s32 s2, $0x0  }
0x17c: {  	s3 =	rddreg [dreg:$0x2];
	[bflag:$0x3] =	sbarrier.arrive $0xFFFF;
	s2 =	simm.s32 @!p0 $0x1C05  }
0x17d: {  	[timem:s3], [sflag:s2] =	dma.local @!p0 [hbm:s0], s1  }
0x17e: {  	s0 =	simm.s32 @!p0 $0x5  }
0x17f: {  	_ =	swait.ge @!p0 [sflag:s0], s1  }
0x180: {  	s1 =	ssub.s32 @!p0 $0x0, s1;
	[sflag:s0] =	ssyncset.done @!p0 $0x0  }
0x181: {  	[sflag:s0] =	ssyncadd.s32 @!p0 s1  }
0x182: {  	[bflag:$0x3] =	sbarrier.arrive $0xFFFF  }
0x183: {  	_ =	shalt  }

// kernel: kernel.18.cloned.1.call-start
scs
__scs_entry_jumppad:
0x0: {  	(pc) =	sbr.rel $0x88, $3  }
0x1: {  	(tag) =	ssettag $0x0;
	lr =	simm.s32 $0x1  }
0x2: {  	[smem:$0x3F97] =	sst lr;
	_ =	strace $0xD0000000  }
0x3: {  	_ = 	snop  }
0x4: {  	_ = 	snop  }
0x5: {  	_ = 	snop  }
0x6: {  	_ = 	snop  }
0x7: {  	_ = 	snop  }
__scs_overlays_trampoline_lowered:
0x8: {  	[smem:$0x3FA6] =	sst s0  }
0x9: {  	[smem:$0x3FA7] =	sst s1  }
0xa: {  	[smem:$0x3FA8] =	sst s2  }
0xb: {  	[smem:$0x3FA9] =	sst s3  }
0xc: {  	[smem:$0x3FAA] =	sst s4  }
0xd: {  	[smem:$0x3FAB] =	sst s5  }
0xe: {  	[smem:$0x3FAC] =	sst s6  }
0xf: {  	[smem:$0x3FAD] =	sst s7  }
0x10: {  	[smem:$0x3FAE] =	sst s8  }
0x11: {  	[smem:$0x3FAF] =	sst s9;
	s0 =	simm.s32 @!p0 $0x0  }
0x12: {  	s1 =	sld [smem:$0x3F95];
	s0 =	simm.s32 @p0 $0x1  }
0x13: {  	[smem:$0x3FB0] =	sst s0;
	s0 =	simm.s32 @!p1 $0x0  }
0x14: {  	s2 =	sld [smem:$0x3F94];
	s0 =	simm.s32 @p1 $0x1  }
0x15: {  	[smem:$0x3FB1] =	sst s0;
	s0 =	simm.s32 @!p2 $0x0  }
0x16: {  	s3 =	sld [smem:$0x3FDB];
	s0 =	simm.s32 @p2 $0x1  }
0x17: {  	s4 =	simm.s32 $0x1BF5;
	[smem:$0x3FB3] =	sst s0  }
0x18: {  	s0 =	sld [smem:$0x3F96];
	_ =	swait.ge [sflag:s4], $0x0  }
0x19: {  	s7 =	sld [smem:$0x3F97]  }
0x1a: {  	s8 =	sadd.s32 $0xFFFFE003, lr  }
0x1b: {  	s9 =	sadd.s32 $0xFFFFFEF7, lr;
	s5 =	simm.s32 $0xFFFFFFFF;
	p2 =	slt.u32 s8, $0xFFFFF086  }
0x1c: {  	p1 =	slt.u32 s9, $0xF7A;
	s5 =	simm.s32 @!p2 $0x0  }
0x1d: {  	s5 =	simm.s32 @p1 $0x1;
	p0 =	seq.s32 s7, s2  }
0x1e: {  	s7 =	smul.u32 @!p0 $0xF7A, s2;
	p2 =	seq.s32 @!p0 s5, $0x0  }
0x1f: {  	s9 =	smul.u32 $0xF7A, s1;
	s8 =	simm.s32 @!p0 $0x1BF5;
	p2 =	por !p2, p0  }
0x20: {  	[sflag:s8] =	ssyncset.s32 @!p0 $0xFFFFF086;
	s6 =	sadd.s32 @!p0 s3, s7;
	s7 =	simm.s32 @!p0 $0x108  }
0x21: {  	s3 =	sadd.s32 s3, s9;
	s6 =	sadd.s32 @!p0 $0x88, s6;
	s7 =	simm.s32 @p2 $0x1082  }
0x22: {  	[simem:s7], [sflag:s8] =	dma.local @!p0 [hbm:s6], $0xF7A  }
0x23: {  	s9 =	sor.u32 $0xD0000000, s2;
	s6 =	simm.s32 $0x108;
	_ =	swait.ge @!p0 [sflag:s8], $0x0  }
0x24: {  	s3 =	sadd.s32 $0x88, s3;
	s6 =	simm.s32 @!p1 $0x1082;
	[sflag:s4] =	ssyncset.s32 $0xFFFFF086  }
0x25: {  	[simem:s6], [sflag:s4] =	dma.local [hbm:s3], $0xF7A  }
0x26: {  	[smem:$0x3F97] =	sst s1;
	(tag) =	ssettag s2;
	_ =	strace s9  }
0x27: {  	s1 =	sld [smem:$0x3FA7]  }
0x28: {  	s2 =	sld [smem:$0x3FA8]  }
0x29: {  	s4 =	sld [smem:$0x3FAA]  }
0x2a: {  	p0 =	seq.s32 s5, $0x0;
	s5 =	sld [smem:$0x3FAB]  }
0x2b: {  	s6 =	sld [smem:$0x3FAC]  }
0x2c: {  	s7 =	sld [smem:$0x3FAD]  }
0x2d: {  	s3 =	simm.s32 $0x108;
	s8 =	sld [smem:$0x3FAE]  }
0x2e: {  	s3 =	simm.s32 @!p0 $0x1082;
	s9 =	sld [smem:$0x3FAF]  }
0x2f: {  	lr =	sadd.s32 s0, s3;
	s0 =	sld [smem:$0x3FA6]  }
0x30: {  	s3 =	sld [smem:$0x3FA9]  }
0x31: {  	[smem:$0x3FB2] =	sst s10  }
0x32: {  	s10 =	sld [smem:$0x3FB0];
	_ =	sdelay $0x3  }
0x33: {  	p0 =	seq.s32 s10, $0x1;
	s10 =	sld [smem:$0x3FB2];
	_ =	sdelay $0x3  }
0x34: {  	[smem:$0x3FB2] =	sst s10  }
0x35: {  	s10 =	sld [smem:$0x3FB1];
	_ =	sdelay $0x3  }
0x36: {  	p1 =	seq.s32 s10, $0x1;
	s10 =	sld [smem:$0x3FB2];
	_ =	sdelay $0x3  }
0x37: {  	[smem:$0x3FB2] =	sst s10  }
0x38: {  	s10 =	sld [smem:$0x3FB3]  }
0x39: {  	_ = 	snop;
	(pc) =	sbr.ind lr, $3  }
0x3a: {  	_ = 	snop  }
0x3b: {  	_ = 	snop  }
0x3c: {  	p2 =	seq.s32 s10, $0x1;
	s10 =	sld [smem:$0x3FB2]  }
0x3d: {  	_ =	shalt  }
0x3e: {  	_ =	shalt  }
0x3f: {  	_ =	shalt  }
0x40: {  	_ =	shalt  }
0x41: {  	_ =	shalt  }
0x42: {  	_ =	shalt  }
0x43: {  	_ =	shalt  }
0x44: {  	_ =	shalt  }
0x45: {  	_ =	shalt  }
0x46: {  	_ =	shalt  }
0x47: {  	_ =	shalt  }
0x48: {  	_ =	shalt  }
0x49: {  	_ =	shalt  }
0x4a: {  	_ =	shalt  }
0x4b: {  	_ =	shalt  }
0x4c: {  	_ =	shalt  }
0x4d: {  	_ =	shalt  }
0x4e: {  	_ =	shalt  }
0x4f: {  	_ =	shalt  }
0x50: {  	_ =	shalt  }
0x51: {  	_ =	shalt  }
0x52: {  	_ =	shalt  }
0x53: {  	_ =	shalt  }
0x54: {  	_ =	shalt  }
0x55: {  	_ =	shalt  }
0x56: {  	_ =	shalt  }
0x57: {  	_ =	shalt  }
0x58: {  	_ =	shalt  }
0x59: {  	_ =	shalt  }
0x5a: {  	_ =	shalt  }
0x5b: {  	_ =	shalt  }
0x5c: {  	_ =	shalt  }
0x5d: {  	_ =	shalt  }
0x5e: {  	_ =	shalt  }
0x5f: {  	_ =	shalt  }
0x60: {  	_ =	shalt  }
0x61: {  	_ =	shalt  }
0x62: {  	_ =	shalt  }
0x63: {  	_ =	shalt  }
0x64: {  	_ =	shalt  }
0x65: {  	_ =	shalt  }
0x66: {  	_ =	shalt  }
0x67: {  	_ =	shalt  }
0x68: {  	_ =	shalt  }
0x69: {  	_ =	shalt  }
0x6a: {  	_ =	shalt  }
0x6b: {  	_ =	shalt  }
0x6c: {  	_ =	shalt  }
0x6d: {  	_ =	shalt  }
0x6e: {  	_ =	shalt  }
0x6f: {  	_ =	shalt  }
0x70: {  	_ =	shalt  }
0x71: {  	_ =	shalt  }
0x72: {  	_ =	shalt  }
0x73: {  	_ =	shalt  }
0x74: {  	_ =	shalt  }
0x75: {  	_ =	shalt  }
0x76: {  	_ =	shalt  }
0x77: {  	_ =	shalt  }
0x78: {  	_ =	shalt  }
0x79: {  	_ =	shalt  }
0x7a: {  	_ =	shalt  }
0x7b: {  	_ =	shalt  }
0x7c: {  	_ =	shalt  }
0x7d: {  	_ =	shalt  }
0x7e: {  	_ =	shalt  }
0x7f: {  	_ =	shalt  }
0x80: {  	_ =	shalt  }
0x81: {  	_ =	shalt  }
0x82: {  	_ =	shalt  }
0x83: {  	_ =	shalt  }
0x84: {  	_ =	shalt  }
0x85: {  	_ =	shalt  }
0x86: {  	_ =	shalt  }
0x87: {  	_ =	shalt  }
.Lfunc_end0:
.L_simem_size_0:
called_computation.1_lowered:
.L_overlay_start_0:
0x88: {  	s2 =	sld [smem:$0x3FD9]  }
0x89: {  	s3 =	sld [smem:$0x3FFE];
	_ =	sdelay $0x1  }
0x8a: {  	s1 =	srdreg.scid  }
0x8b: {  	s0 =	sand.u32 $0x1, s1  }
0x8c: {  	s17 =	sshll.u32 s0, $0xA;
	s2 =	sadd.s32 s3, s2  }
0x8d: {  	s2 =	sadd.s32 s2, s17  }
0x8e: {  	[smem:$0x3FBE] =	sst s2  }
0x8f: {  	_ = 	snop  }
0x90: {  	(tm) =	ssettm $0x1  }
0x91: {  	s18 =	sld [smem:$0x3FFB];
	_ =	sdelay $0x3  }
0x92: {  	_ =	strace s18  }
0x93: {  	s2 =	sld [smem:$0x3FFC];
	_ =	sdelay $0x3  }
0x94: {  	_ =	strace s2  }
0x95: {  	s2 =	sld [smem:$0x3FFD];
	_ =	sdelay $0x3  }
0x96: {  	_ =	strace s2  }
0x97: {  	_ =	strace $0x8FFFFFFF  }
0x98: {  	s19 =	sld [smem:$0x3FDB];
	_ =	sdelay $0x1  }
0x99: {  	s20 =	simm.s32 $_scs_section_size  }
0x9a: {  	s4 =	simm.s32 $_size__tile_overlayer_lowered;
	s5 =	simm.s32 $_tile_overlayer_lowered  }
0x9b: {  	s6 =	simm.s32 $0x1BFF;
	s21 =	sshll.u32 s5, $0x1;
	s3 =	sadd.s32 s20, s19  }
0x9c: {  	s22 =	simm.s32 $0x0;
	s4 =	sshll.u32 s4, $0x1;
	s5 =	sadd.s32 s21, s3  }
0x9d: {  	[timem:s22], [sflag:s6] =	dma.local [hbm:s5], s4  }
0x9e: {  	_ =	swait.ge [sflag:s6], s4  }
0x9f: {  	s4 =	ssub.s32 $0x0, s4;
	[sflag:s6] =	ssyncset.done $0x0  }
0xa0: {  	[sflag:s6] =	ssyncadd.s32 s4;
	_ =	sdelay $0x1  }
0xa1: {  	s23 =	simm.s32 $0x1B8B  }
0xa2: {  	_ =	swait.ge [sflag:s23], $0x1  }
0xa3: {  	[sflag:s23] =	ssyncset.done $0x0  }
0xa4: {  	[sflag:s23] =	ssyncadd.s32 $0xFFFFFFFF  }
0xa5: {  	s4 =	sld [smem:$0x0]  }
0xa6: {  	s5 =	sand.u32 $0xFFFFFFFE, s1  }
0xa7: {  	p0 =	sne.s32 s1, s5  }
0xa8: {  	s5 =	sshll.u32 @p0 s5, $0xE  }
0xa9: {  	s5 =	sadd.s32 @p0 $0x11B8D, s5;
	s6 =	sshll.u32 @p0 s4, $0x11  }
0xaa: {  	s5 =	sor.u32 @p0 s6, s5  }
0xab: {  	[sflag:s5] =	ssyncadd.remote.s32 @p0 $0x1;
	_ =	sdelay $0x1  }
0xac: {  	s5 =	simm.s32 @p0 $0x1B8D  }
0xad: {  	_ =	swait.eq @p0 [sflag:s5], $0x1  }
0xae: {  	[sflag:s5] =	ssyncadd.s32 @p0 $0xFFFFFFFF  }
0xaf: {  	s6 =	sshll.u32 @!p0 s1, $0xE  }
0xb0: {  	s6 =	sor.u32 @!p0 $0x4000, s6;
	s5 =	simm.s32 @!p0 $0x1B8D  }
0xb1: {  	s4 =	sshll.u32 @!p0 s4, $0x11;
	s6 =	sadd.s32 @!p0 $0x11B8D, s6;
	_ =	swait.eq @!p0 [sflag:s5], $0x1  }
0xb2: {  	s4 =	sor.u32 @!p0 s4, s6;
	[sflag:s5] =	ssyncadd.s32 @!p0 $0xFFFFFFFF  }
0xb3: {  	s25 =	simm.s32 $0x1B8E;
	s24 =	sld [smem:$0x3FFE];
	[sflag:s4] =	ssyncadd.remote.s32 @!p0 $0x1  }
0xb4: {  	s26 =	simm.s32 $execute0_lowered;
	[smem:$0x3FD2] =	sst s25  }
0xb5: {  	s5 =	sshll.u32 s26, $0x1;
	_ =	strace $0x80000049;
	[dreg:$0x1] =	wrdreg $0xFFFFFFFF  }
0xb6: {  	s28 =	simm.s32 $_size_execute0_lowered;
	s3 =	sadd.s32 s3, s5;
	[dreg:$0x0] =	wrdreg $0x0  }
0xb7: {  	s5 =	sshll.u32 s28, $0x1;
	[dreg:$0x2] =	wrdreg s3  }
0xb8: {  	[dreg:$0x3] =	wrdreg s5  }
0xb9: {  	[dreg:$0x4] =	wrdreg $0xC0  }
0xba: {  	_ =	task [dreg:s22], $0x5FFFF  }
0xbb: {  	[dreg:$0x1] =	wrdreg $0xFFFFFFFF  }
0xbc: {  	[dreg:$0x0] =	wrdreg $0x60  }
0xbd: {  	[dreg:$0x2] =	wrdreg s24  }
0xbe: {  	[dreg:$0x3] =	wrdreg $0xA  }
0xbf: {  	_ =	task.clear_ibuf [dreg:s22], $0x4FFFF;
	_ =	strace $0x90000049  }
0xc0: {  	s29 =	simm.s32 $0xA;
	_ =	strace $0x8000004B  }
0xc1: {  	_ =	swait.ge [sflag:s29], $0x1  }
0xc2: {  	[sflag:s29] =	ssyncadd.s32 $0xFFFFFFFF  }
0xc3: {  	_ =	strace $0x9000004B  }
0xc4: {  	_ =	sfence  }
0xc5: {  	s30 =	sld [smem:$0x0];
	_ =	sdelay $0x2  }
0xc6: {  	s31 =	sshll.u32 s1, $0xD;
	s1 =	sshrl.u32 s1, $0x2  }
0xc7: {  	s4 =	sand.u32 $0x4000, s31;
	s1 =	sadd.s32 s1, s30  }
0xc8: {  	s0 =	sor.u32 s4, s0;
	s1 =	sshll.u32 s1, $0x11  }
0xc9: {  	s0 =	sor.u32 s1, s0  }
0xca: {  	s0 =	sadd.s32 $0x8F2B, s0  }
0xcb: {  	[sflag:s0] =	ssyncadd.remote.s32 $0x1  }
0xcc: {  	_ =	sfence.sel $0xFFFF  }
0xcd: {  	[dreg:$0x0] =	wrdreg $0xFFFFFFFF;
	(pc) =	sbr.abs _section_cstart, $3  }
0xce: {  	[dreg:$0x1] =	wrdreg $0xFFFFFFFF  }
0xcf: {  	_ =	task.clear_ibuf [dreg:s22], $0x2FFFF;
	_ =	strace $0x9FFFFFFF  }
0xd0: {  	(tm) =	ssettm $0x7FFFFFFF  }
0xd1: {  	_ =	shalt  }
tec
execute0_lowered:
.L_overlay_start_1:
0x0: {  	(tag) =	ssettag $0x1  }
0x1: {  	s10 =	rddreg [dreg:$0x0]  }
0x2: {  	s0 =	rddreg [dreg:$0x1]  }
0x3: {  	s2 =	simm.s32 $0x0;
	s3 =	srdreg.scid;
	s1 =	stileid.u32  }
0x4: {  	s16 =	simm.s32 $0x2;
	s18 =	simm.s32 $0x5;
	s19 =	simm.s32 $0x0  }
0x5: {  	[smem:$0x7FF] =	sst s2;
	s5 =	sand.u32 $0x1, s3;
	s3 =	sadd.s32 $0x3C00, s10  }
0x6: {  	s7 =	sshll.u32 s1, $0x1;
	s4 =	sadd.s32 $0x4C00, s10;
	s12 =	sadd.s32 $0x85C00, s10  }
0x7: {  	s9 =	sadd.s32 $0x4800, s10;
	_ =	strace $0x8000004A;
	s6 =	ssub.s32 $0x2, s5  }
0x8: {  	s11 =	sor.u32 s5, s7;
	s5 =	sadd.s32 $0x4000, s10;
	s7 =	sadd.s32 $0x4400, s10  }
0x9: {  	s8 =	sshrl.u32 s6, $0x1;
	s14 =	sshll.u32 s11, $0x6;
	s11 =	sshll.u32 s11, $0xE  }
0xa: {  	s13 =	ssub.s32 s6, s8;
	s6 =	sadd.s32 $0x5000, s10;
	s8 =	sadd.s32 $0x5400, s10  }
0xb: {  	s17 =	sor.u32 $0x20, s14;
	s10 =	sadd.s32 $0x5800, s10;
	s11 =	sadd.s32 s12, s11  }
0xc: {  	v0 =	vmov s14;
	s14 =	simm.s32 $0x1;
	s15 =	sshll.u32 s17, $0x8;
	s13 =	smax.u32 s13, $0x1  }
0xd: {  	v2 =	vimm.f32 $0.0e+00;
	v3 =	vimm.f32 $1.000000000e+00;
	v1 =	vmov s17;
	s17 =	simm.s32 $0x4;
	s12 =	sadd.s32 s12, s15;
	s15 =	simm.s32 $0x3  }
.LBB2_1:
0xe: {  	s21 =	simm.s32 $0x10000;
	s22 =	simm.s32 $0x0  }
.LBB2_2:
0xf: {  	p0 =	sne.s32 s22, $0x3F0  }
.Ltmp0:
0x10: {  	_ = 	snop;
	(pc) =	sbr.rel @p0 .LBB2_2-.Ltmp0, $4  }
0x11: {  	_ = 	snop  }
0x12: {  	s23 =	sadd.s32 s22, s3;
	s20 =	simm.s32 $0x0  }
0x13: {  	[tilespmem:s21], [sflag:$0x1] =	stream.linear.gather [hbm4b:s23+s20], $0x80, $0x38;
	[tilespmem:$0x18000] =	vst v63  }
0x14: {  	s22 =	sadd.s32 $0x10, s22;
	s21 =	sadd.s32 $0x100, s21  }
0x15: {  	s21 =	simm.s32 $0x14000  }
0x16: {  	s22 =	simm.s32 $0x10;
	s24 =	sadd.s32 $0x0, s4;
	s23 =	simm.s32 $0x14100  }
.LBB2_4:
0x17: {  	[tilespmem:s21], [sflag:$0x3] =	stream.linear.gather [hbm4b:s24+s20], $0x80, $0x38;
	[tilespmem:$0x18000] =	vst v63  }
0x18: {  	s24 =	smov.u32 s22;
	s21 =	smov.u32 s23;
	p0 =	sne.s32 s22, $0x3F0  }
.Ltmp1:
0x19: {  	s22 =	sadd.s32 $0x10, s22;
	(pc) =	sbr.rel @p0 .LBB2_4-.Ltmp1, $2  }
0x1a: {  	_ =	sdelay $0x2  }
0x1b: {  	s23 =	sadd.s32 $0x100, s23;
	s24 =	sadd.s32 s24, s4  }
0x1c: {  	[tilespmem:s21], [sflag:$0x3] =	stream.linear.gather [hbm4b:s24+s20], $0x80, $0x38;
	[tilespmem:$0x18000] =	vst v63  }
0x1d: {  	s20 =	simm.s32 $0x0;
	s21 =	simm.s32 $0x200  }
.LBB2_6:
0x1e: {  	p0 =	sne.s32 s21, $0x3FE00;
	[tilespmem:s20+$0x70] =	vst v2  }
0x1f: {  	[tilespmem:s20+$0x0] =	vst v2  }
0x20: {  	[tilespmem:s20+$0x10] =	vst v2  }
.Ltmp2:
0x21: {  	[tilespmem:s20+$0x20] =	vst v2;
	(pc) =	sbr.rel @p0 .LBB2_6-.Ltmp2, $4  }
0x22: {  	[tilespmem:s20+$0x30] =	vst v2  }
0x23: {  	[tilespmem:s20+$0x40] =	vst v2  }
0x24: {  	[tilespmem:s20+$0x50] =	vst v2  }
0x25: {  	[tilespmem:s20+$0x60] =	vst v2;
	s20 =	sshra.s32 s21, $0x2;
	s21 =	sadd.s32 $0x200, s21  }
0x26: {  	[tilespmem:s20+$0x70] =	vst v2  }
0x27: {  	[tilespmem:s20+$0x0] =	vst v2  }
0x28: {  	[tilespmem:s20+$0x10] =	vst v2  }
0x29: {  	[tilespmem:s20+$0x20] =	vst v2  }
0x2a: {  	[tilespmem:s20+$0x30] =	vst v2  }
0x2b: {  	[tilespmem:s20+$0x40] =	vst v2  }
0x2c: {  	[tilespmem:s20+$0x50] =	vst v2;
	s21 =	simm.s32 $0x10080  }
0x2d: {  	[tilespmem:s20+$0x60] =	vst v2;
	s20 =	simm.s32 $0x10;
	s23 =	sadd.s32 $0x0, s5;
	s22 =	simm.s32 $0x10180  }
.LBB2_8:
0x2e: {  	[tilespmem:s21], [sflag:$0x2] =	stream.linear.gather [hbm4b:s23+s2], $0x80, $0x38;
	[tilespmem:$0x18000] =	vst v63  }
0x2f: {  	s23 =	smov.u32 s20;
	s21 =	smov.u32 s22;
	p0 =	sne.s32 s20, $0x3F0  }
.Ltmp3:
0x30: {  	s20 =	sadd.s32 $0x10, s20;
	(pc) =	sbr.rel @p0 .LBB2_8-.Ltmp3, $2  }
0x31: {  	_ =	sdelay $0x2  }
0x32: {  	s22 =	sadd.s32 $0x100, s22;
	s23 =	sadd.s32 s23, s5  }
0x33: {  	[tilespmem:s21], [sflag:$0x2] =	stream.linear.gather [hbm4b:s23+s2], $0x80, $0x38;
	[tilespmem:$0x18000] =	vst v63  }
0x34: {  	s20 =	simm.s32 $0x14080  }
0x35: {  	s21 =	simm.s32 $0x10;
	s23 =	sadd.s32 $0x0, s6;
	s22 =	simm.s32 $0x14180  }
.LBB2_10:
0x36: {  	[tilespmem:s20], [sflag:$0x4] =	stream.linear.gather [hbm4b:s23+s2], $0x80, $0x38;
	[tilespmem:$0x18000] =	vst v63  }
0x37: {  	s23 =	smov.u32 s21;
	s20 =	smov.u32 s22;
	p0 =	sne.s32 s21, $0x3F0  }
.Ltmp4:
0x38: {  	s21 =	sadd.s32 $0x10, s21;
	(pc) =	sbr.rel @p0 .LBB2_10-.Ltmp4, $2  }
0x39: {  	_ =	sdelay $0x2  }
0x3a: {  	s22 =	sadd.s32 $0x100, s22;
	s23 =	sadd.s32 s23, s6  }
0x3b: {  	[tilespmem:s20], [sflag:$0x4] =	stream.linear.gather [hbm4b:s23+s2], $0x80, $0x38;
	[tilespmem:$0x18000] =	vst v63  }
0x3c: {  	_ =	swait.ge [sflag:s14], $0x2000  }
0x3d: {  	[sflag:s14] =	ssyncset.done $0x0  }
0x3e: {  	[sflag:s14] =	ssyncadd.s32 $0xFFFFE000  }
0x3f: {  	_ =	swait.ge [sflag:s15], $0x2000  }
0x40: {  	[sflag:s15] =	ssyncset.done $0x0  }
0x41: {  	s20 =	simm.s32 $0x0;
	s21 =	simm.s32 $0x0;
	[sflag:s15] =	ssyncadd.s32 $0xFFFFE000  }
.LBB2_12:
0x42: {  	s22 =	sand.u32 $0x60, s21;
	s23 =	sand.u32 $0x3F00, s20  }
0x43: {  	s22 =	sor.u32 s22, s23  }
0x44: {  	v4 =	vld [tilespmem:s22+$0x10000];
	_ =	sdelay $0x1  }
0x45: {  	v5 =	vld [tilespmem:s22+$0x14000];
	_ =	sdelay $0x2  }
0x46: {  	v4 =	vsub.s32 v4, v0  }
0x47: {  	v6 =	vshll.u32 v4, $0xB  }
0x48: {  	vm0 =	vlt.u32 v4, $0x20;
	v4 =	vadd.s32 v5, v6  }
0x49: {  	v4 =	vnsel vm0, $0x0, v4;
	_ =	sdelay $0x4  }
0x4a: {  	[tilespmem:v4+s2+$0x0] =	vst.idx.add.f32.msk vm0, v3  }
0x4b: {  	v4 =	vld [tilespmem:s22+$0x10010];
	_ =	sdelay $0x1  }
0x4c: {  	v5 =	vld [tilespmem:s22+$0x14010];
	_ =	sdelay $0x2  }
0x4d: {  	v4 =	vsub.s32 v4, v0  }
0x4e: {  	v63 =	vshll.u32 v4, $0xB  }
0x4f: {  	vm15 =	vlt.u32 v4, $0x20;
	v4 =	vadd.s32 v5, v63  }
0x50: {  	p0 =	sne.s32 s21, $0x1FE0;
	v4 =	vnsel vm15, $0x0, v4  }
.Ltmp5:
0x51: {  	_ = 	snop;
	(pc) =	sbr.rel @p0 .LBB2_12-.Ltmp5, $2  }
0x52: {  	_ =	sdelay $0x2  }
0x53: {  	s20 =	sadd.s32 $0x40, s20;
	s21 =	sadd.s32 $0x20, s21;
	[tilespmem:v4+s2+$0x0] =	vst.idx.add.f32.msk vm15, v3  }
0x54: {  	s20 =	simm.s32 $0x10000  }
0x55: {  	s21 =	simm.s32 $0x10;
	s23 =	sadd.s32 $0x0, s7;
	s22 =	simm.s32 $0x10100  }
.LBB2_14:
0x56: {  	[tilespmem:s20], [sflag:$0x1] =	stream.linear.gather [hbm4b:s23+s2], $0x80, $0x38;
	[tilespmem:$0x18000] =	vst v63  }
0x57: {  	s23 =	smov.u32 s21;
	s20 =	smov.u32 s22;
	p0 =	sne.s32 s21, $0x3F0  }
.Ltmp6:
0x58: {  	s21 =	sadd.s32 $0x10, s21;
	(pc) =	sbr.rel @p0 .LBB2_14-.Ltmp6, $2  }
0x59: {  	_ =	sdelay $0x2  }
0x5a: {  	s22 =	sadd.s32 $0x100, s22;
	s23 =	sadd.s32 s23, s7  }
0x5b: {  	[tilespmem:s20], [sflag:$0x1] =	stream.linear.gather [hbm4b:s23+s2], $0x80, $0x38;
	[tilespmem:$0x18000] =	vst v63  }
0x5c: {  	s20 =	simm.s32 $0x14000  }
0x5d: {  	s21 =	simm.s32 $0x10;
	s23 =	sadd.s32 $0x0, s8;
	s22 =	simm.s32 $0x14100  }
.LBB2_16:
0x5e: {  	[tilespmem:s20], [sflag:$0x3] =	stream.linear.gather [hbm4b:s23+s2], $0x80, $0x38;
	[tilespmem:$0x18000] =	vst v63  }
0x5f: {  	s23 =	smov.u32 s21;
	s20 =	smov.u32 s22;
	p0 =	sne.s32 s21, $0x3F0  }
.Ltmp7:
0x60: {  	s21 =	sadd.s32 $0x10, s21;
	(pc) =	sbr.rel @p0 .LBB2_16-.Ltmp7, $2  }
0x61: {  	_ =	sdelay $0x2  }
0x62: {  	s22 =	sadd.s32 $0x100, s22;
	s23 =	sadd.s32 s23, s8  }
0x63: {  	[tilespmem:s20], [sflag:$0x3] =	stream.linear.gather [hbm4b:s23+s2], $0x80, $0x38;
	[tilespmem:$0x18000] =	vst v63  }
0x64: {  	_ =	swait.ge [sflag:s16], $0x2000  }
0x65: {  	[sflag:s16] =	ssyncset.done $0x0  }
0x66: {  	[sflag:s16] =	ssyncadd.s32 $0xFFFFE000  }
0x67: {  	_ =	swait.ge [sflag:s17], $0x2000  }
0x68: {  	[sflag:s17] =	ssyncset.done $0x0  }
0x69: {  	s20 =	simm.s32 $0x0;
	s21 =	simm.s32 $0x0;
	[sflag:s17] =	ssyncadd.s32 $0xFFFFE000  }
.LBB2_18:
0x6a: {  	s22 =	sand.u32 $0x60, s21;
	s23 =	sand.u32 $0x3F00, s20  }
0x6b: {  	s22 =	sor.u32 s22, s23  }
0x6c: {  	v4 =	vld [tilespmem:s22+$0x10080];
	_ =	sdelay $0x1  }
0x6d: {  	v5 =	vld [tilespmem:s22+$0x14080];
	_ =	sdelay $0x2  }
0x6e: {  	v4 =	vsub.s32 v4, v0  }
0x6f: {  	v6 =	vshll.u32 v4, $0xB  }
0x70: {  	vm0 =	vlt.u32 v4, $0x20;
	v4 =	vadd.s32 v5, v6  }
0x71: {  	v4 =	vnsel vm0, $0x0, v4;
	_ =	sdelay $0x4  }
0x72: {  	[tilespmem:v4+s2+$0x0] =	vst.idx.add.f32.msk vm0, v3  }
0x73: {  	v4 =	vld [tilespmem:s22+$0x10090];
	_ =	sdelay $0x1  }
0x74: {  	v5 =	vld [tilespmem:s22+$0x14090];
	_ =	sdelay $0x2  }
0x75: {  	v4 =	vsub.s32 v4, v0  }
0x76: {  	v63 =	vshll.u32 v4, $0xB  }
0x77: {  	vm15 =	vlt.u32 v4, $0x20;
	v4 =	vadd.s32 v5, v63  }
0x78: {  	p0 =	sne.s32 s21, $0x1FE0;
	v4 =	vnsel vm15, $0x0, v4  }
.Ltmp8:
0x79: {  	_ = 	snop;
	(pc) =	sbr.rel @p0 .LBB2_18-.Ltmp8, $2  }
0x7a: {  	_ =	sdelay $0x2  }
0x7b: {  	s20 =	sadd.s32 $0x40, s20;
	s21 =	sadd.s32 $0x20, s21;
	[tilespmem:v4+s2+$0x0] =	vst.idx.add.f32.msk vm15, v3  }
0x7c: {  	s20 =	simm.s32 $0x10080  }
0x7d: {  	s21 =	simm.s32 $0x10;
	s23 =	sadd.s32 $0x0, s9;
	s22 =	simm.s32 $0x10180  }
.LBB2_20:
0x7e: {  	[tilespmem:s20], [sflag:$0x2] =	stream.linear.gather [hbm4b:s23+s2], $0x80, $0x38;
	[tilespmem:$0x18000] =	vst v63  }
0x7f: {  	s23 =	smov.u32 s21;
	s20 =	smov.u32 s22;
	p0 =	sne.s32 s21, $0x3F0  }
.Ltmp9:
0x80: {  	s21 =	sadd.s32 $0x10, s21;
	(pc) =	sbr.rel @p0 .LBB2_20-.Ltmp9, $2  }
0x81: {  	_ =	sdelay $0x2  }
0x82: {  	s22 =	sadd.s32 $0x100, s22;
	s23 =	sadd.s32 s23, s9  }
0x83: {  	[tilespmem:s20], [sflag:$0x2] =	stream.linear.gather [hbm4b:s23+s2], $0x80, $0x38;
	[tilespmem:$0x18000] =	vst v63  }
0x84: {  	s20 =	simm.s32 $0x14080  }
0x85: {  	s21 =	simm.s32 $0x10;
	s23 =	sadd.s32 $0x0, s10;
	s22 =	simm.s32 $0x14180  }
.LBB2_22:
0x86: {  	[tilespmem:s20], [sflag:$0x4] =	stream.linear.gather [hbm4b:s23+s2], $0x80, $0x38;
	[tilespmem:$0x18000] =	vst v63  }
0x87: {  	s23 =	smov.u32 s21;
	s20 =	smov.u32 s22;
	p0 =	sne.s32 s21, $0x3F0  }
.Ltmp10:
0x88: {  	s21 =	sadd.s32 $0x10, s21;
	(pc) =	sbr.rel @p0 .LBB2_22-.Ltmp10, $2  }
0x89: {  	_ =	sdelay $0x2  }
0x8a: {  	s22 =	sadd.s32 $0x100, s22;
	s23 =	sadd.s32 s23, s10  }
0x8b: {  	[tilespmem:s20], [sflag:$0x4] =	stream.linear.gather [hbm4b:s23+s2], $0x80, $0x38;
	[tilespmem:$0x18000] =	vst v63  }
0x8c: {  	_ =	swait.ge [sflag:s14], $0x2000  }
0x8d: {  	[sflag:s14] =	ssyncset.done $0x0  }
0x8e: {  	[sflag:s14] =	ssyncadd.s32 $0xFFFFE000  }
0x8f: {  	_ =	swait.ge [sflag:s15], $0x2000  }
0x90: {  	[sflag:s15] =	ssyncset.done $0x0  }
0x91: {  	s20 =	simm.s32 $0x0;
	s21 =	simm.s32 $0x0;
	[sflag:s15] =	ssyncadd.s32 $0xFFFFE000  }
.LBB2_24:
0x92: {  	s22 =	sand.u32 $0x60, s21;
	s23 =	sand.u32 $0x3F00, s20  }
0x93: {  	s22 =	sor.u32 s22, s23  }
0x94: {  	v4 =	vld [tilespmem:s22+$0x10000];
	_ =	sdelay $0x1  }
0x95: {  	v5 =	vld [tilespmem:s22+$0x14000];
	_ =	sdelay $0x2  }
0x96: {  	v4 =	vsub.s32 v4, v0  }
0x97: {  	v6 =	vshll.u32 v4, $0xB  }
0x98: {  	vm0 =	vlt.u32 v4, $0x20;
	v4 =	vadd.s32 v5, v6  }
0x99: {  	v4 =	vnsel vm0, $0x0, v4;
	_ =	sdelay $0x4  }
0x9a: {  	[tilespmem:v4+s2+$0x0] =	vst.idx.add.f32.msk vm0, v3  }
0x9b: {  	v4 =	vld [tilespmem:s22+$0x10010];
	_ =	sdelay $0x1  }
0x9c: {  	v5 =	vld [tilespmem:s22+$0x14010];
	_ =	sdelay $0x2  }
0x9d: {  	v4 =	vsub.s32 v4, v0  }
0x9e: {  	v63 =	vshll.u32 v4, $0xB  }
0x9f: {  	vm15 =	vlt.u32 v4, $0x20;
	v4 =	vadd.s32 v5, v63  }
0xa0: {  	p0 =	sne.s32 s21, $0x1FE0;
	v4 =	vnsel vm15, $0x0, v4  }
.Ltmp11:
0xa1: {  	_ = 	snop;
	(pc) =	sbr.rel @p0 .LBB2_24-.Ltmp11, $2  }
0xa2: {  	_ =	sdelay $0x2  }
0xa3: {  	s20 =	sadd.s32 $0x40, s20;
	s21 =	sadd.s32 $0x20, s21;
	[tilespmem:v4+s2+$0x0] =	vst.idx.add.f32.msk vm15, v3  }
0xa4: {  	_ =	swait.ge [sflag:s16], $0x2000  }
0xa5: {  	[sflag:s16] =	ssyncset.done $0x0  }
0xa6: {  	[sflag:s16] =	ssyncadd.s32 $0xFFFFE000  }
0xa7: {  	_ =	swait.ge [sflag:s17], $0x2000  }
0xa8: {  	[sflag:s17] =	ssyncset.done $0x0  }
0xa9: {  	s20 =	simm.s32 $0x0;
	s21 =	simm.s32 $0x0;
	[sflag:s17] =	ssyncadd.s32 $0xFFFFE000  }
.LBB2_26:
0xaa: {  	s22 =	sand.u32 $0x60, s21;
	s23 =	sand.u32 $0x3F00, s20  }
0xab: {  	s22 =	sor.u32 s22, s23  }
0xac: {  	v4 =	vld [tilespmem:s22+$0x10080];
	_ =	sdelay $0x1  }
0xad: {  	v5 =	vld [tilespmem:s22+$0x14080];
	_ =	sdelay $0x2  }
0xae: {  	v4 =	vsub.s32 v4, v0  }
0xaf: {  	v6 =	vshll.u32 v4, $0xB  }
0xb0: {  	vm0 =	vlt.u32 v4, $0x20;
	v4 =	vadd.s32 v5, v6  }
0xb1: {  	v4 =	vnsel vm0, $0x0, v4;
	_ =	sdelay $0x4  }
0xb2: {  	[tilespmem:v4+s2+$0x0] =	vst.idx.add.f32.msk vm0, v3  }
0xb3: {  	v4 =	vld [tilespmem:s22+$0x10090];
	_ =	sdelay $0x1  }
0xb4: {  	v5 =	vld [tilespmem:s22+$0x14090];
	_ =	sdelay $0x2  }
0xb5: {  	v4 =	vsub.s32 v4, v0  }
0xb6: {  	v63 =	vshll.u32 v4, $0xB  }
0xb7: {  	vm15 =	vlt.u32 v4, $0x20;
	v4 =	vadd.s32 v5, v63  }
0xb8: {  	p0 =	sne.s32 s21, $0x1FE0;
	v4 =	vnsel vm15, $0x0, v4  }
.Ltmp12:
0xb9: {  	_ = 	snop;
	(pc) =	sbr.rel @p0 .LBB2_26-.Ltmp12, $2  }
0xba: {  	_ =	sdelay $0x2  }
0xbb: {  	s20 =	sadd.s32 $0x40, s20;
	s21 =	sadd.s32 $0x20, s21;
	[tilespmem:v4+s2+$0x0] =	vst.idx.add.f32.msk vm15, v3  }
0xbc: {  	s20 =	simm.s32 $0x0  }
0xbd: {  	[hbm4b:s11+s20] =	stream.linear.scatter [tilespmem:s20], [sflag:$0x5], $0x10000, $0x38;
	[tilespmem:$0x18000] =	vst v63  }
0xbe: {  	_ =	swait.ge [sflag:s18], $0x10000  }
0xbf: {  	[sflag:s18] =	ssyncset.done $0x0  }
0xc0: {  	s21 =	simm.s32 $0x10000;
	s22 =	simm.s32 $0x0;
	[sflag:s18] =	ssyncadd.s32 $0xFFFF0000  }
.LBB2_28:
0xc1: {  	p0 =	sne.s32 s22, $0x3F0  }
.Ltmp13:
0xc2: {  	_ = 	snop;
	(pc) =	sbr.rel @p0 .LBB2_28-.Ltmp13, $4  }
0xc3: {  	_ = 	snop  }
0xc4: {  	s23 =	sadd.s32 s22, s3  }
0xc5: {  	[tilespmem:s21], [sflag:$0x1] =	stream.linear.gather [hbm4b:s23+s20], $0x80, $0x38;
	[tilespmem:$0x18000] =	vst v63  }
0xc6: {  	s22 =	sadd.s32 $0x10, s22;
	s21 =	sadd.s32 $0x100, s21  }
0xc7: {  	s21 =	simm.s32 $0x14000;
	s22 =	sadd.s32 $0x0, s4;
	s20 =	simm.s32 $0x0  }
0xc8: {  	[tilespmem:s21], [sflag:$0x3] =	stream.linear.gather [hbm4b:s22+s20], $0x80, $0x38;
	[tilespmem:$0x18000] =	vst v63  }
0xc9: {  	s22 =	simm.s32 $0x10  }
.LBB2_30:
0xca: {  	p0 =	sne.s32 s22, $0x3F0  }
.Ltmp14:
0xcb: {  	_ = 	snop;
	(pc) =	sbr.rel @p0 .LBB2_30-.Ltmp14, $4  }
0xcc: {  	_ = 	snop  }
0xcd: {  	s23 =	sadd.s32 s22, s4;
	s21 =	sadd.s32 $0x100, s21  }
0xce: {  	s22 =	sadd.s32 $0x10, s22  }
0xcf: {  	[tilespmem:s21], [sflag:$0x3] =	stream.linear.gather [hbm4b:s23+s20], $0x80, $0x38;
	[tilespmem:$0x18000] =	vst v63  }
0xd0: {  	s21 =	simm.s32 $0x0;
	s22 =	simm.s32 $0x200  }
.LBB2_32:
0xd1: {  	p0 =	sne.s32 s22, $0x3FE00;
	[tilespmem:s21+$0x70] =	vst v2  }
0xd2: {  	[tilespmem:s21+$0x0] =	vst v2  }
0xd3: {  	[tilespmem:s21+$0x10] =	vst v2  }
.Ltmp15:
0xd4: {  	[tilespmem:s21+$0x20] =	vst v2;
	(pc) =	sbr.rel @p0 .LBB2_32-.Ltmp15, $4  }
0xd5: {  	[tilespmem:s21+$0x30] =	vst v2  }
0xd6: {  	[tilespmem:s21+$0x40] =	vst v2  }
0xd7: {  	[tilespmem:s21+$0x50] =	vst v2  }
0xd8: {  	[tilespmem:s21+$0x60] =	vst v2;
	s21 =	sshra.s32 s22, $0x2;
	s22 =	sadd.s32 $0x200, s22  }
0xd9: {  	[tilespmem:s21+$0x70] =	vst v2  }
0xda: {  	[tilespmem:s21+$0x0] =	vst v2  }
0xdb: {  	[tilespmem:s21+$0x10] =	vst v2  }
0xdc: {  	[tilespmem:s21+$0x20] =	vst v2  }
0xdd: {  	[tilespmem:s21+$0x30] =	vst v2  }
0xde: {  	[tilespmem:s21+$0x40] =	vst v2  }
0xdf: {  	[tilespmem:s21+$0x50] =	vst v2  }
0xe0: {  	[tilespmem:s21+$0x60] =	vst v2;
	s21 =	simm.s32 $0x10080  }
.LBB2_34:
0xe1: {  	p0 =	sne.s32 s20, $0x3F0  }
.Ltmp16:
0xe2: {  	_ = 	snop;
	(pc) =	sbr.rel @p0 .LBB2_34-.Ltmp16, $4  }
0xe3: {  	_ = 	snop  }
0xe4: {  	s22 =	sadd.s32 s20, s5;
	s23 =	simm.s32 $0x0  }
0xe5: {  	[tilespmem:s21], [sflag:$0x2] =	stream.linear.gather [hbm4b:s22+s23], $0x80, $0x38;
	[tilespmem:$0x18000] =	vst v63  }
0xe6: {  	s20 =	sadd.s32 $0x10, s20;
	s21 =	sadd.s32 $0x100, s21  }
0xe7: {  	s20 =	simm.s32 $0x14080  }
0xe8: {  	s21 =	simm.s32 $0x10;
	s23 =	sadd.s32 $0x0, s6;
	s22 =	simm.s32 $0x14180  }
.LBB2_36:
0xe9: {  	[tilespmem:s20], [sflag:$0x4] =	stream.linear.gather [hbm4b:s23+s2], $0x80, $0x38;
	[tilespmem:$0x18000] =	vst v63  }
0xea: {  	s23 =	smov.u32 s21;
	s20 =	smov.u32 s22;
	p0 =	sne.s32 s21, $0x3F0  }
.Ltmp17:
0xeb: {  	s21 =	sadd.s32 $0x10, s21;
	(pc) =	sbr.rel @p0 .LBB2_36-.Ltmp17, $2  }
0xec: {  	_ =	sdelay $0x2  }
0xed: {  	s22 =	sadd.s32 $0x100, s22;
	s23 =	sadd.s32 s23, s6  }
0xee: {  	[tilespmem:s20], [sflag:$0x4] =	stream.linear.gather [hbm4b:s23+s2], $0x80, $0x38;
	[tilespmem:$0x18000] =	vst v63  }
0xef: {  	_ =	swait.ge [sflag:s14], $0x2000  }
0xf0: {  	[sflag:s14] =	ssyncset.done $0x0  }
0xf1: {  	[sflag:s14] =	ssyncadd.s32 $0xFFFFE000  }
0xf2: {  	_ =	swait.ge [sflag:s15], $0x2000  }
0xf3: {  	s20 =	simm.s32 $0x0;
	[sflag:s15] =	ssyncset.done $0x0  }
0xf4: {  	s21 =	simm.s32 $0x0;
	s22 =	simm.s32 $0x0;
	[sflag:s15] =	ssyncadd.s32 $0xFFFFE000  }
.LBB2_38:
0xf5: {  	s23 =	sand.u32 $0x60, s22;
	s24 =	sand.u32 $0x3F00, s21  }
0xf6: {  	s23 =	sor.u32 s23, s24  }
0xf7: {  	v4 =	vld [tilespmem:s23+$0x10000];
	_ =	sdelay $0x1  }
0xf8: {  	v5 =	vld [tilespmem:s23+$0x14000];
	_ =	sdelay $0x2  }
0xf9: {  	v4 =	vsub.s32 v4, v1  }
0xfa: {  	v6 =	vshll.u32 v4, $0xB  }
0xfb: {  	vm0 =	vlt.u32 v4, $0x20;
	v4 =	vadd.s32 v5, v6  }
0xfc: {  	v4 =	vnsel vm0, $0x0, v4;
	_ =	sdelay $0x4  }
0xfd: {  	[tilespmem:v4+s20+$0x0] =	vst.idx.add.f32.msk vm0, v3  }
0xfe: {  	v4 =	vld [tilespmem:s23+$0x10010];
	_ =	sdelay $0x1  }
0xff: {  	v5 =	vld [tilespmem:s23+$0x14010];
	_ =	sdelay $0x2  }
0x100: {  	v4 =	vsub.s32 v4, v1  }
0x101: {  	v63 =	vshll.u32 v4, $0xB  }
0x102: {  	vm15 =	vlt.u32 v4, $0x20;
	v4 =	vadd.s32 v5, v63  }
0x103: {  	p0 =	sne.s32 s22, $0x1FE0;
	v4 =	vnsel vm15, $0x0, v4  }
.Ltmp18:
0x104: {  	_ = 	snop;
	(pc) =	sbr.rel @p0 .LBB2_38-.Ltmp18, $2  }
0x105: {  	_ =	sdelay $0x2  }
0x106: {  	s21 =	sadd.s32 $0x40, s21;
	s22 =	sadd.s32 $0x20, s22;
	[tilespmem:v4+s20+$0x0] =	vst.idx.add.f32.msk vm15, v3  }
0x107: {  	s21 =	simm.s32 $0x10000  }
.LBB2_40:
0x108: {  	p0 =	sne.s32 s20, $0x3F0  }
.Ltmp19:
0x109: {  	_ = 	snop;
	(pc) =	sbr.rel @p0 .LBB2_40-.Ltmp19, $4  }
0x10a: {  	_ = 	snop  }
0x10b: {  	s22 =	sadd.s32 s20, s7;
	s23 =	simm.s32 $0x0  }
0x10c: {  	[tilespmem:s21], [sflag:$0x1] =	stream.linear.gather [hbm4b:s22+s23], $0x80, $0x38;
	[tilespmem:$0x18000] =	vst v63  }
0x10d: {  	s20 =	sadd.s32 $0x10, s20;
	s21 =	sadd.s32 $0x100, s21  }
0x10e: {  	s20 =	simm.s32 $0x14000  }
0x10f: {  	s21 =	simm.s32 $0x10;
	s23 =	sadd.s32 $0x0, s8;
	s22 =	simm.s32 $0x14100  }
.LBB2_42:
0x110: {  	[tilespmem:s20], [sflag:$0x3] =	stream.linear.gather [hbm4b:s23+s2], $0x80, $0x38;
	[tilespmem:$0x18000] =	vst v63  }
0x111: {  	s23 =	smov.u32 s21;
	s20 =	smov.u32 s22;
	p0 =	sne.s32 s21, $0x3F0  }
.Ltmp20:
0x112: {  	s21 =	sadd.s32 $0x10, s21;
	(pc) =	sbr.rel @p0 .LBB2_42-.Ltmp20, $2  }
0x113: {  	_ =	sdelay $0x2  }
0x114: {  	s22 =	sadd.s32 $0x100, s22;
	s23 =	sadd.s32 s23, s8  }
0x115: {  	[tilespmem:s20], [sflag:$0x3] =	stream.linear.gather [hbm4b:s23+s2], $0x80, $0x38;
	[tilespmem:$0x18000] =	vst v63  }
0x116: {  	_ =	swait.ge [sflag:s16], $0x2000  }
0x117: {  	[sflag:s16] =	ssyncset.done $0x0  }
0x118: {  	[sflag:s16] =	ssyncadd.s32 $0xFFFFE000  }
0x119: {  	_ =	swait.ge [sflag:s17], $0x2000  }
0x11a: {  	s20 =	simm.s32 $0x0;
	[sflag:s17] =	ssyncset.done $0x0  }
0x11b: {  	s21 =	simm.s32 $0x0;
	s22 =	simm.s32 $0x0;
	[sflag:s17] =	ssyncadd.s32 $0xFFFFE000  }
.LBB2_44:
0x11c: {  	s23 =	sand.u32 $0x60, s22;
	s24 =	sand.u32 $0x3F00, s21  }
0x11d: {  	s23 =	sor.u32 s23, s24  }
0x11e: {  	v4 =	vld [tilespmem:s23+$0x10080];
	_ =	sdelay $0x1  }
0x11f: {  	v5 =	vld [tilespmem:s23+$0x14080];
	_ =	sdelay $0x2  }
0x120: {  	v4 =	vsub.s32 v4, v1  }
0x121: {  	v6 =	vshll.u32 v4, $0xB  }
0x122: {  	vm0 =	vlt.u32 v4, $0x20;
	v4 =	vadd.s32 v5, v6  }
0x123: {  	v4 =	vnsel vm0, $0x0, v4;
	_ =	sdelay $0x4  }
0x124: {  	[tilespmem:v4+s20+$0x0] =	vst.idx.add.f32.msk vm0, v3  }
0x125: {  	v4 =	vld [tilespmem:s23+$0x10090];
	_ =	sdelay $0x1  }
0x126: {  	v5 =	vld [tilespmem:s23+$0x14090];
	_ =	sdelay $0x2  }
0x127: {  	v4 =	vsub.s32 v4, v1  }
0x128: {  	v63 =	vshll.u32 v4, $0xB  }
0x129: {  	vm15 =	vlt.u32 v4, $0x20;
	v4 =	vadd.s32 v5, v63  }
0x12a: {  	p0 =	sne.s32 s22, $0x1FE0;
	v4 =	vnsel vm15, $0x0, v4  }
.Ltmp21:
0x12b: {  	_ = 	snop;
	(pc) =	sbr.rel @p0 .LBB2_44-.Ltmp21, $2  }
0x12c: {  	_ =	sdelay $0x2  }
0x12d: {  	s21 =	sadd.s32 $0x40, s21;
	s22 =	sadd.s32 $0x20, s22;
	[tilespmem:v4+s20+$0x0] =	vst.idx.add.f32.msk vm15, v3  }
0x12e: {  	s21 =	simm.s32 $0x10080  }
.LBB2_46:
0x12f: {  	p0 =	sne.s32 s20, $0x3F0  }
.Ltmp22:
0x130: {  	_ = 	snop;
	(pc) =	sbr.rel @p0 .LBB2_46-.Ltmp22, $4  }
0x131: {  	_ = 	snop  }
0x132: {  	s22 =	sadd.s32 s20, s9;
	s23 =	simm.s32 $0x0  }
0x133: {  	[tilespmem:s21], [sflag:$0x2] =	stream.linear.gather [hbm4b:s22+s23], $0x80, $0x38;
	[tilespmem:$0x18000] =	vst v63  }
0x134: {  	s20 =	sadd.s32 $0x10, s20;
	s21 =	sadd.s32 $0x100, s21  }
0x135: {  	s20 =	simm.s32 $0x14080  }
0x136: {  	s21 =	simm.s32 $0x10;
	s23 =	sadd.s32 $0x0, s10;
	s22 =	simm.s32 $0x14180  }
.LBB2_48:
0x137: {  	[tilespmem:s20], [sflag:$0x4] =	stream.linear.gather [hbm4b:s23+s2], $0x80, $0x38;
	[tilespmem:$0x18000] =	vst v63  }
0x138: {  	s23 =	smov.u32 s21;
	s20 =	smov.u32 s22;
	p0 =	sne.s32 s21, $0x3F0  }
.Ltmp23:
0x139: {  	s21 =	sadd.s32 $0x10, s21;
	(pc) =	sbr.rel @p0 .LBB2_48-.Ltmp23, $2  }
0x13a: {  	_ =	sdelay $0x2  }
0x13b: {  	s22 =	sadd.s32 $0x100, s22;
	s23 =	sadd.s32 s23, s10  }
0x13c: {  	[tilespmem:s20], [sflag:$0x4] =	stream.linear.gather [hbm4b:s23+s2], $0x80, $0x38;
	[tilespmem:$0x18000] =	vst v63  }
0x13d: {  	_ =	swait.ge [sflag:s14], $0x2000  }
0x13e: {  	[sflag:s14] =	ssyncset.done $0x0  }
0x13f: {  	[sflag:s14] =	ssyncadd.s32 $0xFFFFE000  }
0x140: {  	_ =	swait.ge [sflag:s15], $0x2000  }
0x141: {  	[sflag:s15] =	ssyncset.done $0x0  }
0x142: {  	s20 =	simm.s32 $0x0;
	s21 =	simm.s32 $0x0;
	[sflag:s15] =	ssyncadd.s32 $0xFFFFE000  }
.LBB2_50:
0x143: {  	s22 =	sand.u32 $0x60, s21;
	s23 =	sand.u32 $0x3F00, s20  }
0x144: {  	s22 =	sor.u32 s22, s23  }
0x145: {  	v4 =	vld [tilespmem:s22+$0x10000];
	_ =	sdelay $0x1  }
0x146: {  	v5 =	vld [tilespmem:s22+$0x14000];
	_ =	sdelay $0x2  }
0x147: {  	v4 =	vsub.s32 v4, v1  }
0x148: {  	v6 =	vshll.u32 v4, $0xB  }
0x149: {  	vm0 =	vlt.u32 v4, $0x20;
	v4 =	vadd.s32 v5, v6  }
0x14a: {  	v4 =	vnsel vm0, $0x0, v4;
	_ =	sdelay $0x4  }
0x14b: {  	[tilespmem:v4+s2+$0x0] =	vst.idx.add.f32.msk vm0, v3  }
0x14c: {  	v4 =	vld [tilespmem:s22+$0x10010];
	_ =	sdelay $0x1  }
0x14d: {  	v5 =	vld [tilespmem:s22+$0x14010];
	_ =	sdelay $0x2  }
0x14e: {  	v4 =	vsub.s32 v4, v1  }
0x14f: {  	v63 =	vshll.u32 v4, $0xB  }
0x150: {  	vm15 =	vlt.u32 v4, $0x20;
	v4 =	vadd.s32 v5, v63  }
0x151: {  	p0 =	sne.s32 s21, $0x1FE0;
	v4 =	vnsel vm15, $0x0, v4  }
.Ltmp24:
0x152: {  	_ = 	snop;
	(pc) =	sbr.rel @p0 .LBB2_50-.Ltmp24, $2  }
0x153: {  	_ =	sdelay $0x2  }
0x154: {  	s20 =	sadd.s32 $0x40, s20;
	s21 =	sadd.s32 $0x20, s21;
	[tilespmem:v4+s2+$0x0] =	vst.idx.add.f32.msk vm15, v3  }
0x155: {  	_ =	swait.ge [sflag:s16], $0x2000  }
0x156: {  	[sflag:s16] =	ssyncset.done $0x0  }
0x157: {  	[sflag:s16] =	ssyncadd.s32 $0xFFFFE000  }
0x158: {  	_ =	swait.ge [sflag:s17], $0x2000  }
0x159: {  	[sflag:s17] =	ssyncset.done $0x0  }
0x15a: {  	s20 =	simm.s32 $0x0;
	s21 =	simm.s32 $0x0;
	[sflag:s17] =	ssyncadd.s32 $0xFFFFE000  }
.LBB2_52:
0x15b: {  	s22 =	sand.u32 $0x60, s21;
	s23 =	sand.u32 $0x3F00, s20  }
0x15c: {  	s22 =	sor.u32 s22, s23  }
0x15d: {  	v4 =	vld [tilespmem:s22+$0x10080];
	_ =	sdelay $0x1  }
0x15e: {  	v5 =	vld [tilespmem:s22+$0x14080];
	_ =	sdelay $0x2  }
0x15f: {  	v4 =	vsub.s32 v4, v1  }
0x160: {  	v6 =	vshll.u32 v4, $0xB  }
0x161: {  	vm0 =	vlt.u32 v4, $0x20;
	v4 =	vadd.s32 v5, v6  }
0x162: {  	v4 =	vnsel vm0, $0x0, v4;
	_ =	sdelay $0x4  }
0x163: {  	[tilespmem:v4+s2+$0x0] =	vst.idx.add.f32.msk vm0, v3  }
0x164: {  	v4 =	vld [tilespmem:s22+$0x10090];
	_ =	sdelay $0x1  }
0x165: {  	v5 =	vld [tilespmem:s22+$0x14090];
	_ =	sdelay $0x2  }
0x166: {  	v4 =	vsub.s32 v4, v1  }
0x167: {  	v63 =	vshll.u32 v4, $0xB  }
0x168: {  	vm15 =	vlt.u32 v4, $0x20;
	v4 =	vadd.s32 v5, v63  }
0x169: {  	p0 =	sne.s32 s21, $0x1FE0;
	v4 =	vnsel vm15, $0x0, v4  }
.Ltmp25:
0x16a: {  	_ = 	snop;
	(pc) =	sbr.rel @p0 .LBB2_52-.Ltmp25, $2  }
0x16b: {  	_ =	sdelay $0x2  }
0x16c: {  	s20 =	sadd.s32 $0x40, s20;
	s21 =	sadd.s32 $0x20, s21;
	[tilespmem:v4+s2+$0x0] =	vst.idx.add.f32.msk vm15, v3  }
0x16d: {  	s19 =	sadd.s32 $0x1, s19  }
0x16e: {  	p0 =	sne.s32 s19, s13  }
.Ltmp26:
0x16f: {  	_ = 	snop;
	(pc) =	sbr.rel @p0 .LBB2_1-.Ltmp26, $4  }
0x170: {  	[hbm4b:s12+s2] =	stream.linear.scatter [tilespmem:s2], [sflag:$0x5], $0x10000, $0x38;
	[tilespmem:$0x18000] =	vst v63  }
0x171: {  	_ =	swait.ge [sflag:s18], $0x10000  }
0x172: {  	[sflag:s18] =	ssyncset.done $0x0  }
0x173: {  	[sflag:s18] =	ssyncadd.s32 $0xFFFF0000  }
0x174: {  	_ =	sfence.sel $0x180000  }
0x175: {  	[bflag:$0x0] =	sbarrier.arrive $0xFFFF  }
0x176: {  	p0 =	sne.s32 s1, $0x0;
	_ =	strace $0x9000004A  }
0x177: {  	s0 =	sadd.s32 @!p0 $0x100000, s0;
	[bflag:$0x2] =	sbarrier.arrive $0xFFFF  }
0x178: {  	[sflag:s0] =	ssyncadd.tile.s32 @!p0 $0x1;
	_ =	shalt  }
.Lfunc_end2:
_tile_overlayer_lowered:
.L_overlay_start_2:
0x179: {  	(tag) =	ssettag $0x2  }
0x17a: {  	s0 =	rddreg [dreg:$0x0];
	s2 =	stileid.u32  }
0x17b: {  	s1 =	rddreg [dreg:$0x1];
	p0 =	sne.s32 s2, $0x0  }
0x17c: {  	s3 =	rddreg [dreg:$0x2];
	[bflag:$0x3] =	sbarrier.arrive $0xFFFF;
	s2 =	simm.s32 @!p0 $0x1C05  }
0x17d: {  	[timem:s3], [sflag:s2] =	dma.local @!p0 [hbm:s0], s1  }
0x17e: {  	s0 =	simm.s32 @!p0 $0x5  }
0x17f: {  	_ =	swait.ge @!p0 [sflag:s0], s1  }
0x180: {  	s1 =	ssub.s32 @!p0 $0x0, s1;
	[sflag:s0] =	ssyncset.done @!p0 $0x0  }
0x181: {  	[sflag:s0] =	ssyncadd.s32 @!p0 s1  }
0x182: {  	[bflag:$0x3] =	sbarrier.arrive $0xFFFF  }
0x183: {  	_ =	shalt  }

</sc_bundles>
